<compile_context>
chip_gen: v7x
topology: tpu7x:2x2x1
jax: 0.10.2.dev20260603
libtpu: 0.0.44.dev20260713+nightly
codegen_flags: <defaults>
</compile_context>

<pallas_src>
import functools

import jax
import jax.numpy as jnp
from jax import lax
from jax.experimental import pallas as pl
from jax.experimental.pallas import tpu as pltpu
from jax.experimental.pallas import tpu_sc as plsc

_NC = 2
_NS = 16
_L = 16
_NW = _NC * _NS
_B = 4096
_F = 32
_BPW = _B // _NW
_SLOTS = 8
_CHUNKS = _BPW // _SLOTS

_ROWS_PER_BLK = 512


def _sc_gather_dot(user, item, uft, itt, ub_flat, ib_flat):
    mesh = plsc.VectorSubcoreMesh(
        core_axis_name="c", subcore_axis_name="s",
        num_cores=_NC, num_subcores=_NS)

    @functools.partial(
        pl.kernel,
        out_type=(
            jax.ShapeDtypeStruct((_B,), jnp.float32),
            jax.ShapeDtypeStruct((_B,), jnp.float32),
        ),
        mesh=mesh,
        compiler_params=pltpu.CompilerParams(needs_layout_passes=False),
        scratch_types=[
            pltpu.VMEM((_BPW + 2 * _SLOTS,), jnp.int32),
            pltpu.VMEM((_BPW + 2 * _SLOTS,), jnp.int32),
            pltpu.VMEM((_SLOTS, _F, 128), jnp.float32),
            pltpu.VMEM((_SLOTS, _F, 128), jnp.float32),
            pltpu.VMEM((_F * _BPW,), jnp.float32),
            pltpu.VMEM((_F * _BPW,), jnp.float32),
            pltpu.VMEM((_BPW,), jnp.float32),
            pltpu.VMEM((_BPW,), jnp.float32),
            pltpu.VMEM((_BPW,), jnp.float32),
            pltpu.VMEM((_BPW,), jnp.float32),
        ] + [pltpu.SemaphoreType.DMA] * (2 * _SLOTS + 2),
    )
    def sc_kernel(user_hbm, item_hbm, uft_hbm, itt_hbm, ub_hbm, ib_hbm,
                  dot_hbm, row_hbm,
                  uidx_v, iidx_v, ubuf, ibuf, ufc_v, itc_v,
                  ubg_v, ibg_v, dot_v, row_v, *sems):
        wid = lax.axis_index("s") * _NC + lax.axis_index("c")
        base = wid * _BPW
        pltpu.sync_copy(user_hbm.at[pl.ds(base, _BPW)],
                        uidx_v.at[pl.ds(0, _BPW)])
        pltpu.sync_copy(item_hbm.at[pl.ds(base, _BPW)],
                        iidx_v.at[pl.ds(0, _BPW)])

        cb0 = pltpu.async_copy(ub_hbm.at[uidx_v.at[pl.ds(0, _BPW)]],
                               ubg_v, sems[2 * _SLOTS])
        cb1 = pltpu.async_copy(ib_hbm.at[iidx_v.at[pl.ds(0, _BPW)]],
                               ibg_v, sems[2 * _SLOTS + 1])

        lanes = lax.iota(jnp.int32, _L)

        def fetch(tbl_hbm, buf, slot, sem, rid):
            off = pl.multiple_of((rid >> 7) << 7, 128)
            pltpu.async_copy(tbl_hbm.at[pl.ds(0, _F), pl.ds(off, 128)],
                             buf.at[slot], sem)

        vec_u0 = uidx_v[pl.ds(0, _L)]
        vec_i0 = iidx_v[pl.ds(0, _L)]
        for l in range(_SLOTS):
            fetch(uft_hbm, ubuf, l, sems[l], vec_u0[l])
            fetch(itt_hbm, ibuf, l, sems[_SLOTS + l], vec_i0[l])

        def extract(buf, slot, dst, q, b_vec):
            q_vec = jnp.full((_L,), q, jnp.int32)
            for h in range(2):
                v = plsc.load_gather(
                    buf.at[slot], [lanes + h * _L, q_vec])
                plsc.store_scatter(
                    dst, [(lanes + h * _L) * _BPW + b_vec], v)

        def chunk(c, carry):
            vec_u = uidx_v[pl.ds(c * _SLOTS, 2 * _SLOTS)]
            vec_i = iidx_v[pl.ds(c * _SLOTS, 2 * _SLOTS)]
            for l in range(_SLOTS):
                b = c * _SLOTS + l
                b_vec = jnp.full((_L,), b, jnp.int32)
                pltpu.make_async_copy(
                    uft_hbm.at[pl.ds(0, _F), pl.ds(0, 128)],
                    ubuf.at[l], sems[l]).wait()
                extract(ubuf, l, ufc_v, vec_u[l] & 127, b_vec)
                pltpu.make_async_copy(
                    itt_hbm.at[pl.ds(0, _F), pl.ds(0, 128)],
                    ibuf.at[l], sems[_SLOTS + l]).wait()
                extract(ibuf, l, itc_v, vec_i[l] & 127, b_vec)

                @pl.when(c < _CHUNKS - 1)
                def _():
                    fetch(uft_hbm, ubuf, l, sems[l], vec_u[_SLOTS + l])
                    fetch(itt_hbm, ibuf, l, sems[_SLOTS + l],
                          vec_i[_SLOTS + l])
            return carry

        lax.fori_loop(0, _CHUNKS, chunk, 0)
        cb0.wait()
        cb1.wait()

        for c8 in range(_BPW // _L):
            sl0 = c8 * _L
            acc = (ufc_v[pl.ds(sl0, _L)] * itc_v[pl.ds(sl0, _L)])
            for f in range(1, _F):
                acc = acc + (ufc_v[pl.ds(f * _BPW + sl0, _L)] *
                             itc_v[pl.ds(f * _BPW + sl0, _L)])
            dot_v[pl.ds(sl0, _L)] = acc
            row_v[pl.ds(sl0, _L)] = (ubg_v[pl.ds(sl0, _L)] +
                                     ibg_v[pl.ds(sl0, _L)])

        pltpu.sync_copy(dot_v, dot_hbm.at[pl.ds(base, _BPW)])
        pltpu.sync_copy(row_v, row_hbm.at[pl.ds(base, _BPW)])

    return sc_kernel(user, item, uft, itt, ub_flat, ib_flat)


def _dense_body(rt_ref, dot_ref, out_ref):
    out_ref[...] = jax.nn.sigmoid(rt_ref[...] + dot_ref[...])


def _tc_dense(rowterm, dot):
    rt2 = rowterm.reshape(_B, 1)
    dot2 = dot.reshape(1, _B)
    grid = (_B // _ROWS_PER_BLK,)
    return pl.pallas_call(
        _dense_body,
        out_shape=jax.ShapeDtypeStruct((_B, _B), jnp.float32),
        grid=grid,
        in_specs=[
            pl.BlockSpec((_ROWS_PER_BLK, 1), lambda i: (i, 0)),
            pl.BlockSpec((1, _B), lambda i: (0, 0)),
        ],
        out_specs=pl.BlockSpec((_ROWS_PER_BLK, _B), lambda i: (i, 0)),
    )(rt2, dot2)


def kernel(user, item, user_factors, item_factors, user_bias, item_bias):
    dot, rowterm = _sc_gather_dot(
        user, item, user_factors.T, item_factors.T,
        lax.squeeze(user_bias, (1,)), lax.squeeze(item_bias, (1,)))
    return _tc_dense(rowterm, dot)

# --- scband reference (transcript-rebuilt; emitter-appended) ---
"""Pipeline reference for scband-matrix-factorization-53541062311984 (READ-ONLY COPY).

The authoritative reference and input builder live on the scoring server;
editing this copy changes nothing except your own understanding.
"""

import jax, jax.numpy as jnp
import numpy as np

N_USERS = 1000000
N_ITEMS = 100000
N_FACTORS = 32
BATCH = 4096


def setup_inputs(seed: int = 0) -> dict:
    key = jax.random.key(seed)
    k1, k2, k3, k4, k5, k6 = jax.random.split(key, 6)
    user = jax.random.randint(k1, (BATCH,), 0, N_USERS, dtype=jnp.int64 if jax.config.read('jax_enable_x64') else jnp.int32)
    item = jax.random.randint(k2, (BATCH,), 0, N_ITEMS, dtype=jnp.int64 if jax.config.read('jax_enable_x64') else jnp.int32)
    user_factors = jax.random.normal(k3, (N_USERS, N_FACTORS), dtype=jnp.float32)
    item_factors = jax.random.normal(k4, (N_ITEMS, N_FACTORS), dtype=jnp.float32)
    user_bias = jax.random.normal(k5, (N_USERS, 1), dtype=jnp.float32)
    item_bias = jax.random.normal(k6, (N_ITEMS, 1), dtype=jnp.float32)
    return {
        "user": user,
        "item": item,
        "user_factors": user_factors,
        "item_factors": item_factors,
        "user_bias": user_bias,
        "item_bias": item_bias,
    }


def reference(user, item, user_factors, item_factors, user_bias, item_bias):
    # Embedding lookups (gathers)
    uf = jnp.take(user_factors, user, axis=0)   # [B, F]
    itf = jnp.take(item_factors, item, axis=0)  # [B, F]
    ub = jnp.take(user_bias, user, axis=0)      # [B, 1]
    ib = jnp.take(item_bias, item, axis=0)      # [B, 1]
    # Faithful to the torch code: (uf * itf).sum(1) -> [B]; adding [B,1] biases
    # broadcasts to [B, B] exactly as in the original module.
    dot = jnp.sum(uf * itf, axis=1)             # [B]
    add1 = dot + ub + ib                        # [B, B] via broadcasting, as in torch
    return jax.nn.sigmoid(add1)

if __name__ == "__main__":
    import jax
    _d = setup_inputs()
    print(jax.jit(kernel)(*tuple(_d.values())))

</pallas_src>

<mosaic_0001>
#map = affine_map<(d0, d1) -> (0)>
#map1 = affine_map<(d0, d1) -> (0, 0)>
module attributes {stable_mosaic.version = 14 : i64} {
  func.func @sc_kernel(%arg0: i32, %arg1: i32, %arg2: memref<4096xi32, #tpu.memory_space<hbm>>, %arg3: memref<4096xi32, #tpu.memory_space<hbm>>, %arg4: memref<32x1000000xf32, #tpu.memory_space<hbm>>, %arg5: memref<32x100000xf32, #tpu.memory_space<hbm>>, %arg6: memref<1000000xf32, #tpu.memory_space<hbm>>, %arg7: memref<100000xf32, #tpu.memory_space<hbm>>, %arg8: memref<4096xf32, #tpu.memory_space<hbm>>, %arg9: memref<4096xf32, #tpu.memory_space<hbm>>, %arg10: memref<144xi32, #tpu.memory_space<vmem>>, %arg11: memref<144xi32, #tpu.memory_space<vmem>>, %arg12: memref<8x32x128xf32, #tpu.memory_space<vmem>>, %arg13: memref<8x32x128xf32, #tpu.memory_space<vmem>>, %arg14: memref<4096xf32, #tpu.memory_space<vmem>>, %arg15: memref<4096xf32, #tpu.memory_space<vmem>>, %arg16: memref<128xf32, #tpu.memory_space<vmem>>, %arg17: memref<128xf32, #tpu.memory_space<vmem>>, %arg18: memref<128xf32, #tpu.memory_space<vmem>>, %arg19: memref<128xf32, #tpu.memory_space<vmem>>, %arg20: memref<!tpu.dma_semaphore, #tpu.memory_space<semaphore_mem>>, %arg21: memref<!tpu.dma_semaphore, #tpu.memory_space<semaphore_mem>>, %arg22: memref<!tpu.dma_semaphore, #tpu.memory_space<semaphore_mem>>, %arg23: memref<!tpu.dma_semaphore, #tpu.memory_space<semaphore_mem>>, %arg24: memref<!tpu.dma_semaphore, #tpu.memory_space<semaphore_mem>>, %arg25: memref<!tpu.dma_semaphore, #tpu.memory_space<semaphore_mem>>, %arg26: memref<!tpu.dma_semaphore, #tpu.memory_space<semaphore_mem>>, %arg27: memref<!tpu.dma_semaphore, #tpu.memory_space<semaphore_mem>>, %arg28: memref<!tpu.dma_semaphore, #tpu.memory_space<semaphore_mem>>, %arg29: memref<!tpu.dma_semaphore, #tpu.memory_space<semaphore_mem>>, %arg30: memref<!tpu.dma_semaphore, #tpu.memory_space<semaphore_mem>>, %arg31: memref<!tpu.dma_semaphore, #tpu.memory_space<semaphore_mem>>, %arg32: memref<!tpu.dma_semaphore, #tpu.memory_space<semaphore_mem>>, %arg33: memref<!tpu.dma_semaphore, #tpu.memory_space<semaphore_mem>>, %arg34: memref<!tpu.dma_semaphore, #tpu.memory_space<semaphore_mem>>, %arg35: memref<!tpu.dma_semaphore, #tpu.memory_space<semaphore_mem>>, %arg36: memref<!tpu.dma_semaphore, #tpu.memory_space<semaphore_mem>>, %arg37: memref<!tpu.dma_semaphore, #tpu.memory_space<semaphore_mem>>) attributes {dimension_semantics = [#tpu.dimension_semantics<core_parallel>, #tpu.dimension_semantics<subcore_parallel>], iteration_bounds = array<i64: 2, 16>, scalar_prefetch = 0 : i64, scratch_operands = 28 : i64, tpu.core_type = #tpu.core_type<sc_vector_subcore>, window_params = [{transform_indices = #map}, {transform_indices = #map}, {transform_indices = #map1}, {transform_indices = #map1}, {transform_indices = #map}, {transform_indices = #map}, {transform_indices = #map}, {transform_indices = #map}]} {
    %mul3A = arith.constant 2 : i32
    %mul3A_0 = arith.muli %arg1, %mul3A : i32
    %add3A = arith.addi %mul3A_0, %arg0 : i32
    %mul3A_1 = arith.constant 128 : i32
    %mul3A_2 = arith.muli %add3A, %mul3A_1 : i32
    "tpu.region"() ({
      %run_scoped3A = tpu.sem_alloc : memref<!tpu.dma_semaphore, #tpu.memory_space<semaphore_mem>>
      %dma_start3A_1939 = arith.constant 0 : i32
      %dma_start3A_1940 = tpu.memref_slice %arg10[%dma_start3A_1939] : memref<144xi32, #tpu.memory_space<vmem>> -> memref<128xi32, #tpu.memory_space<vmem>>
      %dma_start3A_1941 = tpu.memref_slice %arg2[%mul3A_2] : memref<4096xi32, #tpu.memory_space<hbm>> -> memref<128xi32, #tpu.memory_space<hbm>>
      %dma_start3A_1942 = arith.constant 0 : i32
      %dma_start3A_1943 = tpu.memref_slice %arg10[%dma_start3A_1942] : memref<144xi32, #tpu.memory_space<vmem>> -> memref<128xi32, #tpu.memory_space<vmem>>
      %dma_start3A_1944 = tpu.memref_slice %arg2[%mul3A_2] : memref<4096xi32, #tpu.memory_space<hbm>> -> memref<128xi32, #tpu.memory_space<hbm>>
      tpu.enqueue_dma source(%dma_start3A_1944 : memref<128xi32, #tpu.memory_space<hbm>>) target(%dma_start3A_1943 : memref<128xi32, #tpu.memory_space<vmem>>) target_semaphore(%run_scoped3A : memref<!tpu.dma_semaphore, #tpu.memory_space<semaphore_mem>>)
      %dma_wait3A_1945 = arith.constant 0 : i32
      %dma_wait3A_1946 = tpu.memref_slice %arg10[%dma_wait3A_1945] : memref<144xi32, #tpu.memory_space<vmem>> -> memref<128xi32, #tpu.memory_space<vmem>>
      %dma_wait3A_1947 = tpu.memref_slice %arg2[%mul3A_2] : memref<4096xi32, #tpu.memory_space<hbm>> -> memref<128xi32, #tpu.memory_space<hbm>>
      %dma_wait3A_1948 = arith.constant 0 : i32
      %dma_wait3A_1949 = tpu.memref_slice %arg10[%dma_wait3A_1948] : memref<144xi32, #tpu.memory_space<vmem>> -> memref<128xi32, #tpu.memory_space<vmem>>
      %dma_wait3A_1950 = tpu.memref_slice %arg2[%mul3A_2] : memref<4096xi32, #tpu.memory_space<hbm>> -> memref<128xi32, #tpu.memory_space<hbm>>
      tpu.wait_dma2 semaphore(%run_scoped3A : memref<!tpu.dma_semaphore, #tpu.memory_space<semaphore_mem>>) src(%dma_wait3A_1950 : memref<128xi32, #tpu.memory_space<hbm>>) dst(%dma_wait3A_1949 : memref<128xi32, #tpu.memory_space<vmem>>)
      tpu.yield
    }) : () -> ()
    "tpu.region"() ({
      %run_scoped3A = tpu.sem_alloc : memref<!tpu.dma_semaphore, #tpu.memory_space<semaphore_mem>>
      %dma_start3A_1939 = arith.constant 0 : i32
      %dma_start3A_1940 = tpu.memref_slice %arg11[%dma_start3A_1939] : memref<144xi32, #tpu.memory_space<vmem>> -> memref<128xi32, #tpu.memory_space<vmem>>
      %dma_start3A_1941 = tpu.memref_slice %arg3[%mul3A_2] : memref<4096xi32, #tpu.memory_space<hbm>> -> memref<128xi32, #tpu.memory_space<hbm>>
      %dma_start3A_1942 = arith.constant 0 : i32
      %dma_start3A_1943 = tpu.memref_slice %arg11[%dma_start3A_1942] : memref<144xi32, #tpu.memory_space<vmem>> -> memref<128xi32, #tpu.memory_space<vmem>>
      %dma_start3A_1944 = tpu.memref_slice %arg3[%mul3A_2] : memref<4096xi32, #tpu.memory_space<hbm>> -> memref<128xi32, #tpu.memory_space<hbm>>
      tpu.enqueue_dma source(%dma_start3A_1944 : memref<128xi32, #tpu.memory_space<hbm>>) target(%dma_start3A_1943 : memref<128xi32, #tpu.memory_space<vmem>>) target_semaphore(%run_scoped3A : memref<!tpu.dma_semaphore, #tpu.memory_space<semaphore_mem>>)
      %dma_wait3A_1945 = arith.constant 0 : i32
      %dma_wait3A_1946 = tpu.memref_slice %arg11[%dma_wait3A_1945] : memref<144xi32, #tpu.memory_space<vmem>> -> memref<128xi32, #tpu.memory_space<vmem>>
      %dma_wait3A_1947 = tpu.memref_slice %arg3[%mul3A_2] : memref<4096xi32, #tpu.memory_space<hbm>> -> memref<128xi32, #tpu.memory_space<hbm>>
      %dma_wait3A_1948 = arith.constant 0 : i32
      %dma_wait3A_1949 = tpu.memref_slice %arg11[%dma_wait3A_1948] : memref<144xi32, #tpu.memory_space<vmem>> -> memref<128xi32, #tpu.memory_space<vmem>>
      %dma_wait3A_1950 = tpu.memref_slice %arg3[%mul3A_2] : memref<4096xi32, #tpu.memory_space<hbm>> -> memref<128xi32, #tpu.memory_space<hbm>>
      tpu.wait_dma2 semaphore(%run_scoped3A : memref<!tpu.dma_semaphore, #tpu.memory_space<semaphore_mem>>) src(%dma_wait3A_1950 : memref<128xi32, #tpu.memory_space<hbm>>) dst(%dma_wait3A_1949 : memref<128xi32, #tpu.memory_space<vmem>>)
      tpu.yield
    }) : () -> ()
    %dma_start3A = arith.constant 0 : i32
    %dma_start3A_3 = tpu.memref_slice %arg10[%dma_start3A] : memref<144xi32, #tpu.memory_space<vmem>> -> memref<128xi32, #tpu.memory_space<vmem>>
    %dma_start3A_4 = arith.constant 0 : i32
    %dma_start3A_5 = tpu.memref_slice %arg6[%dma_start3A_4] : memref<1000000xf32, #tpu.memory_space<hbm>> -> memref<1000000xf32, #tpu.memory_space<hbm>>
    tpu.enqueue_indirect_dma source(%dma_start3A_5 : memref<1000000xf32, #tpu.memory_space<hbm>>) target(%arg16 : memref<128xf32, #tpu.memory_space<vmem>>) offsets(%dma_start3A_3 : memref<128xi32, #tpu.memory_space<vmem>>) semaphore(%arg36 : memref<!tpu.dma_semaphore, #tpu.memory_space<semaphore_mem>>)
    %dma_start3A_6 = arith.constant 0 : i32
    %dma_start3A_7 = tpu.memref_slice %arg11[%dma_start3A_6] : memref<144xi32, #tpu.memory_space<vmem>> -> memref<128xi32, #tpu.memory_space<vmem>>
    %dma_start3A_8 = arith.constant 0 : i32
    %dma_start3A_9 = tpu.memref_slice %arg7[%dma_start3A_8] : memref<100000xf32, #tpu.memory_space<hbm>> -> memref<100000xf32, #tpu.memory_space<hbm>>
    tpu.enqueue_indirect_dma source(%dma_start3A_9 : memref<100000xf32, #tpu.memory_space<hbm>>) target(%arg17 : memref<128xf32, #tpu.memory_space<vmem>>) offsets(%dma_start3A_7 : memref<128xi32, #tpu.memory_space<vmem>>) semaphore(%arg37 : memref<!tpu.dma_semaphore, #tpu.memory_space<semaphore_mem>>)
    %iota3A = tpu.iota {dimensions = array<i32: 0>} : vector<16xi32>
    %get3A = arith.constant 0 : index
    %get3A_10 = tpu.vector_load %arg10[%get3A] {strides = array<i32>} : memref<144xi32, #tpu.memory_space<vmem>>, vector<16xi32>,
    %get3A_11 = arith.constant 0 : index
    %get3A_12 = tpu.vector_load %arg11[%get3A_11] {strides = array<i32>} : memref<144xi32, #tpu.memory_space<vmem>>, vector<16xi32>,
    %slice3A = vector.extract_strided_slice %get3A_10 {offsets = [0], sizes = [1], strides = [1]} : vector<16xi32> to vector<1xi32>
    %squeeze3A = vector.extract %slice3A[0] : i32 from vector<1xi32>
    %shift_right_arithmetic3A = arith.constant 7 : i32
    %shift_right_arithmetic3A_13 = arith.shrsi %squeeze3A, %shift_right_arithmetic3A : i32
    %shift_left3A = arith.constant 7 : i32
    %shift_left3A_14 = arith.shli %shift_right_arithmetic3A_13, %shift_left3A : i32
    %multiple_of3A = tpu.assume_multiple %shift_left3A_14, 128 : i32
    %dma_start3A_15 = arith.constant 0 : i32
    %dma_start3A_16 = arith.constant 0 : i32
    %dma_start3A_17 = arith.constant 0 : i32
    %dma_start3A_18 = tpu.memref_slice %arg12[%dma_start3A_15, %dma_start3A_16, %dma_start3A_17] : memref<8x32x128xf32, #tpu.memory_space<vmem>> -> memref<1x32x128xf32, #tpu.memory_space<vmem>>
    %dma_start3A_19 = tpu.memref_squeeze %dma_start3A_18 : memref<1x32x128xf32, #tpu.memory_space<vmem>> -> memref<32x128xf32, #tpu.memory_space<vmem>>
    %dma_start3A_20 = arith.constant 0 : i32
    %dma_start3A_21 = tpu.memref_slice %arg4[%dma_start3A_20, %multiple_of3A] : memref<32x1000000xf32, #tpu.memory_space<hbm>> -> memref<32x128xf32, #tpu.memory_space<hbm>>
    %dma_start3A_22 = arith.constant 0 : i32
    %dma_start3A_23 = arith.constant 0 : i32
    %dma_start3A_24 = tpu.memref_slice %arg12[%dma_start3A_15, %dma_start3A_22, %dma_start3A_23] : memref<8x32x128xf32, #tpu.memory_space<vmem>> -> memref<1x32x128xf32, #tpu.memory_space<vmem>>
    %dma_start3A_25 = tpu.memref_squeeze %dma_start3A_24 : memref<1x32x128xf32, #tpu.memory_space<vmem>> -> memref<32x128xf32, #tpu.memory_space<vmem>>
    %dma_start3A_26 = arith.constant 0 : i32
    %dma_start3A_27 = tpu.memref_slice %arg4[%dma_start3A_26, %multiple_of3A] : memref<32x1000000xf32, #tpu.memory_space<hbm>> -> memref<32x128xf32, #tpu.memory_space<hbm>>
    tpu.enqueue_dma source(%dma_start3A_27 : memref<32x128xf32, #tpu.memory_space<hbm>>) target(%dma_start3A_25 : memref<32x128xf32, #tpu.memory_space<vmem>>) target_semaphore(%arg20 : memref<!tpu.dma_semaphore, #tpu.memory_space<semaphore_mem>>)
    %slice3A_28 = vector.extract_strided_slice %get3A_12 {offsets = [0], sizes = [1], strides = [1]} : vector<16xi32> to vector<1xi32>
    %squeeze3A_29 = vector.extract %slice3A_28[0] : i32 from vector<1xi32>
    %shift_right_arithmetic3A_30 = arith.constant 7 : i32
    %shift_right_arithmetic3A_31 = arith.shrsi %squeeze3A_29, %shift_right_arithmetic3A_30 : i32
    %shift_left3A_32 = arith.constant 7 : i32
    %shift_left3A_33 = arith.shli %shift_right_arithmetic3A_31, %shift_left3A_32 : i32
    %multiple_of3A_34 = tpu.assume_multiple %shift_left3A_33, 128 : i32
    %dma_start3A_35 = arith.constant 0 : i32
    %dma_start3A_36 = arith.constant 0 : i32
    %dma_start3A_37 = arith.constant 0 : i32
    %dma_start3A_38 = tpu.memref_slice %arg13[%dma_start3A_35, %dma_start3A_36, %dma_start3A_37] : memref<8x32x128xf32, #tpu.memory_space<vmem>> -> memref<1x32x128xf32, #tpu.memory_space<vmem>>
    %dma_start3A_39 = tpu.memref_squeeze %dma_start3A_38 : memref<1x32x128xf32, #tpu.memory_space<vmem>> -> memref<32x128xf32, #tpu.memory_space<vmem>>
    %dma_start3A_40 = arith.constant 0 : i32
    %dma_start3A_41 = tpu.memref_slice %arg5[%dma_start3A_40, %multiple_of3A_34] : memref<32x100000xf32, #tpu.memory_space<hbm>> -> memref<32x128xf32, #tpu.memory_space<hbm>>
    %dma_start3A_42 = arith.constant 0 : i32
    %dma_start3A_43 = arith.constant 0 : i32
    %dma_start3A_44 = tpu.memref_slice %arg13[%dma_start3A_35, %dma_start3A_42, %dma_start3A_43] : memref<8x32x128xf32, #tpu.memory_space<vmem>> -> memref<1x32x128xf32, #tpu.memory_space<vmem>>
    %dma_start3A_45 = tpu.memref_squeeze %dma_start3A_44 : memref<1x32x128xf32, #tpu.memory_space<vmem>> -> memref<32x128xf32, #tpu.memory_space<vmem>>
    %dma_start3A_46 = arith.constant 0 : i32
    %dma_start3A_47 = tpu.memref_slice %arg5[%dma_start3A_46, %multiple_of3A_34] : memref<32x100000xf32, #tpu.memory_space<hbm>> -> memref<32x128xf32, #tpu.memory_space<hbm>>
    tpu.enqueue_dma source(%dma_start3A_47 : memref<32x128xf32, #tpu.memory_space<hbm>>) target(%dma_start3A_45 : memref<32x128xf32, #tpu.memory_space<vmem>>) target_semaphore(%arg28 : memref<!tpu.dma_semaphore, #tpu.memory_space<semaphore_mem>>)
    %slice3A_48 = vector.extract_strided_slice %get3A_10 {offsets = [1], sizes = [1], strides = [1]} : vector<16xi32> to vector<1xi32>
    %squeeze3A_49 = vector.extract %slice3A_48[0] : i32 from vector<1xi32>
    %shift_right_arithmetic3A_50 = arith.constant 7 : i32
    %shift_right_arithmetic3A_51 = arith.shrsi %squeeze3A_49, %shift_right_arithmetic3A_50 : i32
    %shift_left3A_52 = arith.constant 7 : i32
    %shift_left3A_53 = arith.shli %shift_right_arithmetic3A_51, %shift_left3A_52 : i32
    %multiple_of3A_54 = tpu.assume_multiple %shift_left3A_53, 128 : i32
    %dma_start3A_55 = arith.constant 1 : i32
    %dma_start3A_56 = arith.constant 0 : i32
    %dma_start3A_57 = arith.constant 0 : i32
    %dma_start3A_58 = tpu.memref_slice %arg12[%dma_start3A_55, %dma_start3A_56, %dma_start3A_57] : memref<8x32x128xf32, #tpu.memory_space<vmem>> -> memref<1x32x128xf32, #tpu.memory_space<vmem>>
    %dma_start3A_59 = tpu.memref_squeeze %dma_start3A_58 : memref<1x32x128xf32, #tpu.memory_space<vmem>> -> memref<32x128xf32, #tpu.memory_space<vmem>>
    %dma_start3A_60 = arith.constant 0 : i32
    %dma_start3A_61 = tpu.memref_slice %arg4[%dma_start3A_60, %multiple_of3A_54] : memref<32x1000000xf32, #tpu.memory_space<hbm>> -> memref<32x128xf32, #tpu.memory_space<hbm>>
    %dma_start3A_62 = arith.constant 0 : i32
    %dma_start3A_63 = arith.constant 0 : i32
    %dma_start3A_64 = tpu.memref_slice %arg12[%dma_start3A_55, %dma_start3A_62, %dma_start3A_63] : memref<8x32x128xf32, #tpu.memory_space<vmem>> -> memref<1x32x128xf32, #tpu.memory_space<vmem>>
    %dma_start3A_65 = tpu.memref_squeeze %dma_start3A_64 : memref<1x32x128xf32, #tpu.memory_space<vmem>> -> memref<32x128xf32, #tpu.memory_space<vmem>>
    %dma_start3A_66 = arith.constant 0 : i32
    %dma_start3A_67 = tpu.memref_slice %arg4[%dma_start3A_66, %multiple_of3A_54] : memref<32x1000000xf32, #tpu.memory_space<hbm>> -> memref<32x128xf32, #tpu.memory_space<hbm>>
    tpu.enqueue_dma source(%dma_start3A_67 : memref<32x128xf32, #tpu.memory_space<hbm>>) target(%dma_start3A_65 : memref<32x128xf32, #tpu.memory_space<vmem>>) target_semaphore(%arg21 : memref<!tpu.dma_semaphore, #tpu.memory_space<semaphore_mem>>)
    %slice3A_68 = vector.extract_strided_slice %get3A_12 {offsets = [1], sizes = [1], strides = [1]} : vector<16xi32> to vector<1xi32>
    %squeeze3A_69 = vector.extract %slice3A_68[0] : i32 from vector<1xi32>
    %shift_right_arithmetic3A_70 = arith.constant 7 : i32
    %shift_right_arithmetic3A_71 = arith.shrsi %squeeze3A_69, %shift_right_arithmetic3A_70 : i32
    %shift_left3A_72 = arith.constant 7 : i32
    %shift_left3A_73 = arith.shli %shift_right_arithmetic3A_71, %shift_left3A_72 : i32
    %multiple_of3A_74 = tpu.assume_multiple %shift_left3A_73, 128 : i32
    %dma_start3A_75 = arith.constant 1 : i32
    %dma_start3A_76 = arith.constant 0 : i32
    %dma_start3A_77 = arith.constant 0 : i32
    %dma_start3A_78 = tpu.memref_slice %arg13[%dma_start3A_75, %dma_start3A_76, %dma_start3A_77] : memref<8x32x128xf32, #tpu.memory_space<vmem>> -> memref<1x32x128xf32, #tpu.memory_space<vmem>>
    %dma_start3A_79 = tpu.memref_squeeze %dma_start3A_78 : memref<1x32x128xf32, #tpu.memory_space<vmem>> -> memref<32x128xf32, #tpu.memory_space<vmem>>
    %dma_start3A_80 = arith.constant 0 : i32
    %dma_start3A_81 = tpu.memref_slice %arg5[%dma_start3A_80, %multiple_of3A_74] : memref<32x100000xf32, #tpu.memory_space<hbm>> -> memref<32x128xf32, #tpu.memory_space<hbm>>
    %dma_start3A_82 = arith.constant 0 : i32
    %dma_start3A_83 = arith.constant 0 : i32
    %dma_start3A_84 = tpu.memref_slice %arg13[%dma_start3A_75, %dma_start3A_82, %dma_start3A_83] : memref<8x32x128xf32, #tpu.memory_space<vmem>> -> memref<1x32x128xf32, #tpu.memory_space<vmem>>
    %dma_start3A_85 = tpu.memref_squeeze %dma_start3A_84 : memref<1x32x128xf32, #tpu.memory_space<vmem>> -> memref<32x128xf32, #tpu.memory_space<vmem>>
    %dma_start3A_86 = arith.constant 0 : i32
    %dma_start3A_87 = tpu.memref_slice %arg5[%dma_start3A_86, %multiple_of3A_74] : memref<32x100000xf32, #tpu.memory_space<hbm>> -> memref<32x128xf32, #tpu.memory_space<hbm>>
    tpu.enqueue_dma source(%dma_start3A_87 : memref<32x128xf32, #tpu.memory_space<hbm>>) target(%dma_start3A_85 : memref<32x128xf32, #tpu.memory_space<vmem>>) target_semaphore(%arg29 : memref<!tpu.dma_semaphore, #tpu.memory_space<semaphore_mem>>)
    %slice3A_88 = vector.extract_strided_slice %get3A_10 {offsets = [2], sizes = [1], strides = [1]} : vector<16xi32> to vector<1xi32>
    %squeeze3A_89 = vector.extract %slice3A_88[0] : i32 from vector<1xi32>
    %shift_right_arithmetic3A_90 = arith.constant 7 : i32
    %shift_right_arithmetic3A_91 = arith.shrsi %squeeze3A_89, %shift_right_arithmetic3A_90 : i32
    %shift_left3A_92 = arith.constant 7 : i32
    %shift_left3A_93 = arith.shli %shift_right_arithmetic3A_91, %shift_left3A_92 : i32
    %multiple_of3A_94 = tpu.assume_multiple %shift_left3A_93, 128 : i32
    %dma_start3A_95 = arith.constant 2 : i32
    %dma_start3A_96 = arith.constant 0 : i32
    %dma_start3A_97 = arith.constant 0 : i32
    %dma_start3A_98 = tpu.memref_slice %arg12[%dma_start3A_95, %dma_start3A_96, %dma_start3A_97] : memref<8x32x128xf32, #tpu.memory_space<vmem>> -> memref<1x32x128xf32, #tpu.memory_space<vmem>>
    %dma_start3A_99 = tpu.memref_squeeze %dma_start3A_98 : memref<1x32x128xf32, #tpu.memory_space<vmem>> -> memref<32x128xf32, #tpu.memory_space<vmem>>
    %dma_start3A_100 = arith.constant 0 : i32
    %dma_start3A_101 = tpu.memref_slice %arg4[%dma_start3A_100, %multiple_of3A_94] : memref<32x1000000xf32, #tpu.memory_space<hbm>> -> memref<32x128xf32, #tpu.memory_space<hbm>>
    %dma_start3A_102 = arith.constant 0 : i32
    %dma_start3A_103 = arith.constant 0 : i32
    %dma_start3A_104 = tpu.memref_slice %arg12[%dma_start3A_95, %dma_start3A_102, %dma_start3A_103] : memref<8x32x128xf32, #tpu.memory_space<vmem>> -> memref<1x32x128xf32, #tpu.memory_space<vmem>>
    %dma_start3A_105 = tpu.memref_squeeze %dma_start3A_104 : memref<1x32x128xf32, #tpu.memory_space<vmem>> -> memref<32x128xf32, #tpu.memory_space<vmem>>
    %dma_start3A_106 = arith.constant 0 : i32
    %dma_start3A_107 = tpu.memref_slice %arg4[%dma_start3A_106, %multiple_of3A_94] : memref<32x1000000xf32, #tpu.memory_space<hbm>> -> memref<32x128xf32, #tpu.memory_space<hbm>>
    tpu.enqueue_dma source(%dma_start3A_107 : memref<32x128xf32, #tpu.memory_space<hbm>>) target(%dma_start3A_105 : memref<32x128xf32, #tpu.memory_space<vmem>>) target_semaphore(%arg22 : memref<!tpu.dma_semaphore, #tpu.memory_space<semaphore_mem>>)
    %slice3A_108 = vector.extract_strided_slice %get3A_12 {offsets = [2], sizes = [1], strides = [1]} : vector<16xi32> to vector<1xi32>
    %squeeze3A_109 = vector.extract %slice3A_108[0] : i32 from vector<1xi32>
    %shift_right_arithmetic3A_110 = arith.constant 7 : i32
    %shift_right_arithmetic3A_111 = arith.shrsi %squeeze3A_109, %shift_right_arithmetic3A_110 : i32
    %shift_left3A_112 = arith.constant 7 : i32
    %shift_left3A_113 = arith.shli %shift_right_arithmetic3A_111, %shift_left3A_112 : i32
    %multiple_of3A_114 = tpu.assume_multiple %shift_left3A_113, 128 : i32
    %dma_start3A_115 = arith.constant 2 : i32
    %dma_start3A_116 = arith.constant 0 : i32
    %dma_start3A_117 = arith.constant 0 : i32
    %dma_start3A_118 = tpu.memref_slice %arg13[%dma_start3A_115, %dma_start3A_116, %dma_start3A_117] : memref<8x32x128xf32, #tpu.memory_space<vmem>> -> memref<1x32x128xf32, #tpu.memory_space<vmem>>
    %dma_start3A_119 = tpu.memref_squeeze %dma_start3A_118 : memref<1x32x128xf32, #tpu.memory_space<vmem>> -> memref<32x128xf32, #tpu.memory_space<vmem>>
    %dma_start3A_120 = arith.constant 0 : i32
    %dma_start3A_121 = tpu.memref_slice %arg5[%dma_start3A_120, %multiple_of3A_114] : memref<32x100000xf32, #tpu.memory_space<hbm>> -> memref<32x128xf32, #tpu.memory_space<hbm>>
    %dma_start3A_122 = arith.constant 0 : i32
    %dma_start3A_123 = arith.constant 0 : i32
    %dma_start3A_124 = tpu.memref_slice %arg13[%dma_start3A_115, %dma_start3A_122, %dma_start3A_123] : memref<8x32x128xf32, #tpu.memory_space<vmem>> -> memref<1x32x128xf32, #tpu.memory_space<vmem>>
    %dma_start3A_125 = tpu.memref_squeeze %dma_start3A_124 : memref<1x32x128xf32, #tpu.memory_space<vmem>> -> memref<32x128xf32, #tpu.memory_space<vmem>>
    %dma_start3A_126 = arith.constant 0 : i32
    %dma_start3A_127 = tpu.memref_slice %arg5[%dma_start3A_126, %multiple_of3A_114] : memref<32x100000xf32, #tpu.memory_space<hbm>> -> memref<32x128xf32, #tpu.memory_space<hbm>>
    tpu.enqueue_dma source(%dma_start3A_127 : memref<32x128xf32, #tpu.memory_space<hbm>>) target(%dma_start3A_125 : memref<32x128xf32, #tpu.memory_space<vmem>>) target_semaphore(%arg30 : memref<!tpu.dma_semaphore, #tpu.memory_space<semaphore_mem>>)
    %slice3A_128 = vector.extract_strided_slice %get3A_10 {offsets = [3], sizes = [1], strides = [1]} : vector<16xi32> to vector<1xi32>
    %squeeze3A_129 = vector.extract %slice3A_128[0] : i32 from vector<1xi32>
    %shift_right_arithmetic3A_130 = arith.constant 7 : i32
    %shift_right_arithmetic3A_131 = arith.shrsi %squeeze3A_129, %shift_right_arithmetic3A_130 : i32
    %shift_left3A_132 = arith.constant 7 : i32
    %shift_left3A_133 = arith.shli %shift_right_arithmetic3A_131, %shift_left3A_132 : i32
    %multiple_of3A_134 = tpu.assume_multiple %shift_left3A_133, 128 : i32
    %dma_start3A_135 = arith.constant 3 : i32
    %dma_start3A_136 = arith.constant 0 : i32
    %dma_start3A_137 = arith.constant 0 : i32
    %dma_start3A_138 = tpu.memref_slice %arg12[%dma_start3A_135, %dma_start3A_136, %dma_start3A_137] : memref<8x32x128xf32, #tpu.memory_space<vmem>> -> memref<1x32x128xf32, #tpu.memory_space<vmem>>
    %dma_start3A_139 = tpu.memref_squeeze %dma_start3A_138 : memref<1x32x128xf32, #tpu.memory_space<vmem>> -> memref<32x128xf32, #tpu.memory_space<vmem>>
    %dma_start3A_140 = arith.constant 0 : i32
    %dma_start3A_141 = tpu.memref_slice %arg4[%dma_start3A_140, %multiple_of3A_134] : memref<32x1000000xf32, #tpu.memory_space<hbm>> -> memref<32x128xf32, #tpu.memory_space<hbm>>
    %dma_start3A_142 = arith.constant 0 : i32
    %dma_start3A_143 = arith.constant 0 : i32
    %dma_start3A_144 = tpu.memref_slice %arg12[%dma_start3A_135, %dma_start3A_142, %dma_start3A_143] : memref<8x32x128xf32, #tpu.memory_space<vmem>> -> memref<1x32x128xf32, #tpu.memory_space<vmem>>
    %dma_start3A_145 = tpu.memref_squeeze %dma_start3A_144 : memref<1x32x128xf32, #tpu.memory_space<vmem>> -> memref<32x128xf32, #tpu.memory_space<vmem>>
    %dma_start3A_146 = arith.constant 0 : i32
    %dma_start3A_147 = tpu.memref_slice %arg4[%dma_start3A_146, %multiple_of3A_134] : memref<32x1000000xf32, #tpu.memory_space<hbm>> -> memref<32x128xf32, #tpu.memory_space<hbm>>
    tpu.enqueue_dma source(%dma_start3A_147 : memref<32x128xf32, #tpu.memory_space<hbm>>) target(%dma_start3A_145 : memref<32x128xf32, #tpu.memory_space<vmem>>) target_semaphore(%arg23 : memref<!tpu.dma_semaphore, #tpu.memory_space<semaphore_mem>>)
    %slice3A_148 = vector.extract_strided_slice %get3A_12 {offsets = [3], sizes = [1], strides = [1]} : vector<16xi32> to vector<1xi32>
    %squeeze3A_149 = vector.extract %slice3A_148[0] : i32 from vector<1xi32>
    %shift_right_arithmetic3A_150 = arith.constant 7 : i32
    %shift_right_arithmetic3A_151 = arith.shrsi %squeeze3A_149, %shift_right_arithmetic3A_150 : i32
    %shift_left3A_152 = arith.constant 7 : i32
    %shift_left3A_153 = arith.shli %shift_right_arithmetic3A_151, %shift_left3A_152 : i32
    %multiple_of3A_154 = tpu.assume_multiple %shift_left3A_153, 128 : i32
    %dma_start3A_155 = arith.constant 3 : i32
    %dma_start3A_156 = arith.constant 0 : i32
    %dma_start3A_157 = arith.constant 0 : i32
    %dma_start3A_158 = tpu.memref_slice %arg13[%dma_start3A_155, %dma_start3A_156, %dma_start3A_157] : memref<8x32x128xf32, #tpu.memory_space<vmem>> -> memref<1x32x128xf32, #tpu.memory_space<vmem>>
    %dma_start3A_159 = tpu.memref_squeeze %dma_start3A_158 : memref<1x32x128xf32, #tpu.memory_space<vmem>> -> memref<32x128xf32, #tpu.memory_space<vmem>>
    %dma_start3A_160 = arith.constant 0 : i32
    %dma_start3A_161 = tpu.memref_slice %arg5[%dma_start3A_160, %multiple_of3A_154] : memref<32x100000xf32, #tpu.memory_space<hbm>> -> memref<32x128xf32, #tpu.memory_space<hbm>>
    %dma_start3A_162 = arith.constant 0 : i32
    %dma_start3A_163 = arith.constant 0 : i32
    %dma_start3A_164 = tpu.memref_slice %arg13[%dma_start3A_155, %dma_start3A_162, %dma_start3A_163] : memref<8x32x128xf32, #tpu.memory_space<vmem>> -> memref<1x32x128xf32, #tpu.memory_space<vmem>>
    %dma_start3A_165 = tpu.memref_squeeze %dma_start3A_164 : memref<1x32x128xf32, #tpu.memory_space<vmem>> -> memref<32x128xf32, #tpu.memory_space<vmem>>
    %dma_start3A_166 = arith.constant 0 : i32
    %dma_start3A_167 = tpu.memref_slice %arg5[%dma_start3A_166, %multiple_of3A_154] : memref<32x100000xf32, #tpu.memory_space<hbm>> -> memref<32x128xf32, #tpu.memory_space<hbm>>
    tpu.enqueue_dma source(%dma_start3A_167 : memref<32x128xf32, #tpu.memory_space<hbm>>) target(%dma_start3A_165 : memref<32x128xf32, #tpu.memory_space<vmem>>) target_semaphore(%arg31 : memref<!tpu.dma_semaphore, #tpu.memory_space<semaphore_mem>>)
    %slice3A_168 = vector.extract_strided_slice %get3A_10 {offsets = [4], sizes = [1], strides = [1]} : vector<16xi32> to vector<1xi32>
    %squeeze3A_169 = vector.extract %slice3A_168[0] : i32 from vector<1xi32>
    %shift_right_arithmetic3A_170 = arith.constant 7 : i32
    %shift_right_arithmetic3A_171 = arith.shrsi %squeeze3A_169, %shift_right_arithmetic3A_170 : i32
    %shift_left3A_172 = arith.constant 7 : i32
    %shift_left3A_173 = arith.shli %shift_right_arithmetic3A_171, %shift_left3A_172 : i32
    %multiple_of3A_174 = tpu.assume_multiple %shift_left3A_173, 128 : i32
    %dma_start3A_175 = arith.constant 4 : i32
    %dma_start3A_176 = arith.constant 0 : i32
    %dma_start3A_177 = arith.constant 0 : i32
    %dma_start3A_178 = tpu.memref_slice %arg12[%dma_start3A_175, %dma_start3A_176, %dma_start3A_177] : memref<8x32x128xf32, #tpu.memory_space<vmem>> -> memref<1x32x128xf32, #tpu.memory_space<vmem>>
    %dma_start3A_179 = tpu.memref_squeeze %dma_start3A_178 : memref<1x32x128xf32, #tpu.memory_space<vmem>> -> memref<32x128xf32, #tpu.memory_space<vmem>>
    %dma_start3A_180 = arith.constant 0 : i32
    %dma_start3A_181 = tpu.memref_slice %arg4[%dma_start3A_180, %multiple_of3A_174] : memref<32x1000000xf32, #tpu.memory_space<hbm>> -> memref<32x128xf32, #tpu.memory_space<hbm>>
    %dma_start3A_182 = arith.constant 0 : i32
    %dma_start3A_183 = arith.constant 0 : i32
    %dma_start3A_184 = tpu.memref_slice %arg12[%dma_start3A_175, %dma_start3A_182, %dma_start3A_183] : memref<8x32x128xf32, #tpu.memory_space<vmem>> -> memref<1x32x128xf32, #tpu.memory_space<vmem>>
    %dma_start3A_185 = tpu.memref_squeeze %dma_start3A_184 : memref<1x32x128xf32, #tpu.memory_space<vmem>> -> memref<32x128xf32, #tpu.memory_space<vmem>>
    %dma_start3A_186 = arith.constant 0 : i32
    %dma_start3A_187 = tpu.memref_slice %arg4[%dma_start3A_186, %multiple_of3A_174] : memref<32x1000000xf32, #tpu.memory_space<hbm>> -> memref<32x128xf32, #tpu.memory_space<hbm>>
    tpu.enqueue_dma source(%dma_start3A_187 : memref<32x128xf32, #tpu.memory_space<hbm>>) target(%dma_start3A_185 : memref<32x128xf32, #tpu.memory_space<vmem>>) target_semaphore(%arg24 : memref<!tpu.dma_semaphore, #tpu.memory_space<semaphore_mem>>)
    %slice3A_188 = vector.extract_strided_slice %get3A_12 {offsets = [4], sizes = [1], strides = [1]} : vector<16xi32> to vector<1xi32>
    %squeeze3A_189 = vector.extract %slice3A_188[0] : i32 from vector<1xi32>
    %shift_right_arithmetic3A_190 = arith.constant 7 : i32
    %shift_right_arithmetic3A_191 = arith.shrsi %squeeze3A_189, %shift_right_arithmetic3A_190 : i32
    %shift_left3A_192 = arith.constant 7 : i32
    %shift_left3A_193 = arith.shli %shift_right_arithmetic3A_191, %shift_left3A_192 : i32
    %multiple_of3A_194 = tpu.assume_multiple %shift_left3A_193, 128 : i32
    %dma_start3A_195 = arith.constant 4 : i32
    %dma_start3A_196 = arith.constant 0 : i32
    %dma_start3A_197 = arith.constant 0 : i32
    %dma_start3A_198 = tpu.memref_slice %arg13[%dma_start3A_195, %dma_start3A_196, %dma_start3A_197] : memref<8x32x128xf32, #tpu.memory_space<vmem>> -> memref<1x32x128xf32, #tpu.memory_space<vmem>>
    %dma_start3A_199 = tpu.memref_squeeze %dma_start3A_198 : memref<1x32x128xf32, #tpu.memory_space<vmem>> -> memref<32x128xf32, #tpu.memory_space<vmem>>
    %dma_start3A_200 = arith.constant 0 : i32
    %dma_start3A_201 = tpu.memref_slice %arg5[%dma_start3A_200, %multiple_of3A_194] : memref<32x100000xf32, #tpu.memory_space<hbm>> -> memref<32x128xf32, #tpu.memory_space<hbm>>
    %dma_start3A_202 = arith.constant 0 : i32
    %dma_start3A_203 = arith.constant 0 : i32
    %dma_start3A_204 = tpu.memref_slice %arg13[%dma_start3A_195, %dma_start3A_202, %dma_start3A_203] : memref<8x32x128xf32, #tpu.memory_space<vmem>> -> memref<1x32x128xf32, #tpu.memory_space<vmem>>
    %dma_start3A_205 = tpu.memref_squeeze %dma_start3A_204 : memref<1x32x128xf32, #tpu.memory_space<vmem>> -> memref<32x128xf32, #tpu.memory_space<vmem>>
    %dma_start3A_206 = arith.constant 0 : i32
    %dma_start3A_207 = tpu.memref_slice %arg5[%dma_start3A_206, %multiple_of3A_194] : memref<32x100000xf32, #tpu.memory_space<hbm>> -> memref<32x128xf32, #tpu.memory_space<hbm>>
    tpu.enqueue_dma source(%dma_start3A_207 : memref<32x128xf32, #tpu.memory_space<hbm>>) target(%dma_start3A_205 : memref<32x128xf32, #tpu.memory_space<vmem>>) target_semaphore(%arg32 : memref<!tpu.dma_semaphore, #tpu.memory_space<semaphore_mem>>)
    %slice3A_208 = vector.extract_strided_slice %get3A_10 {offsets = [5], sizes = [1], strides = [1]} : vector<16xi32> to vector<1xi32>
    %squeeze3A_209 = vector.extract %slice3A_208[0] : i32 from vector<1xi32>
    %shift_right_arithmetic3A_210 = arith.constant 7 : i32
    %shift_right_arithmetic3A_211 = arith.shrsi %squeeze3A_209, %shift_right_arithmetic3A_210 : i32
    %shift_left3A_212 = arith.constant 7 : i32
    %shift_left3A_213 = arith.shli %shift_right_arithmetic3A_211, %shift_left3A_212 : i32
    %multiple_of3A_214 = tpu.assume_multiple %shift_left3A_213, 128 : i32
    %dma_start3A_215 = arith.constant 5 : i32
    %dma_start3A_216 = arith.constant 0 : i32
    %dma_start3A_217 = arith.constant 0 : i32
    %dma_start3A_218 = tpu.memref_slice %arg12[%dma_start3A_215, %dma_start3A_216, %dma_start3A_217] : memref<8x32x128xf32, #tpu.memory_space<vmem>> -> memref<1x32x128xf32, #tpu.memory_space<vmem>>
    %dma_start3A_219 = tpu.memref_squeeze %dma_start3A_218 : memref<1x32x128xf32, #tpu.memory_space<vmem>> -> memref<32x128xf32, #tpu.memory_space<vmem>>
    %dma_start3A_220 = arith.constant 0 : i32
    %dma_start3A_221 = tpu.memref_slice %arg4[%dma_start3A_220, %multiple_of3A_214] : memref<32x1000000xf32, #tpu.memory_space<hbm>> -> memref<32x128xf32, #tpu.memory_space<hbm>>
    %dma_start3A_222 = arith.constant 0 : i32
    %dma_start3A_223 = arith.constant 0 : i32
    %dma_start3A_224 = tpu.memref_slice %arg12[%dma_start3A_215, %dma_start3A_222, %dma_start3A_223] : memref<8x32x128xf32, #tpu.memory_space<vmem>> -> memref<1x32x128xf32, #tpu.memory_space<vmem>>
    %dma_start3A_225 = tpu.memref_squeeze %dma_start3A_224 : memref<1x32x128xf32, #tpu.memory_space<vmem>> -> memref<32x128xf32, #tpu.memory_space<vmem>>
    %dma_start3A_226 = arith.constant 0 : i32
    %dma_start3A_227 = tpu.memref_slice %arg4[%dma_start3A_226, %multiple_of3A_214] : memref<32x1000000xf32, #tpu.memory_space<hbm>> -> memref<32x128xf32, #tpu.memory_space<hbm>>
    tpu.enqueue_dma source(%dma_start3A_227 : memref<32x128xf32, #tpu.memory_space<hbm>>) target(%dma_start3A_225 : memref<32x128xf32, #tpu.memory_space<vmem>>) target_semaphore(%arg25 : memref<!tpu.dma_semaphore, #tpu.memory_space<semaphore_mem>>)
    %slice3A_228 = vector.extract_strided_slice %get3A_12 {offsets = [5], sizes = [1], strides = [1]} : vector<16xi32> to vector<1xi32>
    %squeeze3A_229 = vector.extract %slice3A_228[0] : i32 from vector<1xi32>
    %shift_right_arithmetic3A_230 = arith.constant 7 : i32
    %shift_right_arithmetic3A_231 = arith.shrsi %squeeze3A_229, %shift_right_arithmetic3A_230 : i32
    %shift_left3A_232 = arith.constant 7 : i32
    %shift_left3A_233 = arith.shli %shift_right_arithmetic3A_231, %shift_left3A_232 : i32
    %multiple_of3A_234 = tpu.assume_multiple %shift_left3A_233, 128 : i32
    %dma_start3A_235 = arith.constant 5 : i32
    %dma_start3A_236 = arith.constant 0 : i32
    %dma_start3A_237 = arith.constant 0 : i32
    %dma_start3A_238 = tpu.memref_slice %arg13[%dma_start3A_235, %dma_start3A_236, %dma_start3A_237] : memref<8x32x128xf32, #tpu.memory_space<vmem>> -> memref<1x32x128xf32, #tpu.memory_space<vmem>>
    %dma_start3A_239 = tpu.memref_squeeze %dma_start3A_238 : memref<1x32x128xf32, #tpu.memory_space<vmem>> -> memref<32x128xf32, #tpu.memory_space<vmem>>
    %dma_start3A_240 = arith.constant 0 : i32
    %dma_start3A_241 = tpu.memref_slice %arg5[%dma_start3A_240, %multiple_of3A_234] : memref<32x100000xf32, #tpu.memory_space<hbm>> -> memref<32x128xf32, #tpu.memory_space<hbm>>
    %dma_start3A_242 = arith.constant 0 : i32
    %dma_start3A_243 = arith.constant 0 : i32
    %dma_start3A_244 = tpu.memref_slice %arg13[%dma_start3A_235, %dma_start3A_242, %dma_start3A_243] : memref<8x32x128xf32, #tpu.memory_space<vmem>> -> memref<1x32x128xf32, #tpu.memory_space<vmem>>
    %dma_start3A_245 = tpu.memref_squeeze %dma_start3A_244 : memref<1x32x128xf32, #tpu.memory_space<vmem>> -> memref<32x128xf32, #tpu.memory_space<vmem>>
    %dma_start3A_246 = arith.constant 0 : i32
    %dma_start3A_247 = tpu.memref_slice %arg5[%dma_start3A_246, %multiple_of3A_234] : memref<32x100000xf32, #tpu.memory_space<hbm>> -> memref<32x128xf32, #tpu.memory_space<hbm>>
    tpu.enqueue_dma source(%dma_start3A_247 : memref<32x128xf32, #tpu.memory_space<hbm>>) target(%dma_start3A_245 : memref<32x128xf32, #tpu.memory_space<vmem>>) target_semaphore(%arg33 : memref<!tpu.dma_semaphore, #tpu.memory_space<semaphore_mem>>)
    %slice3A_248 = vector.extract_strided_slice %get3A_10 {offsets = [6], sizes = [1], strides = [1]} : vector<16xi32> to vector<1xi32>
    %squeeze3A_249 = vector.extract %slice3A_248[0] : i32 from vector<1xi32>
    %shift_right_arithmetic3A_250 = arith.constant 7 : i32
    %shift_right_arithmetic3A_251 = arith.shrsi %squeeze3A_249, %shift_right_arithmetic3A_250 : i32
    %shift_left3A_252 = arith.constant 7 : i32
    %shift_left3A_253 = arith.shli %shift_right_arithmetic3A_251, %shift_left3A_252 : i32
    %multiple_of3A_254 = tpu.assume_multiple %shift_left3A_253, 128 : i32
    %dma_start3A_255 = arith.constant 6 : i32
    %dma_start3A_256 = arith.constant 0 : i32
    %dma_start3A_257 = arith.constant 0 : i32
    %dma_start3A_258 = tpu.memref_slice %arg12[%dma_start3A_255, %dma_start3A_256, %dma_start3A_257] : memref<8x32x128xf32, #tpu.memory_space<vmem>> -> memref<1x32x128xf32, #tpu.memory_space<vmem>>
    %dma_start3A_259 = tpu.memref_squeeze %dma_start3A_258 : memref<1x32x128xf32, #tpu.memory_space<vmem>> -> memref<32x128xf32, #tpu.memory_space<vmem>>
    %dma_start3A_260 = arith.constant 0 : i32
    %dma_start3A_261 = tpu.memref_slice %arg4[%dma_start3A_260, %multiple_of3A_254] : memref<32x1000000xf32, #tpu.memory_space<hbm>> -> memref<32x128xf32, #tpu.memory_space<hbm>>
    %dma_start3A_262 = arith.constant 0 : i32
    %dma_start3A_263 = arith.constant 0 : i32
    %dma_start3A_264 = tpu.memref_slice %arg12[%dma_start3A_255, %dma_start3A_262, %dma_start3A_263] : memref<8x32x128xf32, #tpu.memory_space<vmem>> -> memref<1x32x128xf32, #tpu.memory_space<vmem>>
    %dma_start3A_265 = tpu.memref_squeeze %dma_start3A_264 : memref<1x32x128xf32, #tpu.memory_space<vmem>> -> memref<32x128xf32, #tpu.memory_space<vmem>>
    %dma_start3A_266 = arith.constant 0 : i32
    %dma_start3A_267 = tpu.memref_slice %arg4[%dma_start3A_266, %multiple_of3A_254] : memref<32x1000000xf32, #tpu.memory_space<hbm>> -> memref<32x128xf32, #tpu.memory_space<hbm>>
    tpu.enqueue_dma source(%dma_start3A_267 : memref<32x128xf32, #tpu.memory_space<hbm>>) target(%dma_start3A_265 : memref<32x128xf32, #tpu.memory_space<vmem>>) target_semaphore(%arg26 : memref<!tpu.dma_semaphore, #tpu.memory_space<semaphore_mem>>)
    %slice3A_268 = vector.extract_strided_slice %get3A_12 {offsets = [6], sizes = [1], strides = [1]} : vector<16xi32> to vector<1xi32>
    %squeeze3A_269 = vector.extract %slice3A_268[0] : i32 from vector<1xi32>
    %shift_right_arithmetic3A_270 = arith.constant 7 : i32
    %shift_right_arithmetic3A_271 = arith.shrsi %squeeze3A_269, %shift_right_arithmetic3A_270 : i32
    %shift_left3A_272 = arith.constant 7 : i32
    %shift_left3A_273 = arith.shli %shift_right_arithmetic3A_271, %shift_left3A_272 : i32
    %multiple_of3A_274 = tpu.assume_multiple %shift_left3A_273, 128 : i32
    %dma_start3A_275 = arith.constant 6 : i32
    %dma_start3A_276 = arith.constant 0 : i32
    %dma_start3A_277 = arith.constant 0 : i32
    %dma_start3A_278 = tpu.memref_slice %arg13[%dma_start3A_275, %dma_start3A_276, %dma_start3A_277] : memref<8x32x128xf32, #tpu.memory_space<vmem>> -> memref<1x32x128xf32, #tpu.memory_space<vmem>>
    %dma_start3A_279 = tpu.memref_squeeze %dma_start3A_278 : memref<1x32x128xf32, #tpu.memory_space<vmem>> -> memref<32x128xf32, #tpu.memory_space<vmem>>
    %dma_start3A_280 = arith.constant 0 : i32
    %dma_start3A_281 = tpu.memref_slice %arg5[%dma_start3A_280, %multiple_of3A_274] : memref<32x100000xf32, #tpu.memory_space<hbm>> -> memref<32x128xf32, #tpu.memory_space<hbm>>
    %dma_start3A_282 = arith.constant 0 : i32
    %dma_start3A_283 = arith.constant 0 : i32
    %dma_start3A_284 = tpu.memref_slice %arg13[%dma_start3A_275, %dma_start3A_282, %dma_start3A_283] : memref<8x32x128xf32, #tpu.memory_space<vmem>> -> memref<1x32x128xf32, #tpu.memory_space<vmem>>
    %dma_start3A_285 = tpu.memref_squeeze %dma_start3A_284 : memref<1x32x128xf32, #tpu.memory_space<vmem>> -> memref<32x128xf32, #tpu.memory_space<vmem>>
    %dma_start3A_286 = arith.constant 0 : i32
    %dma_start3A_287 = tpu.memref_slice %arg5[%dma_start3A_286, %multiple_of3A_274] : memref<32x100000xf32, #tpu.memory_space<hbm>> -> memref<32x128xf32, #tpu.memory_space<hbm>>
    tpu.enqueue_dma source(%dma_start3A_287 : memref<32x128xf32, #tpu.memory_space<hbm>>) target(%dma_start3A_285 : memref<32x128xf32, #tpu.memory_space<vmem>>) target_semaphore(%arg34 : memref<!tpu.dma_semaphore, #tpu.memory_space<semaphore_mem>>)
    %slice3A_288 = vector.extract_strided_slice %get3A_10 {offsets = [7], sizes = [1], strides = [1]} : vector<16xi32> to vector<1xi32>
    %squeeze3A_289 = vector.extract %slice3A_288[0] : i32 from vector<1xi32>
    %shift_right_arithmetic3A_290 = arith.constant 7 : i32
    %shift_right_arithmetic3A_291 = arith.shrsi %squeeze3A_289, %shift_right_arithmetic3A_290 : i32
    %shift_left3A_292 = arith.constant 7 : i32
    %shift_left3A_293 = arith.shli %shift_right_arithmetic3A_291, %shift_left3A_292 : i32
    %multiple_of3A_294 = tpu.assume_multiple %shift_left3A_293, 128 : i32
    %dma_start3A_295 = arith.constant 7 : i32
    %dma_start3A_296 = arith.constant 0 : i32
    %dma_start3A_297 = arith.constant 0 : i32
    %dma_start3A_298 = tpu.memref_slice %arg12[%dma_start3A_295, %dma_start3A_296, %dma_start3A_297] : memref<8x32x128xf32, #tpu.memory_space<vmem>> -> memref<1x32x128xf32, #tpu.memory_space<vmem>>
    %dma_start3A_299 = tpu.memref_squeeze %dma_start3A_298 : memref<1x32x128xf32, #tpu.memory_space<vmem>> -> memref<32x128xf32, #tpu.memory_space<vmem>>
    %dma_start3A_300 = arith.constant 0 : i32
    %dma_start3A_301 = tpu.memref_slice %arg4[%dma_start3A_300, %multiple_of3A_294] : memref<32x1000000xf32, #tpu.memory_space<hbm>> -> memref<32x128xf32, #tpu.memory_space<hbm>>
    %dma_start3A_302 = arith.constant 0 : i32
    %dma_start3A_303 = arith.constant 0 : i32
    %dma_start3A_304 = tpu.memref_slice %arg12[%dma_start3A_295, %dma_start3A_302, %dma_start3A_303] : memref<8x32x128xf32, #tpu.memory_space<vmem>> -> memref<1x32x128xf32, #tpu.memory_space<vmem>>
    %dma_start3A_305 = tpu.memref_squeeze %dma_start3A_304 : memref<1x32x128xf32, #tpu.memory_space<vmem>> -> memref<32x128xf32, #tpu.memory_space<vmem>>
    %dma_start3A_306 = arith.constant 0 : i32
    %dma_start3A_307 = tpu.memref_slice %arg4[%dma_start3A_306, %multiple_of3A_294] : memref<32x1000000xf32, #tpu.memory_space<hbm>> -> memref<32x128xf32, #tpu.memory_space<hbm>>
    tpu.enqueue_dma source(%dma_start3A_307 : memref<32x128xf32, #tpu.memory_space<hbm>>) target(%dma_start3A_305 : memref<32x128xf32, #tpu.memory_space<vmem>>) target_semaphore(%arg27 : memref<!tpu.dma_semaphore, #tpu.memory_space<semaphore_mem>>)
    %slice3A_308 = vector.extract_strided_slice %get3A_12 {offsets = [7], sizes = [1], strides = [1]} : vector<16xi32> to vector<1xi32>
    %squeeze3A_309 = vector.extract %slice3A_308[0] : i32 from vector<1xi32>
    %shift_right_arithmetic3A_310 = arith.constant 7 : i32
    %shift_right_arithmetic3A_311 = arith.shrsi %squeeze3A_309, %shift_right_arithmetic3A_310 : i32
    %shift_left3A_312 = arith.constant 7 : i32
    %shift_left3A_313 = arith.shli %shift_right_arithmetic3A_311, %shift_left3A_312 : i32
    %multiple_of3A_314 = tpu.assume_multiple %shift_left3A_313, 128 : i32
    %dma_start3A_315 = arith.constant 7 : i32
    %dma_start3A_316 = arith.constant 0 : i32
    %dma_start3A_317 = arith.constant 0 : i32
    %dma_start3A_318 = tpu.memref_slice %arg13[%dma_start3A_315, %dma_start3A_316, %dma_start3A_317] : memref<8x32x128xf32, #tpu.memory_space<vmem>> -> memref<1x32x128xf32, #tpu.memory_space<vmem>>
    %dma_start3A_319 = tpu.memref_squeeze %dma_start3A_318 : memref<1x32x128xf32, #tpu.memory_space<vmem>> -> memref<32x128xf32, #tpu.memory_space<vmem>>
    %dma_start3A_320 = arith.constant 0 : i32
    %dma_start3A_321 = tpu.memref_slice %arg5[%dma_start3A_320, %multiple_of3A_314] : memref<32x100000xf32, #tpu.memory_space<hbm>> -> memref<32x128xf32, #tpu.memory_space<hbm>>
    %dma_start3A_322 = arith.constant 0 : i32
    %dma_start3A_323 = arith.constant 0 : i32
    %dma_start3A_324 = tpu.memref_slice %arg13[%dma_start3A_315, %dma_start3A_322, %dma_start3A_323] : memref<8x32x128xf32, #tpu.memory_space<vmem>> -> memref<1x32x128xf32, #tpu.memory_space<vmem>>
    %dma_start3A_325 = tpu.memref_squeeze %dma_start3A_324 : memref<1x32x128xf32, #tpu.memory_space<vmem>> -> memref<32x128xf32, #tpu.memory_space<vmem>>
    %dma_start3A_326 = arith.constant 0 : i32
    %dma_start3A_327 = tpu.memref_slice %arg5[%dma_start3A_326, %multiple_of3A_314] : memref<32x100000xf32, #tpu.memory_space<hbm>> -> memref<32x128xf32, #tpu.memory_space<hbm>>
    tpu.enqueue_dma source(%dma_start3A_327 : memref<32x128xf32, #tpu.memory_space<hbm>>) target(%dma_start3A_325 : memref<32x128xf32, #tpu.memory_space<vmem>>) target_semaphore(%arg35 : memref<!tpu.dma_semaphore, #tpu.memory_space<semaphore_mem>>)
    %scan3A = arith.constant 0 : i32
    %scan3A_328 = arith.constant 0 : i32
    %scan3A_329 = arith.constant 16 : i32
    %scan3A_330 = arith.addi %scan3A_328, %scan3A_329 : i32
    %scan3A_331 = arith.constant 1 : i32
    scf.for %scan3A_1939 = %scan3A_328 to %scan3A_330 step %scan3A_331  : i32 {
      %mul3A_1940 = arith.constant 8 : i32
      %mul3A_1941 = arith.muli %scan3A_1939, %mul3A_1940 : i32
      %get3A_1942 = arith.index_cast %mul3A_1941 : i32 to index
      %get3A_1943 = tpu.vector_load %arg10[%get3A_1942] {strides = array<i32>} : memref<144xi32, #tpu.memory_space<vmem>>, vector<16xi32>,
      %mul3A_1944 = arith.constant 8 : i32
      %mul3A_1945 = arith.muli %scan3A_1939, %mul3A_1944 : i32
      %get3A_1946 = arith.index_cast %mul3A_1945 : i32 to index
      %get3A_1947 = tpu.vector_load %arg11[%get3A_1946] {strides = array<i32>} : memref<144xi32, #tpu.memory_space<vmem>>, vector<16xi32>,
      %mul3A_1948 = arith.constant 8 : i32
      %mul3A_1949 = arith.muli %scan3A_1939, %mul3A_1948 : i32
      %add3A_1950 = arith.constant 0 : i32
      %add3A_1951 = arith.addi %mul3A_1949, %add3A_1950 : i32
      %broadcast_in_dim3A = vector.broadcast %add3A_1951 : i32 to vector<16xi32>
      %dma_wait3A_1952 = arith.constant 0 : i32
      %dma_wait3A_1953 = arith.constant 0 : i32
      %dma_wait3A_1954 = arith.constant 0 : i32
      %dma_wait3A_1955 = tpu.memref_slice %arg12[%dma_wait3A_1952, %dma_wait3A_1953, %dma_wait3A_1954] : memref<8x32x128xf32, #tpu.memory_space<vmem>> -> memref<1x32x128xf32, #tpu.memory_space<vmem>>
      %dma_wait3A_1956 = tpu.memref_squeeze %dma_wait3A_1955 : memref<1x32x128xf32, #tpu.memory_space<vmem>> -> memref<32x128xf32, #tpu.memory_space<vmem>>
      %dma_wait3A_1957 = arith.constant 0 : i32
      %dma_wait3A_1958 = arith.constant 0 : i32
      %dma_wait3A_1959 = tpu.memref_slice %arg4[%dma_wait3A_1957, %dma_wait3A_1958] : memref<32x1000000xf32, #tpu.memory_space<hbm>> -> memref<32x128xf32, #tpu.memory_space<hbm>>
      %dma_wait3A_1960 = arith.constant 0 : i32
      %dma_wait3A_1961 = arith.constant 0 : i32
      %dma_wait3A_1962 = tpu.memref_slice %arg12[%dma_wait3A_1952, %dma_wait3A_1960, %dma_wait3A_1961] : memref<8x32x128xf32, #tpu.memory_space<vmem>> -> memref<1x32x128xf32, #tpu.memory_space<vmem>>
      %dma_wait3A_1963 = tpu.memref_squeeze %dma_wait3A_1962 : memref<1x32x128xf32, #tpu.memory_space<vmem>> -> memref<32x128xf32, #tpu.memory_space<vmem>>
      %dma_wait3A_1964 = arith.constant 0 : i32
      %dma_wait3A_1965 = arith.constant 0 : i32
      %dma_wait3A_1966 = tpu.memref_slice %arg4[%dma_wait3A_1964, %dma_wait3A_1965] : memref<32x1000000xf32, #tpu.memory_space<hbm>> -> memref<32x128xf32, #tpu.memory_space<hbm>>
      tpu.wait_dma2 semaphore(%arg20 : memref<!tpu.dma_semaphore, #tpu.memory_space<semaphore_mem>>) src(%dma_wait3A_1966 : memref<32x128xf32, #tpu.memory_space<hbm>>) dst(%dma_wait3A_1963 : memref<32x128xf32, #tpu.memory_space<vmem>>)
      %slice3A_1967 = vector.extract_strided_slice %get3A_1943 {offsets = [0], sizes = [1], strides = [1]} : vector<16xi32> to vector<1xi32>
      %squeeze3A_1968 = vector.extract %slice3A_1967[0] : i32 from vector<1xi32>
      %and3A = arith.constant 127 : i32
      %and3A_1969 = arith.andi %squeeze3A_1968, %and3A : i32
      %broadcast_in_dim3A_1970 = vector.broadcast %and3A_1969 : i32 to vector<16xi32>
      %add3A_1971 = arith.constant 0 : i32
      %add3A_1972 = vector.broadcast %add3A_1971 : i32 to vector<16xi32>
      %add3A_1973 = arith.addi %iota3A, %add3A_1972 : vector<16xi32>
      %gather3A = arith.constant 0 : i32
      %gather3A_1974 = arith.constant 0 : i32
      %gather3A_1975 = arith.constant 0 : i32
      %gather3A_1976 = tpu.memref_slice %arg12[%gather3A, %gather3A_1974, %gather3A_1975] : memref<8x32x128xf32, #tpu.memory_space<vmem>> -> memref<1x32x128xf32, #tpu.memory_space<vmem>>
      %gather3A_1977 = tpu.memref_squeeze %gather3A_1976 : memref<1x32x128xf32, #tpu.memory_space<vmem>> -> memref<32x128xf32, #tpu.memory_space<vmem>>
      %gather3A_1978 = tpu.vector_load_idx %gather3A_1977[%add3A_1973, %broadcast_in_dim3A_1970] : memref<32x128xf32, #tpu.memory_space<vmem>>[vector<16xi32>, vector<16xi32>], vector<16xf32>,
      %add3A_1979 = arith.constant 0 : i32
      %add3A_1980 = vector.broadcast %add3A_1979 : i32 to vector<16xi32>
      %add3A_1981 = arith.addi %iota3A, %add3A_1980 : vector<16xi32>
      %mul3A_1982 = arith.constant 128 : i32
      %mul3A_1983 = vector.broadcast %mul3A_1982 : i32 to vector<16xi32>
      %mul3A_1984 = arith.muli %add3A_1981, %mul3A_1983 : vector<16xi32>
      %add3A_1985 = arith.addi %mul3A_1984, %broadcast_in_dim3A : vector<16xi32>
      tpu.vector_store_idx %arg14[%add3A_1985], %gather3A_1978 : memref<4096xf32, #tpu.memory_space<vmem>>[vector<16xi32>], vector<16xf32>,
      %add3A_1986 = arith.constant 16 : i32
      %add3A_1987 = vector.broadcast %add3A_1986 : i32 to vector<16xi32>
      %add3A_1988 = arith.addi %iota3A, %add3A_1987 : vector<16xi32>
      %gather3A_1989 = arith.constant 0 : i32
      %gather3A_1990 = arith.constant 0 : i32
      %gather3A_1991 = arith.constant 0 : i32
      %gather3A_1992 = tpu.memref_slice %arg12[%gather3A_1989, %gather3A_1990, %gather3A_1991] : memref<8x32x128xf32, #tpu.memory_space<vmem>> -> memref<1x32x128xf32, #tpu.memory_space<vmem>>
      %gather3A_1993 = tpu.memref_squeeze %gather3A_1992 : memref<1x32x128xf32, #tpu.memory_space<vmem>> -> memref<32x128xf32, #tpu.memory_space<vmem>>
      %gather3A_1994 = tpu.vector_load_idx %gather3A_1993[%add3A_1988, %broadcast_in_dim3A_1970] : memref<32x128xf32, #tpu.memory_space<vmem>>[vector<16xi32>, vector<16xi32>], vector<16xf32>,
      %add3A_1995 = arith.constant 16 : i32
      %add3A_1996 = vector.broadcast %add3A_1995 : i32 to vector<16xi32>
      %add3A_1997 = arith.addi %iota3A, %add3A_1996 : vector<16xi32>
      %mul3A_1998 = arith.constant 128 : i32
      %mul3A_1999 = vector.broadcast %mul3A_1998 : i32 to vector<16xi32>
      %mul3A_2000 = arith.muli %add3A_1997, %mul3A_1999 : vector<16xi32>
      %add3A_2001 = arith.addi %mul3A_2000, %broadcast_in_dim3A : vector<16xi32>
      tpu.vector_store_idx %arg14[%add3A_2001], %gather3A_1994 : memref<4096xf32, #tpu.memory_space<vmem>>[vector<16xi32>], vector<16xf32>,
      %dma_wait3A_2002 = arith.constant 0 : i32
      %dma_wait3A_2003 = arith.constant 0 : i32
      %dma_wait3A_2004 = arith.constant 0 : i32
      %dma_wait3A_2005 = tpu.memref_slice %arg13[%dma_wait3A_2002, %dma_wait3A_2003, %dma_wait3A_2004] : memref<8x32x128xf32, #tpu.memory_space<vmem>> -> memref<1x32x128xf32, #tpu.memory_space<vmem>>
      %dma_wait3A_2006 = tpu.memref_squeeze %dma_wait3A_2005 : memref<1x32x128xf32, #tpu.memory_space<vmem>> -> memref<32x128xf32, #tpu.memory_space<vmem>>
      %dma_wait3A_2007 = arith.constant 0 : i32
      %dma_wait3A_2008 = arith.constant 0 : i32
      %dma_wait3A_2009 = tpu.memref_slice %arg5[%dma_wait3A_2007, %dma_wait3A_2008] : memref<32x100000xf32, #tpu.memory_space<hbm>> -> memref<32x128xf32, #tpu.memory_space<hbm>>
      %dma_wait3A_2010 = arith.constant 0 : i32
      %dma_wait3A_2011 = arith.constant 0 : i32
      %dma_wait3A_2012 = tpu.memref_slice %arg13[%dma_wait3A_2002, %dma_wait3A_2010, %dma_wait3A_2011] : memref<8x32x128xf32, #tpu.memory_space<vmem>> -> memref<1x32x128xf32, #tpu.memory_space<vmem>>
      %dma_wait3A_2013 = tpu.memref_squeeze %dma_wait3A_2012 : memref<1x32x128xf32, #tpu.memory_space<vmem>> -> memref<32x128xf32, #tpu.memory_space<vmem>>
      %dma_wait3A_2014 = arith.constant 0 : i32
      %dma_wait3A_2015 = arith.constant 0 : i32
      %dma_wait3A_2016 = tpu.memref_slice %arg5[%dma_wait3A_2014, %dma_wait3A_2015] : memref<32x100000xf32, #tpu.memory_space<hbm>> -> memref<32x128xf32, #tpu.memory_space<hbm>>
      tpu.wait_dma2 semaphore(%arg28 : memref<!tpu.dma_semaphore, #tpu.memory_space<semaphore_mem>>) src(%dma_wait3A_2016 : memref<32x128xf32, #tpu.memory_space<hbm>>) dst(%dma_wait3A_2013 : memref<32x128xf32, #tpu.memory_space<vmem>>)
      %slice3A_2017 = vector.extract_strided_slice %get3A_1947 {offsets = [0], sizes = [1], strides = [1]} : vector<16xi32> to vector<1xi32>
      %squeeze3A_2018 = vector.extract %slice3A_2017[0] : i32 from vector<1xi32>
      %and3A_2019 = arith.constant 127 : i32
      %and3A_2020 = arith.andi %squeeze3A_2018, %and3A_2019 : i32
      %broadcast_in_dim3A_2021 = vector.broadcast %and3A_2020 : i32 to vector<16xi32>
      %add3A_2022 = arith.constant 0 : i32
      %add3A_2023 = vector.broadcast %add3A_2022 : i32 to vector<16xi32>
      %add3A_2024 = arith.addi %iota3A, %add3A_2023 : vector<16xi32>
      %gather3A_2025 = arith.constant 0 : i32
      %gather3A_2026 = arith.constant 0 : i32
      %gather3A_2027 = arith.constant 0 : i32
      %gather3A_2028 = tpu.memref_slice %arg13[%gather3A_2025, %gather3A_2026, %gather3A_2027] : memref<8x32x128xf32, #tpu.memory_space<vmem>> -> memref<1x32x128xf32, #tpu.memory_space<vmem>>
      %gather3A_2029 = tpu.memref_squeeze %gather3A_2028 : memref<1x32x128xf32, #tpu.memory_space<vmem>> -> memref<32x128xf32, #tpu.memory_space<vmem>>
      %gather3A_2030 = tpu.vector_load_idx %gather3A_2029[%add3A_2024, %broadcast_in_dim3A_2021] : memref<32x128xf32, #tpu.memory_space<vmem>>[vector<16xi32>, vector<16xi32>], vector<16xf32>,
      %add3A_2031 = arith.constant 0 : i32
      %add3A_2032 = vector.broadcast %add3A_2031 : i32 to vector<16xi32>
      %add3A_2033 = arith.addi %iota3A, %add3A_2032 : vector<16xi32>
      %mul3A_2034 = arith.constant 128 : i32
      %mul3A_2035 = vector.broadcast %mul3A_2034 : i32 to vector<16xi32>
      %mul3A_2036 = arith.muli %add3A_2033, %mul3A_2035 : vector<16xi32>
      %add3A_2037 = arith.addi %mul3A_2036, %broadcast_in_dim3A : vector<16xi32>
      tpu.vector_store_idx %arg15[%add3A_2037], %gather3A_2030 : memref<4096xf32, #tpu.memory_space<vmem>>[vector<16xi32>], vector<16xf32>,
      %add3A_2038 = arith.constant 16 : i32
      %add3A_2039 = vector.broadcast %add3A_2038 : i32 to vector<16xi32>
      %add3A_2040 = arith.addi %iota3A, %add3A_2039 : vector<16xi32>
      %gather3A_2041 = arith.constant 0 : i32
      %gather3A_2042 = arith.constant 0 : i32
      %gather3A_2043 = arith.constant 0 : i32
      %gather3A_2044 = tpu.memref_slice %arg13[%gather3A_2041, %gather3A_2042, %gather3A_2043] : memref<8x32x128xf32, #tpu.memory_space<vmem>> -> memref<1x32x128xf32, #tpu.memory_space<vmem>>
      %gather3A_2045 = tpu.memref_squeeze %gather3A_2044 : memref<1x32x128xf32, #tpu.memory_space<vmem>> -> memref<32x128xf32, #tpu.memory_space<vmem>>
      %gather3A_2046 = tpu.vector_load_idx %gather3A_2045[%add3A_2040, %broadcast_in_dim3A_2021] : memref<32x128xf32, #tpu.memory_space<vmem>>[vector<16xi32>, vector<16xi32>], vector<16xf32>,
      %add3A_2047 = arith.constant 16 : i32
      %add3A_2048 = vector.broadcast %add3A_2047 : i32 to vector<16xi32>
      %add3A_2049 = arith.addi %iota3A, %add3A_2048 : vector<16xi32>
      %mul3A_2050 = arith.constant 128 : i32
      %mul3A_2051 = vector.broadcast %mul3A_2050 : i32 to vector<16xi32>
      %mul3A_2052 = arith.muli %add3A_2049, %mul3A_2051 : vector<16xi32>
      %add3A_2053 = arith.addi %mul3A_2052, %broadcast_in_dim3A : vector<16xi32>
      tpu.vector_store_idx %arg15[%add3A_2053], %gather3A_2046 : memref<4096xf32, #tpu.memory_space<vmem>>[vector<16xi32>], vector<16xf32>,
      %lt3A = arith.constant 15 : i32
      %lt3A_2054 = arith.cmpi slt, %scan3A_1939, %lt3A : i32
      %convert_element_type3A = arith.extui %lt3A_2054 : i1 to i32
      %cond3A = arith.constant 0 : i32
      %cond3A_2055 = arith.cmpi ne, %convert_element_type3A, %cond3A : i32
      scf.if %cond3A_2055 {
        %slice3A_2854 = vector.extract_strided_slice %get3A_1943 {offsets = [8], sizes = [1], strides = [1]} : vector<16xi32> to vector<1xi32>
        %squeeze3A_2855 = vector.extract %slice3A_2854[0] : i32 from vector<1xi32>
        %shift_right_arithmetic3A_2856 = arith.constant 7 : i32
        %shift_right_arithmetic3A_2857 = arith.shrsi %squeeze3A_2855, %shift_right_arithmetic3A_2856 : i32
        %shift_left3A_2858 = arith.constant 7 : i32
        %shift_left3A_2859 = arith.shli %shift_right_arithmetic3A_2857, %shift_left3A_2858 : i32
        %multiple_of3A_2860 = tpu.assume_multiple %shift_left3A_2859, 128 : i32
        %dma_start3A_2861 = arith.constant 0 : i32
        %dma_start3A_2862 = arith.constant 0 : i32
        %dma_start3A_2863 = arith.constant 0 : i32
        %dma_start3A_2864 = tpu.memref_slice %arg12[%dma_start3A_2861, %dma_start3A_2862, %dma_start3A_2863] : memref<8x32x128xf32, #tpu.memory_space<vmem>> -> memref<1x32x128xf32, #tpu.memory_space<vmem>>
        %dma_start3A_2865 = tpu.memref_squeeze %dma_start3A_2864 : memref<1x32x128xf32, #tpu.memory_space<vmem>> -> memref<32x128xf32, #tpu.memory_space<vmem>>
        %dma_start3A_2866 = arith.constant 0 : i32
        %dma_start3A_2867 = tpu.memref_slice %arg4[%dma_start3A_2866, %multiple_of3A_2860] : memref<32x1000000xf32, #tpu.memory_space<hbm>> -> memref<32x128xf32, #tpu.memory_space<hbm>>
        %dma_start3A_2868 = arith.constant 0 : i32
        %dma_start3A_2869 = arith.constant 0 : i32
        %dma_start3A_2870 = tpu.memref_slice %arg12[%dma_start3A_2861, %dma_start3A_2868, %dma_start3A_2869] : memref<8x32x128xf32, #tpu.memory_space<vmem>> -> memref<1x32x128xf32, #tpu.memory_space<vmem>>
        %dma_start3A_2871 = tpu.memref_squeeze %dma_start3A_2870 : memref<1x32x128xf32, #tpu.memory_space<vmem>> -> memref<32x128xf32, #tpu.memory_space<vmem>>
        %dma_start3A_2872 = arith.constant 0 : i32
        %dma_start3A_2873 = tpu.memref_slice %arg4[%dma_start3A_2872, %multiple_of3A_2860] : memref<32x1000000xf32, #tpu.memory_space<hbm>> -> memref<32x128xf32, #tpu.memory_space<hbm>>
        tpu.enqueue_dma source(%dma_start3A_2873 : memref<32x128xf32, #tpu.memory_space<hbm>>) target(%dma_start3A_2871 : memref<32x128xf32, #tpu.memory_space<vmem>>) target_semaphore(%arg20 : memref<!tpu.dma_semaphore, #tpu.memory_space<semaphore_mem>>)
        %slice3A_2874 = vector.extract_strided_slice %get3A_1947 {offsets = [8], sizes = [1], strides = [1]} : vector<16xi32> to vector<1xi32>
        %squeeze3A_2875 = vector.extract %slice3A_2874[0] : i32 from vector<1xi32>
        %shift_right_arithmetic3A_2876 = arith.constant 7 : i32
        %shift_right_arithmetic3A_2877 = arith.shrsi %squeeze3A_2875, %shift_right_arithmetic3A_2876 : i32
        %shift_left3A_2878 = arith.constant 7 : i32
        %shift_left3A_2879 = arith.shli %shift_right_arithmetic3A_2877, %shift_left3A_2878 : i32
        %multiple_of3A_2880 = tpu.assume_multiple %shift_left3A_2879, 128 : i32
        %dma_start3A_2881 = arith.constant 0 : i32
        %dma_start3A_2882 = arith.constant 0 : i32
        %dma_start3A_2883 = arith.constant 0 : i32
        %dma_start3A_2884 = tpu.memref_slice %arg13[%dma_start3A_2881, %dma_start3A_2882, %dma_start3A_2883] : memref<8x32x128xf32, #tpu.memory_space<vmem>> -> memref<1x32x128xf32, #tpu.memory_space<vmem>>
        %dma_start3A_2885 = tpu.memref_squeeze %dma_start3A_2884 : memref<1x32x128xf32, #tpu.memory_space<vmem>> -> memref<32x128xf32, #tpu.memory_space<vmem>>
        %dma_start3A_2886 = arith.constant 0 : i32
        %dma_start3A_2887 = tpu.memref_slice %arg5[%dma_start3A_2886, %multiple_of3A_2880] : memref<32x100000xf32, #tpu.memory_space<hbm>> -> memref<32x128xf32, #tpu.memory_space<hbm>>
        %dma_start3A_2888 = arith.constant 0 : i32
        %dma_start3A_2889 = arith.constant 0 : i32
        %dma_start3A_2890 = tpu.memref_slice %arg13[%dma_start3A_2881, %dma_start3A_2888, %dma_start3A_2889] : memref<8x32x128xf32, #tpu.memory_space<vmem>> -> memref<1x32x128xf32, #tpu.memory_space<vmem>>
        %dma_start3A_2891 = tpu.memref_squeeze %dma_start3A_2890 : memref<1x32x128xf32, #tpu.memory_space<vmem>> -> memref<32x128xf32, #tpu.memory_space<vmem>>
        %dma_start3A_2892 = arith.constant 0 : i32
        %dma_start3A_2893 = tpu.memref_slice %arg5[%dma_start3A_2892, %multiple_of3A_2880] : memref<32x100000xf32, #tpu.memory_space<hbm>> -> memref<32x128xf32, #tpu.memory_space<hbm>>
        tpu.enqueue_dma source(%dma_start3A_2893 : memref<32x128xf32, #tpu.memory_space<hbm>>) target(%dma_start3A_2891 : memref<32x128xf32, #tpu.memory_space<vmem>>) target_semaphore(%arg28 : memref<!tpu.dma_semaphore, #tpu.memory_space<semaphore_mem>>)
      } else {
      }
      %mul3A_2056 = arith.constant 8 : i32
      %mul3A_2057 = arith.muli %scan3A_1939, %mul3A_2056 : i32
      %add3A_2058 = arith.constant 1 : i32
      %add3A_2059 = arith.addi %mul3A_2057, %add3A_2058 : i32
      %broadcast_in_dim3A_2060 = vector.broadcast %add3A_2059 : i32 to vector<16xi32>
      %dma_wait3A_2061 = arith.constant 1 : i32
      %dma_wait3A_2062 = arith.constant 0 : i32
      %dma_wait3A_2063 = arith.constant 0 : i32
      %dma_wait3A_2064 = tpu.memref_slice %arg12[%dma_wait3A_2061, %dma_wait3A_2062, %dma_wait3A_2063] : memref<8x32x128xf32, #tpu.memory_space<vmem>> -> memref<1x32x128xf32, #tpu.memory_space<vmem>>
      %dma_wait3A_2065 = tpu.memref_squeeze %dma_wait3A_2064 : memref<1x32x128xf32, #tpu.memory_space<vmem>> -> memref<32x128xf32, #tpu.memory_space<vmem>>
      %dma_wait3A_2066 = arith.constant 0 : i32
      %dma_wait3A_2067 = arith.constant 0 : i32
      %dma_wait3A_2068 = tpu.memref_slice %arg4[%dma_wait3A_2066, %dma_wait3A_2067] : memref<32x1000000xf32, #tpu.memory_space<hbm>> -> memref<32x128xf32, #tpu.memory_space<hbm>>
      %dma_wait3A_2069 = arith.constant 0 : i32
      %dma_wait3A_2070 = arith.constant 0 : i32
      %dma_wait3A_2071 = tpu.memref_slice %arg12[%dma_wait3A_2061, %dma_wait3A_2069, %dma_wait3A_2070] : memref<8x32x128xf32, #tpu.memory_space<vmem>> -> memref<1x32x128xf32, #tpu.memory_space<vmem>>
      %dma_wait3A_2072 = tpu.memref_squeeze %dma_wait3A_2071 : memref<1x32x128xf32, #tpu.memory_space<vmem>> -> memref<32x128xf32, #tpu.memory_space<vmem>>
      %dma_wait3A_2073 = arith.constant 0 : i32
      %dma_wait3A_2074 = arith.constant 0 : i32
      %dma_wait3A_2075 = tpu.memref_slice %arg4[%dma_wait3A_2073, %dma_wait3A_2074] : memref<32x1000000xf32, #tpu.memory_space<hbm>> -> memref<32x128xf32, #tpu.memory_space<hbm>>
      tpu.wait_dma2 semaphore(%arg21 : memref<!tpu.dma_semaphore, #tpu.memory_space<semaphore_mem>>) src(%dma_wait3A_2075 : memref<32x128xf32, #tpu.memory_space<hbm>>) dst(%dma_wait3A_2072 : memref<32x128xf32, #tpu.memory_space<vmem>>)
      %slice3A_2076 = vector.extract_strided_slice %get3A_1943 {offsets = [1], sizes = [1], strides = [1]} : vector<16xi32> to vector<1xi32>
      %squeeze3A_2077 = vector.extract %slice3A_2076[0] : i32 from vector<1xi32>
      %and3A_2078 = arith.constant 127 : i32
      %and3A_2079 = arith.andi %squeeze3A_2077, %and3A_2078 : i32
      %broadcast_in_dim3A_2080 = vector.broadcast %and3A_2079 : i32 to vector<16xi32>
      %add3A_2081 = arith.constant 0 : i32
      %add3A_2082 = vector.broadcast %add3A_2081 : i32 to vector<16xi32>
      %add3A_2083 = arith.addi %iota3A, %add3A_2082 : vector<16xi32>
      %gather3A_2084 = arith.constant 1 : i32
      %gather3A_2085 = arith.constant 0 : i32
      %gather3A_2086 = arith.constant 0 : i32
      %gather3A_2087 = tpu.memref_slice %arg12[%gather3A_2084, %gather3A_2085, %gather3A_2086] : memref<8x32x128xf32, #tpu.memory_space<vmem>> -> memref<1x32x128xf32, #tpu.memory_space<vmem>>
      %gather3A_2088 = tpu.memref_squeeze %gather3A_2087 : memref<1x32x128xf32, #tpu.memory_space<vmem>> -> memref<32x128xf32, #tpu.memory_space<vmem>>
      %gather3A_2089 = tpu.vector_load_idx %gather3A_2088[%add3A_2083, %broadcast_in_dim3A_2080] : memref<32x128xf32, #tpu.memory_space<vmem>>[vector<16xi32>, vector<16xi32>], vector<16xf32>,
      %add3A_2090 = arith.constant 0 : i32
      %add3A_2091 = vector.broadcast %add3A_2090 : i32 to vector<16xi32>
      %add3A_2092 = arith.addi %iota3A, %add3A_2091 : vector<16xi32>
      %mul3A_2093 = arith.constant 128 : i32
      %mul3A_2094 = vector.broadcast %mul3A_2093 : i32 to vector<16xi32>
      %mul3A_2095 = arith.muli %add3A_2092, %mul3A_2094 : vector<16xi32>
      %add3A_2096 = arith.addi %mul3A_2095, %broadcast_in_dim3A_2060 : vector<16xi32>
      tpu.vector_store_idx %arg14[%add3A_2096], %gather3A_2089 : memref<4096xf32, #tpu.memory_space<vmem>>[vector<16xi32>], vector<16xf32>,
      %add3A_2097 = arith.constant 16 : i32
      %add3A_2098 = vector.broadcast %add3A_2097 : i32 to vector<16xi32>
      %add3A_2099 = arith.addi %iota3A, %add3A_2098 : vector<16xi32>
      %gather3A_2100 = arith.constant 1 : i32
      %gather3A_2101 = arith.constant 0 : i32
      %gather3A_2102 = arith.constant 0 : i32
      %gather3A_2103 = tpu.memref_slice %arg12[%gather3A_2100, %gather3A_2101, %gather3A_2102] : memref<8x32x128xf32, #tpu.memory_space<vmem>> -> memref<1x32x128xf32, #tpu.memory_space<vmem>>
      %gather3A_2104 = tpu.memref_squeeze %gather3A_2103 : memref<1x32x128xf32, #tpu.memory_space<vmem>> -> memref<32x128xf32, #tpu.memory_space<vmem>>
      %gather3A_2105 = tpu.vector_load_idx %gather3A_2104[%add3A_2099, %broadcast_in_dim3A_2080] : memref<32x128xf32, #tpu.memory_space<vmem>>[vector<16xi32>, vector<16xi32>], vector<16xf32>,
      %add3A_2106 = arith.constant 16 : i32
      %add3A_2107 = vector.broadcast %add3A_2106 : i32 to vector<16xi32>
      %add3A_2108 = arith.addi %iota3A, %add3A_2107 : vector<16xi32>
      %mul3A_2109 = arith.constant 128 : i32
      %mul3A_2110 = vector.broadcast %mul3A_2109 : i32 to vector<16xi32>
      %mul3A_2111 = arith.muli %add3A_2108, %mul3A_2110 : vector<16xi32>
      %add3A_2112 = arith.addi %mul3A_2111, %broadcast_in_dim3A_2060 : vector<16xi32>
      tpu.vector_store_idx %arg14[%add3A_2112], %gather3A_2105 : memref<4096xf32, #tpu.memory_space<vmem>>[vector<16xi32>], vector<16xf32>,
      %dma_wait3A_2113 = arith.constant 1 : i32
      %dma_wait3A_2114 = arith.constant 0 : i32
      %dma_wait3A_2115 = arith.constant 0 : i32
      %dma_wait3A_2116 = tpu.memref_slice %arg13[%dma_wait3A_2113, %dma_wait3A_2114, %dma_wait3A_2115] : memref<8x32x128xf32, #tpu.memory_space<vmem>> -> memref<1x32x128xf32, #tpu.memory_space<vmem>>
      %dma_wait3A_2117 = tpu.memref_squeeze %dma_wait3A_2116 : memref<1x32x128xf32, #tpu.memory_space<vmem>> -> memref<32x128xf32, #tpu.memory_space<vmem>>
      %dma_wait3A_2118 = arith.constant 0 : i32
      %dma_wait3A_2119 = arith.constant 0 : i32
      %dma_wait3A_2120 = tpu.memref_slice %arg5[%dma_wait3A_2118, %dma_wait3A_2119] : memref<32x100000xf32, #tpu.memory_space<hbm>> -> memref<32x128xf32, #tpu.memory_space<hbm>>
      %dma_wait3A_2121 = arith.constant 0 : i32
      %dma_wait3A_2122 = arith.constant 0 : i32
      %dma_wait3A_2123 = tpu.memref_slice %arg13[%dma_wait3A_2113, %dma_wait3A_2121, %dma_wait3A_2122] : memref<8x32x128xf32, #tpu.memory_space<vmem>> -> memref<1x32x128xf32, #tpu.memory_space<vmem>>
      %dma_wait3A_2124 = tpu.memref_squeeze %dma_wait3A_2123 : memref<1x32x128xf32, #tpu.memory_space<vmem>> -> memref<32x128xf32, #tpu.memory_space<vmem>>
      %dma_wait3A_2125 = arith.constant 0 : i32
      %dma_wait3A_2126 = arith.constant 0 : i32
      %dma_wait3A_2127 = tpu.memref_slice %arg5[%dma_wait3A_2125, %dma_wait3A_2126] : memref<32x100000xf32, #tpu.memory_space<hbm>> -> memref<32x128xf32, #tpu.memory_space<hbm>>
      tpu.wait_dma2 semaphore(%arg29 : memref<!tpu.dma_semaphore, #tpu.memory_space<semaphore_mem>>) src(%dma_wait3A_2127 : memref<32x128xf32, #tpu.memory_space<hbm>>) dst(%dma_wait3A_2124 : memref<32x128xf32, #tpu.memory_space<vmem>>)
      %slice3A_2128 = vector.extract_strided_slice %get3A_1947 {offsets = [1], sizes = [1], strides = [1]} : vector<16xi32> to vector<1xi32>
      %squeeze3A_2129 = vector.extract %slice3A_2128[0] : i32 from vector<1xi32>
      %and3A_2130 = arith.constant 127 : i32
      %and3A_2131 = arith.andi %squeeze3A_2129, %and3A_2130 : i32
      %broadcast_in_dim3A_2132 = vector.broadcast %and3A_2131 : i32 to vector<16xi32>
      %add3A_2133 = arith.constant 0 : i32
      %add3A_2134 = vector.broadcast %add3A_2133 : i32 to vector<16xi32>
      %add3A_2135 = arith.addi %iota3A, %add3A_2134 : vector<16xi32>
      %gather3A_2136 = arith.constant 1 : i32
      %gather3A_2137 = arith.constant 0 : i32
      %gather3A_2138 = arith.constant 0 : i32
      %gather3A_2139 = tpu.memref_slice %arg13[%gather3A_2136, %gather3A_2137, %gather3A_2138] : memref<8x32x128xf32, #tpu.memory_space<vmem>> -> memref<1x32x128xf32, #tpu.memory_space<vmem>>
      %gather3A_2140 = tpu.memref_squeeze %gather3A_2139 : memref<1x32x128xf32, #tpu.memory_space<vmem>> -> memref<32x128xf32, #tpu.memory_space<vmem>>
      %gather3A_2141 = tpu.vector_load_idx %gather3A_2140[%add3A_2135, %broadcast_in_dim3A_2132] : memref<32x128xf32, #tpu.memory_space<vmem>>[vector<16xi32>, vector<16xi32>], vector<16xf32>,
      %add3A_2142 = arith.constant 0 : i32
      %add3A_2143 = vector.broadcast %add3A_2142 : i32 to vector<16xi32>
      %add3A_2144 = arith.addi %iota3A, %add3A_2143 : vector<16xi32>
      %mul3A_2145 = arith.constant 128 : i32
      %mul3A_2146 = vector.broadcast %mul3A_2145 : i32 to vector<16xi32>
      %mul3A_2147 = arith.muli %add3A_2144, %mul3A_2146 : vector<16xi32>
      %add3A_2148 = arith.addi %mul3A_2147, %broadcast_in_dim3A_2060 : vector<16xi32>
      tpu.vector_store_idx %arg15[%add3A_2148], %gather3A_2141 : memref<4096xf32, #tpu.memory_space<vmem>>[vector<16xi32>], vector<16xf32>,
      %add3A_2149 = arith.constant 16 : i32
      %add3A_2150 = vector.broadcast %add3A_2149 : i32 to vector<16xi32>
      %add3A_2151 = arith.addi %iota3A, %add3A_2150 : vector<16xi32>
      %gather3A_2152 = arith.constant 1 : i32
      %gather3A_2153 = arith.constant 0 : i32
      %gather3A_2154 = arith.constant 0 : i32
      %gather3A_2155 = tpu.memref_slice %arg13[%gather3A_2152, %gather3A_2153, %gather3A_2154] : memref<8x32x128xf32, #tpu.memory_space<vmem>> -> memref<1x32x128xf32, #tpu.memory_space<vmem>>
      %gather3A_2156 = tpu.memref_squeeze %gather3A_2155 : memref<1x32x128xf32, #tpu.memory_space<vmem>> -> memref<32x128xf32, #tpu.memory_space<vmem>>
      %gather3A_2157 = tpu.vector_load_idx %gather3A_2156[%add3A_2151, %broadcast_in_dim3A_2132] : memref<32x128xf32, #tpu.memory_space<vmem>>[vector<16xi32>, vector<16xi32>], vector<16xf32>,
      %add3A_2158 = arith.constant 16 : i32
      %add3A_2159 = vector.broadcast %add3A_2158 : i32 to vector<16xi32>
      %add3A_2160 = arith.addi %iota3A, %add3A_2159 : vector<16xi32>
      %mul3A_2161 = arith.constant 128 : i32
      %mul3A_2162 = vector.broadcast %mul3A_2161 : i32 to vector<16xi32>
      %mul3A_2163 = arith.muli %add3A_2160, %mul3A_2162 : vector<16xi32>
      %add3A_2164 = arith.addi %mul3A_2163, %broadcast_in_dim3A_2060 : vector<16xi32>
      tpu.vector_store_idx %arg15[%add3A_2164], %gather3A_2157 : memref<4096xf32, #tpu.memory_space<vmem>>[vector<16xi32>], vector<16xf32>,
      %lt3A_2165 = arith.constant 15 : i32
      %lt3A_2166 = arith.cmpi slt, %scan3A_1939, %lt3A_2165 : i32
      %convert_element_type3A_2167 = arith.extui %lt3A_2166 : i1 to i32
      %cond3A_2168 = arith.constant 0 : i32
      %cond3A_2169 = arith.cmpi ne, %convert_element_type3A_2167, %cond3A_2168 : i32
      scf.if %cond3A_2169 {
        %slice3A_2854 = vector.extract_strided_slice %get3A_1943 {offsets = [9], sizes = [1], strides = [1]} : vector<16xi32> to vector<1xi32>
        %squeeze3A_2855 = vector.extract %slice3A_2854[0] : i32 from vector<1xi32>
        %shift_right_arithmetic3A_2856 = arith.constant 7 : i32
        %shift_right_arithmetic3A_2857 = arith.shrsi %squeeze3A_2855, %shift_right_arithmetic3A_2856 : i32
        %shift_left3A_2858 = arith.constant 7 : i32
        %shift_left3A_2859 = arith.shli %shift_right_arithmetic3A_2857, %shift_left3A_2858 : i32
        %multiple_of3A_2860 = tpu.assume_multiple %shift_left3A_2859, 128 : i32
        %dma_start3A_2861 = arith.constant 1 : i32
        %dma_start3A_2862 = arith.constant 0 : i32
        %dma_start3A_2863 = arith.constant 0 : i32
        %dma_start3A_2864 = tpu.memref_slice %arg12[%dma_start3A_2861, %dma_start3A_2862, %dma_start3A_2863] : memref<8x32x128xf32, #tpu.memory_space<vmem>> -> memref<1x32x128xf32, #tpu.memory_space<vmem>>
        %dma_start3A_2865 = tpu.memref_squeeze %dma_start3A_2864 : memref<1x32x128xf32, #tpu.memory_space<vmem>> -> memref<32x128xf32, #tpu.memory_space<vmem>>
        %dma_start3A_2866 = arith.constant 0 : i32
        %dma_start3A_2867 = tpu.memref_slice %arg4[%dma_start3A_2866, %multiple_of3A_2860] : memref<32x1000000xf32, #tpu.memory_space<hbm>> -> memref<32x128xf32, #tpu.memory_space<hbm>>
        %dma_start3A_2868 = arith.constant 0 : i32
        %dma_start3A_2869 = arith.constant 0 : i32
        %dma_start3A_2870 = tpu.memref_slice %arg12[%dma_start3A_2861, %dma_start3A_2868, %dma_start3A_2869] : memref<8x32x128xf32, #tpu.memory_space<vmem>> -> memref<1x32x128xf32, #tpu.memory_space<vmem>>
        %dma_start3A_2871 = tpu.memref_squeeze %dma_start3A_2870 : memref<1x32x128xf32, #tpu.memory_space<vmem>> -> memref<32x128xf32, #tpu.memory_space<vmem>>
        %dma_start3A_2872 = arith.constant 0 : i32
        %dma_start3A_2873 = tpu.memref_slice %arg4[%dma_start3A_2872, %multiple_of3A_2860] : memref<32x1000000xf32, #tpu.memory_space<hbm>> -> memref<32x128xf32, #tpu.memory_space<hbm>>
        tpu.enqueue_dma source(%dma_start3A_2873 : memref<32x128xf32, #tpu.memory_space<hbm>>) target(%dma_start3A_2871 : memref<32x128xf32, #tpu.memory_space<vmem>>) target_semaphore(%arg21 : memref<!tpu.dma_semaphore, #tpu.memory_space<semaphore_mem>>)
        %slice3A_2874 = vector.extract_strided_slice %get3A_1947 {offsets = [9], sizes = [1], strides = [1]} : vector<16xi32> to vector<1xi32>
        %squeeze3A_2875 = vector.extract %slice3A_2874[0] : i32 from vector<1xi32>
        %shift_right_arithmetic3A_2876 = arith.constant 7 : i32
        %shift_right_arithmetic3A_2877 = arith.shrsi %squeeze3A_2875, %shift_right_arithmetic3A_2876 : i32
        %shift_left3A_2878 = arith.constant 7 : i32
        %shift_left3A_2879 = arith.shli %shift_right_arithmetic3A_2877, %shift_left3A_2878 : i32
        %multiple_of3A_2880 = tpu.assume_multiple %shift_left3A_2879, 128 : i32
        %dma_start3A_2881 = arith.constant 1 : i32
        %dma_start3A_2882 = arith.constant 0 : i32
        %dma_start3A_2883 = arith.constant 0 : i32
        %dma_start3A_2884 = tpu.memref_slice %arg13[%dma_start3A_2881, %dma_start3A_2882, %dma_start3A_2883] : memref<8x32x128xf32, #tpu.memory_space<vmem>> -> memref<1x32x128xf32, #tpu.memory_space<vmem>>
        %dma_start3A_2885 = tpu.memref_squeeze %dma_start3A_2884 : memref<1x32x128xf32, #tpu.memory_space<vmem>> -> memref<32x128xf32, #tpu.memory_space<vmem>>
        %dma_start3A_2886 = arith.constant 0 : i32
        %dma_start3A_2887 = tpu.memref_slice %arg5[%dma_start3A_2886, %multiple_of3A_2880] : memref<32x100000xf32, #tpu.memory_space<hbm>> -> memref<32x128xf32, #tpu.memory_space<hbm>>
        %dma_start3A_2888 = arith.constant 0 : i32
        %dma_start3A_2889 = arith.constant 0 : i32
        %dma_start3A_2890 = tpu.memref_slice %arg13[%dma_start3A_2881, %dma_start3A_2888, %dma_start3A_2889] : memref<8x32x128xf32, #tpu.memory_space<vmem>> -> memref<1x32x128xf32, #tpu.memory_space<vmem>>
        %dma_start3A_2891 = tpu.memref_squeeze %dma_start3A_2890 : memref<1x32x128xf32, #tpu.memory_space<vmem>> -> memref<32x128xf32, #tpu.memory_space<vmem>>
        %dma_start3A_2892 = arith.constant 0 : i32
        %dma_start3A_2893 = tpu.memref_slice %arg5[%dma_start3A_2892, %multiple_of3A_2880] : memref<32x100000xf32, #tpu.memory_space<hbm>> -> memref<32x128xf32, #tpu.memory_space<hbm>>
        tpu.enqueue_dma source(%dma_start3A_2893 : memref<32x128xf32, #tpu.memory_space<hbm>>) target(%dma_start3A_2891 : memref<32x128xf32, #tpu.memory_space<vmem>>) target_semaphore(%arg29 : memref<!tpu.dma_semaphore, #tpu.memory_space<semaphore_mem>>)
      } else {
      }
      %mul3A_2170 = arith.constant 8 : i32
      %mul3A_2171 = arith.muli %scan3A_1939, %mul3A_2170 : i32
      %add3A_2172 = arith.constant 2 : i32
      %add3A_2173 = arith.addi %mul3A_2171, %add3A_2172 : i32
      %broadcast_in_dim3A_2174 = vector.broadcast %add3A_2173 : i32 to vector<16xi32>
      %dma_wait3A_2175 = arith.constant 2 : i32
      %dma_wait3A_2176 = arith.constant 0 : i32
      %dma_wait3A_2177 = arith.constant 0 : i32
      %dma_wait3A_2178 = tpu.memref_slice %arg12[%dma_wait3A_2175, %dma_wait3A_2176, %dma_wait3A_2177] : memref<8x32x128xf32, #tpu.memory_space<vmem>> -> memref<1x32x128xf32, #tpu.memory_space<vmem>>
      %dma_wait3A_2179 = tpu.memref_squeeze %dma_wait3A_2178 : memref<1x32x128xf32, #tpu.memory_space<vmem>> -> memref<32x128xf32, #tpu.memory_space<vmem>>
      %dma_wait3A_2180 = arith.constant 0 : i32
      %dma_wait3A_2181 = arith.constant 0 : i32
      %dma_wait3A_2182 = tpu.memref_slice %arg4[%dma_wait3A_2180, %dma_wait3A_2181] : memref<32x1000000xf32, #tpu.memory_space<hbm>> -> memref<32x128xf32, #tpu.memory_space<hbm>>
      %dma_wait3A_2183 = arith.constant 0 : i32
      %dma_wait3A_2184 = arith.constant 0 : i32
      %dma_wait3A_2185 = tpu.memref_slice %arg12[%dma_wait3A_2175, %dma_wait3A_2183, %dma_wait3A_2184] : memref<8x32x128xf32, #tpu.memory_space<vmem>> -> memref<1x32x128xf32, #tpu.memory_space<vmem>>
      %dma_wait3A_2186 = tpu.memref_squeeze %dma_wait3A_2185 : memref<1x32x128xf32, #tpu.memory_space<vmem>> -> memref<32x128xf32, #tpu.memory_space<vmem>>
      %dma_wait3A_2187 = arith.constant 0 : i32
      %dma_wait3A_2188 = arith.constant 0 : i32
      %dma_wait3A_2189 = tpu.memref_slice %arg4[%dma_wait3A_2187, %dma_wait3A_2188] : memref<32x1000000xf32, #tpu.memory_space<hbm>> -> memref<32x128xf32, #tpu.memory_space<hbm>>
      tpu.wait_dma2 semaphore(%arg22 : memref<!tpu.dma_semaphore, #tpu.memory_space<semaphore_mem>>) src(%dma_wait3A_2189 : memref<32x128xf32, #tpu.memory_space<hbm>>) dst(%dma_wait3A_2186 : memref<32x128xf32, #tpu.memory_space<vmem>>)
      %slice3A_2190 = vector.extract_strided_slice %get3A_1943 {offsets = [2], sizes = [1], strides = [1]} : vector<16xi32> to vector<1xi32>
      %squeeze3A_2191 = vector.extract %slice3A_2190[0] : i32 from vector<1xi32>
      %and3A_2192 = arith.constant 127 : i32
      %and3A_2193 = arith.andi %squeeze3A_2191, %and3A_2192 : i32
      %broadcast_in_dim3A_2194 = vector.broadcast %and3A_2193 : i32 to vector<16xi32>
      %add3A_2195 = arith.constant 0 : i32
      %add3A_2196 = vector.broadcast %add3A_2195 : i32 to vector<16xi32>
      %add3A_2197 = arith.addi %iota3A, %add3A_2196 : vector<16xi32>
      %gather3A_2198 = arith.constant 2 : i32
      %gather3A_2199 = arith.constant 0 : i32
      %gather3A_2200 = arith.constant 0 : i32
      %gather3A_2201 = tpu.memref_slice %arg12[%gather3A_2198, %gather3A_2199, %gather3A_2200] : memref<8x32x128xf32, #tpu.memory_space<vmem>> -> memref<1x32x128xf32, #tpu.memory_space<vmem>>
      %gather3A_2202 = tpu.memref_squeeze %gather3A_2201 : memref<1x32x128xf32, #tpu.memory_space<vmem>> -> memref<32x128xf32, #tpu.memory_space<vmem>>
      %gather3A_2203 = tpu.vector_load_idx %gather3A_2202[%add3A_2197, %broadcast_in_dim3A_2194] : memref<32x128xf32, #tpu.memory_space<vmem>>[vector<16xi32>, vector<16xi32>], vector<16xf32>,
      %add3A_2204 = arith.constant 0 : i32
      %add3A_2205 = vector.broadcast %add3A_2204 : i32 to vector<16xi32>
      %add3A_2206 = arith.addi %iota3A, %add3A_2205 : vector<16xi32>
      %mul3A_2207 = arith.constant 128 : i32
      %mul3A_2208 = vector.broadcast %mul3A_2207 : i32 to vector<16xi32>
      %mul3A_2209 = arith.muli %add3A_2206, %mul3A_2208 : vector<16xi32>
      %add3A_2210 = arith.addi %mul3A_2209, %broadcast_in_dim3A_2174 : vector<16xi32>
      tpu.vector_store_idx %arg14[%add3A_2210], %gather3A_2203 : memref<4096xf32, #tpu.memory_space<vmem>>[vector<16xi32>], vector<16xf32>,
      %add3A_2211 = arith.constant 16 : i32
      %add3A_2212 = vector.broadcast %add3A_2211 : i32 to vector<16xi32>
      %add3A_2213 = arith.addi %iota3A, %add3A_2212 : vector<16xi32>
      %gather3A_2214 = arith.constant 2 : i32
      %gather3A_2215 = arith.constant 0 : i32
      %gather3A_2216 = arith.constant 0 : i32
      %gather3A_2217 = tpu.memref_slice %arg12[%gather3A_2214, %gather3A_2215, %gather3A_2216] : memref<8x32x128xf32, #tpu.memory_space<vmem>> -> memref<1x32x128xf32, #tpu.memory_space<vmem>>
      %gather3A_2218 = tpu.memref_squeeze %gather3A_2217 : memref<1x32x128xf32, #tpu.memory_space<vmem>> -> memref<32x128xf32, #tpu.memory_space<vmem>>
      %gather3A_2219 = tpu.vector_load_idx %gather3A_2218[%add3A_2213, %broadcast_in_dim3A_2194] : memref<32x128xf32, #tpu.memory_space<vmem>>[vector<16xi32>, vector<16xi32>], vector<16xf32>,
      %add3A_2220 = arith.constant 16 : i32
      %add3A_2221 = vector.broadcast %add3A_2220 : i32 to vector<16xi32>
      %add3A_2222 = arith.addi %iota3A, %add3A_2221 : vector<16xi32>
      %mul3A_2223 = arith.constant 128 : i32
      %mul3A_2224 = vector.broadcast %mul3A_2223 : i32 to vector<16xi32>
      %mul3A_2225 = arith.muli %add3A_2222, %mul3A_2224 : vector<16xi32>
      %add3A_2226 = arith.addi %mul3A_2225, %broadcast_in_dim3A_2174 : vector<16xi32>
      tpu.vector_store_idx %arg14[%add3A_2226], %gather3A_2219 : memref<4096xf32, #tpu.memory_space<vmem>>[vector<16xi32>], vector<16xf32>,
      %dma_wait3A_2227 = arith.constant 2 : i32
      %dma_wait3A_2228 = arith.constant 0 : i32
      %dma_wait3A_2229 = arith.constant 0 : i32
      %dma_wait3A_2230 = tpu.memref_slice %arg13[%dma_wait3A_2227, %dma_wait3A_2228, %dma_wait3A_2229] : memref<8x32x128xf32, #tpu.memory_space<vmem>> -> memref<1x32x128xf32, #tpu.memory_space<vmem>>
      %dma_wait3A_2231 = tpu.memref_squeeze %dma_wait3A_2230 : memref<1x32x128xf32, #tpu.memory_space<vmem>> -> memref<32x128xf32, #tpu.memory_space<vmem>>
      %dma_wait3A_2232 = arith.constant 0 : i32
      %dma_wait3A_2233 = arith.constant 0 : i32
      %dma_wait3A_2234 = tpu.memref_slice %arg5[%dma_wait3A_2232, %dma_wait3A_2233] : memref<32x100000xf32, #tpu.memory_space<hbm>> -> memref<32x128xf32, #tpu.memory_space<hbm>>
      %dma_wait3A_2235 = arith.constant 0 : i32
      %dma_wait3A_2236 = arith.constant 0 : i32
      %dma_wait3A_2237 = tpu.memref_slice %arg13[%dma_wait3A_2227, %dma_wait3A_2235, %dma_wait3A_2236] : memref<8x32x128xf32, #tpu.memory_space<vmem>> -> memref<1x32x128xf32, #tpu.memory_space<vmem>>
      %dma_wait3A_2238 = tpu.memref_squeeze %dma_wait3A_2237 : memref<1x32x128xf32, #tpu.memory_space<vmem>> -> memref<32x128xf32, #tpu.memory_space<vmem>>
      %dma_wait3A_2239 = arith.constant 0 : i32
      %dma_wait3A_2240 = arith.constant 0 : i32
      %dma_wait3A_2241 = tpu.memref_slice %arg5[%dma_wait3A_2239, %dma_wait3A_2240] : memref<32x100000xf32, #tpu.memory_space<hbm>> -> memref<32x128xf32, #tpu.memory_space<hbm>>
      tpu.wait_dma2 semaphore(%arg30 : memref<!tpu.dma_semaphore, #tpu.memory_space<semaphore_mem>>) src(%dma_wait3A_2241 : memref<32x128xf32, #tpu.memory_space<hbm>>) dst(%dma_wait3A_2238 : memref<32x128xf32, #tpu.memory_space<vmem>>)
      %slice3A_2242 = vector.extract_strided_slice %get3A_1947 {offsets = [2], sizes = [1], strides = [1]} : vector<16xi32> to vector<1xi32>
      %squeeze3A_2243 = vector.extract %slice3A_2242[0] : i32 from vector<1xi32>
      %and3A_2244 = arith.constant 127 : i32
      %and3A_2245 = arith.andi %squeeze3A_2243, %and3A_2244 : i32
      %broadcast_in_dim3A_2246 = vector.broadcast %and3A_2245 : i32 to vector<16xi32>
      %add3A_2247 = arith.constant 0 : i32
      %add3A_2248 = vector.broadcast %add3A_2247 : i32 to vector<16xi32>
      %add3A_2249 = arith.addi %iota3A, %add3A_2248 : vector<16xi32>
      %gather3A_2250 = arith.constant 2 : i32
      %gather3A_2251 = arith.constant 0 : i32
      %gather3A_2252 = arith.constant 0 : i32
      %gather3A_2253 = tpu.memref_slice %arg13[%gather3A_2250, %gather3A_2251, %gather3A_2252] : memref<8x32x128xf32, #tpu.memory_space<vmem>> -> memref<1x32x128xf32, #tpu.memory_space<vmem>>
      %gather3A_2254 = tpu.memref_squeeze %gather3A_2253 : memref<1x32x128xf32, #tpu.memory_space<vmem>> -> memref<32x128xf32, #tpu.memory_space<vmem>>
      %gather3A_2255 = tpu.vector_load_idx %gather3A_2254[%add3A_2249, %broadcast_in_dim3A_2246] : memref<32x128xf32, #tpu.memory_space<vmem>>[vector<16xi32>, vector<16xi32>], vector<16xf32>,
      %add3A_2256 = arith.constant 0 : i32
      %add3A_2257 = vector.broadcast %add3A_2256 : i32 to vector<16xi32>
      %add3A_2258 = arith.addi %iota3A, %add3A_2257 : vector<16xi32>
      %mul3A_2259 = arith.constant 128 : i32
      %mul3A_2260 = vector.broadcast %mul3A_2259 : i32 to vector<16xi32>
      %mul3A_2261 = arith.muli %add3A_2258, %mul3A_2260 : vector<16xi32>
      %add3A_2262 = arith.addi %mul3A_2261, %broadcast_in_dim3A_2174 : vector<16xi32>
      tpu.vector_store_idx %arg15[%add3A_2262], %gather3A_2255 : memref<4096xf32, #tpu.memory_space<vmem>>[vector<16xi32>], vector<16xf32>,
      %add3A_2263 = arith.constant 16 : i32
      %add3A_2264 = vector.broadcast %add3A_2263 : i32 to vector<16xi32>
      %add3A_2265 = arith.addi %iota3A, %add3A_2264 : vector<16xi32>
      %gather3A_2266 = arith.constant 2 : i32
      %gather3A_2267 = arith.constant 0 : i32
      %gather3A_2268 = arith.constant 0 : i32
      %gather3A_2269 = tpu.memref_slice %arg13[%gather3A_2266, %gather3A_2267, %gather3A_2268] : memref<8x32x128xf32, #tpu.memory_space<vmem>> -> memref<1x32x128xf32, #tpu.memory_space<vmem>>
      %gather3A_2270 = tpu.memref_squeeze %gather3A_2269 : memref<1x32x128xf32, #tpu.memory_space<vmem>> -> memref<32x128xf32, #tpu.memory_space<vmem>>
      %gather3A_2271 = tpu.vector_load_idx %gather3A_2270[%add3A_2265, %broadcast_in_dim3A_2246] : memref<32x128xf32, #tpu.memory_space<vmem>>[vector<16xi32>, vector<16xi32>], vector<16xf32>,
      %add3A_2272 = arith.constant 16 : i32
      %add3A_2273 = vector.broadcast %add3A_2272 : i32 to vector<16xi32>
      %add3A_2274 = arith.addi %iota3A, %add3A_2273 : vector<16xi32>
      %mul3A_2275 = arith.constant 128 : i32
      %mul3A_2276 = vector.broadcast %mul3A_2275 : i32 to vector<16xi32>
      %mul3A_2277 = arith.muli %add3A_2274, %mul3A_2276 : vector<16xi32>
      %add3A_2278 = arith.addi %mul3A_2277, %broadcast_in_dim3A_2174 : vector<16xi32>
      tpu.vector_store_idx %arg15[%add3A_2278], %gather3A_2271 : memref<4096xf32, #tpu.memory_space<vmem>>[vector<16xi32>], vector<16xf32>,
      %lt3A_2279 = arith.constant 15 : i32
      %lt3A_2280 = arith.cmpi slt, %scan3A_1939, %lt3A_2279 : i32
      %convert_element_type3A_2281 = arith.extui %lt3A_2280 : i1 to i32
      %cond3A_2282 = arith.constant 0 : i32
      %cond3A_2283 = arith.cmpi ne, %convert_element_type3A_2281, %cond3A_2282 : i32
      scf.if %cond3A_2283 {
        %slice3A_2854 = vector.extract_strided_slice %get3A_1943 {offsets = [10], sizes = [1], strides = [1]} : vector<16xi32> to vector<1xi32>
        %squeeze3A_2855 = vector.extract %slice3A_2854[0] : i32 from vector<1xi32>
        %shift_right_arithmetic3A_2856 = arith.constant 7 : i32
        %shift_right_arithmetic3A_2857 = arith.shrsi %squeeze3A_2855, %shift_right_arithmetic3A_2856 : i32
        %shift_left3A_2858 = arith.constant 7 : i32
        %shift_left3A_2859 = arith.shli %shift_right_arithmetic3A_2857, %shift_left3A_2858 : i32
        %multiple_of3A_2860 = tpu.assume_multiple %shift_left3A_2859, 128 : i32
        %dma_start3A_2861 = arith.constant 2 : i32
        %dma_start3A_2862 = arith.constant 0 : i32
        %dma_start3A_2863 = arith.constant 0 : i32
        %dma_start3A_2864 = tpu.memref_slice %arg12[%dma_start3A_2861, %dma_start3A_2862, %dma_start3A_2863] : memref<8x32x128xf32, #tpu.memory_space<vmem>> -> memref<1x32x128xf32, #tpu.memory_space<vmem>>
        %dma_start3A_2865 = tpu.memref_squeeze %dma_start3A_2864 : memref<1x32x128xf32, #tpu.memory_space<vmem>> -> memref<32x128xf32, #tpu.memory_space<vmem>>
        %dma_start3A_2866 = arith.constant 0 : i32
        %dma_start3A_2867 = tpu.memref_slice %arg4[%dma_start3A_2866, %multiple_of3A_2860] : memref<32x1000000xf32, #tpu.memory_space<hbm>> -> memref<32x128xf32, #tpu.memory_space<hbm>>
        %dma_start3A_2868 = arith.constant 0 : i32
        %dma_start3A_2869 = arith.constant 0 : i32
        %dma_start3A_2870 = tpu.memref_slice %arg12[%dma_start3A_2861, %dma_start3A_2868, %dma_start3A_2869] : memref<8x32x128xf32, #tpu.memory_space<vmem>> -> memref<1x32x128xf32, #tpu.memory_space<vmem>>
        %dma_start3A_2871 = tpu.memref_squeeze %dma_start3A_2870 : memref<1x32x128xf32, #tpu.memory_space<vmem>> -> memref<32x128xf32, #tpu.memory_space<vmem>>
        %dma_start3A_2872 = arith.constant 0 : i32
        %dma_start3A_2873 = tpu.memref_slice %arg4[%dma_start3A_2872, %multiple_of3A_2860] : memref<32x1000000xf32, #tpu.memory_space<hbm>> -> memref<32x128xf32, #tpu.memory_space<hbm>>
        tpu.enqueue_dma source(%dma_start3A_2873 : memref<32x128xf32, #tpu.memory_space<hbm>>) target(%dma_start3A_2871 : memref<32x128xf32, #tpu.memory_space<vmem>>) target_semaphore(%arg22 : memref<!tpu.dma_semaphore, #tpu.memory_space<semaphore_mem>>)
        %slice3A_2874 = vector.extract_strided_slice %get3A_1947 {offsets = [10], sizes = [1], strides = [1]} : vector<16xi32> to vector<1xi32>
        %squeeze3A_2875 = vector.extract %slice3A_2874[0] : i32 from vector<1xi32>
        %shift_right_arithmetic3A_2876 = arith.constant 7 : i32
        %shift_right_arithmetic3A_2877 = arith.shrsi %squeeze3A_2875, %shift_right_arithmetic3A_2876 : i32
        %shift_left3A_2878 = arith.constant 7 : i32
        %shift_left3A_2879 = arith.shli %shift_right_arithmetic3A_2877, %shift_left3A_2878 : i32
        %multiple_of3A_2880 = tpu.assume_multiple %shift_left3A_2879, 128 : i32
        %dma_start3A_2881 = arith.constant 2 : i32
        %dma_start3A_2882 = arith.constant 0 : i32
        %dma_start3A_2883 = arith.constant 0 : i32
        %dma_start3A_2884 = tpu.memref_slice %arg13[%dma_start3A_2881, %dma_start3A_2882, %dma_start3A_2883] : memref<8x32x128xf32, #tpu.memory_space<vmem>> -> memref<1x32x128xf32, #tpu.memory_space<vmem>>
        %dma_start3A_2885 = tpu.memref_squeeze %dma_start3A_2884 : memref<1x32x128xf32, #tpu.memory_space<vmem>> -> memref<32x128xf32, #tpu.memory_space<vmem>>
        %dma_start3A_2886 = arith.constant 0 : i32
        %dma_start3A_2887 = tpu.memref_slice %arg5[%dma_start3A_2886, %multiple_of3A_2880] : memref<32x100000xf32, #tpu.memory_space<hbm>> -> memref<32x128xf32, #tpu.memory_space<hbm>>
        %dma_start3A_2888 = arith.constant 0 : i32
        %dma_start3A_2889 = arith.constant 0 : i32
        %dma_start3A_2890 = tpu.memref_slice %arg13[%dma_start3A_2881, %dma_start3A_2888, %dma_start3A_2889] : memref<8x32x128xf32, #tpu.memory_space<vmem>> -> memref<1x32x128xf32, #tpu.memory_space<vmem>>
        %dma_start3A_2891 = tpu.memref_squeeze %dma_start3A_2890 : memref<1x32x128xf32, #tpu.memory_space<vmem>> -> memref<32x128xf32, #tpu.memory_space<vmem>>
        %dma_start3A_2892 = arith.constant 0 : i32
        %dma_start3A_2893 = tpu.memref_slice %arg5[%dma_start3A_2892, %multiple_of3A_2880] : memref<32x100000xf32, #tpu.memory_space<hbm>> -> memref<32x128xf32, #tpu.memory_space<hbm>>
        tpu.enqueue_dma source(%dma_start3A_2893 : memref<32x128xf32, #tpu.memory_space<hbm>>) target(%dma_start3A_2891 : memref<32x128xf32, #tpu.memory_space<vmem>>) target_semaphore(%arg30 : memref<!tpu.dma_semaphore, #tpu.memory_space<semaphore_mem>>)
      } else {
      }
      %mul3A_2284 = arith.constant 8 : i32
      %mul3A_2285 = arith.muli %scan3A_1939, %mul3A_2284 : i32
      %add3A_2286 = arith.constant 3 : i32
      %add3A_2287 = arith.addi %mul3A_2285, %add3A_2286 : i32
      %broadcast_in_dim3A_2288 = vector.broadcast %add3A_2287 : i32 to vector<16xi32>
      %dma_wait3A_2289 = arith.constant 3 : i32
      %dma_wait3A_2290 = arith.constant 0 : i32
      %dma_wait3A_2291 = arith.constant 0 : i32
      %dma_wait3A_2292 = tpu.memref_slice %arg12[%dma_wait3A_2289, %dma_wait3A_2290, %dma_wait3A_2291] : memref<8x32x128xf32, #tpu.memory_space<vmem>> -> memref<1x32x128xf32, #tpu.memory_space<vmem>>
      %dma_wait3A_2293 = tpu.memref_squeeze %dma_wait3A_2292 : memref<1x32x128xf32, #tpu.memory_space<vmem>> -> memref<32x128xf32, #tpu.memory_space<vmem>>
      %dma_wait3A_2294 = arith.constant 0 : i32
      %dma_wait3A_2295 = arith.constant 0 : i32
      %dma_wait3A_2296 = tpu.memref_slice %arg4[%dma_wait3A_2294, %dma_wait3A_2295] : memref<32x1000000xf32, #tpu.memory_space<hbm>> -> memref<32x128xf32, #tpu.memory_space<hbm>>
      %dma_wait3A_2297 = arith.constant 0 : i32
      %dma_wait3A_2298 = arith.constant 0 : i32
      %dma_wait3A_2299 = tpu.memref_slice %arg12[%dma_wait3A_2289, %dma_wait3A_2297, %dma_wait3A_2298] : memref<8x32x128xf32, #tpu.memory_space<vmem>> -> memref<1x32x128xf32, #tpu.memory_space<vmem>>
      %dma_wait3A_2300 = tpu.memref_squeeze %dma_wait3A_2299 : memref<1x32x128xf32, #tpu.memory_space<vmem>> -> memref<32x128xf32, #tpu.memory_space<vmem>>
      %dma_wait3A_2301 = arith.constant 0 : i32
      %dma_wait3A_2302 = arith.constant 0 : i32
      %dma_wait3A_2303 = tpu.memref_slice %arg4[%dma_wait3A_2301, %dma_wait3A_2302] : memref<32x1000000xf32, #tpu.memory_space<hbm>> -> memref<32x128xf32, #tpu.memory_space<hbm>>
      tpu.wait_dma2 semaphore(%arg23 : memref<!tpu.dma_semaphore, #tpu.memory_space<semaphore_mem>>) src(%dma_wait3A_2303 : memref<32x128xf32, #tpu.memory_space<hbm>>) dst(%dma_wait3A_2300 : memref<32x128xf32, #tpu.memory_space<vmem>>)
      %slice3A_2304 = vector.extract_strided_slice %get3A_1943 {offsets = [3], sizes = [1], strides = [1]} : vector<16xi32> to vector<1xi32>
      %squeeze3A_2305 = vector.extract %slice3A_2304[0] : i32 from vector<1xi32>
      %and3A_2306 = arith.constant 127 : i32
      %and3A_2307 = arith.andi %squeeze3A_2305, %and3A_2306 : i32
      %broadcast_in_dim3A_2308 = vector.broadcast %and3A_2307 : i32 to vector<16xi32>
      %add3A_2309 = arith.constant 0 : i32
      %add3A_2310 = vector.broadcast %add3A_2309 : i32 to vector<16xi32>
      %add3A_2311 = arith.addi %iota3A, %add3A_2310 : vector<16xi32>
      %gather3A_2312 = arith.constant 3 : i32
      %gather3A_2313 = arith.constant 0 : i32
      %gather3A_2314 = arith.constant 0 : i32
      %gather3A_2315 = tpu.memref_slice %arg12[%gather3A_2312, %gather3A_2313, %gather3A_2314] : memref<8x32x128xf32, #tpu.memory_space<vmem>> -> memref<1x32x128xf32, #tpu.memory_space<vmem>>
      %gather3A_2316 = tpu.memref_squeeze %gather3A_2315 : memref<1x32x128xf32, #tpu.memory_space<vmem>> -> memref<32x128xf32, #tpu.memory_space<vmem>>
      %gather3A_2317 = tpu.vector_load_idx %gather3A_2316[%add3A_2311, %broadcast_in_dim3A_2308] : memref<32x128xf32, #tpu.memory_space<vmem>>[vector<16xi32>, vector<16xi32>], vector<16xf32>,
      %add3A_2318 = arith.constant 0 : i32
      %add3A_2319 = vector.broadcast %add3A_2318 : i32 to vector<16xi32>
      %add3A_2320 = arith.addi %iota3A, %add3A_2319 : vector<16xi32>
      %mul3A_2321 = arith.constant 128 : i32
      %mul3A_2322 = vector.broadcast %mul3A_2321 : i32 to vector<16xi32>
      %mul3A_2323 = arith.muli %add3A_2320, %mul3A_2322 : vector<16xi32>
      %add3A_2324 = arith.addi %mul3A_2323, %broadcast_in_dim3A_2288 : vector<16xi32>
      tpu.vector_store_idx %arg14[%add3A_2324], %gather3A_2317 : memref<4096xf32, #tpu.memory_space<vmem>>[vector<16xi32>], vector<16xf32>,
      %add3A_2325 = arith.constant 16 : i32
      %add3A_2326 = vector.broadcast %add3A_2325 : i32 to vector<16xi32>
      %add3A_2327 = arith.addi %iota3A, %add3A_2326 : vector<16xi32>
      %gather3A_2328 = arith.constant 3 : i32
      %gather3A_2329 = arith.constant 0 : i32
      %gather3A_2330 = arith.constant 0 : i32
      %gather3A_2331 = tpu.memref_slice %arg12[%gather3A_2328, %gather3A_2329, %gather3A_2330] : memref<8x32x128xf32, #tpu.memory_space<vmem>> -> memref<1x32x128xf32, #tpu.memory_space<vmem>>
      %gather3A_2332 = tpu.memref_squeeze %gather3A_2331 : memref<1x32x128xf32, #tpu.memory_space<vmem>> -> memref<32x128xf32, #tpu.memory_space<vmem>>
      %gather3A_2333 = tpu.vector_load_idx %gather3A_2332[%add3A_2327, %broadcast_in_dim3A_2308] : memref<32x128xf32, #tpu.memory_space<vmem>>[vector<16xi32>, vector<16xi32>], vector<16xf32>,
      %add3A_2334 = arith.constant 16 : i32
      %add3A_2335 = vector.broadcast %add3A_2334 : i32 to vector<16xi32>
      %add3A_2336 = arith.addi %iota3A, %add3A_2335 : vector<16xi32>
      %mul3A_2337 = arith.constant 128 : i32
      %mul3A_2338 = vector.broadcast %mul3A_2337 : i32 to vector<16xi32>
      %mul3A_2339 = arith.muli %add3A_2336, %mul3A_2338 : vector<16xi32>
      %add3A_2340 = arith.addi %mul3A_2339, %broadcast_in_dim3A_2288 : vector<16xi32>
      tpu.vector_store_idx %arg14[%add3A_2340], %gather3A_2333 : memref<4096xf32, #tpu.memory_space<vmem>>[vector<16xi32>], vector<16xf32>,
      %dma_wait3A_2341 = arith.constant 3 : i32
      %dma_wait3A_2342 = arith.constant 0 : i32
      %dma_wait3A_2343 = arith.constant 0 : i32
      %dma_wait3A_2344 = tpu.memref_slice %arg13[%dma_wait3A_2341, %dma_wait3A_2342, %dma_wait3A_2343] : memref<8x32x128xf32, #tpu.memory_space<vmem>> -> memref<1x32x128xf32, #tpu.memory_space<vmem>>
      %dma_wait3A_2345 = tpu.memref_squeeze %dma_wait3A_2344 : memref<1x32x128xf32, #tpu.memory_space<vmem>> -> memref<32x128xf32, #tpu.memory_space<vmem>>
      %dma_wait3A_2346 = arith.constant 0 : i32
      %dma_wait3A_2347 = arith.constant 0 : i32
      %dma_wait3A_2348 = tpu.memref_slice %arg5[%dma_wait3A_2346, %dma_wait3A_2347] : memref<32x100000xf32, #tpu.memory_space<hbm>> -> memref<32x128xf32, #tpu.memory_space<hbm>>
      %dma_wait3A_2349 = arith.constant 0 : i32
      %dma_wait3A_2350 = arith.constant 0 : i32
      %dma_wait3A_2351 = tpu.memref_slice %arg13[%dma_wait3A_2341, %dma_wait3A_2349, %dma_wait3A_2350] : memref<8x32x128xf32, #tpu.memory_space<vmem>> -> memref<1x32x128xf32, #tpu.memory_space<vmem>>
      %dma_wait3A_2352 = tpu.memref_squeeze %dma_wait3A_2351 : memref<1x32x128xf32, #tpu.memory_space<vmem>> -> memref<32x128xf32, #tpu.memory_space<vmem>>
      %dma_wait3A_2353 = arith.constant 0 : i32
      %dma_wait3A_2354 = arith.constant 0 : i32
      %dma_wait3A_2355 = tpu.memref_slice %arg5[%dma_wait3A_2353, %dma_wait3A_2354] : memref<32x100000xf32, #tpu.memory_space<hbm>> -> memref<32x128xf32, #tpu.memory_space<hbm>>
      tpu.wait_dma2 semaphore(%arg31 : memref<!tpu.dma_semaphore, #tpu.memory_space<semaphore_mem>>) src(%dma_wait3A_2355 : memref<32x128xf32, #tpu.memory_space<hbm>>) dst(%dma_wait3A_2352 : memref<32x128xf32, #tpu.memory_space<vmem>>)
      %slice3A_2356 = vector.extract_strided_slice %get3A_1947 {offsets = [3], sizes = [1], strides = [1]} : vector<16xi32> to vector<1xi32>
      %squeeze3A_2357 = vector.extract %slice3A_2356[0] : i32 from vector<1xi32>
      %and3A_2358 = arith.constant 127 : i32
      %and3A_2359 = arith.andi %squeeze3A_2357, %and3A_2358 : i32
      %broadcast_in_dim3A_2360 = vector.broadcast %and3A_2359 : i32 to vector<16xi32>
      %add3A_2361 = arith.constant 0 : i32
      %add3A_2362 = vector.broadcast %add3A_2361 : i32 to vector<16xi32>
      %add3A_2363 = arith.addi %iota3A, %add3A_2362 : vector<16xi32>
      %gather3A_2364 = arith.constant 3 : i32
      %gather3A_2365 = arith.constant 0 : i32
      %gather3A_2366 = arith.constant 0 : i32
      %gather3A_2367 = tpu.memref_slice %arg13[%gather3A_2364, %gather3A_2365, %gather3A_2366] : memref<8x32x128xf32, #tpu.memory_space<vmem>> -> memref<1x32x128xf32, #tpu.memory_space<vmem>>
      %gather3A_2368 = tpu.memref_squeeze %gather3A_2367 : memref<1x32x128xf32, #tpu.memory_space<vmem>> -> memref<32x128xf32, #tpu.memory_space<vmem>>
      %gather3A_2369 = tpu.vector_load_idx %gather3A_2368[%add3A_2363, %broadcast_in_dim3A_2360] : memref<32x128xf32, #tpu.memory_space<vmem>>[vector<16xi32>, vector<16xi32>], vector<16xf32>,
      %add3A_2370 = arith.constant 0 : i32
      %add3A_2371 = vector.broadcast %add3A_2370 : i32 to vector<16xi32>
      %add3A_2372 = arith.addi %iota3A, %add3A_2371 : vector<16xi32>
      %mul3A_2373 = arith.constant 128 : i32
      %mul3A_2374 = vector.broadcast %mul3A_2373 : i32 to vector<16xi32>
      %mul3A_2375 = arith.muli %add3A_2372, %mul3A_2374 : vector<16xi32>
      %add3A_2376 = arith.addi %mul3A_2375, %broadcast_in_dim3A_2288 : vector<16xi32>
      tpu.vector_store_idx %arg15[%add3A_2376], %gather3A_2369 : memref<4096xf32, #tpu.memory_space<vmem>>[vector<16xi32>], vector<16xf32>,
      %add3A_2377 = arith.constant 16 : i32
      %add3A_2378 = vector.broadcast %add3A_2377 : i32 to vector<16xi32>
      %add3A_2379 = arith.addi %iota3A, %add3A_2378 : vector<16xi32>
      %gather3A_2380 = arith.constant 3 : i32
      %gather3A_2381 = arith.constant 0 : i32
      %gather3A_2382 = arith.constant 0 : i32
      %gather3A_2383 = tpu.memref_slice %arg13[%gather3A_2380, %gather3A_2381, %gather3A_2382] : memref<8x32x128xf32, #tpu.memory_space<vmem>> -> memref<1x32x128xf32, #tpu.memory_space<vmem>>
      %gather3A_2384 = tpu.memref_squeeze %gather3A_2383 : memref<1x32x128xf32, #tpu.memory_space<vmem>> -> memref<32x128xf32, #tpu.memory_space<vmem>>
      %gather3A_2385 = tpu.vector_load_idx %gather3A_2384[%add3A_2379, %broadcast_in_dim3A_2360] : memref<32x128xf32, #tpu.memory_space<vmem>>[vector<16xi32>, vector<16xi32>], vector<16xf32>,
      %add3A_2386 = arith.constant 16 : i32
      %add3A_2387 = vector.broadcast %add3A_2386 : i32 to vector<16xi32>
      %add3A_2388 = arith.addi %iota3A, %add3A_2387 : vector<16xi32>
      %mul3A_2389 = arith.constant 128 : i32
      %mul3A_2390 = vector.broadcast %mul3A_2389 : i32 to vector<16xi32>
      %mul3A_2391 = arith.muli %add3A_2388, %mul3A_2390 : vector<16xi32>
      %add3A_2392 = arith.addi %mul3A_2391, %broadcast_in_dim3A_2288 : vector<16xi32>
      tpu.vector_store_idx %arg15[%add3A_2392], %gather3A_2385 : memref<4096xf32, #tpu.memory_space<vmem>>[vector<16xi32>], vector<16xf32>,
      %lt3A_2393 = arith.constant 15 : i32
      %lt3A_2394 = arith.cmpi slt, %scan3A_1939, %lt3A_2393 : i32
      %convert_element_type3A_2395 = arith.extui %lt3A_2394 : i1 to i32
      %cond3A_2396 = arith.constant 0 : i32
      %cond3A_2397 = arith.cmpi ne, %convert_element_type3A_2395, %cond3A_2396 : i32
      scf.if %cond3A_2397 {
        %slice3A_2854 = vector.extract_strided_slice %get3A_1943 {offsets = [11], sizes = [1], strides = [1]} : vector<16xi32> to vector<1xi32>
        %squeeze3A_2855 = vector.extract %slice3A_2854[0] : i32 from vector<1xi32>
        %shift_right_arithmetic3A_2856 = arith.constant 7 : i32
        %shift_right_arithmetic3A_2857 = arith.shrsi %squeeze3A_2855, %shift_right_arithmetic3A_2856 : i32
        %shift_left3A_2858 = arith.constant 7 : i32
        %shift_left3A_2859 = arith.shli %shift_right_arithmetic3A_2857, %shift_left3A_2858 : i32
        %multiple_of3A_2860 = tpu.assume_multiple %shift_left3A_2859, 128 : i32
        %dma_start3A_2861 = arith.constant 3 : i32
        %dma_start3A_2862 = arith.constant 0 : i32
        %dma_start3A_2863 = arith.constant 0 : i32
        %dma_start3A_2864 = tpu.memref_slice %arg12[%dma_start3A_2861, %dma_start3A_2862, %dma_start3A_2863] : memref<8x32x128xf32, #tpu.memory_space<vmem>> -> memref<1x32x128xf32, #tpu.memory_space<vmem>>
        %dma_start3A_2865 = tpu.memref_squeeze %dma_start3A_2864 : memref<1x32x128xf32, #tpu.memory_space<vmem>> -> memref<32x128xf32, #tpu.memory_space<vmem>>
        %dma_start3A_2866 = arith.constant 0 : i32
        %dma_start3A_2867 = tpu.memref_slice %arg4[%dma_start3A_2866, %multiple_of3A_2860] : memref<32x1000000xf32, #tpu.memory_space<hbm>> -> memref<32x128xf32, #tpu.memory_space<hbm>>
        %dma_start3A_2868 = arith.constant 0 : i32
        %dma_start3A_2869 = arith.constant 0 : i32
        %dma_start3A_2870 = tpu.memref_slice %arg12[%dma_start3A_2861, %dma_start3A_2868, %dma_start3A_2869] : memref<8x32x128xf32, #tpu.memory_space<vmem>> -> memref<1x32x128xf32, #tpu.memory_space<vmem>>
        %dma_start3A_2871 = tpu.memref_squeeze %dma_start3A_2870 : memref<1x32x128xf32, #tpu.memory_space<vmem>> -> memref<32x128xf32, #tpu.memory_space<vmem>>
        %dma_start3A_2872 = arith.constant 0 : i32
        %dma_start3A_2873 = tpu.memref_slice %arg4[%dma_start3A_2872, %multiple_of3A_2860] : memref<32x1000000xf32, #tpu.memory_space<hbm>> -> memref<32x128xf32, #tpu.memory_space<hbm>>
        tpu.enqueue_dma source(%dma_start3A_2873 : memref<32x128xf32, #tpu.memory_space<hbm>>) target(%dma_start3A_2871 : memref<32x128xf32, #tpu.memory_space<vmem>>) target_semaphore(%arg23 : memref<!tpu.dma_semaphore, #tpu.memory_space<semaphore_mem>>)
        %slice3A_2874 = vector.extract_strided_slice %get3A_1947 {offsets = [11], sizes = [1], strides = [1]} : vector<16xi32> to vector<1xi32>
        %squeeze3A_2875 = vector.extract %slice3A_2874[0] : i32 from vector<1xi32>
        %shift_right_arithmetic3A_2876 = arith.constant 7 : i32
        %shift_right_arithmetic3A_2877 = arith.shrsi %squeeze3A_2875, %shift_right_arithmetic3A_2876 : i32
        %shift_left3A_2878 = arith.constant 7 : i32
        %shift_left3A_2879 = arith.shli %shift_right_arithmetic3A_2877, %shift_left3A_2878 : i32
        %multiple_of3A_2880 = tpu.assume_multiple %shift_left3A_2879, 128 : i32
        %dma_start3A_2881 = arith.constant 3 : i32
        %dma_start3A_2882 = arith.constant 0 : i32
        %dma_start3A_2883 = arith.constant 0 : i32
        %dma_start3A_2884 = tpu.memref_slice %arg13[%dma_start3A_2881, %dma_start3A_2882, %dma_start3A_2883] : memref<8x32x128xf32, #tpu.memory_space<vmem>> -> memref<1x32x128xf32, #tpu.memory_space<vmem>>
        %dma_start3A_2885 = tpu.memref_squeeze %dma_start3A_2884 : memref<1x32x128xf32, #tpu.memory_space<vmem>> -> memref<32x128xf32, #tpu.memory_space<vmem>>
        %dma_start3A_2886 = arith.constant 0 : i32
        %dma_start3A_2887 = tpu.memref_slice %arg5[%dma_start3A_2886, %multiple_of3A_2880] : memref<32x100000xf32, #tpu.memory_space<hbm>> -> memref<32x128xf32, #tpu.memory_space<hbm>>
        %dma_start3A_2888 = arith.constant 0 : i32
        %dma_start3A_2889 = arith.constant 0 : i32
        %dma_start3A_2890 = tpu.memref_slice %arg13[%dma_start3A_2881, %dma_start3A_2888, %dma_start3A_2889] : memref<8x32x128xf32, #tpu.memory_space<vmem>> -> memref<1x32x128xf32, #tpu.memory_space<vmem>>
        %dma_start3A_2891 = tpu.memref_squeeze %dma_start3A_2890 : memref<1x32x128xf32, #tpu.memory_space<vmem>> -> memref<32x128xf32, #tpu.memory_space<vmem>>
        %dma_start3A_2892 = arith.constant 0 : i32
        %dma_start3A_2893 = tpu.memref_slice %arg5[%dma_start3A_2892, %multiple_of3A_2880] : memref<32x100000xf32, #tpu.memory_space<hbm>> -> memref<32x128xf32, #tpu.memory_space<hbm>>
        tpu.enqueue_dma source(%dma_start3A_2893 : memref<32x128xf32, #tpu.memory_space<hbm>>) target(%dma_start3A_2891 : memref<32x128xf32, #tpu.memory_space<vmem>>) target_semaphore(%arg31 : memref<!tpu.dma_semaphore, #tpu.memory_space<semaphore_mem>>)
      } else {
      }
      %mul3A_2398 = arith.constant 8 : i32
      %mul3A_2399 = arith.muli %scan3A_1939, %mul3A_2398 : i32
      %add3A_2400 = arith.constant 4 : i32
      %add3A_2401 = arith.addi %mul3A_2399, %add3A_2400 : i32
      %broadcast_in_dim3A_2402 = vector.broadcast %add3A_2401 : i32 to vector<16xi32>
      %dma_wait3A_2403 = arith.constant 4 : i32
      %dma_wait3A_2404 = arith.constant 0 : i32
      %dma_wait3A_2405 = arith.constant 0 : i32
      %dma_wait3A_2406 = tpu.memref_slice %arg12[%dma_wait3A_2403, %dma_wait3A_2404, %dma_wait3A_2405] : memref<8x32x128xf32, #tpu.memory_space<vmem>> -> memref<1x32x128xf32, #tpu.memory_space<vmem>>
      %dma_wait3A_2407 = tpu.memref_squeeze %dma_wait3A_2406 : memref<1x32x128xf32, #tpu.memory_space<vmem>> -> memref<32x128xf32, #tpu.memory_space<vmem>>
      %dma_wait3A_2408 = arith.constant 0 : i32
      %dma_wait3A_2409 = arith.constant 0 : i32
      %dma_wait3A_2410 = tpu.memref_slice %arg4[%dma_wait3A_2408, %dma_wait3A_2409] : memref<32x1000000xf32, #tpu.memory_space<hbm>> -> memref<32x128xf32, #tpu.memory_space<hbm>>
      %dma_wait3A_2411 = arith.constant 0 : i32
      %dma_wait3A_2412 = arith.constant 0 : i32
      %dma_wait3A_2413 = tpu.memref_slice %arg12[%dma_wait3A_2403, %dma_wait3A_2411, %dma_wait3A_2412] : memref<8x32x128xf32, #tpu.memory_space<vmem>> -> memref<1x32x128xf32, #tpu.memory_space<vmem>>
      %dma_wait3A_2414 = tpu.memref_squeeze %dma_wait3A_2413 : memref<1x32x128xf32, #tpu.memory_space<vmem>> -> memref<32x128xf32, #tpu.memory_space<vmem>>
      %dma_wait3A_2415 = arith.constant 0 : i32
      %dma_wait3A_2416 = arith.constant 0 : i32
      %dma_wait3A_2417 = tpu.memref_slice %arg4[%dma_wait3A_2415, %dma_wait3A_2416] : memref<32x1000000xf32, #tpu.memory_space<hbm>> -> memref<32x128xf32, #tpu.memory_space<hbm>>
      tpu.wait_dma2 semaphore(%arg24 : memref<!tpu.dma_semaphore, #tpu.memory_space<semaphore_mem>>) src(%dma_wait3A_2417 : memref<32x128xf32, #tpu.memory_space<hbm>>) dst(%dma_wait3A_2414 : memref<32x128xf32, #tpu.memory_space<vmem>>)
      %slice3A_2418 = vector.extract_strided_slice %get3A_1943 {offsets = [4], sizes = [1], strides = [1]} : vector<16xi32> to vector<1xi32>
      %squeeze3A_2419 = vector.extract %slice3A_2418[0] : i32 from vector<1xi32>
      %and3A_2420 = arith.constant 127 : i32
      %and3A_2421 = arith.andi %squeeze3A_2419, %and3A_2420 : i32
      %broadcast_in_dim3A_2422 = vector.broadcast %and3A_2421 : i32 to vector<16xi32>
      %add3A_2423 = arith.constant 0 : i32
      %add3A_2424 = vector.broadcast %add3A_2423 : i32 to vector<16xi32>
      %add3A_2425 = arith.addi %iota3A, %add3A_2424 : vector<16xi32>
      %gather3A_2426 = arith.constant 4 : i32
      %gather3A_2427 = arith.constant 0 : i32
      %gather3A_2428 = arith.constant 0 : i32
      %gather3A_2429 = tpu.memref_slice %arg12[%gather3A_2426, %gather3A_2427, %gather3A_2428] : memref<8x32x128xf32, #tpu.memory_space<vmem>> -> memref<1x32x128xf32, #tpu.memory_space<vmem>>
      %gather3A_2430 = tpu.memref_squeeze %gather3A_2429 : memref<1x32x128xf32, #tpu.memory_space<vmem>> -> memref<32x128xf32, #tpu.memory_space<vmem>>
      %gather3A_2431 = tpu.vector_load_idx %gather3A_2430[%add3A_2425, %broadcast_in_dim3A_2422] : memref<32x128xf32, #tpu.memory_space<vmem>>[vector<16xi32>, vector<16xi32>], vector<16xf32>,
      %add3A_2432 = arith.constant 0 : i32
      %add3A_2433 = vector.broadcast %add3A_2432 : i32 to vector<16xi32>
      %add3A_2434 = arith.addi %iota3A, %add3A_2433 : vector<16xi32>
      %mul3A_2435 = arith.constant 128 : i32
      %mul3A_2436 = vector.broadcast %mul3A_2435 : i32 to vector<16xi32>
      %mul3A_2437 = arith.muli %add3A_2434, %mul3A_2436 : vector<16xi32>
      %add3A_2438 = arith.addi %mul3A_2437, %broadcast_in_dim3A_2402 : vector<16xi32>
      tpu.vector_store_idx %arg14[%add3A_2438], %gather3A_2431 : memref<4096xf32, #tpu.memory_space<vmem>>[vector<16xi32>], vector<16xf32>,
      %add3A_2439 = arith.constant 16 : i32
      %add3A_2440 = vector.broadcast %add3A_2439 : i32 to vector<16xi32>
      %add3A_2441 = arith.addi %iota3A, %add3A_2440 : vector<16xi32>
      %gather3A_2442 = arith.constant 4 : i32
      %gather3A_2443 = arith.constant 0 : i32
      %gather3A_2444 = arith.constant 0 : i32
      %gather3A_2445 = tpu.memref_slice %arg12[%gather3A_2442, %gather3A_2443, %gather3A_2444] : memref<8x32x128xf32, #tpu.memory_space<vmem>> -> memref<1x32x128xf32, #tpu.memory_space<vmem>>
      %gather3A_2446 = tpu.memref_squeeze %gather3A_2445 : memref<1x32x128xf32, #tpu.memory_space<vmem>> -> memref<32x128xf32, #tpu.memory_space<vmem>>
      %gather3A_2447 = tpu.vector_load_idx %gather3A_2446[%add3A_2441, %broadcast_in_dim3A_2422] : memref<32x128xf32, #tpu.memory_space<vmem>>[vector<16xi32>, vector<16xi32>], vector<16xf32>,
      %add3A_2448 = arith.constant 16 : i32
      %add3A_2449 = vector.broadcast %add3A_2448 : i32 to vector<16xi32>
      %add3A_2450 = arith.addi %iota3A, %add3A_2449 : vector<16xi32>
      %mul3A_2451 = arith.constant 128 : i32
      %mul3A_2452 = vector.broadcast %mul3A_2451 : i32 to vector<16xi32>
      %mul3A_2453 = arith.muli %add3A_2450, %mul3A_2452 : vector<16xi32>
      %add3A_2454 = arith.addi %mul3A_2453, %broadcast_in_dim3A_2402 : vector<16xi32>
      tpu.vector_store_idx %arg14[%add3A_2454], %gather3A_2447 : memref<4096xf32, #tpu.memory_space<vmem>>[vector<16xi32>], vector<16xf32>,
      %dma_wait3A_2455 = arith.constant 4 : i32
      %dma_wait3A_2456 = arith.constant 0 : i32
      %dma_wait3A_2457 = arith.constant 0 : i32
      %dma_wait3A_2458 = tpu.memref_slice %arg13[%dma_wait3A_2455, %dma_wait3A_2456, %dma_wait3A_2457] : memref<8x32x128xf32, #tpu.memory_space<vmem>> -> memref<1x32x128xf32, #tpu.memory_space<vmem>>
      %dma_wait3A_2459 = tpu.memref_squeeze %dma_wait3A_2458 : memref<1x32x128xf32, #tpu.memory_space<vmem>> -> memref<32x128xf32, #tpu.memory_space<vmem>>
      %dma_wait3A_2460 = arith.constant 0 : i32
      %dma_wait3A_2461 = arith.constant 0 : i32
      %dma_wait3A_2462 = tpu.memref_slice %arg5[%dma_wait3A_2460, %dma_wait3A_2461] : memref<32x100000xf32, #tpu.memory_space<hbm>> -> memref<32x128xf32, #tpu.memory_space<hbm>>
      %dma_wait3A_2463 = arith.constant 0 : i32
      %dma_wait3A_2464 = arith.constant 0 : i32
      %dma_wait3A_2465 = tpu.memref_slice %arg13[%dma_wait3A_2455, %dma_wait3A_2463, %dma_wait3A_2464] : memref<8x32x128xf32, #tpu.memory_space<vmem>> -> memref<1x32x128xf32, #tpu.memory_space<vmem>>
      %dma_wait3A_2466 = tpu.memref_squeeze %dma_wait3A_2465 : memref<1x32x128xf32, #tpu.memory_space<vmem>> -> memref<32x128xf32, #tpu.memory_space<vmem>>
      %dma_wait3A_2467 = arith.constant 0 : i32
      %dma_wait3A_2468 = arith.constant 0 : i32
      %dma_wait3A_2469 = tpu.memref_slice %arg5[%dma_wait3A_2467, %dma_wait3A_2468] : memref<32x100000xf32, #tpu.memory_space<hbm>> -> memref<32x128xf32, #tpu.memory_space<hbm>>
      tpu.wait_dma2 semaphore(%arg32 : memref<!tpu.dma_semaphore, #tpu.memory_space<semaphore_mem>>) src(%dma_wait3A_2469 : memref<32x128xf32, #tpu.memory_space<hbm>>) dst(%dma_wait3A_2466 : memref<32x128xf32, #tpu.memory_space<vmem>>)
      %slice3A_2470 = vector.extract_strided_slice %get3A_1947 {offsets = [4], sizes = [1], strides = [1]} : vector<16xi32> to vector<1xi32>
      %squeeze3A_2471 = vector.extract %slice3A_2470[0] : i32 from vector<1xi32>
      %and3A_2472 = arith.constant 127 : i32
      %and3A_2473 = arith.andi %squeeze3A_2471, %and3A_2472 : i32
      %broadcast_in_dim3A_2474 = vector.broadcast %and3A_2473 : i32 to vector<16xi32>
      %add3A_2475 = arith.constant 0 : i32
      %add3A_2476 = vector.broadcast %add3A_2475 : i32 to vector<16xi32>
      %add3A_2477 = arith.addi %iota3A, %add3A_2476 : vector<16xi32>
      %gather3A_2478 = arith.constant 4 : i32
      %gather3A_2479 = arith.constant 0 : i32
      %gather3A_2480 = arith.constant 0 : i32
      %gather3A_2481 = tpu.memref_slice %arg13[%gather3A_2478, %gather3A_2479, %gather3A_2480] : memref<8x32x128xf32, #tpu.memory_space<vmem>> -> memref<1x32x128xf32, #tpu.memory_space<vmem>>
      %gather3A_2482 = tpu.memref_squeeze %gather3A_2481 : memref<1x32x128xf32, #tpu.memory_space<vmem>> -> memref<32x128xf32, #tpu.memory_space<vmem>>
      %gather3A_2483 = tpu.vector_load_idx %gather3A_2482[%add3A_2477, %broadcast_in_dim3A_2474] : memref<32x128xf32, #tpu.memory_space<vmem>>[vector<16xi32>, vector<16xi32>], vector<16xf32>,
      %add3A_2484 = arith.constant 0 : i32
      %add3A_2485 = vector.broadcast %add3A_2484 : i32 to vector<16xi32>
      %add3A_2486 = arith.addi %iota3A, %add3A_2485 : vector<16xi32>
      %mul3A_2487 = arith.constant 128 : i32
      %mul3A_2488 = vector.broadcast %mul3A_2487 : i32 to vector<16xi32>
      %mul3A_2489 = arith.muli %add3A_2486, %mul3A_2488 : vector<16xi32>
      %add3A_2490 = arith.addi %mul3A_2489, %broadcast_in_dim3A_2402 : vector<16xi32>
      tpu.vector_store_idx %arg15[%add3A_2490], %gather3A_2483 : memref<4096xf32, #tpu.memory_space<vmem>>[vector<16xi32>], vector<16xf32>,
      %add3A_2491 = arith.constant 16 : i32
      %add3A_2492 = vector.broadcast %add3A_2491 : i32 to vector<16xi32>
      %add3A_2493 = arith.addi %iota3A, %add3A_2492 : vector<16xi32>
      %gather3A_2494 = arith.constant 4 : i32
      %gather3A_2495 = arith.constant 0 : i32
      %gather3A_2496 = arith.constant 0 : i32
      %gather3A_2497 = tpu.memref_slice %arg13[%gather3A_2494, %gather3A_2495, %gather3A_2496] : memref<8x32x128xf32, #tpu.memory_space<vmem>> -> memref<1x32x128xf32, #tpu.memory_space<vmem>>
      %gather3A_2498 = tpu.memref_squeeze %gather3A_2497 : memref<1x32x128xf32, #tpu.memory_space<vmem>> -> memref<32x128xf32, #tpu.memory_space<vmem>>
      %gather3A_2499 = tpu.vector_load_idx %gather3A_2498[%add3A_2493, %broadcast_in_dim3A_2474] : memref<32x128xf32, #tpu.memory_space<vmem>>[vector<16xi32>, vector<16xi32>], vector<16xf32>,
      %add3A_2500 = arith.constant 16 : i32
      %add3A_2501 = vector.broadcast %add3A_2500 : i32 to vector<16xi32>
      %add3A_2502 = arith.addi %iota3A, %add3A_2501 : vector<16xi32>
      %mul3A_2503 = arith.constant 128 : i32
      %mul3A_2504 = vector.broadcast %mul3A_2503 : i32 to vector<16xi32>
      %mul3A_2505 = arith.muli %add3A_2502, %mul3A_2504 : vector<16xi32>
      %add3A_2506 = arith.addi %mul3A_2505, %broadcast_in_dim3A_2402 : vector<16xi32>
      tpu.vector_store_idx %arg15[%add3A_2506], %gather3A_2499 : memref<4096xf32, #tpu.memory_space<vmem>>[vector<16xi32>], vector<16xf32>,
      %lt3A_2507 = arith.constant 15 : i32
      %lt3A_2508 = arith.cmpi slt, %scan3A_1939, %lt3A_2507 : i32
      %convert_element_type3A_2509 = arith.extui %lt3A_2508 : i1 to i32
      %cond3A_2510 = arith.constant 0 : i32
      %cond3A_2511 = arith.cmpi ne, %convert_element_type3A_2509, %cond3A_2510 : i32
      scf.if %cond3A_2511 {
        %slice3A_2854 = vector.extract_strided_slice %get3A_1943 {offsets = [12], sizes = [1], strides = [1]} : vector<16xi32> to vector<1xi32>
        %squeeze3A_2855 = vector.extract %slice3A_2854[0] : i32 from vector<1xi32>
        %shift_right_arithmetic3A_2856 = arith.constant 7 : i32
        %shift_right_arithmetic3A_2857 = arith.shrsi %squeeze3A_2855, %shift_right_arithmetic3A_2856 : i32
        %shift_left3A_2858 = arith.constant 7 : i32
        %shift_left3A_2859 = arith.shli %shift_right_arithmetic3A_2857, %shift_left3A_2858 : i32
        %multiple_of3A_2860 = tpu.assume_multiple %shift_left3A_2859, 128 : i32
        %dma_start3A_2861 = arith.constant 4 : i32
        %dma_start3A_2862 = arith.constant 0 : i32
        %dma_start3A_2863 = arith.constant 0 : i32
        %dma_start3A_2864 = tpu.memref_slice %arg12[%dma_start3A_2861, %dma_start3A_2862, %dma_start3A_2863] : memref<8x32x128xf32, #tpu.memory_space<vmem>> -> memref<1x32x128xf32, #tpu.memory_space<vmem>>
        %dma_start3A_2865 = tpu.memref_squeeze %dma_start3A_2864 : memref<1x32x128xf32, #tpu.memory_space<vmem>> -> memref<32x128xf32, #tpu.memory_space<vmem>>
        %dma_start3A_2866 = arith.constant 0 : i32
        %dma_start3A_2867 = tpu.memref_slice %arg4[%dma_start3A_2866, %multiple_of3A_2860] : memref<32x1000000xf32, #tpu.memory_space<hbm>> -> memref<32x128xf32, #tpu.memory_space<hbm>>
        %dma_start3A_2868 = arith.constant 0 : i32
        %dma_start3A_2869 = arith.constant 0 : i32
        %dma_start3A_2870 = tpu.memref_slice %arg12[%dma_start3A_2861, %dma_start3A_2868, %dma_start3A_2869] : memref<8x32x128xf32, #tpu.memory_space<vmem>> -> memref<1x32x128xf32, #tpu.memory_space<vmem>>
        %dma_start3A_2871 = tpu.memref_squeeze %dma_start3A_2870 : memref<1x32x128xf32, #tpu.memory_space<vmem>> -> memref<32x128xf32, #tpu.memory_space<vmem>>
        %dma_start3A_2872 = arith.constant 0 : i32
        %dma_start3A_2873 = tpu.memref_slice %arg4[%dma_start3A_2872, %multiple_of3A_2860] : memref<32x1000000xf32, #tpu.memory_space<hbm>> -> memref<32x128xf32, #tpu.memory_space<hbm>>
        tpu.enqueue_dma source(%dma_start3A_2873 : memref<32x128xf32, #tpu.memory_space<hbm>>) target(%dma_start3A_2871 : memref<32x128xf32, #tpu.memory_space<vmem>>) target_semaphore(%arg24 : memref<!tpu.dma_semaphore, #tpu.memory_space<semaphore_mem>>)
        %slice3A_2874 = vector.extract_strided_slice %get3A_1947 {offsets = [12], sizes = [1], strides = [1]} : vector<16xi32> to vector<1xi32>
        %squeeze3A_2875 = vector.extract %slice3A_2874[0] : i32 from vector<1xi32>
        %shift_right_arithmetic3A_2876 = arith.constant 7 : i32
        %shift_right_arithmetic3A_2877 = arith.shrsi %squeeze3A_2875, %shift_right_arithmetic3A_2876 : i32
        %shift_left3A_2878 = arith.constant 7 : i32
        %shift_left3A_2879 = arith.shli %shift_right_arithmetic3A_2877, %shift_left3A_2878 : i32
        %multiple_of3A_2880 = tpu.assume_multiple %shift_left3A_2879, 128 : i32
        %dma_start3A_2881 = arith.constant 4 : i32
        %dma_start3A_2882 = arith.constant 0 : i32
        %dma_start3A_2883 = arith.constant 0 : i32
        %dma_start3A_2884 = tpu.memref_slice %arg13[%dma_start3A_2881, %dma_start3A_2882, %dma_start3A_2883] : memref<8x32x128xf32, #tpu.memory_space<vmem>> -> memref<1x32x128xf32, #tpu.memory_space<vmem>>
        %dma_start3A_2885 = tpu.memref_squeeze %dma_start3A_2884 : memref<1x32x128xf32, #tpu.memory_space<vmem>> -> memref<32x128xf32, #tpu.memory_space<vmem>>
        %dma_start3A_2886 = arith.constant 0 : i32
        %dma_start3A_2887 = tpu.memref_slice %arg5[%dma_start3A_2886, %multiple_of3A_2880] : memref<32x100000xf32, #tpu.memory_space<hbm>> -> memref<32x128xf32, #tpu.memory_space<hbm>>
        %dma_start3A_2888 = arith.constant 0 : i32
        %dma_start3A_2889 = arith.constant 0 : i32
        %dma_start3A_2890 = tpu.memref_slice %arg13[%dma_start3A_2881, %dma_start3A_2888, %dma_start3A_2889] : memref<8x32x128xf32, #tpu.memory_space<vmem>> -> memref<1x32x128xf32, #tpu.memory_space<vmem>>
        %dma_start3A_2891 = tpu.memref_squeeze %dma_start3A_2890 : memref<1x32x128xf32, #tpu.memory_space<vmem>> -> memref<32x128xf32, #tpu.memory_space<vmem>>
        %dma_start3A_2892 = arith.constant 0 : i32
        %dma_start3A_2893 = tpu.memref_slice %arg5[%dma_start3A_2892, %multiple_of3A_2880] : memref<32x100000xf32, #tpu.memory_space<hbm>> -> memref<32x128xf32, #tpu.memory_space<hbm>>
        tpu.enqueue_dma source(%dma_start3A_2893 : memref<32x128xf32, #tpu.memory_space<hbm>>) target(%dma_start3A_2891 : memref<32x128xf32, #tpu.memory_space<vmem>>) target_semaphore(%arg32 : memref<!tpu.dma_semaphore, #tpu.memory_space<semaphore_mem>>)
      } else {
      }
      %mul3A_2512 = arith.constant 8 : i32
      %mul3A_2513 = arith.muli %scan3A_1939, %mul3A_2512 : i32
      %add3A_2514 = arith.constant 5 : i32
      %add3A_2515 = arith.addi %mul3A_2513, %add3A_2514 : i32
      %broadcast_in_dim3A_2516 = vector.broadcast %add3A_2515 : i32 to vector<16xi32>
      %dma_wait3A_2517 = arith.constant 5 : i32
      %dma_wait3A_2518 = arith.constant 0 : i32
      %dma_wait3A_2519 = arith.constant 0 : i32
      %dma_wait3A_2520 = tpu.memref_slice %arg12[%dma_wait3A_2517, %dma_wait3A_2518, %dma_wait3A_2519] : memref<8x32x128xf32, #tpu.memory_space<vmem>> -> memref<1x32x128xf32, #tpu.memory_space<vmem>>
      %dma_wait3A_2521 = tpu.memref_squeeze %dma_wait3A_2520 : memref<1x32x128xf32, #tpu.memory_space<vmem>> -> memref<32x128xf32, #tpu.memory_space<vmem>>
      %dma_wait3A_2522 = arith.constant 0 : i32
      %dma_wait3A_2523 = arith.constant 0 : i32
      %dma_wait3A_2524 = tpu.memref_slice %arg4[%dma_wait3A_2522, %dma_wait3A_2523] : memref<32x1000000xf32, #tpu.memory_space<hbm>> -> memref<32x128xf32, #tpu.memory_space<hbm>>
      %dma_wait3A_2525 = arith.constant 0 : i32
      %dma_wait3A_2526 = arith.constant 0 : i32
      %dma_wait3A_2527 = tpu.memref_slice %arg12[%dma_wait3A_2517, %dma_wait3A_2525, %dma_wait3A_2526] : memref<8x32x128xf32, #tpu.memory_space<vmem>> -> memref<1x32x128xf32, #tpu.memory_space<vmem>>
      %dma_wait3A_2528 = tpu.memref_squeeze %dma_wait3A_2527 : memref<1x32x128xf32, #tpu.memory_space<vmem>> -> memref<32x128xf32, #tpu.memory_space<vmem>>
      %dma_wait3A_2529 = arith.constant 0 : i32
      %dma_wait3A_2530 = arith.constant 0 : i32
      %dma_wait3A_2531 = tpu.memref_slice %arg4[%dma_wait3A_2529, %dma_wait3A_2530] : memref<32x1000000xf32, #tpu.memory_space<hbm>> -> memref<32x128xf32, #tpu.memory_space<hbm>>
      tpu.wait_dma2 semaphore(%arg25 : memref<!tpu.dma_semaphore, #tpu.memory_space<semaphore_mem>>) src(%dma_wait3A_2531 : memref<32x128xf32, #tpu.memory_space<hbm>>) dst(%dma_wait3A_2528 : memref<32x128xf32, #tpu.memory_space<vmem>>)
      %slice3A_2532 = vector.extract_strided_slice %get3A_1943 {offsets = [5], sizes = [1], strides = [1]} : vector<16xi32> to vector<1xi32>
      %squeeze3A_2533 = vector.extract %slice3A_2532[0] : i32 from vector<1xi32>
      %and3A_2534 = arith.constant 127 : i32
      %and3A_2535 = arith.andi %squeeze3A_2533, %and3A_2534 : i32
      %broadcast_in_dim3A_2536 = vector.broadcast %and3A_2535 : i32 to vector<16xi32>
      %add3A_2537 = arith.constant 0 : i32
      %add3A_2538 = vector.broadcast %add3A_2537 : i32 to vector<16xi32>
      %add3A_2539 = arith.addi %iota3A, %add3A_2538 : vector<16xi32>
      %gather3A_2540 = arith.constant 5 : i32
      %gather3A_2541 = arith.constant 0 : i32
      %gather3A_2542 = arith.constant 0 : i32
      %gather3A_2543 = tpu.memref_slice %arg12[%gather3A_2540, %gather3A_2541, %gather3A_2542] : memref<8x32x128xf32, #tpu.memory_space<vmem>> -> memref<1x32x128xf32, #tpu.memory_space<vmem>>
      %gather3A_2544 = tpu.memref_squeeze %gather3A_2543 : memref<1x32x128xf32, #tpu.memory_space<vmem>> -> memref<32x128xf32, #tpu.memory_space<vmem>>
      %gather3A_2545 = tpu.vector_load_idx %gather3A_2544[%add3A_2539, %broadcast_in_dim3A_2536] : memref<32x128xf32, #tpu.memory_space<vmem>>[vector<16xi32>, vector<16xi32>], vector<16xf32>,
      %add3A_2546 = arith.constant 0 : i32
      %add3A_2547 = vector.broadcast %add3A_2546 : i32 to vector<16xi32>
      %add3A_2548 = arith.addi %iota3A, %add3A_2547 : vector<16xi32>
      %mul3A_2549 = arith.constant 128 : i32
      %mul3A_2550 = vector.broadcast %mul3A_2549 : i32 to vector<16xi32>
      %mul3A_2551 = arith.muli %add3A_2548, %mul3A_2550 : vector<16xi32>
      %add3A_2552 = arith.addi %mul3A_2551, %broadcast_in_dim3A_2516 : vector<16xi32>
      tpu.vector_store_idx %arg14[%add3A_2552], %gather3A_2545 : memref<4096xf32, #tpu.memory_space<vmem>>[vector<16xi32>], vector<16xf32>,
      %add3A_2553 = arith.constant 16 : i32
      %add3A_2554 = vector.broadcast %add3A_2553 : i32 to vector<16xi32>
      %add3A_2555 = arith.addi %iota3A, %add3A_2554 : vector<16xi32>
      %gather3A_2556 = arith.constant 5 : i32
      %gather3A_2557 = arith.constant 0 : i32
      %gather3A_2558 = arith.constant 0 : i32
      %gather3A_2559 = tpu.memref_slice %arg12[%gather3A_2556, %gather3A_2557, %gather3A_2558] : memref<8x32x128xf32, #tpu.memory_space<vmem>> -> memref<1x32x128xf32, #tpu.memory_space<vmem>>
      %gather3A_2560 = tpu.memref_squeeze %gather3A_2559 : memref<1x32x128xf32, #tpu.memory_space<vmem>> -> memref<32x128xf32, #tpu.memory_space<vmem>>
      %gather3A_2561 = tpu.vector_load_idx %gather3A_2560[%add3A_2555, %broadcast_in_dim3A_2536] : memref<32x128xf32, #tpu.memory_space<vmem>>[vector<16xi32>, vector<16xi32>], vector<16xf32>,
      %add3A_2562 = arith.constant 16 : i32
      %add3A_2563 = vector.broadcast %add3A_2562 : i32 to vector<16xi32>
      %add3A_2564 = arith.addi %iota3A, %add3A_2563 : vector<16xi32>
      %mul3A_2565 = arith.constant 128 : i32
      %mul3A_2566 = vector.broadcast %mul3A_2565 : i32 to vector<16xi32>
      %mul3A_2567 = arith.muli %add3A_2564, %mul3A_2566 : vector<16xi32>
      %add3A_2568 = arith.addi %mul3A_2567, %broadcast_in_dim3A_2516 : vector<16xi32>
      tpu.vector_store_idx %arg14[%add3A_2568], %gather3A_2561 : memref<4096xf32, #tpu.memory_space<vmem>>[vector<16xi32>], vector<16xf32>,
      %dma_wait3A_2569 = arith.constant 5 : i32
      %dma_wait3A_2570 = arith.constant 0 : i32
      %dma_wait3A_2571 = arith.constant 0 : i32
      %dma_wait3A_2572 = tpu.memref_slice %arg13[%dma_wait3A_2569, %dma_wait3A_2570, %dma_wait3A_2571] : memref<8x32x128xf32, #tpu.memory_space<vmem>> -> memref<1x32x128xf32, #tpu.memory_space<vmem>>
      %dma_wait3A_2573 = tpu.memref_squeeze %dma_wait3A_2572 : memref<1x32x128xf32, #tpu.memory_space<vmem>> -> memref<32x128xf32, #tpu.memory_space<vmem>>
      %dma_wait3A_2574 = arith.constant 0 : i32
      %dma_wait3A_2575 = arith.constant 0 : i32
      %dma_wait3A_2576 = tpu.memref_slice %arg5[%dma_wait3A_2574, %dma_wait3A_2575] : memref<32x100000xf32, #tpu.memory_space<hbm>> -> memref<32x128xf32, #tpu.memory_space<hbm>>
      %dma_wait3A_2577 = arith.constant 0 : i32
      %dma_wait3A_2578 = arith.constant 0 : i32
      %dma_wait3A_2579 = tpu.memref_slice %arg13[%dma_wait3A_2569, %dma_wait3A_2577, %dma_wait3A_2578] : memref<8x32x128xf32, #tpu.memory_space<vmem>> -> memref<1x32x128xf32, #tpu.memory_space<vmem>>
      %dma_wait3A_2580 = tpu.memref_squeeze %dma_wait3A_2579 : memref<1x32x128xf32, #tpu.memory_space<vmem>> -> memref<32x128xf32, #tpu.memory_space<vmem>>
      %dma_wait3A_2581 = arith.constant 0 : i32
      %dma_wait3A_2582 = arith.constant 0 : i32
      %dma_wait3A_2583 = tpu.memref_slice %arg5[%dma_wait3A_2581, %dma_wait3A_2582] : memref<32x100000xf32, #tpu.memory_space<hbm>> -> memref<32x128xf32, #tpu.memory_space<hbm>>
      tpu.wait_dma2 semaphore(%arg33 : memref<!tpu.dma_semaphore, #tpu.memory_space<semaphore_mem>>) src(%dma_wait3A_2583 : memref<32x128xf32, #tpu.memory_space<hbm>>) dst(%dma_wait3A_2580 : memref<32x128xf32, #tpu.memory_space<vmem>>)
      %slice3A_2584 = vector.extract_strided_slice %get3A_1947 {offsets = [5], sizes = [1], strides = [1]} : vector<16xi32> to vector<1xi32>
      %squeeze3A_2585 = vector.extract %slice3A_2584[0] : i32 from vector<1xi32>
      %and3A_2586 = arith.constant 127 : i32
      %and3A_2587 = arith.andi %squeeze3A_2585, %and3A_2586 : i32
      %broadcast_in_dim3A_2588 = vector.broadcast %and3A_2587 : i32 to vector<16xi32>
      %add3A_2589 = arith.constant 0 : i32
      %add3A_2590 = vector.broadcast %add3A_2589 : i32 to vector<16xi32>
      %add3A_2591 = arith.addi %iota3A, %add3A_2590 : vector<16xi32>
      %gather3A_2592 = arith.constant 5 : i32
      %gather3A_2593 = arith.constant 0 : i32
      %gather3A_2594 = arith.constant 0 : i32
      %gather3A_2595 = tpu.memref_slice %arg13[%gather3A_2592, %gather3A_2593, %gather3A_2594] : memref<8x32x128xf32, #tpu.memory_space<vmem>> -> memref<1x32x128xf32, #tpu.memory_space<vmem>>
      %gather3A_2596 = tpu.memref_squeeze %gather3A_2595 : memref<1x32x128xf32, #tpu.memory_space<vmem>> -> memref<32x128xf32, #tpu.memory_space<vmem>>
      %gather3A_2597 = tpu.vector_load_idx %gather3A_2596[%add3A_2591, %broadcast_in_dim3A_2588] : memref<32x128xf32, #tpu.memory_space<vmem>>[vector<16xi32>, vector<16xi32>], vector<16xf32>,
      %add3A_2598 = arith.constant 0 : i32
      %add3A_2599 = vector.broadcast %add3A_2598 : i32 to vector<16xi32>
      %add3A_2600 = arith.addi %iota3A, %add3A_2599 : vector<16xi32>
      %mul3A_2601 = arith.constant 128 : i32
      %mul3A_2602 = vector.broadcast %mul3A_2601 : i32 to vector<16xi32>
      %mul3A_2603 = arith.muli %add3A_2600, %mul3A_2602 : vector<16xi32>
      %add3A_2604 = arith.addi %mul3A_2603, %broadcast_in_dim3A_2516 : vector<16xi32>
      tpu.vector_store_idx %arg15[%add3A_2604], %gather3A_2597 : memref<4096xf32, #tpu.memory_space<vmem>>[vector<16xi32>], vector<16xf32>,
      %add3A_2605 = arith.constant 16 : i32
      %add3A_2606 = vector.broadcast %add3A_2605 : i32 to vector<16xi32>
      %add3A_2607 = arith.addi %iota3A, %add3A_2606 : vector<16xi32>
      %gather3A_2608 = arith.constant 5 : i32
      %gather3A_2609 = arith.constant 0 : i32
      %gather3A_2610 = arith.constant 0 : i32
      %gather3A_2611 = tpu.memref_slice %arg13[%gather3A_2608, %gather3A_2609, %gather3A_2610] : memref<8x32x128xf32, #tpu.memory_space<vmem>> -> memref<1x32x128xf32, #tpu.memory_space<vmem>>
      %gather3A_2612 = tpu.memref_squeeze %gather3A_2611 : memref<1x32x128xf32, #tpu.memory_space<vmem>> -> memref<32x128xf32, #tpu.memory_space<vmem>>
      %gather3A_2613 = tpu.vector_load_idx %gather3A_2612[%add3A_2607, %broadcast_in_dim3A_2588] : memref<32x128xf32, #tpu.memory_space<vmem>>[vector<16xi32>, vector<16xi32>], vector<16xf32>,
      %add3A_2614 = arith.constant 16 : i32
      %add3A_2615 = vector.broadcast %add3A_2614 : i32 to vector<16xi32>
      %add3A_2616 = arith.addi %iota3A, %add3A_2615 : vector<16xi32>
      %mul3A_2617 = arith.constant 128 : i32
      %mul3A_2618 = vector.broadcast %mul3A_2617 : i32 to vector<16xi32>
      %mul3A_2619 = arith.muli %add3A_2616, %mul3A_2618 : vector<16xi32>
      %add3A_2620 = arith.addi %mul3A_2619, %broadcast_in_dim3A_2516 : vector<16xi32>
      tpu.vector_store_idx %arg15[%add3A_2620], %gather3A_2613 : memref<4096xf32, #tpu.memory_space<vmem>>[vector<16xi32>], vector<16xf32>,
      %lt3A_2621 = arith.constant 15 : i32
      %lt3A_2622 = arith.cmpi slt, %scan3A_1939, %lt3A_2621 : i32
      %convert_element_type3A_2623 = arith.extui %lt3A_2622 : i1 to i32
      %cond3A_2624 = arith.constant 0 : i32
      %cond3A_2625 = arith.cmpi ne, %convert_element_type3A_2623, %cond3A_2624 : i32
      scf.if %cond3A_2625 {
        %slice3A_2854 = vector.extract_strided_slice %get3A_1943 {offsets = [13], sizes = [1], strides = [1]} : vector<16xi32> to vector<1xi32>
        %squeeze3A_2855 = vector.extract %slice3A_2854[0] : i32 from vector<1xi32>
        %shift_right_arithmetic3A_2856 = arith.constant 7 : i32
        %shift_right_arithmetic3A_2857 = arith.shrsi %squeeze3A_2855, %shift_right_arithmetic3A_2856 : i32
        %shift_left3A_2858 = arith.constant 7 : i32
        %shift_left3A_2859 = arith.shli %shift_right_arithmetic3A_2857, %shift_left3A_2858 : i32
        %multiple_of3A_2860 = tpu.assume_multiple %shift_left3A_2859, 128 : i32
        %dma_start3A_2861 = arith.constant 5 : i32
        %dma_start3A_2862 = arith.constant 0 : i32
        %dma_start3A_2863 = arith.constant 0 : i32
        %dma_start3A_2864 = tpu.memref_slice %arg12[%dma_start3A_2861, %dma_start3A_2862, %dma_start3A_2863] : memref<8x32x128xf32, #tpu.memory_space<vmem>> -> memref<1x32x128xf32, #tpu.memory_space<vmem>>
        %dma_start3A_2865 = tpu.memref_squeeze %dma_start3A_2864 : memref<1x32x128xf32, #tpu.memory_space<vmem>> -> memref<32x128xf32, #tpu.memory_space<vmem>>
        %dma_start3A_2866 = arith.constant 0 : i32
        %dma_start3A_2867 = tpu.memref_slice %arg4[%dma_start3A_2866, %multiple_of3A_2860] : memref<32x1000000xf32, #tpu.memory_space<hbm>> -> memref<32x128xf32, #tpu.memory_space<hbm>>
        %dma_start3A_2868 = arith.constant 0 : i32
        %dma_start3A_2869 = arith.constant 0 : i32
        %dma_start3A_2870 = tpu.memref_slice %arg12[%dma_start3A_2861, %dma_start3A_2868, %dma_start3A_2869] : memref<8x32x128xf32, #tpu.memory_space<vmem>> -> memref<1x32x128xf32, #tpu.memory_space<vmem>>
        %dma_start3A_2871 = tpu.memref_squeeze %dma_start3A_2870 : memref<1x32x128xf32, #tpu.memory_space<vmem>> -> memref<32x128xf32, #tpu.memory_space<vmem>>
        %dma_start3A_2872 = arith.constant 0 : i32
        %dma_start3A_2873 = tpu.memref_slice %arg4[%dma_start3A_2872, %multiple_of3A_2860] : memref<32x1000000xf32, #tpu.memory_space<hbm>> -> memref<32x128xf32, #tpu.memory_space<hbm>>
        tpu.enqueue_dma source(%dma_start3A_2873 : memref<32x128xf32, #tpu.memory_space<hbm>>) target(%dma_start3A_2871 : memref<32x128xf32, #tpu.memory_space<vmem>>) target_semaphore(%arg25 : memref<!tpu.dma_semaphore, #tpu.memory_space<semaphore_mem>>)
        %slice3A_2874 = vector.extract_strided_slice %get3A_1947 {offsets = [13], sizes = [1], strides = [1]} : vector<16xi32> to vector<1xi32>
        %squeeze3A_2875 = vector.extract %slice3A_2874[0] : i32 from vector<1xi32>
        %shift_right_arithmetic3A_2876 = arith.constant 7 : i32
        %shift_right_arithmetic3A_2877 = arith.shrsi %squeeze3A_2875, %shift_right_arithmetic3A_2876 : i32
        %shift_left3A_2878 = arith.constant 7 : i32
        %shift_left3A_2879 = arith.shli %shift_right_arithmetic3A_2877, %shift_left3A_2878 : i32
        %multiple_of3A_2880 = tpu.assume_multiple %shift_left3A_2879, 128 : i32
        %dma_start3A_2881 = arith.constant 5 : i32
        %dma_start3A_2882 = arith.constant 0 : i32
        %dma_start3A_2883 = arith.constant 0 : i32
        %dma_start3A_2884 = tpu.memref_slice %arg13[%dma_start3A_2881, %dma_start3A_2882, %dma_start3A_2883] : memref<8x32x128xf32, #tpu.memory_space<vmem>> -> memref<1x32x128xf32, #tpu.memory_space<vmem>>
        %dma_start3A_2885 = tpu.memref_squeeze %dma_start3A_2884 : memref<1x32x128xf32, #tpu.memory_space<vmem>> -> memref<32x128xf32, #tpu.memory_space<vmem>>
        %dma_start3A_2886 = arith.constant 0 : i32
        %dma_start3A_2887 = tpu.memref_slice %arg5[%dma_start3A_2886, %multiple_of3A_2880] : memref<32x100000xf32, #tpu.memory_space<hbm>> -> memref<32x128xf32, #tpu.memory_space<hbm>>
        %dma_start3A_2888 = arith.constant 0 : i32
        %dma_start3A_2889 = arith.constant 0 : i32
        %dma_start3A_2890 = tpu.memref_slice %arg13[%dma_start3A_2881, %dma_start3A_2888, %dma_start3A_2889] : memref<8x32x128xf32, #tpu.memory_space<vmem>> -> memref<1x32x128xf32, #tpu.memory_space<vmem>>
        %dma_start3A_2891 = tpu.memref_squeeze %dma_start3A_2890 : memref<1x32x128xf32, #tpu.memory_space<vmem>> -> memref<32x128xf32, #tpu.memory_space<vmem>>
        %dma_start3A_2892 = arith.constant 0 : i32
        %dma_start3A_2893 = tpu.memref_slice %arg5[%dma_start3A_2892, %multiple_of3A_2880] : memref<32x100000xf32, #tpu.memory_space<hbm>> -> memref<32x128xf32, #tpu.memory_space<hbm>>
        tpu.enqueue_dma source(%dma_start3A_2893 : memref<32x128xf32, #tpu.memory_space<hbm>>) target(%dma_start3A_2891 : memref<32x128xf32, #tpu.memory_space<vmem>>) target_semaphore(%arg33 : memref<!tpu.dma_semaphore, #tpu.memory_space<semaphore_mem>>)
      } else {
      }
      %mul3A_2626 = arith.constant 8 : i32
      %mul3A_2627 = arith.muli %scan3A_1939, %mul3A_2626 : i32
      %add3A_2628 = arith.constant 6 : i32
      %add3A_2629 = arith.addi %mul3A_2627, %add3A_2628 : i32
      %broadcast_in_dim3A_2630 = vector.broadcast %add3A_2629 : i32 to vector<16xi32>
      %dma_wait3A_2631 = arith.constant 6 : i32
      %dma_wait3A_2632 = arith.constant 0 : i32
      %dma_wait3A_2633 = arith.constant 0 : i32
      %dma_wait3A_2634 = tpu.memref_slice %arg12[%dma_wait3A_2631, %dma_wait3A_2632, %dma_wait3A_2633] : memref<8x32x128xf32, #tpu.memory_space<vmem>> -> memref<1x32x128xf32, #tpu.memory_space<vmem>>
      %dma_wait3A_2635 = tpu.memref_squeeze %dma_wait3A_2634 : memref<1x32x128xf32, #tpu.memory_space<vmem>> -> memref<32x128xf32, #tpu.memory_space<vmem>>
      %dma_wait3A_2636 = arith.constant 0 : i32
      %dma_wait3A_2637 = arith.constant 0 : i32
      %dma_wait3A_2638 = tpu.memref_slice %arg4[%dma_wait3A_2636, %dma_wait3A_2637] : memref<32x1000000xf32, #tpu.memory_space<hbm>> -> memref<32x128xf32, #tpu.memory_space<hbm>>
      %dma_wait3A_2639 = arith.constant 0 : i32
      %dma_wait3A_2640 = arith.constant 0 : i32
      %dma_wait3A_2641 = tpu.memref_slice %arg12[%dma_wait3A_2631, %dma_wait3A_2639, %dma_wait3A_2640] : memref<8x32x128xf32, #tpu.memory_space<vmem>> -> memref<1x32x128xf32, #tpu.memory_space<vmem>>
      %dma_wait3A_2642 = tpu.memref_squeeze %dma_wait3A_2641 : memref<1x32x128xf32, #tpu.memory_space<vmem>> -> memref<32x128xf32, #tpu.memory_space<vmem>>
      %dma_wait3A_2643 = arith.constant 0 : i32
      %dma_wait3A_2644 = arith.constant 0 : i32
      %dma_wait3A_2645 = tpu.memref_slice %arg4[%dma_wait3A_2643, %dma_wait3A_2644] : memref<32x1000000xf32, #tpu.memory_space<hbm>> -> memref<32x128xf32, #tpu.memory_space<hbm>>
      tpu.wait_dma2 semaphore(%arg26 : memref<!tpu.dma_semaphore, #tpu.memory_space<semaphore_mem>>) src(%dma_wait3A_2645 : memref<32x128xf32, #tpu.memory_space<hbm>>) dst(%dma_wait3A_2642 : memref<32x128xf32, #tpu.memory_space<vmem>>)
      %slice3A_2646 = vector.extract_strided_slice %get3A_1943 {offsets = [6], sizes = [1], strides = [1]} : vector<16xi32> to vector<1xi32>
      %squeeze3A_2647 = vector.extract %slice3A_2646[0] : i32 from vector<1xi32>
      %and3A_2648 = arith.constant 127 : i32
      %and3A_2649 = arith.andi %squeeze3A_2647, %and3A_2648 : i32
      %broadcast_in_dim3A_2650 = vector.broadcast %and3A_2649 : i32 to vector<16xi32>
      %add3A_2651 = arith.constant 0 : i32
      %add3A_2652 = vector.broadcast %add3A_2651 : i32 to vector<16xi32>
      %add3A_2653 = arith.addi %iota3A, %add3A_2652 : vector<16xi32>
      %gather3A_2654 = arith.constant 6 : i32
      %gather3A_2655 = arith.constant 0 : i32
      %gather3A_2656 = arith.constant 0 : i32
      %gather3A_2657 = tpu.memref_slice %arg12[%gather3A_2654, %gather3A_2655, %gather3A_2656] : memref<8x32x128xf32, #tpu.memory_space<vmem>> -> memref<1x32x128xf32, #tpu.memory_space<vmem>>
      %gather3A_2658 = tpu.memref_squeeze %gather3A_2657 : memref<1x32x128xf32, #tpu.memory_space<vmem>> -> memref<32x128xf32, #tpu.memory_space<vmem>>
      %gather3A_2659 = tpu.vector_load_idx %gather3A_2658[%add3A_2653, %broadcast_in_dim3A_2650] : memref<32x128xf32, #tpu.memory_space<vmem>>[vector<16xi32>, vector<16xi32>], vector<16xf32>,
      %add3A_2660 = arith.constant 0 : i32
      %add3A_2661 = vector.broadcast %add3A_2660 : i32 to vector<16xi32>
      %add3A_2662 = arith.addi %iota3A, %add3A_2661 : vector<16xi32>
      %mul3A_2663 = arith.constant 128 : i32
      %mul3A_2664 = vector.broadcast %mul3A_2663 : i32 to vector<16xi32>
      %mul3A_2665 = arith.muli %add3A_2662, %mul3A_2664 : vector<16xi32>
      %add3A_2666 = arith.addi %mul3A_2665, %broadcast_in_dim3A_2630 : vector<16xi32>
      tpu.vector_store_idx %arg14[%add3A_2666], %gather3A_2659 : memref<4096xf32, #tpu.memory_space<vmem>>[vector<16xi32>], vector<16xf32>,
      %add3A_2667 = arith.constant 16 : i32
      %add3A_2668 = vector.broadcast %add3A_2667 : i32 to vector<16xi32>
      %add3A_2669 = arith.addi %iota3A, %add3A_2668 : vector<16xi32>
      %gather3A_2670 = arith.constant 6 : i32
      %gather3A_2671 = arith.constant 0 : i32
      %gather3A_2672 = arith.constant 0 : i32
      %gather3A_2673 = tpu.memref_slice %arg12[%gather3A_2670, %gather3A_2671, %gather3A_2672] : memref<8x32x128xf32, #tpu.memory_space<vmem>> -> memref<1x32x128xf32, #tpu.memory_space<vmem>>
      %gather3A_2674 = tpu.memref_squeeze %gather3A_2673 : memref<1x32x128xf32, #tpu.memory_space<vmem>> -> memref<32x128xf32, #tpu.memory_space<vmem>>
      %gather3A_2675 = tpu.vector_load_idx %gather3A_2674[%add3A_2669, %broadcast_in_dim3A_2650] : memref<32x128xf32, #tpu.memory_space<vmem>>[vector<16xi32>, vector<16xi32>], vector<16xf32>,
      %add3A_2676 = arith.constant 16 : i32
      %add3A_2677 = vector.broadcast %add3A_2676 : i32 to vector<16xi32>
      %add3A_2678 = arith.addi %iota3A, %add3A_2677 : vector<16xi32>
      %mul3A_2679 = arith.constant 128 : i32
      %mul3A_2680 = vector.broadcast %mul3A_2679 : i32 to vector<16xi32>
      %mul3A_2681 = arith.muli %add3A_2678, %mul3A_2680 : vector<16xi32>
      %add3A_2682 = arith.addi %mul3A_2681, %broadcast_in_dim3A_2630 : vector<16xi32>
      tpu.vector_store_idx %arg14[%add3A_2682], %gather3A_2675 : memref<4096xf32, #tpu.memory_space<vmem>>[vector<16xi32>], vector<16xf32>,
      %dma_wait3A_2683 = arith.constant 6 : i32
      %dma_wait3A_2684 = arith.constant 0 : i32
      %dma_wait3A_2685 = arith.constant 0 : i32
      %dma_wait3A_2686 = tpu.memref_slice %arg13[%dma_wait3A_2683, %dma_wait3A_2684, %dma_wait3A_2685] : memref<8x32x128xf32, #tpu.memory_space<vmem>> -> memref<1x32x128xf32, #tpu.memory_space<vmem>>
      %dma_wait3A_2687 = tpu.memref_squeeze %dma_wait3A_2686 : memref<1x32x128xf32, #tpu.memory_space<vmem>> -> memref<32x128xf32, #tpu.memory_space<vmem>>
      %dma_wait3A_2688 = arith.constant 0 : i32
      %dma_wait3A_2689 = arith.constant 0 : i32
      %dma_wait3A_2690 = tpu.memref_slice %arg5[%dma_wait3A_2688, %dma_wait3A_2689] : memref<32x100000xf32, #tpu.memory_space<hbm>> -> memref<32x128xf32, #tpu.memory_space<hbm>>
      %dma_wait3A_2691 = arith.constant 0 : i32
      %dma_wait3A_2692 = arith.constant 0 : i32
      %dma_wait3A_2693 = tpu.memref_slice %arg13[%dma_wait3A_2683, %dma_wait3A_2691, %dma_wait3A_2692] : memref<8x32x128xf32, #tpu.memory_space<vmem>> -> memref<1x32x128xf32, #tpu.memory_space<vmem>>
      %dma_wait3A_2694 = tpu.memref_squeeze %dma_wait3A_2693 : memref<1x32x128xf32, #tpu.memory_space<vmem>> -> memref<32x128xf32, #tpu.memory_space<vmem>>
      %dma_wait3A_2695 = arith.constant 0 : i32
      %dma_wait3A_2696 = arith.constant 0 : i32
      %dma_wait3A_2697 = tpu.memref_slice %arg5[%dma_wait3A_2695, %dma_wait3A_2696] : memref<32x100000xf32, #tpu.memory_space<hbm>> -> memref<32x128xf32, #tpu.memory_space<hbm>>
      tpu.wait_dma2 semaphore(%arg34 : memref<!tpu.dma_semaphore, #tpu.memory_space<semaphore_mem>>) src(%dma_wait3A_2697 : memref<32x128xf32, #tpu.memory_space<hbm>>) dst(%dma_wait3A_2694 : memref<32x128xf32, #tpu.memory_space<vmem>>)
      %slice3A_2698 = vector.extract_strided_slice %get3A_1947 {offsets = [6], sizes = [1], strides = [1]} : vector<16xi32> to vector<1xi32>
      %squeeze3A_2699 = vector.extract %slice3A_2698[0] : i32 from vector<1xi32>
      %and3A_2700 = arith.constant 127 : i32
      %and3A_2701 = arith.andi %squeeze3A_2699, %and3A_2700 : i32
      %broadcast_in_dim3A_2702 = vector.broadcast %and3A_2701 : i32 to vector<16xi32>
      %add3A_2703 = arith.constant 0 : i32
      %add3A_2704 = vector.broadcast %add3A_2703 : i32 to vector<16xi32>
      %add3A_2705 = arith.addi %iota3A, %add3A_2704 : vector<16xi32>
      %gather3A_2706 = arith.constant 6 : i32
      %gather3A_2707 = arith.constant 0 : i32
      %gather3A_2708 = arith.constant 0 : i32
      %gather3A_2709 = tpu.memref_slice %arg13[%gather3A_2706, %gather3A_2707, %gather3A_2708] : memref<8x32x128xf32, #tpu.memory_space<vmem>> -> memref<1x32x128xf32, #tpu.memory_space<vmem>>
      %gather3A_2710 = tpu.memref_squeeze %gather3A_2709 : memref<1x32x128xf32, #tpu.memory_space<vmem>> -> memref<32x128xf32, #tpu.memory_space<vmem>>
      %gather3A_2711 = tpu.vector_load_idx %gather3A_2710[%add3A_2705, %broadcast_in_dim3A_2702] : memref<32x128xf32, #tpu.memory_space<vmem>>[vector<16xi32>, vector<16xi32>], vector<16xf32>,
      %add3A_2712 = arith.constant 0 : i32
      %add3A_2713 = vector.broadcast %add3A_2712 : i32 to vector<16xi32>
      %add3A_2714 = arith.addi %iota3A, %add3A_2713 : vector<16xi32>
      %mul3A_2715 = arith.constant 128 : i32
      %mul3A_2716 = vector.broadcast %mul3A_2715 : i32 to vector<16xi32>
      %mul3A_2717 = arith.muli %add3A_2714, %mul3A_2716 : vector<16xi32>
      %add3A_2718 = arith.addi %mul3A_2717, %broadcast_in_dim3A_2630 : vector<16xi32>
      tpu.vector_store_idx %arg15[%add3A_2718], %gather3A_2711 : memref<4096xf32, #tpu.memory_space<vmem>>[vector<16xi32>], vector<16xf32>,
      %add3A_2719 = arith.constant 16 : i32
      %add3A_2720 = vector.broadcast %add3A_2719 : i32 to vector<16xi32>
      %add3A_2721 = arith.addi %iota3A, %add3A_2720 : vector<16xi32>
      %gather3A_2722 = arith.constant 6 : i32
      %gather3A_2723 = arith.constant 0 : i32
      %gather3A_2724 = arith.constant 0 : i32
      %gather3A_2725 = tpu.memref_slice %arg13[%gather3A_2722, %gather3A_2723, %gather3A_2724] : memref<8x32x128xf32, #tpu.memory_space<vmem>> -> memref<1x32x128xf32, #tpu.memory_space<vmem>>
      %gather3A_2726 = tpu.memref_squeeze %gather3A_2725 : memref<1x32x128xf32, #tpu.memory_space<vmem>> -> memref<32x128xf32, #tpu.memory_space<vmem>>
      %gather3A_2727 = tpu.vector_load_idx %gather3A_2726[%add3A_2721, %broadcast_in_dim3A_2702] : memref<32x128xf32, #tpu.memory_space<vmem>>[vector<16xi32>, vector<16xi32>], vector<16xf32>,
      %add3A_2728 = arith.constant 16 : i32
      %add3A_2729 = vector.broadcast %add3A_2728 : i32 to vector<16xi32>
      %add3A_2730 = arith.addi %iota3A, %add3A_2729 : vector<16xi32>
      %mul3A_2731 = arith.constant 128 : i32
      %mul3A_2732 = vector.broadcast %mul3A_2731 : i32 to vector<16xi32>
      %mul3A_2733 = arith.muli %add3A_2730, %mul3A_2732 : vector<16xi32>
      %add3A_2734 = arith.addi %mul3A_2733, %broadcast_in_dim3A_2630 : vector<16xi32>
      tpu.vector_store_idx %arg15[%add3A_2734], %gather3A_2727 : memref<4096xf32, #tpu.memory_space<vmem>>[vector<16xi32>], vector<16xf32>,
      %lt3A_2735 = arith.constant 15 : i32
      %lt3A_2736 = arith.cmpi slt, %scan3A_1939, %lt3A_2735 : i32
      %convert_element_type3A_2737 = arith.extui %lt3A_2736 : i1 to i32
      %cond3A_2738 = arith.constant 0 : i32
      %cond3A_2739 = arith.cmpi ne, %convert_element_type3A_2737, %cond3A_2738 : i32
      scf.if %cond3A_2739 {
        %slice3A_2854 = vector.extract_strided_slice %get3A_1943 {offsets = [14], sizes = [1], strides = [1]} : vector<16xi32> to vector<1xi32>
        %squeeze3A_2855 = vector.extract %slice3A_2854[0] : i32 from vector<1xi32>
        %shift_right_arithmetic3A_2856 = arith.constant 7 : i32
        %shift_right_arithmetic3A_2857 = arith.shrsi %squeeze3A_2855, %shift_right_arithmetic3A_2856 : i32
        %shift_left3A_2858 = arith.constant 7 : i32
        %shift_left3A_2859 = arith.shli %shift_right_arithmetic3A_2857, %shift_left3A_2858 : i32
        %multiple_of3A_2860 = tpu.assume_multiple %shift_left3A_2859, 128 : i32
        %dma_start3A_2861 = arith.constant 6 : i32
        %dma_start3A_2862 = arith.constant 0 : i32
        %dma_start3A_2863 = arith.constant 0 : i32
        %dma_start3A_2864 = tpu.memref_slice %arg12[%dma_start3A_2861, %dma_start3A_2862, %dma_start3A_2863] : memref<8x32x128xf32, #tpu.memory_space<vmem>> -> memref<1x32x128xf32, #tpu.memory_space<vmem>>
        %dma_start3A_2865 = tpu.memref_squeeze %dma_start3A_2864 : memref<1x32x128xf32, #tpu.memory_space<vmem>> -> memref<32x128xf32, #tpu.memory_space<vmem>>
        %dma_start3A_2866 = arith.constant 0 : i32
        %dma_start3A_2867 = tpu.memref_slice %arg4[%dma_start3A_2866, %multiple_of3A_2860] : memref<32x1000000xf32, #tpu.memory_space<hbm>> -> memref<32x128xf32, #tpu.memory_space<hbm>>
        %dma_start3A_2868 = arith.constant 0 : i32
        %dma_start3A_2869 = arith.constant 0 : i32
        %dma_start3A_2870 = tpu.memref_slice %arg12[%dma_start3A_2861, %dma_start3A_2868, %dma_start3A_2869] : memref<8x32x128xf32, #tpu.memory_space<vmem>> -> memref<1x32x128xf32, #tpu.memory_space<vmem>>
        %dma_start3A_2871 = tpu.memref_squeeze %dma_start3A_2870 : memref<1x32x128xf32, #tpu.memory_space<vmem>> -> memref<32x128xf32, #tpu.memory_space<vmem>>
        %dma_start3A_2872 = arith.constant 0 : i32
        %dma_start3A_2873 = tpu.memref_slice %arg4[%dma_start3A_2872, %multiple_of3A_2860] : memref<32x1000000xf32, #tpu.memory_space<hbm>> -> memref<32x128xf32, #tpu.memory_space<hbm>>
        tpu.enqueue_dma source(%dma_start3A_2873 : memref<32x128xf32, #tpu.memory_space<hbm>>) target(%dma_start3A_2871 : memref<32x128xf32, #tpu.memory_space<vmem>>) target_semaphore(%arg26 : memref<!tpu.dma_semaphore, #tpu.memory_space<semaphore_mem>>)
        %slice3A_2874 = vector.extract_strided_slice %get3A_1947 {offsets = [14], sizes = [1], strides = [1]} : vector<16xi32> to vector<1xi32>
        %squeeze3A_2875 = vector.extract %slice3A_2874[0] : i32 from vector<1xi32>
        %shift_right_arithmetic3A_2876 = arith.constant 7 : i32
        %shift_right_arithmetic3A_2877 = arith.shrsi %squeeze3A_2875, %shift_right_arithmetic3A_2876 : i32
        %shift_left3A_2878 = arith.constant 7 : i32
        %shift_left3A_2879 = arith.shli %shift_right_arithmetic3A_2877, %shift_left3A_2878 : i32
        %multiple_of3A_2880 = tpu.assume_multiple %shift_left3A_2879, 128 : i32
        %dma_start3A_2881 = arith.constant 6 : i32
        %dma_start3A_2882 = arith.constant 0 : i32
        %dma_start3A_2883 = arith.constant 0 : i32
        %dma_start3A_2884 = tpu.memref_slice %arg13[%dma_start3A_2881, %dma_start3A_2882, %dma_start3A_2883] : memref<8x32x128xf32, #tpu.memory_space<vmem>> -> memref<1x32x128xf32, #tpu.memory_space<vmem>>
        %dma_start3A_2885 = tpu.memref_squeeze %dma_start3A_2884 : memref<1x32x128xf32, #tpu.memory_space<vmem>> -> memref<32x128xf32, #tpu.memory_space<vmem>>
        %dma_start3A_2886 = arith.constant 0 : i32
        %dma_start3A_2887 = tpu.memref_slice %arg5[%dma_start3A_2886, %multiple_of3A_2880] : memref<32x100000xf32, #tpu.memory_space<hbm>> -> memref<32x128xf32, #tpu.memory_space<hbm>>
        %dma_start3A_2888 = arith.constant 0 : i32
        %dma_start3A_2889 = arith.constant 0 : i32
        %dma_start3A_2890 = tpu.memref_slice %arg13[%dma_start3A_2881, %dma_start3A_2888, %dma_start3A_2889] : memref<8x32x128xf32, #tpu.memory_space<vmem>> -> memref<1x32x128xf32, #tpu.memory_space<vmem>>
        %dma_start3A_2891 = tpu.memref_squeeze %dma_start3A_2890 : memref<1x32x128xf32, #tpu.memory_space<vmem>> -> memref<32x128xf32, #tpu.memory_space<vmem>>
        %dma_start3A_2892 = arith.constant 0 : i32
        %dma_start3A_2893 = tpu.memref_slice %arg5[%dma_start3A_2892, %multiple_of3A_2880] : memref<32x100000xf32, #tpu.memory_space<hbm>> -> memref<32x128xf32, #tpu.memory_space<hbm>>
        tpu.enqueue_dma source(%dma_start3A_2893 : memref<32x128xf32, #tpu.memory_space<hbm>>) target(%dma_start3A_2891 : memref<32x128xf32, #tpu.memory_space<vmem>>) target_semaphore(%arg34 : memref<!tpu.dma_semaphore, #tpu.memory_space<semaphore_mem>>)
      } else {
      }
      %mul3A_2740 = arith.constant 8 : i32
      %mul3A_2741 = arith.muli %scan3A_1939, %mul3A_2740 : i32
      %add3A_2742 = arith.constant 7 : i32
      %add3A_2743 = arith.addi %mul3A_2741, %add3A_2742 : i32
      %broadcast_in_dim3A_2744 = vector.broadcast %add3A_2743 : i32 to vector<16xi32>
      %dma_wait3A_2745 = arith.constant 7 : i32
      %dma_wait3A_2746 = arith.constant 0 : i32
      %dma_wait3A_2747 = arith.constant 0 : i32
      %dma_wait3A_2748 = tpu.memref_slice %arg12[%dma_wait3A_2745, %dma_wait3A_2746, %dma_wait3A_2747] : memref<8x32x128xf32, #tpu.memory_space<vmem>> -> memref<1x32x128xf32, #tpu.memory_space<vmem>>
      %dma_wait3A_2749 = tpu.memref_squeeze %dma_wait3A_2748 : memref<1x32x128xf32, #tpu.memory_space<vmem>> -> memref<32x128xf32, #tpu.memory_space<vmem>>
      %dma_wait3A_2750 = arith.constant 0 : i32
      %dma_wait3A_2751 = arith.constant 0 : i32
      %dma_wait3A_2752 = tpu.memref_slice %arg4[%dma_wait3A_2750, %dma_wait3A_2751] : memref<32x1000000xf32, #tpu.memory_space<hbm>> -> memref<32x128xf32, #tpu.memory_space<hbm>>
      %dma_wait3A_2753 = arith.constant 0 : i32
      %dma_wait3A_2754 = arith.constant 0 : i32
      %dma_wait3A_2755 = tpu.memref_slice %arg12[%dma_wait3A_2745, %dma_wait3A_2753, %dma_wait3A_2754] : memref<8x32x128xf32, #tpu.memory_space<vmem>> -> memref<1x32x128xf32, #tpu.memory_space<vmem>>
      %dma_wait3A_2756 = tpu.memref_squeeze %dma_wait3A_2755 : memref<1x32x128xf32, #tpu.memory_space<vmem>> -> memref<32x128xf32, #tpu.memory_space<vmem>>
      %dma_wait3A_2757 = arith.constant 0 : i32
      %dma_wait3A_2758 = arith.constant 0 : i32
      %dma_wait3A_2759 = tpu.memref_slice %arg4[%dma_wait3A_2757, %dma_wait3A_2758] : memref<32x1000000xf32, #tpu.memory_space<hbm>> -> memref<32x128xf32, #tpu.memory_space<hbm>>
      tpu.wait_dma2 semaphore(%arg27 : memref<!tpu.dma_semaphore, #tpu.memory_space<semaphore_mem>>) src(%dma_wait3A_2759 : memref<32x128xf32, #tpu.memory_space<hbm>>) dst(%dma_wait3A_2756 : memref<32x128xf32, #tpu.memory_space<vmem>>)
      %slice3A_2760 = vector.extract_strided_slice %get3A_1943 {offsets = [7], sizes = [1], strides = [1]} : vector<16xi32> to vector<1xi32>
      %squeeze3A_2761 = vector.extract %slice3A_2760[0] : i32 from vector<1xi32>
      %and3A_2762 = arith.constant 127 : i32
      %and3A_2763 = arith.andi %squeeze3A_2761, %and3A_2762 : i32
      %broadcast_in_dim3A_2764 = vector.broadcast %and3A_2763 : i32 to vector<16xi32>
      %add3A_2765 = arith.constant 0 : i32
      %add3A_2766 = vector.broadcast %add3A_2765 : i32 to vector<16xi32>
      %add3A_2767 = arith.addi %iota3A, %add3A_2766 : vector<16xi32>
      %gather3A_2768 = arith.constant 7 : i32
      %gather3A_2769 = arith.constant 0 : i32
      %gather3A_2770 = arith.constant 0 : i32
      %gather3A_2771 = tpu.memref_slice %arg12[%gather3A_2768, %gather3A_2769, %gather3A_2770] : memref<8x32x128xf32, #tpu.memory_space<vmem>> -> memref<1x32x128xf32, #tpu.memory_space<vmem>>
      %gather3A_2772 = tpu.memref_squeeze %gather3A_2771 : memref<1x32x128xf32, #tpu.memory_space<vmem>> -> memref<32x128xf32, #tpu.memory_space<vmem>>
      %gather3A_2773 = tpu.vector_load_idx %gather3A_2772[%add3A_2767, %broadcast_in_dim3A_2764] : memref<32x128xf32, #tpu.memory_space<vmem>>[vector<16xi32>, vector<16xi32>], vector<16xf32>,
      %add3A_2774 = arith.constant 0 : i32
      %add3A_2775 = vector.broadcast %add3A_2774 : i32 to vector<16xi32>
      %add3A_2776 = arith.addi %iota3A, %add3A_2775 : vector<16xi32>
      %mul3A_2777 = arith.constant 128 : i32
      %mul3A_2778 = vector.broadcast %mul3A_2777 : i32 to vector<16xi32>
      %mul3A_2779 = arith.muli %add3A_2776, %mul3A_2778 : vector<16xi32>
      %add3A_2780 = arith.addi %mul3A_2779, %broadcast_in_dim3A_2744 : vector<16xi32>
      tpu.vector_store_idx %arg14[%add3A_2780], %gather3A_2773 : memref<4096xf32, #tpu.memory_space<vmem>>[vector<16xi32>], vector<16xf32>,
      %add3A_2781 = arith.constant 16 : i32
      %add3A_2782 = vector.broadcast %add3A_2781 : i32 to vector<16xi32>
      %add3A_2783 = arith.addi %iota3A, %add3A_2782 : vector<16xi32>
      %gather3A_2784 = arith.constant 7 : i32
      %gather3A_2785 = arith.constant 0 : i32
      %gather3A_2786 = arith.constant 0 : i32
      %gather3A_2787 = tpu.memref_slice %arg12[%gather3A_2784, %gather3A_2785, %gather3A_2786] : memref<8x32x128xf32, #tpu.memory_space<vmem>> -> memref<1x32x128xf32, #tpu.memory_space<vmem>>
      %gather3A_2788 = tpu.memref_squeeze %gather3A_2787 : memref<1x32x128xf32, #tpu.memory_space<vmem>> -> memref<32x128xf32, #tpu.memory_space<vmem>>
      %gather3A_2789 = tpu.vector_load_idx %gather3A_2788[%add3A_2783, %broadcast_in_dim3A_2764] : memref<32x128xf32, #tpu.memory_space<vmem>>[vector<16xi32>, vector<16xi32>], vector<16xf32>,
      %add3A_2790 = arith.constant 16 : i32
      %add3A_2791 = vector.broadcast %add3A_2790 : i32 to vector<16xi32>
      %add3A_2792 = arith.addi %iota3A, %add3A_2791 : vector<16xi32>
      %mul3A_2793 = arith.constant 128 : i32
      %mul3A_2794 = vector.broadcast %mul3A_2793 : i32 to vector<16xi32>
      %mul3A_2795 = arith.muli %add3A_2792, %mul3A_2794 : vector<16xi32>
      %add3A_2796 = arith.addi %mul3A_2795, %broadcast_in_dim3A_2744 : vector<16xi32>
      tpu.vector_store_idx %arg14[%add3A_2796], %gather3A_2789 : memref<4096xf32, #tpu.memory_space<vmem>>[vector<16xi32>], vector<16xf32>,
      %dma_wait3A_2797 = arith.constant 7 : i32
      %dma_wait3A_2798 = arith.constant 0 : i32
      %dma_wait3A_2799 = arith.constant 0 : i32
      %dma_wait3A_2800 = tpu.memref_slice %arg13[%dma_wait3A_2797, %dma_wait3A_2798, %dma_wait3A_2799] : memref<8x32x128xf32, #tpu.memory_space<vmem>> -> memref<1x32x128xf32, #tpu.memory_space<vmem>>
      %dma_wait3A_2801 = tpu.memref_squeeze %dma_wait3A_2800 : memref<1x32x128xf32, #tpu.memory_space<vmem>> -> memref<32x128xf32, #tpu.memory_space<vmem>>
      %dma_wait3A_2802 = arith.constant 0 : i32
      %dma_wait3A_2803 = arith.constant 0 : i32
      %dma_wait3A_2804 = tpu.memref_slice %arg5[%dma_wait3A_2802, %dma_wait3A_2803] : memref<32x100000xf32, #tpu.memory_space<hbm>> -> memref<32x128xf32, #tpu.memory_space<hbm>>
      %dma_wait3A_2805 = arith.constant 0 : i32
      %dma_wait3A_2806 = arith.constant 0 : i32
      %dma_wait3A_2807 = tpu.memref_slice %arg13[%dma_wait3A_2797, %dma_wait3A_2805, %dma_wait3A_2806] : memref<8x32x128xf32, #tpu.memory_space<vmem>> -> memref<1x32x128xf32, #tpu.memory_space<vmem>>
      %dma_wait3A_2808 = tpu.memref_squeeze %dma_wait3A_2807 : memref<1x32x128xf32, #tpu.memory_space<vmem>> -> memref<32x128xf32, #tpu.memory_space<vmem>>
      %dma_wait3A_2809 = arith.constant 0 : i32
      %dma_wait3A_2810 = arith.constant 0 : i32
      %dma_wait3A_2811 = tpu.memref_slice %arg5[%dma_wait3A_2809, %dma_wait3A_2810] : memref<32x100000xf32, #tpu.memory_space<hbm>> -> memref<32x128xf32, #tpu.memory_space<hbm>>
      tpu.wait_dma2 semaphore(%arg35 : memref<!tpu.dma_semaphore, #tpu.memory_space<semaphore_mem>>) src(%dma_wait3A_2811 : memref<32x128xf32, #tpu.memory_space<hbm>>) dst(%dma_wait3A_2808 : memref<32x128xf32, #tpu.memory_space<vmem>>)
      %slice3A_2812 = vector.extract_strided_slice %get3A_1947 {offsets = [7], sizes = [1], strides = [1]} : vector<16xi32> to vector<1xi32>
      %squeeze3A_2813 = vector.extract %slice3A_2812[0] : i32 from vector<1xi32>
      %and3A_2814 = arith.constant 127 : i32
      %and3A_2815 = arith.andi %squeeze3A_2813, %and3A_2814 : i32
      %broadcast_in_dim3A_2816 = vector.broadcast %and3A_2815 : i32 to vector<16xi32>
      %add3A_2817 = arith.constant 0 : i32
      %add3A_2818 = vector.broadcast %add3A_2817 : i32 to vector<16xi32>
      %add3A_2819 = arith.addi %iota3A, %add3A_2818 : vector<16xi32>
      %gather3A_2820 = arith.constant 7 : i32
      %gather3A_2821 = arith.constant 0 : i32
      %gather3A_2822 = arith.constant 0 : i32
      %gather3A_2823 = tpu.memref_slice %arg13[%gather3A_2820, %gather3A_2821, %gather3A_2822] : memref<8x32x128xf32, #tpu.memory_space<vmem>> -> memref<1x32x128xf32, #tpu.memory_space<vmem>>
      %gather3A_2824 = tpu.memref_squeeze %gather3A_2823 : memref<1x32x128xf32, #tpu.memory_space<vmem>> -> memref<32x128xf32, #tpu.memory_space<vmem>>
      %gather3A_2825 = tpu.vector_load_idx %gather3A_2824[%add3A_2819, %broadcast_in_dim3A_2816] : memref<32x128xf32, #tpu.memory_space<vmem>>[vector<16xi32>, vector<16xi32>], vector<16xf32>,
      %add3A_2826 = arith.constant 0 : i32
      %add3A_2827 = vector.broadcast %add3A_2826 : i32 to vector<16xi32>
      %add3A_2828 = arith.addi %iota3A, %add3A_2827 : vector<16xi32>
      %mul3A_2829 = arith.constant 128 : i32
      %mul3A_2830 = vector.broadcast %mul3A_2829 : i32 to vector<16xi32>
      %mul3A_2831 = arith.muli %add3A_2828, %mul3A_2830 : vector<16xi32>
      %add3A_2832 = arith.addi %mul3A_2831, %broadcast_in_dim3A_2744 : vector<16xi32>
      tpu.vector_store_idx %arg15[%add3A_2832], %gather3A_2825 : memref<4096xf32, #tpu.memory_space<vmem>>[vector<16xi32>], vector<16xf32>,
      %add3A_2833 = arith.constant 16 : i32
      %add3A_2834 = vector.broadcast %add3A_2833 : i32 to vector<16xi32>
      %add3A_2835 = arith.addi %iota3A, %add3A_2834 : vector<16xi32>
      %gather3A_2836 = arith.constant 7 : i32
      %gather3A_2837 = arith.constant 0 : i32
      %gather3A_2838 = arith.constant 0 : i32
      %gather3A_2839 = tpu.memref_slice %arg13[%gather3A_2836, %gather3A_2837, %gather3A_2838] : memref<8x32x128xf32, #tpu.memory_space<vmem>> -> memref<1x32x128xf32, #tpu.memory_space<vmem>>
      %gather3A_2840 = tpu.memref_squeeze %gather3A_2839 : memref<1x32x128xf32, #tpu.memory_space<vmem>> -> memref<32x128xf32, #tpu.memory_space<vmem>>
      %gather3A_2841 = tpu.vector_load_idx %gather3A_2840[%add3A_2835, %broadcast_in_dim3A_2816] : memref<32x128xf32, #tpu.memory_space<vmem>>[vector<16xi32>, vector<16xi32>], vector<16xf32>,
      %add3A_2842 = arith.constant 16 : i32
      %add3A_2843 = vector.broadcast %add3A_2842 : i32 to vector<16xi32>
      %add3A_2844 = arith.addi %iota3A, %add3A_2843 : vector<16xi32>
      %mul3A_2845 = arith.constant 128 : i32
      %mul3A_2846 = vector.broadcast %mul3A_2845 : i32 to vector<16xi32>
      %mul3A_2847 = arith.muli %add3A_2844, %mul3A_2846 : vector<16xi32>
      %add3A_2848 = arith.addi %mul3A_2847, %broadcast_in_dim3A_2744 : vector<16xi32>
      tpu.vector_store_idx %arg15[%add3A_2848], %gather3A_2841 : memref<4096xf32, #tpu.memory_space<vmem>>[vector<16xi32>], vector<16xf32>,
      %lt3A_2849 = arith.constant 15 : i32
      %lt3A_2850 = arith.cmpi slt, %scan3A_1939, %lt3A_2849 : i32
      %convert_element_type3A_2851 = arith.extui %lt3A_2850 : i1 to i32
      %cond3A_2852 = arith.constant 0 : i32
      %cond3A_2853 = arith.cmpi ne, %convert_element_type3A_2851, %cond3A_2852 : i32
      scf.if %cond3A_2853 {
        %slice3A_2854 = vector.extract_strided_slice %get3A_1943 {offsets = [15], sizes = [1], strides = [1]} : vector<16xi32> to vector<1xi32>
        %squeeze3A_2855 = vector.extract %slice3A_2854[0] : i32 from vector<1xi32>
        %shift_right_arithmetic3A_2856 = arith.constant 7 : i32
        %shift_right_arithmetic3A_2857 = arith.shrsi %squeeze3A_2855, %shift_right_arithmetic3A_2856 : i32
        %shift_left3A_2858 = arith.constant 7 : i32
        %shift_left3A_2859 = arith.shli %shift_right_arithmetic3A_2857, %shift_left3A_2858 : i32
        %multiple_of3A_2860 = tpu.assume_multiple %shift_left3A_2859, 128 : i32
        %dma_start3A_2861 = arith.constant 7 : i32
        %dma_start3A_2862 = arith.constant 0 : i32
        %dma_start3A_2863 = arith.constant 0 : i32
        %dma_start3A_2864 = tpu.memref_slice %arg12[%dma_start3A_2861, %dma_start3A_2862, %dma_start3A_2863] : memref<8x32x128xf32, #tpu.memory_space<vmem>> -> memref<1x32x128xf32, #tpu.memory_space<vmem>>
        %dma_start3A_2865 = tpu.memref_squeeze %dma_start3A_2864 : memref<1x32x128xf32, #tpu.memory_space<vmem>> -> memref<32x128xf32, #tpu.memory_space<vmem>>
        %dma_start3A_2866 = arith.constant 0 : i32
        %dma_start3A_2867 = tpu.memref_slice %arg4[%dma_start3A_2866, %multiple_of3A_2860] : memref<32x1000000xf32, #tpu.memory_space<hbm>> -> memref<32x128xf32, #tpu.memory_space<hbm>>
        %dma_start3A_2868 = arith.constant 0 : i32
        %dma_start3A_2869 = arith.constant 0 : i32
        %dma_start3A_2870 = tpu.memref_slice %arg12[%dma_start3A_2861, %dma_start3A_2868, %dma_start3A_2869] : memref<8x32x128xf32, #tpu.memory_space<vmem>> -> memref<1x32x128xf32, #tpu.memory_space<vmem>>
        %dma_start3A_2871 = tpu.memref_squeeze %dma_start3A_2870 : memref<1x32x128xf32, #tpu.memory_space<vmem>> -> memref<32x128xf32, #tpu.memory_space<vmem>>
        %dma_start3A_2872 = arith.constant 0 : i32
        %dma_start3A_2873 = tpu.memref_slice %arg4[%dma_start3A_2872, %multiple_of3A_2860] : memref<32x1000000xf32, #tpu.memory_space<hbm>> -> memref<32x128xf32, #tpu.memory_space<hbm>>
        tpu.enqueue_dma source(%dma_start3A_2873 : memref<32x128xf32, #tpu.memory_space<hbm>>) target(%dma_start3A_2871 : memref<32x128xf32, #tpu.memory_space<vmem>>) target_semaphore(%arg27 : memref<!tpu.dma_semaphore, #tpu.memory_space<semaphore_mem>>)
        %slice3A_2874 = vector.extract_strided_slice %get3A_1947 {offsets = [15], sizes = [1], strides = [1]} : vector<16xi32> to vector<1xi32>
        %squeeze3A_2875 = vector.extract %slice3A_2874[0] : i32 from vector<1xi32>
        %shift_right_arithmetic3A_2876 = arith.constant 7 : i32
        %shift_right_arithmetic3A_2877 = arith.shrsi %squeeze3A_2875, %shift_right_arithmetic3A_2876 : i32
        %shift_left3A_2878 = arith.constant 7 : i32
        %shift_left3A_2879 = arith.shli %shift_right_arithmetic3A_2877, %shift_left3A_2878 : i32
        %multiple_of3A_2880 = tpu.assume_multiple %shift_left3A_2879, 128 : i32
        %dma_start3A_2881 = arith.constant 7 : i32
        %dma_start3A_2882 = arith.constant 0 : i32
        %dma_start3A_2883 = arith.constant 0 : i32
        %dma_start3A_2884 = tpu.memref_slice %arg13[%dma_start3A_2881, %dma_start3A_2882, %dma_start3A_2883] : memref<8x32x128xf32, #tpu.memory_space<vmem>> -> memref<1x32x128xf32, #tpu.memory_space<vmem>>
        %dma_start3A_2885 = tpu.memref_squeeze %dma_start3A_2884 : memref<1x32x128xf32, #tpu.memory_space<vmem>> -> memref<32x128xf32, #tpu.memory_space<vmem>>
        %dma_start3A_2886 = arith.constant 0 : i32
        %dma_start3A_2887 = tpu.memref_slice %arg5[%dma_start3A_2886, %multiple_of3A_2880] : memref<32x100000xf32, #tpu.memory_space<hbm>> -> memref<32x128xf32, #tpu.memory_space<hbm>>
        %dma_start3A_2888 = arith.constant 0 : i32
        %dma_start3A_2889 = arith.constant 0 : i32
        %dma_start3A_2890 = tpu.memref_slice %arg13[%dma_start3A_2881, %dma_start3A_2888, %dma_start3A_2889] : memref<8x32x128xf32, #tpu.memory_space<vmem>> -> memref<1x32x128xf32, #tpu.memory_space<vmem>>
        %dma_start3A_2891 = tpu.memref_squeeze %dma_start3A_2890 : memref<1x32x128xf32, #tpu.memory_space<vmem>> -> memref<32x128xf32, #tpu.memory_space<vmem>>
        %dma_start3A_2892 = arith.constant 0 : i32
        %dma_start3A_2893 = tpu.memref_slice %arg5[%dma_start3A_2892, %multiple_of3A_2880] : memref<32x100000xf32, #tpu.memory_space<hbm>> -> memref<32x128xf32, #tpu.memory_space<hbm>>
        tpu.enqueue_dma source(%dma_start3A_2893 : memref<32x128xf32, #tpu.memory_space<hbm>>) target(%dma_start3A_2891 : memref<32x128xf32, #tpu.memory_space<vmem>>) target_semaphore(%arg35 : memref<!tpu.dma_semaphore, #tpu.memory_space<semaphore_mem>>)
      } else {
      }
    }
    %scan3A_332 = arith.constant 16 : i32
    %dma_wait3A = arith.constant 0 : i32
    %dma_wait3A_333 = tpu.memref_slice %arg10[%dma_wait3A] : memref<144xi32, #tpu.memory_space<vmem>> -> memref<128xi32, #tpu.memory_space<vmem>>
    %dma_wait3A_334 = arith.constant 0 : i32
    %dma_wait3A_335 = tpu.memref_slice %arg6[%dma_wait3A_334] : memref<1000000xf32, #tpu.memory_space<hbm>> -> memref<1000000xf32, #tpu.memory_space<hbm>>
    tpu.wait_indirect_dma semaphore(%arg36 : memref<!tpu.dma_semaphore, #tpu.memory_space<semaphore_mem>>) src(%dma_wait3A_335 : memref<1000000xf32, #tpu.memory_space<hbm>>) dst(%arg16 : memref<128xf32, #tpu.memory_space<vmem>>)
    %dma_wait3A_336 = arith.constant 0 : i32
    %dma_wait3A_337 = tpu.memref_slice %arg11[%dma_wait3A_336] : memref<144xi32, #tpu.memory_space<vmem>> -> memref<128xi32, #tpu.memory_space<vmem>>
    %dma_wait3A_338 = arith.constant 0 : i32
    %dma_wait3A_339 = tpu.memref_slice %arg7[%dma_wait3A_338] : memref<100000xf32, #tpu.memory_space<hbm>> -> memref<100000xf32, #tpu.memory_space<hbm>>
    tpu.wait_indirect_dma semaphore(%arg37 : memref<!tpu.dma_semaphore, #tpu.memory_space<semaphore_mem>>) src(%dma_wait3A_339 : memref<100000xf32, #tpu.memory_space<hbm>>) dst(%arg17 : memref<128xf32, #tpu.memory_space<vmem>>)
    %get3A_340 = arith.constant 0 : index
    %get3A_341 = tpu.vector_load %arg14[%get3A_340] {strides = array<i32>} : memref<4096xf32, #tpu.memory_space<vmem>>, vector<16xf32>,
    %get3A_342 = arith.constant 0 : index
    %get3A_343 = tpu.vector_load %arg15[%get3A_342] {strides = array<i32>} : memref<4096xf32, #tpu.memory_space<vmem>>, vector<16xf32>,
    %mul3A_344 = arith.mulf %get3A_341, %get3A_343 : vector<16xf32>
    %get3A_345 = arith.constant 128 : index
    %get3A_346 = tpu.vector_load %arg14[%get3A_345] {strides = array<i32>} : memref<4096xf32, #tpu.memory_space<vmem>>, vector<16xf32>,
    %get3A_347 = arith.constant 128 : index
    %get3A_348 = tpu.vector_load %arg15[%get3A_347] {strides = array<i32>} : memref<4096xf32, #tpu.memory_space<vmem>>, vector<16xf32>,
    %mul3A_349 = arith.mulf %get3A_346, %get3A_348 : vector<16xf32>
    %add3A_350 = arith.addf %mul3A_344, %mul3A_349 : vector<16xf32>
    %get3A_351 = arith.constant 256 : index
    %get3A_352 = tpu.vector_load %arg14[%get3A_351] {strides = array<i32>} : memref<4096xf32, #tpu.memory_space<vmem>>, vector<16xf32>,
    %get3A_353 = arith.constant 256 : index
    %get3A_354 = tpu.vector_load %arg15[%get3A_353] {strides = array<i32>} : memref<4096xf32, #tpu.memory_space<vmem>>, vector<16xf32>,
    %mul3A_355 = arith.mulf %get3A_352, %get3A_354 : vector<16xf32>
    %add3A_356 = arith.addf %add3A_350, %mul3A_355 : vector<16xf32>
    %get3A_357 = arith.constant 384 : index
    %get3A_358 = tpu.vector_load %arg14[%get3A_357] {strides = array<i32>} : memref<4096xf32, #tpu.memory_space<vmem>>, vector<16xf32>,
    %get3A_359 = arith.constant 384 : index
    %get3A_360 = tpu.vector_load %arg15[%get3A_359] {strides = array<i32>} : memref<4096xf32, #tpu.memory_space<vmem>>, vector<16xf32>,
    %mul3A_361 = arith.mulf %get3A_358, %get3A_360 : vector<16xf32>
    %add3A_362 = arith.addf %add3A_356, %mul3A_361 : vector<16xf32>
    %get3A_363 = arith.constant 512 : index
    %get3A_364 = tpu.vector_load %arg14[%get3A_363] {strides = array<i32>} : memref<4096xf32, #tpu.memory_space<vmem>>, vector<16xf32>,
    %get3A_365 = arith.constant 512 : index
    %get3A_366 = tpu.vector_load %arg15[%get3A_365] {strides = array<i32>} : memref<4096xf32, #tpu.memory_space<vmem>>, vector<16xf32>,
    %mul3A_367 = arith.mulf %get3A_364, %get3A_366 : vector<16xf32>
    %add3A_368 = arith.addf %add3A_362, %mul3A_367 : vector<16xf32>
    %get3A_369 = arith.constant 640 : index
    %get3A_370 = tpu.vector_load %arg14[%get3A_369] {strides = array<i32>} : memref<4096xf32, #tpu.memory_space<vmem>>, vector<16xf32>,
    %get3A_371 = arith.constant 640 : index
    %get3A_372 = tpu.vector_load %arg15[%get3A_371] {strides = array<i32>} : memref<4096xf32, #tpu.memory_space<vmem>>, vector<16xf32>,
    %mul3A_373 = arith.mulf %get3A_370, %get3A_372 : vector<16xf32>
    %add3A_374 = arith.addf %add3A_368, %mul3A_373 : vector<16xf32>
    %get3A_375 = arith.constant 768 : index
    %get3A_376 = tpu.vector_load %arg14[%get3A_375] {strides = array<i32>} : memref<4096xf32, #tpu.memory_space<vmem>>, vector<16xf32>,
    %get3A_377 = arith.constant 768 : index
    %get3A_378 = tpu.vector_load %arg15[%get3A_377] {strides = array<i32>} : memref<4096xf32, #tpu.memory_space<vmem>>, vector<16xf32>,
    %mul3A_379 = arith.mulf %get3A_376, %get3A_378 : vector<16xf32>
    %add3A_380 = arith.addf %add3A_374, %mul3A_379 : vector<16xf32>
    %get3A_381 = arith.constant 896 : index
    %get3A_382 = tpu.vector_load %arg14[%get3A_381] {strides = array<i32>} : memref<4096xf32, #tpu.memory_space<vmem>>, vector<16xf32>,
    %get3A_383 = arith.constant 896 : index
    %get3A_384 = tpu.vector_load %arg15[%get3A_383] {strides = array<i32>} : memref<4096xf32, #tpu.memory_space<vmem>>, vector<16xf32>,
    %mul3A_385 = arith.mulf %get3A_382, %get3A_384 : vector<16xf32>
    %add3A_386 = arith.addf %add3A_380, %mul3A_385 : vector<16xf32>
    %get3A_387 = arith.constant 1024 : index
    %get3A_388 = tpu.vector_load %arg14[%get3A_387] {strides = array<i32>} : memref<4096xf32, #tpu.memory_space<vmem>>, vector<16xf32>,
    %get3A_389 = arith.constant 1024 : index
    %get3A_390 = tpu.vector_load %arg15[%get3A_389] {strides = array<i32>} : memref<4096xf32, #tpu.memory_space<vmem>>, vector<16xf32>,
    %mul3A_391 = arith.mulf %get3A_388, %get3A_390 : vector<16xf32>
    %add3A_392 = arith.addf %add3A_386, %mul3A_391 : vector<16xf32>
    %get3A_393 = arith.constant 1152 : index
    %get3A_394 = tpu.vector_load %arg14[%get3A_393] {strides = array<i32>} : memref<4096xf32, #tpu.memory_space<vmem>>, vector<16xf32>,
    %get3A_395 = arith.constant 1152 : index
    %get3A_396 = tpu.vector_load %arg15[%get3A_395] {strides = array<i32>} : memref<4096xf32, #tpu.memory_space<vmem>>, vector<16xf32>,
    %mul3A_397 = arith.mulf %get3A_394, %get3A_396 : vector<16xf32>
    %add3A_398 = arith.addf %add3A_392, %mul3A_397 : vector<16xf32>
    %get3A_399 = arith.constant 1280 : index
    %get3A_400 = tpu.vector_load %arg14[%get3A_399] {strides = array<i32>} : memref<4096xf32, #tpu.memory_space<vmem>>, vector<16xf32>,
    %get3A_401 = arith.constant 1280 : index
    %get3A_402 = tpu.vector_load %arg15[%get3A_401] {strides = array<i32>} : memref<4096xf32, #tpu.memory_space<vmem>>, vector<16xf32>,
    %mul3A_403 = arith.mulf %get3A_400, %get3A_402 : vector<16xf32>
    %add3A_404 = arith.addf %add3A_398, %mul3A_403 : vector<16xf32>
    %get3A_405 = arith.constant 1408 : index
    %get3A_406 = tpu.vector_load %arg14[%get3A_405] {strides = array<i32>} : memref<4096xf32, #tpu.memory_space<vmem>>, vector<16xf32>,
    %get3A_407 = arith.constant 1408 : index
    %get3A_408 = tpu.vector_load %arg15[%get3A_407] {strides = array<i32>} : memref<4096xf32, #tpu.memory_space<vmem>>, vector<16xf32>,
    %mul3A_409 = arith.mulf %get3A_406, %get3A_408 : vector<16xf32>
    %add3A_410 = arith.addf %add3A_404, %mul3A_409 : vector<16xf32>
    %get3A_411 = arith.constant 1536 : index
    %get3A_412 = tpu.vector_load %arg14[%get3A_411] {strides = array<i32>} : memref<4096xf32, #tpu.memory_space<vmem>>, vector<16xf32>,
    %get3A_413 = arith.constant 1536 : index
    %get3A_414 = tpu.vector_load %arg15[%get3A_413] {strides = array<i32>} : memref<4096xf32, #tpu.memory_space<vmem>>, vector<16xf32>,
    %mul3A_415 = arith.mulf %get3A_412, %get3A_414 : vector<16xf32>
    %add3A_416 = arith.addf %add3A_410, %mul3A_415 : vector<16xf32>
    %get3A_417 = arith.constant 1664 : index
    %get3A_418 = tpu.vector_load %arg14[%get3A_417] {strides = array<i32>} : memref<4096xf32, #tpu.memory_space<vmem>>, vector<16xf32>,
    %get3A_419 = arith.constant 1664 : index
    %get3A_420 = tpu.vector_load %arg15[%get3A_419] {strides = array<i32>} : memref<4096xf32, #tpu.memory_space<vmem>>, vector<16xf32>,
    %mul3A_421 = arith.mulf %get3A_418, %get3A_420 : vector<16xf32>
    %add3A_422 = arith.addf %add3A_416, %mul3A_421 : vector<16xf32>
    %get3A_423 = arith.constant 1792 : index
    %get3A_424 = tpu.vector_load %arg14[%get3A_423] {strides = array<i32>} : memref<4096xf32, #tpu.memory_space<vmem>>, vector<16xf32>,
    %get3A_425 = arith.constant 1792 : index
    %get3A_426 = tpu.vector_load %arg15[%get3A_425] {strides = array<i32>} : memref<4096xf32, #tpu.memory_space<vmem>>, vector<16xf32>,
    %mul3A_427 = arith.mulf %get3A_424, %get3A_426 : vector<16xf32>
    %add3A_428 = arith.addf %add3A_422, %mul3A_427 : vector<16xf32>
    %get3A_429 = arith.constant 1920 : index
    %get3A_430 = tpu.vector_load %arg14[%get3A_429] {strides = array<i32>} : memref<4096xf32, #tpu.memory_space<vmem>>, vector<16xf32>,
    %get3A_431 = arith.constant 1920 : index
    %get3A_432 = tpu.vector_load %arg15[%get3A_431] {strides = array<i32>} : memref<4096xf32, #tpu.memory_space<vmem>>, vector<16xf32>,
    %mul3A_433 = arith.mulf %get3A_430, %get3A_432 : vector<16xf32>
    %add3A_434 = arith.addf %add3A_428, %mul3A_433 : vector<16xf32>
    %get3A_435 = arith.constant 2048 : index
    %get3A_436 = tpu.vector_load %arg14[%get3A_435] {strides = array<i32>} : memref<4096xf32, #tpu.memory_space<vmem>>, vector<16xf32>,
    %get3A_437 = arith.constant 2048 : index
    %get3A_438 = tpu.vector_load %arg15[%get3A_437] {strides = array<i32>} : memref<4096xf32, #tpu.memory_space<vmem>>, vector<16xf32>,
    %mul3A_439 = arith.mulf %get3A_436, %get3A_438 : vector<16xf32>
    %add3A_440 = arith.addf %add3A_434, %mul3A_439 : vector<16xf32>
    %get3A_441 = arith.constant 2176 : index
    %get3A_442 = tpu.vector_load %arg14[%get3A_441] {strides = array<i32>} : memref<4096xf32, #tpu.memory_space<vmem>>, vector<16xf32>,
    %get3A_443 = arith.constant 2176 : index
    %get3A_444 = tpu.vector_load %arg15[%get3A_443] {strides = array<i32>} : memref<4096xf32, #tpu.memory_space<vmem>>, vector<16xf32>,
    %mul3A_445 = arith.mulf %get3A_442, %get3A_444 : vector<16xf32>
    %add3A_446 = arith.addf %add3A_440, %mul3A_445 : vector<16xf32>
    %get3A_447 = arith.constant 2304 : index
    %get3A_448 = tpu.vector_load %arg14[%get3A_447] {strides = array<i32>} : memref<4096xf32, #tpu.memory_space<vmem>>, vector<16xf32>,
    %get3A_449 = arith.constant 2304 : index
    %get3A_450 = tpu.vector_load %arg15[%get3A_449] {strides = array<i32>} : memref<4096xf32, #tpu.memory_space<vmem>>, vector<16xf32>,
    %mul3A_451 = arith.mulf %get3A_448, %get3A_450 : vector<16xf32>
    %add3A_452 = arith.addf %add3A_446, %mul3A_451 : vector<16xf32>
    %get3A_453 = arith.constant 2432 : index
    %get3A_454 = tpu.vector_load %arg14[%get3A_453] {strides = array<i32>} : memref<4096xf32, #tpu.memory_space<vmem>>, vector<16xf32>,
    %get3A_455 = arith.constant 2432 : index
    %get3A_456 = tpu.vector_load %arg15[%get3A_455] {strides = array<i32>} : memref<4096xf32, #tpu.memory_space<vmem>>, vector<16xf32>,
    %mul3A_457 = arith.mulf %get3A_454, %get3A_456 : vector<16xf32>
    %add3A_458 = arith.addf %add3A_452, %mul3A_457 : vector<16xf32>
    %get3A_459 = arith.constant 2560 : index
    %get3A_460 = tpu.vector_load %arg14[%get3A_459] {strides = array<i32>} : memref<4096xf32, #tpu.memory_space<vmem>>, vector<16xf32>,
    %get3A_461 = arith.constant 2560 : index
    %get3A_462 = tpu.vector_load %arg15[%get3A_461] {strides = array<i32>} : memref<4096xf32, #tpu.memory_space<vmem>>, vector<16xf32>,
    %mul3A_463 = arith.mulf %get3A_460, %get3A_462 : vector<16xf32>
    %add3A_464 = arith.addf %add3A_458, %mul3A_463 : vector<16xf32>
    %get3A_465 = arith.constant 2688 : index
    %get3A_466 = tpu.vector_load %arg14[%get3A_465] {strides = array<i32>} : memref<4096xf32, #tpu.memory_space<vmem>>, vector<16xf32>,
    %get3A_467 = arith.constant 2688 : index
    %get3A_468 = tpu.vector_load %arg15[%get3A_467] {strides = array<i32>} : memref<4096xf32, #tpu.memory_space<vmem>>, vector<16xf32>,
    %mul3A_469 = arith.mulf %get3A_466, %get3A_468 : vector<16xf32>
    %add3A_470 = arith.addf %add3A_464, %mul3A_469 : vector<16xf32>
    %get3A_471 = arith.constant 2816 : index
    %get3A_472 = tpu.vector_load %arg14[%get3A_471] {strides = array<i32>} : memref<4096xf32, #tpu.memory_space<vmem>>, vector<16xf32>,
    %get3A_473 = arith.constant 2816 : index
    %get3A_474 = tpu.vector_load %arg15[%get3A_473] {strides = array<i32>} : memref<4096xf32, #tpu.memory_space<vmem>>, vector<16xf32>,
    %mul3A_475 = arith.mulf %get3A_472, %get3A_474 : vector<16xf32>
    %add3A_476 = arith.addf %add3A_470, %mul3A_475 : vector<16xf32>
    %get3A_477 = arith.constant 2944 : index
    %get3A_478 = tpu.vector_load %arg14[%get3A_477] {strides = array<i32>} : memref<4096xf32, #tpu.memory_space<vmem>>, vector<16xf32>,
    %get3A_479 = arith.constant 2944 : index
    %get3A_480 = tpu.vector_load %arg15[%get3A_479] {strides = array<i32>} : memref<4096xf32, #tpu.memory_space<vmem>>, vector<16xf32>,
    %mul3A_481 = arith.mulf %get3A_478, %get3A_480 : vector<16xf32>
    %add3A_482 = arith.addf %add3A_476, %mul3A_481 : vector<16xf32>
    %get3A_483 = arith.constant 3072 : index
    %get3A_484 = tpu.vector_load %arg14[%get3A_483] {strides = array<i32>} : memref<4096xf32, #tpu.memory_space<vmem>>, vector<16xf32>,
    %get3A_485 = arith.constant 3072 : index
    %get3A_486 = tpu.vector_load %arg15[%get3A_485] {strides = array<i32>} : memref<4096xf32, #tpu.memory_space<vmem>>, vector<16xf32>,
    %mul3A_487 = arith.mulf %get3A_484, %get3A_486 : vector<16xf32>
    %add3A_488 = arith.addf %add3A_482, %mul3A_487 : vector<16xf32>
    %get3A_489 = arith.constant 3200 : index
    %get3A_490 = tpu.vector_load %arg14[%get3A_489] {strides = array<i32>} : memref<4096xf32, #tpu.memory_space<vmem>>, vector<16xf32>,
    %get3A_491 = arith.constant 3200 : index
    %get3A_492 = tpu.vector_load %arg15[%get3A_491] {strides = array<i32>} : memref<4096xf32, #tpu.memory_space<vmem>>, vector<16xf32>,
    %mul3A_493 = arith.mulf %get3A_490, %get3A_492 : vector<16xf32>
    %add3A_494 = arith.addf %add3A_488, %mul3A_493 : vector<16xf32>
    %get3A_495 = arith.constant 3328 : index
    %get3A_496 = tpu.vector_load %arg14[%get3A_495] {strides = array<i32>} : memref<4096xf32, #tpu.memory_space<vmem>>, vector<16xf32>,
    %get3A_497 = arith.constant 3328 : index
    %get3A_498 = tpu.vector_load %arg15[%get3A_497] {strides = array<i32>} : memref<4096xf32, #tpu.memory_space<vmem>>, vector<16xf32>,
    %mul3A_499 = arith.mulf %get3A_496, %get3A_498 : vector<16xf32>
    %add3A_500 = arith.addf %add3A_494, %mul3A_499 : vector<16xf32>
    %get3A_501 = arith.constant 3456 : index
    %get3A_502 = tpu.vector_load %arg14[%get3A_501] {strides = array<i32>} : memref<4096xf32, #tpu.memory_space<vmem>>, vector<16xf32>,
    %get3A_503 = arith.constant 3456 : index
    %get3A_504 = tpu.vector_load %arg15[%get3A_503] {strides = array<i32>} : memref<4096xf32, #tpu.memory_space<vmem>>, vector<16xf32>,
    %mul3A_505 = arith.mulf %get3A_502, %get3A_504 : vector<16xf32>
    %add3A_506 = arith.addf %add3A_500, %mul3A_505 : vector<16xf32>
    %get3A_507 = arith.constant 3584 : index
    %get3A_508 = tpu.vector_load %arg14[%get3A_507] {strides = array<i32>} : memref<4096xf32, #tpu.memory_space<vmem>>, vector<16xf32>,
    %get3A_509 = arith.constant 3584 : index
    %get3A_510 = tpu.vector_load %arg15[%get3A_509] {strides = array<i32>} : memref<4096xf32, #tpu.memory_space<vmem>>, vector<16xf32>,
    %mul3A_511 = arith.mulf %get3A_508, %get3A_510 : vector<16xf32>
    %add3A_512 = arith.addf %add3A_506, %mul3A_511 : vector<16xf32>
    %get3A_513 = arith.constant 3712 : index
    %get3A_514 = tpu.vector_load %arg14[%get3A_513] {strides = array<i32>} : memref<4096xf32, #tpu.memory_space<vmem>>, vector<16xf32>,
    %get3A_515 = arith.constant 3712 : index
    %get3A_516 = tpu.vector_load %arg15[%get3A_515] {strides = array<i32>} : memref<4096xf32, #tpu.memory_space<vmem>>, vector<16xf32>,
    %mul3A_517 = arith.mulf %get3A_514, %get3A_516 : vector<16xf32>
    %add3A_518 = arith.addf %add3A_512, %mul3A_517 : vector<16xf32>
    %get3A_519 = arith.constant 3840 : index
    %get3A_520 = tpu.vector_load %arg14[%get3A_519] {strides = array<i32>} : memref<4096xf32, #tpu.memory_space<vmem>>, vector<16xf32>,
    %get3A_521 = arith.constant 3840 : index
    %get3A_522 = tpu.vector_load %arg15[%get3A_521] {strides = array<i32>} : memref<4096xf32, #tpu.memory_space<vmem>>, vector<16xf32>,
    %mul3A_523 = arith.mulf %get3A_520, %get3A_522 : vector<16xf32>
    %add3A_524 = arith.addf %add3A_518, %mul3A_523 : vector<16xf32>
    %get3A_525 = arith.constant 3968 : index
    %get3A_526 = tpu.vector_load %arg14[%get3A_525] {strides = array<i32>} : memref<4096xf32, #tpu.memory_space<vmem>>, vector<16xf32>,
    %get3A_527 = arith.constant 3968 : index
    %get3A_528 = tpu.vector_load %arg15[%get3A_527] {strides = array<i32>} : memref<4096xf32, #tpu.memory_space<vmem>>, vector<16xf32>,
    %mul3A_529 = arith.mulf %get3A_526, %get3A_528 : vector<16xf32>
    %add3A_530 = arith.addf %add3A_524, %mul3A_529 : vector<16xf32>
    %swap3A = arith.constant 0 : index
    %swap3A_531 = tpu.vector_load %arg18[%swap3A] {strides = array<i32>} : memref<128xf32, #tpu.memory_space<vmem>>, vector<16xf32>,
    tpu.vector_store %arg18[%swap3A], %add3A_530 {strides = array<i32>} : memref<128xf32, #tpu.memory_space<vmem>>, vector<16xf32>,
    %get3A_532 = arith.constant 0 : index
    %get3A_533 = tpu.vector_load %arg16[%get3A_532] {strides = array<i32>} : memref<128xf32, #tpu.memory_space<vmem>>, vector<16xf32>,
    %get3A_534 = arith.constant 0 : index
    %get3A_535 = tpu.vector_load %arg17[%get3A_534] {strides = array<i32>} : memref<128xf32, #tpu.memory_space<vmem>>, vector<16xf32>,
    %add3A_536 = arith.addf %get3A_533, %get3A_535 : vector<16xf32>
    %swap3A_537 = arith.constant 0 : index
    %swap3A_538 = tpu.vector_load %arg19[%swap3A_537] {strides = array<i32>} : memref<128xf32, #tpu.memory_space<vmem>>, vector<16xf32>,
    tpu.vector_store %arg19[%swap3A_537], %add3A_536 {strides = array<i32>} : memref<128xf32, #tpu.memory_space<vmem>>, vector<16xf32>,
    %get3A_539 = arith.constant 16 : index
    %get3A_540 = tpu.vector_load %arg14[%get3A_539] {strides = array<i32>} : memref<4096xf32, #tpu.memory_space<vmem>>, vector<16xf32>,
    %get3A_541 = arith.constant 16 : index
    %get3A_542 = tpu.vector_load %arg15[%get3A_541] {strides = array<i32>} : memref<4096xf32, #tpu.memory_space<vmem>>, vector<16xf32>,
    %mul3A_543 = arith.mulf %get3A_540, %get3A_542 : vector<16xf32>
    %get3A_544 = arith.constant 144 : index
    %get3A_545 = tpu.vector_load %arg14[%get3A_544] {strides = array<i32>} : memref<4096xf32, #tpu.memory_space<vmem>>, vector<16xf32>,
    %get3A_546 = arith.constant 144 : index
    %get3A_547 = tpu.vector_load %arg15[%get3A_546] {strides = array<i32>} : memref<4096xf32, #tpu.memory_space<vmem>>, vector<16xf32>,
    %mul3A_548 = arith.mulf %get3A_545, %get3A_547 : vector<16xf32>
    %add3A_549 = arith.addf %mul3A_543, %mul3A_548 : vector<16xf32>
    %get3A_550 = arith.constant 272 : index
    %get3A_551 = tpu.vector_load %arg14[%get3A_550] {strides = array<i32>} : memref<4096xf32, #tpu.memory_space<vmem>>, vector<16xf32>,
    %get3A_552 = arith.constant 272 : index
    %get3A_553 = tpu.vector_load %arg15[%get3A_552] {strides = array<i32>} : memref<4096xf32, #tpu.memory_space<vmem>>, vector<16xf32>,
    %mul3A_554 = arith.mulf %get3A_551, %get3A_553 : vector<16xf32>
    %add3A_555 = arith.addf %add3A_549, %mul3A_554 : vector<16xf32>
    %get3A_556 = arith.constant 400 : index
    %get3A_557 = tpu.vector_load %arg14[%get3A_556] {strides = array<i32>} : memref<4096xf32, #tpu.memory_space<vmem>>, vector<16xf32>,
    %get3A_558 = arith.constant 400 : index
    %get3A_559 = tpu.vector_load %arg15[%get3A_558] {strides = array<i32>} : memref<4096xf32, #tpu.memory_space<vmem>>, vector<16xf32>,
    %mul3A_560 = arith.mulf %get3A_557, %get3A_559 : vector<16xf32>
    %add3A_561 = arith.addf %add3A_555, %mul3A_560 : vector<16xf32>
    %get3A_562 = arith.constant 528 : index
    %get3A_563 = tpu.vector_load %arg14[%get3A_562] {strides = array<i32>} : memref<4096xf32, #tpu.memory_space<vmem>>, vector<16xf32>,
    %get3A_564 = arith.constant 528 : index
    %get3A_565 = tpu.vector_load %arg15[%get3A_564] {strides = array<i32>} : memref<4096xf32, #tpu.memory_space<vmem>>, vector<16xf32>,
    %mul3A_566 = arith.mulf %get3A_563, %get3A_565 : vector<16xf32>
    %add3A_567 = arith.addf %add3A_561, %mul3A_566 : vector<16xf32>
    %get3A_568 = arith.constant 656 : index
    %get3A_569 = tpu.vector_load %arg14[%get3A_568] {strides = array<i32>} : memref<4096xf32, #tpu.memory_space<vmem>>, vector<16xf32>,
    %get3A_570 = arith.constant 656 : index
    %get3A_571 = tpu.vector_load %arg15[%get3A_570] {strides = array<i32>} : memref<4096xf32, #tpu.memory_space<vmem>>, vector<16xf32>,
    %mul3A_572 = arith.mulf %get3A_569, %get3A_571 : vector<16xf32>
    %add3A_573 = arith.addf %add3A_567, %mul3A_572 : vector<16xf32>
    %get3A_574 = arith.constant 784 : index
    %get3A_575 = tpu.vector_load %arg14[%get3A_574] {strides = array<i32>} : memref<4096xf32, #tpu.memory_space<vmem>>, vector<16xf32>,
    %get3A_576 = arith.constant 784 : index
    %get3A_577 = tpu.vector_load %arg15[%get3A_576] {strides = array<i32>} : memref<4096xf32, #tpu.memory_space<vmem>>, vector<16xf32>,
    %mul3A_578 = arith.mulf %get3A_575, %get3A_577 : vector<16xf32>
    %add3A_579 = arith.addf %add3A_573, %mul3A_578 : vector<16xf32>
    %get3A_580 = arith.constant 912 : index
    %get3A_581 = tpu.vector_load %arg14[%get3A_580] {strides = array<i32>} : memref<4096xf32, #tpu.memory_space<vmem>>, vector<16xf32>,
    %get3A_582 = arith.constant 912 : index
    %get3A_583 = tpu.vector_load %arg15[%get3A_582] {strides = array<i32>} : memref<4096xf32, #tpu.memory_space<vmem>>, vector<16xf32>,
    %mul3A_584 = arith.mulf %get3A_581, %get3A_583 : vector<16xf32>
    %add3A_585 = arith.addf %add3A_579, %mul3A_584 : vector<16xf32>
    %get3A_586 = arith.constant 1040 : index
    %get3A_587 = tpu.vector_load %arg14[%get3A_586] {strides = array<i32>} : memref<4096xf32, #tpu.memory_space<vmem>>, vector<16xf32>,
    %get3A_588 = arith.constant 1040 : index
    %get3A_589 = tpu.vector_load %arg15[%get3A_588] {strides = array<i32>} : memref<4096xf32, #tpu.memory_space<vmem>>, vector<16xf32>,
    %mul3A_590 = arith.mulf %get3A_587, %get3A_589 : vector<16xf32>
    %add3A_591 = arith.addf %add3A_585, %mul3A_590 : vector<16xf32>
    %get3A_592 = arith.constant 1168 : index
    %get3A_593 = tpu.vector_load %arg14[%get3A_592] {strides = array<i32>} : memref<4096xf32, #tpu.memory_space<vmem>>, vector<16xf32>,
    %get3A_594 = arith.constant 1168 : index
    %get3A_595 = tpu.vector_load %arg15[%get3A_594] {strides = array<i32>} : memref<4096xf32, #tpu.memory_space<vmem>>, vector<16xf32>,
    %mul3A_596 = arith.mulf %get3A_593, %get3A_595 : vector<16xf32>
    %add3A_597 = arith.addf %add3A_591, %mul3A_596 : vector<16xf32>
    %get3A_598 = arith.constant 1296 : index
    %get3A_599 = tpu.vector_load %arg14[%get3A_598] {strides = array<i32>} : memref<4096xf32, #tpu.memory_space<vmem>>, vector<16xf32>,
    %get3A_600 = arith.constant 1296 : index
    %get3A_601 = tpu.vector_load %arg15[%get3A_600] {strides = array<i32>} : memref<4096xf32, #tpu.memory_space<vmem>>, vector<16xf32>,
    %mul3A_602 = arith.mulf %get3A_599, %get3A_601 : vector<16xf32>
    %add3A_603 = arith.addf %add3A_597, %mul3A_602 : vector<16xf32>
    %get3A_604 = arith.constant 1424 : index
    %get3A_605 = tpu.vector_load %arg14[%get3A_604] {strides = array<i32>} : memref<4096xf32, #tpu.memory_space<vmem>>, vector<16xf32>,
    %get3A_606 = arith.constant 1424 : index
    %get3A_607 = tpu.vector_load %arg15[%get3A_606] {strides = array<i32>} : memref<4096xf32, #tpu.memory_space<vmem>>, vector<16xf32>,
    %mul3A_608 = arith.mulf %get3A_605, %get3A_607 : vector<16xf32>
    %add3A_609 = arith.addf %add3A_603, %mul3A_608 : vector<16xf32>
    %get3A_610 = arith.constant 1552 : index
    %get3A_611 = tpu.vector_load %arg14[%get3A_610] {strides = array<i32>} : memref<4096xf32, #tpu.memory_space<vmem>>, vector<16xf32>,
    %get3A_612 = arith.constant 1552 : index
    %get3A_613 = tpu.vector_load %arg15[%get3A_612] {strides = array<i32>} : memref<4096xf32, #tpu.memory_space<vmem>>, vector<16xf32>,
    %mul3A_614 = arith.mulf %get3A_611, %get3A_613 : vector<16xf32>
    %add3A_615 = arith.addf %add3A_609, %mul3A_614 : vector<16xf32>
    %get3A_616 = arith.constant 1680 : index
    %get3A_617 = tpu.vector_load %arg14[%get3A_616] {strides = array<i32>} : memref<4096xf32, #tpu.memory_space<vmem>>, vector<16xf32>,
    %get3A_618 = arith.constant 1680 : index
    %get3A_619 = tpu.vector_load %arg15[%get3A_618] {strides = array<i32>} : memref<4096xf32, #tpu.memory_space<vmem>>, vector<16xf32>,
    %mul3A_620 = arith.mulf %get3A_617, %get3A_619 : vector<16xf32>
    %add3A_621 = arith.addf %add3A_615, %mul3A_620 : vector<16xf32>
    %get3A_622 = arith.constant 1808 : index
    %get3A_623 = tpu.vector_load %arg14[%get3A_622] {strides = array<i32>} : memref<4096xf32, #tpu.memory_space<vmem>>, vector<16xf32>,
    %get3A_624 = arith.constant 1808 : index
    %get3A_625 = tpu.vector_load %arg15[%get3A_624] {strides = array<i32>} : memref<4096xf32, #tpu.memory_space<vmem>>, vector<16xf32>,
    %mul3A_626 = arith.mulf %get3A_623, %get3A_625 : vector<16xf32>
    %add3A_627 = arith.addf %add3A_621, %mul3A_626 : vector<16xf32>
    %get3A_628 = arith.constant 1936 : index
    %get3A_629 = tpu.vector_load %arg14[%get3A_628] {strides = array<i32>} : memref<4096xf32, #tpu.memory_space<vmem>>, vector<16xf32>,
    %get3A_630 = arith.constant 1936 : index
    %get3A_631 = tpu.vector_load %arg15[%get3A_630] {strides = array<i32>} : memref<4096xf32, #tpu.memory_space<vmem>>, vector<16xf32>,
    %mul3A_632 = arith.mulf %get3A_629, %get3A_631 : vector<16xf32>
    %add3A_633 = arith.addf %add3A_627, %mul3A_632 : vector<16xf32>
    %get3A_634 = arith.constant 2064 : index
    %get3A_635 = tpu.vector_load %arg14[%get3A_634] {strides = array<i32>} : memref<4096xf32, #tpu.memory_space<vmem>>, vector<16xf32>,
    %get3A_636 = arith.constant 2064 : index
    %get3A_637 = tpu.vector_load %arg15[%get3A_636] {strides = array<i32>} : memref<4096xf32, #tpu.memory_space<vmem>>, vector<16xf32>,
    %mul3A_638 = arith.mulf %get3A_635, %get3A_637 : vector<16xf32>
    %add3A_639 = arith.addf %add3A_633, %mul3A_638 : vector<16xf32>
    %get3A_640 = arith.constant 2192 : index
    %get3A_641 = tpu.vector_load %arg14[%get3A_640] {strides = array<i32>} : memref<4096xf32, #tpu.memory_space<vmem>>, vector<16xf32>,
    %get3A_642 = arith.constant 2192 : index
    %get3A_643 = tpu.vector_load %arg15[%get3A_642] {strides = array<i32>} : memref<4096xf32, #tpu.memory_space<vmem>>, vector<16xf32>,
    %mul3A_644 = arith.mulf %get3A_641, %get3A_643 : vector<16xf32>
    %add3A_645 = arith.addf %add3A_639, %mul3A_644 : vector<16xf32>
    %get3A_646 = arith.constant 2320 : index
    %get3A_647 = tpu.vector_load %arg14[%get3A_646] {strides = array<i32>} : memref<4096xf32, #tpu.memory_space<vmem>>, vector<16xf32>,
    %get3A_648 = arith.constant 2320 : index
    %get3A_649 = tpu.vector_load %arg15[%get3A_648] {strides = array<i32>} : memref<4096xf32, #tpu.memory_space<vmem>>, vector<16xf32>,
    %mul3A_650 = arith.mulf %get3A_647, %get3A_649 : vector<16xf32>
    %add3A_651 = arith.addf %add3A_645, %mul3A_650 : vector<16xf32>
    %get3A_652 = arith.constant 2448 : index
    %get3A_653 = tpu.vector_load %arg14[%get3A_652] {strides = array<i32>} : memref<4096xf32, #tpu.memory_space<vmem>>, vector<16xf32>,
    %get3A_654 = arith.constant 2448 : index
    %get3A_655 = tpu.vector_load %arg15[%get3A_654] {strides = array<i32>} : memref<4096xf32, #tpu.memory_space<vmem>>, vector<16xf32>,
    %mul3A_656 = arith.mulf %get3A_653, %get3A_655 : vector<16xf32>
    %add3A_657 = arith.addf %add3A_651, %mul3A_656 : vector<16xf32>
    %get3A_658 = arith.constant 2576 : index
    %get3A_659 = tpu.vector_load %arg14[%get3A_658] {strides = array<i32>} : memref<4096xf32, #tpu.memory_space<vmem>>, vector<16xf32>,
    %get3A_660 = arith.constant 2576 : index
    %get3A_661 = tpu.vector_load %arg15[%get3A_660] {strides = array<i32>} : memref<4096xf32, #tpu.memory_space<vmem>>, vector<16xf32>,
    %mul3A_662 = arith.mulf %get3A_659, %get3A_661 : vector<16xf32>
    %add3A_663 = arith.addf %add3A_657, %mul3A_662 : vector<16xf32>
    %get3A_664 = arith.constant 2704 : index
    %get3A_665 = tpu.vector_load %arg14[%get3A_664] {strides = array<i32>} : memref<4096xf32, #tpu.memory_space<vmem>>, vector<16xf32>,
    %get3A_666 = arith.constant 2704 : index
    %get3A_667 = tpu.vector_load %arg15[%get3A_666] {strides = array<i32>} : memref<4096xf32, #tpu.memory_space<vmem>>, vector<16xf32>,
    %mul3A_668 = arith.mulf %get3A_665, %get3A_667 : vector<16xf32>
    %add3A_669 = arith.addf %add3A_663, %mul3A_668 : vector<16xf32>
    %get3A_670 = arith.constant 2832 : index
    %get3A_671 = tpu.vector_load %arg14[%get3A_670] {strides = array<i32>} : memref<4096xf32, #tpu.memory_space<vmem>>, vector<16xf32>,
    %get3A_672 = arith.constant 2832 : index
    %get3A_673 = tpu.vector_load %arg15[%get3A_672] {strides = array<i32>} : memref<4096xf32, #tpu.memory_space<vmem>>, vector<16xf32>,
    %mul3A_674 = arith.mulf %get3A_671, %get3A_673 : vector<16xf32>
    %add3A_675 = arith.addf %add3A_669, %mul3A_674 : vector<16xf32>
    %get3A_676 = arith.constant 2960 : index
    %get3A_677 = tpu.vector_load %arg14[%get3A_676] {strides = array<i32>} : memref<4096xf32, #tpu.memory_space<vmem>>, vector<16xf32>,
    %get3A_678 = arith.constant 2960 : index
    %get3A_679 = tpu.vector_load %arg15[%get3A_678] {strides = array<i32>} : memref<4096xf32, #tpu.memory_space<vmem>>, vector<16xf32>,
    %mul3A_680 = arith.mulf %get3A_677, %get3A_679 : vector<16xf32>
    %add3A_681 = arith.addf %add3A_675, %mul3A_680 : vector<16xf32>
    %get3A_682 = arith.constant 3088 : index
    %get3A_683 = tpu.vector_load %arg14[%get3A_682] {strides = array<i32>} : memref<4096xf32, #tpu.memory_space<vmem>>, vector<16xf32>,
    %get3A_684 = arith.constant 3088 : index
    %get3A_685 = tpu.vector_load %arg15[%get3A_684] {strides = array<i32>} : memref<4096xf32, #tpu.memory_space<vmem>>, vector<16xf32>,
    %mul3A_686 = arith.mulf %get3A_683, %get3A_685 : vector<16xf32>
    %add3A_687 = arith.addf %add3A_681, %mul3A_686 : vector<16xf32>
    %get3A_688 = arith.constant 3216 : index
    %get3A_689 = tpu.vector_load %arg14[%get3A_688] {strides = array<i32>} : memref<4096xf32, #tpu.memory_space<vmem>>, vector<16xf32>,
    %get3A_690 = arith.constant 3216 : index
    %get3A_691 = tpu.vector_load %arg15[%get3A_690] {strides = array<i32>} : memref<4096xf32, #tpu.memory_space<vmem>>, vector<16xf32>,
    %mul3A_692 = arith.mulf %get3A_689, %get3A_691 : vector<16xf32>
    %add3A_693 = arith.addf %add3A_687, %mul3A_692 : vector<16xf32>
    %get3A_694 = arith.constant 3344 : index
    %get3A_695 = tpu.vector_load %arg14[%get3A_694] {strides = array<i32>} : memref<4096xf32, #tpu.memory_space<vmem>>, vector<16xf32>,
    %get3A_696 = arith.constant 3344 : index
    %get3A_697 = tpu.vector_load %arg15[%get3A_696] {strides = array<i32>} : memref<4096xf32, #tpu.memory_space<vmem>>, vector<16xf32>,
    %mul3A_698 = arith.mulf %get3A_695, %get3A_697 : vector<16xf32>
    %add3A_699 = arith.addf %add3A_693, %mul3A_698 : vector<16xf32>
    %get3A_700 = arith.constant 3472 : index
    %get3A_701 = tpu.vector_load %arg14[%get3A_700] {strides = array<i32>} : memref<4096xf32, #tpu.memory_space<vmem>>, vector<16xf32>,
    %get3A_702 = arith.constant 3472 : index
    %get3A_703 = tpu.vector_load %arg15[%get3A_702] {strides = array<i32>} : memref<4096xf32, #tpu.memory_space<vmem>>, vector<16xf32>,
    %mul3A_704 = arith.mulf %get3A_701, %get3A_703 : vector<16xf32>
    %add3A_705 = arith.addf %add3A_699, %mul3A_704 : vector<16xf32>
    %get3A_706 = arith.constant 3600 : index
    %get3A_707 = tpu.vector_load %arg14[%get3A_706] {strides = array<i32>} : memref<4096xf32, #tpu.memory_space<vmem>>, vector<16xf32>,
    %get3A_708 = arith.constant 3600 : index
    %get3A_709 = tpu.vector_load %arg15[%get3A_708] {strides = array<i32>} : memref<4096xf32, #tpu.memory_space<vmem>>, vector<16xf32>,
    %mul3A_710 = arith.mulf %get3A_707, %get3A_709 : vector<16xf32>
    %add3A_711 = arith.addf %add3A_705, %mul3A_710 : vector<16xf32>
    %get3A_712 = arith.constant 3728 : index
    %get3A_713 = tpu.vector_load %arg14[%get3A_712] {strides = array<i32>} : memref<4096xf32, #tpu.memory_space<vmem>>, vector<16xf32>,
    %get3A_714 = arith.constant 3728 : index
    %get3A_715 = tpu.vector_load %arg15[%get3A_714] {strides = array<i32>} : memref<4096xf32, #tpu.memory_space<vmem>>, vector<16xf32>,
    %mul3A_716 = arith.mulf %get3A_713, %get3A_715 : vector<16xf32>
    %add3A_717 = arith.addf %add3A_711, %mul3A_716 : vector<16xf32>
    %get3A_718 = arith.constant 3856 : index
    %get3A_719 = tpu.vector_load %arg14[%get3A_718] {strides = array<i32>} : memref<4096xf32, #tpu.memory_space<vmem>>, vector<16xf32>,
    %get3A_720 = arith.constant 3856 : index
    %get3A_721 = tpu.vector_load %arg15[%get3A_720] {strides = array<i32>} : memref<4096xf32, #tpu.memory_space<vmem>>, vector<16xf32>,
    %mul3A_722 = arith.mulf %get3A_719, %get3A_721 : vector<16xf32>
    %add3A_723 = arith.addf %add3A_717, %mul3A_722 : vector<16xf32>
    %get3A_724 = arith.constant 3984 : index
    %get3A_725 = tpu.vector_load %arg14[%get3A_724] {strides = array<i32>} : memref<4096xf32, #tpu.memory_space<vmem>>, vector<16xf32>,
    %get3A_726 = arith.constant 3984 : index
    %get3A_727 = tpu.vector_load %arg15[%get3A_726] {strides = array<i32>} : memref<4096xf32, #tpu.memory_space<vmem>>, vector<16xf32>,
    %mul3A_728 = arith.mulf %get3A_725, %get3A_727 : vector<16xf32>
    %add3A_729 = arith.addf %add3A_723, %mul3A_728 : vector<16xf32>
    %swap3A_730 = arith.constant 16 : index
    %swap3A_731 = tpu.vector_load %arg18[%swap3A_730] {strides = array<i32>} : memref<128xf32, #tpu.memory_space<vmem>>, vector<16xf32>,
    tpu.vector_store %arg18[%swap3A_730], %add3A_729 {strides = array<i32>} : memref<128xf32, #tpu.memory_space<vmem>>, vector<16xf32>,
    %get3A_732 = arith.constant 16 : index
    %get3A_733 = tpu.vector_load %arg16[%get3A_732] {strides = array<i32>} : memref<128xf32, #tpu.memory_space<vmem>>, vector<16xf32>,
    %get3A_734 = arith.constant 16 : index
    %get3A_735 = tpu.vector_load %arg17[%get3A_734] {strides = array<i32>} : memref<128xf32, #tpu.memory_space<vmem>>, vector<16xf32>,
    %add3A_736 = arith.addf %get3A_733, %get3A_735 : vector<16xf32>
    %swap3A_737 = arith.constant 16 : index
    %swap3A_738 = tpu.vector_load %arg19[%swap3A_737] {strides = array<i32>} : memref<128xf32, #tpu.memory_space<vmem>>, vector<16xf32>,
    tpu.vector_store %arg19[%swap3A_737], %add3A_736 {strides = array<i32>} : memref<128xf32, #tpu.memory_space<vmem>>, vector<16xf32>,
    %get3A_739 = arith.constant 32 : index
    %get3A_740 = tpu.vector_load %arg14[%get3A_739] {strides = array<i32>} : memref<4096xf32, #tpu.memory_space<vmem>>, vector<16xf32>,
    %get3A_741 = arith.constant 32 : index
    %get3A_742 = tpu.vector_load %arg15[%get3A_741] {strides = array<i32>} : memref<4096xf32, #tpu.memory_space<vmem>>, vector<16xf32>,
    %mul3A_743 = arith.mulf %get3A_740, %get3A_742 : vector<16xf32>
    %get3A_744 = arith.constant 160 : index
    %get3A_745 = tpu.vector_load %arg14[%get3A_744] {strides = array<i32>} : memref<4096xf32, #tpu.memory_space<vmem>>, vector<16xf32>,
    %get3A_746 = arith.constant 160 : index
    %get3A_747 = tpu.vector_load %arg15[%get3A_746] {strides = array<i32>} : memref<4096xf32, #tpu.memory_space<vmem>>, vector<16xf32>,
    %mul3A_748 = arith.mulf %get3A_745, %get3A_747 : vector<16xf32>
    %add3A_749 = arith.addf %mul3A_743, %mul3A_748 : vector<16xf32>
    %get3A_750 = arith.constant 288 : index
    %get3A_751 = tpu.vector_load %arg14[%get3A_750] {strides = array<i32>} : memref<4096xf32, #tpu.memory_space<vmem>>, vector<16xf32>,
    %get3A_752 = arith.constant 288 : index
    %get3A_753 = tpu.vector_load %arg15[%get3A_752] {strides = array<i32>} : memref<4096xf32, #tpu.memory_space<vmem>>, vector<16xf32>,
    %mul3A_754 = arith.mulf %get3A_751, %get3A_753 : vector<16xf32>
    %add3A_755 = arith.addf %add3A_749, %mul3A_754 : vector<16xf32>
    %get3A_756 = arith.constant 416 : index
    %get3A_757 = tpu.vector_load %arg14[%get3A_756] {strides = array<i32>} : memref<4096xf32, #tpu.memory_space<vmem>>, vector<16xf32>,
    %get3A_758 = arith.constant 416 : index
    %get3A_759 = tpu.vector_load %arg15[%get3A_758] {strides = array<i32>} : memref<4096xf32, #tpu.memory_space<vmem>>, vector<16xf32>,
    %mul3A_760 = arith.mulf %get3A_757, %get3A_759 : vector<16xf32>
    %add3A_761 = arith.addf %add3A_755, %mul3A_760 : vector<16xf32>
    %get3A_762 = arith.constant 544 : index
    %get3A_763 = tpu.vector_load %arg14[%get3A_762] {strides = array<i32>} : memref<4096xf32, #tpu.memory_space<vmem>>, vector<16xf32>,
    %get3A_764 = arith.constant 544 : index
    %get3A_765 = tpu.vector_load %arg15[%get3A_764] {strides = array<i32>} : memref<4096xf32, #tpu.memory_space<vmem>>, vector<16xf32>,
    %mul3A_766 = arith.mulf %get3A_763, %get3A_765 : vector<16xf32>
    %add3A_767 = arith.addf %add3A_761, %mul3A_766 : vector<16xf32>
    %get3A_768 = arith.constant 672 : index
    %get3A_769 = tpu.vector_load %arg14[%get3A_768] {strides = array<i32>} : memref<4096xf32, #tpu.memory_space<vmem>>, vector<16xf32>,
    %get3A_770 = arith.constant 672 : index
    %get3A_771 = tpu.vector_load %arg15[%get3A_770] {strides = array<i32>} : memref<4096xf32, #tpu.memory_space<vmem>>, vector<16xf32>,
    %mul3A_772 = arith.mulf %get3A_769, %get3A_771 : vector<16xf32>
    %add3A_773 = arith.addf %add3A_767, %mul3A_772 : vector<16xf32>
    %get3A_774 = arith.constant 800 : index
    %get3A_775 = tpu.vector_load %arg14[%get3A_774] {strides = array<i32>} : memref<4096xf32, #tpu.memory_space<vmem>>, vector<16xf32>,
    %get3A_776 = arith.constant 800 : index
    %get3A_777 = tpu.vector_load %arg15[%get3A_776] {strides = array<i32>} : memref<4096xf32, #tpu.memory_space<vmem>>, vector<16xf32>,
    %mul3A_778 = arith.mulf %get3A_775, %get3A_777 : vector<16xf32>
    %add3A_779 = arith.addf %add3A_773, %mul3A_778 : vector<16xf32>
    %get3A_780 = arith.constant 928 : index
    %get3A_781 = tpu.vector_load %arg14[%get3A_780] {strides = array<i32>} : memref<4096xf32, #tpu.memory_space<vmem>>, vector<16xf32>,
    %get3A_782 = arith.constant 928 : index
    %get3A_783 = tpu.vector_load %arg15[%get3A_782] {strides = array<i32>} : memref<4096xf32, #tpu.memory_space<vmem>>, vector<16xf32>,
    %mul3A_784 = arith.mulf %get3A_781, %get3A_783 : vector<16xf32>
    %add3A_785 = arith.addf %add3A_779, %mul3A_784 : vector<16xf32>
    %get3A_786 = arith.constant 1056 : index
    %get3A_787 = tpu.vector_load %arg14[%get3A_786] {strides = array<i32>} : memref<4096xf32, #tpu.memory_space<vmem>>, vector<16xf32>,
    %get3A_788 = arith.constant 1056 : index
    %get3A_789 = tpu.vector_load %arg15[%get3A_788] {strides = array<i32>} : memref<4096xf32, #tpu.memory_space<vmem>>, vector<16xf32>,
    %mul3A_790 = arith.mulf %get3A_787, %get3A_789 : vector<16xf32>
    %add3A_791 = arith.addf %add3A_785, %mul3A_790 : vector<16xf32>
    %get3A_792 = arith.constant 1184 : index
    %get3A_793 = tpu.vector_load %arg14[%get3A_792] {strides = array<i32>} : memref<4096xf32, #tpu.memory_space<vmem>>, vector<16xf32>,
    %get3A_794 = arith.constant 1184 : index
    %get3A_795 = tpu.vector_load %arg15[%get3A_794] {strides = array<i32>} : memref<4096xf32, #tpu.memory_space<vmem>>, vector<16xf32>,
    %mul3A_796 = arith.mulf %get3A_793, %get3A_795 : vector<16xf32>
    %add3A_797 = arith.addf %add3A_791, %mul3A_796 : vector<16xf32>
    %get3A_798 = arith.constant 1312 : index
    %get3A_799 = tpu.vector_load %arg14[%get3A_798] {strides = array<i32>} : memref<4096xf32, #tpu.memory_space<vmem>>, vector<16xf32>,
    %get3A_800 = arith.constant 1312 : index
    %get3A_801 = tpu.vector_load %arg15[%get3A_800] {strides = array<i32>} : memref<4096xf32, #tpu.memory_space<vmem>>, vector<16xf32>,
    %mul3A_802 = arith.mulf %get3A_799, %get3A_801 : vector<16xf32>
    %add3A_803 = arith.addf %add3A_797, %mul3A_802 : vector<16xf32>
    %get3A_804 = arith.constant 1440 : index
    %get3A_805 = tpu.vector_load %arg14[%get3A_804] {strides = array<i32>} : memref<4096xf32, #tpu.memory_space<vmem>>, vector<16xf32>,
    %get3A_806 = arith.constant 1440 : index
    %get3A_807 = tpu.vector_load %arg15[%get3A_806] {strides = array<i32>} : memref<4096xf32, #tpu.memory_space<vmem>>, vector<16xf32>,
    %mul3A_808 = arith.mulf %get3A_805, %get3A_807 : vector<16xf32>
    %add3A_809 = arith.addf %add3A_803, %mul3A_808 : vector<16xf32>
    %get3A_810 = arith.constant 1568 : index
    %get3A_811 = tpu.vector_load %arg14[%get3A_810] {strides = array<i32>} : memref<4096xf32, #tpu.memory_space<vmem>>, vector<16xf32>,
    %get3A_812 = arith.constant 1568 : index
    %get3A_813 = tpu.vector_load %arg15[%get3A_812] {strides = array<i32>} : memref<4096xf32, #tpu.memory_space<vmem>>, vector<16xf32>,
    %mul3A_814 = arith.mulf %get3A_811, %get3A_813 : vector<16xf32>
    %add3A_815 = arith.addf %add3A_809, %mul3A_814 : vector<16xf32>
    %get3A_816 = arith.constant 1696 : index
    %get3A_817 = tpu.vector_load %arg14[%get3A_816] {strides = array<i32>} : memref<4096xf32, #tpu.memory_space<vmem>>, vector<16xf32>,
    %get3A_818 = arith.constant 1696 : index
    %get3A_819 = tpu.vector_load %arg15[%get3A_818] {strides = array<i32>} : memref<4096xf32, #tpu.memory_space<vmem>>, vector<16xf32>,
    %mul3A_820 = arith.mulf %get3A_817, %get3A_819 : vector<16xf32>
    %add3A_821 = arith.addf %add3A_815, %mul3A_820 : vector<16xf32>
    %get3A_822 = arith.constant 1824 : index
    %get3A_823 = tpu.vector_load %arg14[%get3A_822] {strides = array<i32>} : memref<4096xf32, #tpu.memory_space<vmem>>, vector<16xf32>,
    %get3A_824 = arith.constant 1824 : index
    %get3A_825 = tpu.vector_load %arg15[%get3A_824] {strides = array<i32>} : memref<4096xf32, #tpu.memory_space<vmem>>, vector<16xf32>,
    %mul3A_826 = arith.mulf %get3A_823, %get3A_825 : vector<16xf32>
    %add3A_827 = arith.addf %add3A_821, %mul3A_826 : vector<16xf32>
    %get3A_828 = arith.constant 1952 : index
    %get3A_829 = tpu.vector_load %arg14[%get3A_828] {strides = array<i32>} : memref<4096xf32, #tpu.memory_space<vmem>>, vector<16xf32>,
    %get3A_830 = arith.constant 1952 : index
    %get3A_831 = tpu.vector_load %arg15[%get3A_830] {strides = array<i32>} : memref<4096xf32, #tpu.memory_space<vmem>>, vector<16xf32>,
    %mul3A_832 = arith.mulf %get3A_829, %get3A_831 : vector<16xf32>
    %add3A_833 = arith.addf %add3A_827, %mul3A_832 : vector<16xf32>
    %get3A_834 = arith.constant 2080 : index
    %get3A_835 = tpu.vector_load %arg14[%get3A_834] {strides = array<i32>} : memref<4096xf32, #tpu.memory_space<vmem>>, vector<16xf32>,
    %get3A_836 = arith.constant 2080 : index
    %get3A_837 = tpu.vector_load %arg15[%get3A_836] {strides = array<i32>} : memref<4096xf32, #tpu.memory_space<vmem>>, vector<16xf32>,
    %mul3A_838 = arith.mulf %get3A_835, %get3A_837 : vector<16xf32>
    %add3A_839 = arith.addf %add3A_833, %mul3A_838 : vector<16xf32>
    %get3A_840 = arith.constant 2208 : index
    %get3A_841 = tpu.vector_load %arg14[%get3A_840] {strides = array<i32>} : memref<4096xf32, #tpu.memory_space<vmem>>, vector<16xf32>,
    %get3A_842 = arith.constant 2208 : index
    %get3A_843 = tpu.vector_load %arg15[%get3A_842] {strides = array<i32>} : memref<4096xf32, #tpu.memory_space<vmem>>, vector<16xf32>,
    %mul3A_844 = arith.mulf %get3A_841, %get3A_843 : vector<16xf32>
    %add3A_845 = arith.addf %add3A_839, %mul3A_844 : vector<16xf32>
    %get3A_846 = arith.constant 2336 : index
    %get3A_847 = tpu.vector_load %arg14[%get3A_846] {strides = array<i32>} : memref<4096xf32, #tpu.memory_space<vmem>>, vector<16xf32>,
    %get3A_848 = arith.constant 2336 : index
    %get3A_849 = tpu.vector_load %arg15[%get3A_848] {strides = array<i32>} : memref<4096xf32, #tpu.memory_space<vmem>>, vector<16xf32>,
    %mul3A_850 = arith.mulf %get3A_847, %get3A_849 : vector<16xf32>
    %add3A_851 = arith.addf %add3A_845, %mul3A_850 : vector<16xf32>
    %get3A_852 = arith.constant 2464 : index
    %get3A_853 = tpu.vector_load %arg14[%get3A_852] {strides = array<i32>} : memref<4096xf32, #tpu.memory_space<vmem>>, vector<16xf32>,
    %get3A_854 = arith.constant 2464 : index
    %get3A_855 = tpu.vector_load %arg15[%get3A_854] {strides = array<i32>} : memref<4096xf32, #tpu.memory_space<vmem>>, vector<16xf32>,
    %mul3A_856 = arith.mulf %get3A_853, %get3A_855 : vector<16xf32>
    %add3A_857 = arith.addf %add3A_851, %mul3A_856 : vector<16xf32>
    %get3A_858 = arith.constant 2592 : index
    %get3A_859 = tpu.vector_load %arg14[%get3A_858] {strides = array<i32>} : memref<4096xf32, #tpu.memory_space<vmem>>, vector<16xf32>,
    %get3A_860 = arith.constant 2592 : index
    %get3A_861 = tpu.vector_load %arg15[%get3A_860] {strides = array<i32>} : memref<4096xf32, #tpu.memory_space<vmem>>, vector<16xf32>,
    %mul3A_862 = arith.mulf %get3A_859, %get3A_861 : vector<16xf32>
    %add3A_863 = arith.addf %add3A_857, %mul3A_862 : vector<16xf32>
    %get3A_864 = arith.constant 2720 : index
    %get3A_865 = tpu.vector_load %arg14[%get3A_864] {strides = array<i32>} : memref<4096xf32, #tpu.memory_space<vmem>>, vector<16xf32>,
    %get3A_866 = arith.constant 2720 : index
    %get3A_867 = tpu.vector_load %arg15[%get3A_866] {strides = array<i32>} : memref<4096xf32, #tpu.memory_space<vmem>>, vector<16xf32>,
    %mul3A_868 = arith.mulf %get3A_865, %get3A_867 : vector<16xf32>
    %add3A_869 = arith.addf %add3A_863, %mul3A_868 : vector<16xf32>
    %get3A_870 = arith.constant 2848 : index
    %get3A_871 = tpu.vector_load %arg14[%get3A_870] {strides = array<i32>} : memref<4096xf32, #tpu.memory_space<vmem>>, vector<16xf32>,
    %get3A_872 = arith.constant 2848 : index
    %get3A_873 = tpu.vector_load %arg15[%get3A_872] {strides = array<i32>} : memref<4096xf32, #tpu.memory_space<vmem>>, vector<16xf32>,
    %mul3A_874 = arith.mulf %get3A_871, %get3A_873 : vector<16xf32>
    %add3A_875 = arith.addf %add3A_869, %mul3A_874 : vector<16xf32>
    %get3A_876 = arith.constant 2976 : index
    %get3A_877 = tpu.vector_load %arg14[%get3A_876] {strides = array<i32>} : memref<4096xf32, #tpu.memory_space<vmem>>, vector<16xf32>,
    %get3A_878 = arith.constant 2976 : index
    %get3A_879 = tpu.vector_load %arg15[%get3A_878] {strides = array<i32>} : memref<4096xf32, #tpu.memory_space<vmem>>, vector<16xf32>,
    %mul3A_880 = arith.mulf %get3A_877, %get3A_879 : vector<16xf32>
    %add3A_881 = arith.addf %add3A_875, %mul3A_880 : vector<16xf32>
    %get3A_882 = arith.constant 3104 : index
    %get3A_883 = tpu.vector_load %arg14[%get3A_882] {strides = array<i32>} : memref<4096xf32, #tpu.memory_space<vmem>>, vector<16xf32>,
    %get3A_884 = arith.constant 3104 : index
    %get3A_885 = tpu.vector_load %arg15[%get3A_884] {strides = array<i32>} : memref<4096xf32, #tpu.memory_space<vmem>>, vector<16xf32>,
    %mul3A_886 = arith.mulf %get3A_883, %get3A_885 : vector<16xf32>
    %add3A_887 = arith.addf %add3A_881, %mul3A_886 : vector<16xf32>
    %get3A_888 = arith.constant 3232 : index
    %get3A_889 = tpu.vector_load %arg14[%get3A_888] {strides = array<i32>} : memref<4096xf32, #tpu.memory_space<vmem>>, vector<16xf32>,
    %get3A_890 = arith.constant 3232 : index
    %get3A_891 = tpu.vector_load %arg15[%get3A_890] {strides = array<i32>} : memref<4096xf32, #tpu.memory_space<vmem>>, vector<16xf32>,
    %mul3A_892 = arith.mulf %get3A_889, %get3A_891 : vector<16xf32>
    %add3A_893 = arith.addf %add3A_887, %mul3A_892 : vector<16xf32>
    %get3A_894 = arith.constant 3360 : index
    %get3A_895 = tpu.vector_load %arg14[%get3A_894] {strides = array<i32>} : memref<4096xf32, #tpu.memory_space<vmem>>, vector<16xf32>,
    %get3A_896 = arith.constant 3360 : index
    %get3A_897 = tpu.vector_load %arg15[%get3A_896] {strides = array<i32>} : memref<4096xf32, #tpu.memory_space<vmem>>, vector<16xf32>,
    %mul3A_898 = arith.mulf %get3A_895, %get3A_897 : vector<16xf32>
    %add3A_899 = arith.addf %add3A_893, %mul3A_898 : vector<16xf32>
    %get3A_900 = arith.constant 3488 : index
    %get3A_901 = tpu.vector_load %arg14[%get3A_900] {strides = array<i32>} : memref<4096xf32, #tpu.memory_space<vmem>>, vector<16xf32>,
    %get3A_902 = arith.constant 3488 : index
    %get3A_903 = tpu.vector_load %arg15[%get3A_902] {strides = array<i32>} : memref<4096xf32, #tpu.memory_space<vmem>>, vector<16xf32>,
    %mul3A_904 = arith.mulf %get3A_901, %get3A_903 : vector<16xf32>
    %add3A_905 = arith.addf %add3A_899, %mul3A_904 : vector<16xf32>
    %get3A_906 = arith.constant 3616 : index
    %get3A_907 = tpu.vector_load %arg14[%get3A_906] {strides = array<i32>} : memref<4096xf32, #tpu.memory_space<vmem>>, vector<16xf32>,
    %get3A_908 = arith.constant 3616 : index
    %get3A_909 = tpu.vector_load %arg15[%get3A_908] {strides = array<i32>} : memref<4096xf32, #tpu.memory_space<vmem>>, vector<16xf32>,
    %mul3A_910 = arith.mulf %get3A_907, %get3A_909 : vector<16xf32>
    %add3A_911 = arith.addf %add3A_905, %mul3A_910 : vector<16xf32>
    %get3A_912 = arith.constant 3744 : index
    %get3A_913 = tpu.vector_load %arg14[%get3A_912] {strides = array<i32>} : memref<4096xf32, #tpu.memory_space<vmem>>, vector<16xf32>,
    %get3A_914 = arith.constant 3744 : index
    %get3A_915 = tpu.vector_load %arg15[%get3A_914] {strides = array<i32>} : memref<4096xf32, #tpu.memory_space<vmem>>, vector<16xf32>,
    %mul3A_916 = arith.mulf %get3A_913, %get3A_915 : vector<16xf32>
    %add3A_917 = arith.addf %add3A_911, %mul3A_916 : vector<16xf32>
    %get3A_918 = arith.constant 3872 : index
    %get3A_919 = tpu.vector_load %arg14[%get3A_918] {strides = array<i32>} : memref<4096xf32, #tpu.memory_space<vmem>>, vector<16xf32>,
    %get3A_920 = arith.constant 3872 : index
    %get3A_921 = tpu.vector_load %arg15[%get3A_920] {strides = array<i32>} : memref<4096xf32, #tpu.memory_space<vmem>>, vector<16xf32>,
    %mul3A_922 = arith.mulf %get3A_919, %get3A_921 : vector<16xf32>
    %add3A_923 = arith.addf %add3A_917, %mul3A_922 : vector<16xf32>
    %get3A_924 = arith.constant 4000 : index
    %get3A_925 = tpu.vector_load %arg14[%get3A_924] {strides = array<i32>} : memref<4096xf32, #tpu.memory_space<vmem>>, vector<16xf32>,
    %get3A_926 = arith.constant 4000 : index
    %get3A_927 = tpu.vector_load %arg15[%get3A_926] {strides = array<i32>} : memref<4096xf32, #tpu.memory_space<vmem>>, vector<16xf32>,
    %mul3A_928 = arith.mulf %get3A_925, %get3A_927 : vector<16xf32>
    %add3A_929 = arith.addf %add3A_923, %mul3A_928 : vector<16xf32>
    %swap3A_930 = arith.constant 32 : index
    %swap3A_931 = tpu.vector_load %arg18[%swap3A_930] {strides = array<i32>} : memref<128xf32, #tpu.memory_space<vmem>>, vector<16xf32>,
    tpu.vector_store %arg18[%swap3A_930], %add3A_929 {strides = array<i32>} : memref<128xf32, #tpu.memory_space<vmem>>, vector<16xf32>,
    %get3A_932 = arith.constant 32 : index
    %get3A_933 = tpu.vector_load %arg16[%get3A_932] {strides = array<i32>} : memref<128xf32, #tpu.memory_space<vmem>>, vector<16xf32>,
    %get3A_934 = arith.constant 32 : index
    %get3A_935 = tpu.vector_load %arg17[%get3A_934] {strides = array<i32>} : memref<128xf32, #tpu.memory_space<vmem>>, vector<16xf32>,
    %add3A_936 = arith.addf %get3A_933, %get3A_935 : vector<16xf32>
    %swap3A_937 = arith.constant 32 : index
    %swap3A_938 = tpu.vector_load %arg19[%swap3A_937] {strides = array<i32>} : memref<128xf32, #tpu.memory_space<vmem>>, vector<16xf32>,
    tpu.vector_store %arg19[%swap3A_937], %add3A_936 {strides = array<i32>} : memref<128xf32, #tpu.memory_space<vmem>>, vector<16xf32>,
    %get3A_939 = arith.constant 48 : index
    %get3A_940 = tpu.vector_load %arg14[%get3A_939] {strides = array<i32>} : memref<4096xf32, #tpu.memory_space<vmem>>, vector<16xf32>,
    %get3A_941 = arith.constant 48 : index
    %get3A_942 = tpu.vector_load %arg15[%get3A_941] {strides = array<i32>} : memref<4096xf32, #tpu.memory_space<vmem>>, vector<16xf32>,
    %mul3A_943 = arith.mulf %get3A_940, %get3A_942 : vector<16xf32>
    %get3A_944 = arith.constant 176 : index
    %get3A_945 = tpu.vector_load %arg14[%get3A_944] {strides = array<i32>} : memref<4096xf32, #tpu.memory_space<vmem>>, vector<16xf32>,
    %get3A_946 = arith.constant 176 : index
    %get3A_947 = tpu.vector_load %arg15[%get3A_946] {strides = array<i32>} : memref<4096xf32, #tpu.memory_space<vmem>>, vector<16xf32>,
    %mul3A_948 = arith.mulf %get3A_945, %get3A_947 : vector<16xf32>
    %add3A_949 = arith.addf %mul3A_943, %mul3A_948 : vector<16xf32>
    %get3A_950 = arith.constant 304 : index
    %get3A_951 = tpu.vector_load %arg14[%get3A_950] {strides = array<i32>} : memref<4096xf32, #tpu.memory_space<vmem>>, vector<16xf32>,
    %get3A_952 = arith.constant 304 : index
    %get3A_953 = tpu.vector_load %arg15[%get3A_952] {strides = array<i32>} : memref<4096xf32, #tpu.memory_space<vmem>>, vector<16xf32>,
    %mul3A_954 = arith.mulf %get3A_951, %get3A_953 : vector<16xf32>
    %add3A_955 = arith.addf %add3A_949, %mul3A_954 : vector<16xf32>
    %get3A_956 = arith.constant 432 : index
    %get3A_957 = tpu.vector_load %arg14[%get3A_956] {strides = array<i32>} : memref<4096xf32, #tpu.memory_space<vmem>>, vector<16xf32>,
    %get3A_958 = arith.constant 432 : index
    %get3A_959 = tpu.vector_load %arg15[%get3A_958] {strides = array<i32>} : memref<4096xf32, #tpu.memory_space<vmem>>, vector<16xf32>,
    %mul3A_960 = arith.mulf %get3A_957, %get3A_959 : vector<16xf32>
    %add3A_961 = arith.addf %add3A_955, %mul3A_960 : vector<16xf32>
    %get3A_962 = arith.constant 560 : index
    %get3A_963 = tpu.vector_load %arg14[%get3A_962] {strides = array<i32>} : memref<4096xf32, #tpu.memory_space<vmem>>, vector<16xf32>,
    %get3A_964 = arith.constant 560 : index
    %get3A_965 = tpu.vector_load %arg15[%get3A_964] {strides = array<i32>} : memref<4096xf32, #tpu.memory_space<vmem>>, vector<16xf32>,
    %mul3A_966 = arith.mulf %get3A_963, %get3A_965 : vector<16xf32>
    %add3A_967 = arith.addf %add3A_961, %mul3A_966 : vector<16xf32>
    %get3A_968 = arith.constant 688 : index
    %get3A_969 = tpu.vector_load %arg14[%get3A_968] {strides = array<i32>} : memref<4096xf32, #tpu.memory_space<vmem>>, vector<16xf32>,
    %get3A_970 = arith.constant 688 : index
    %get3A_971 = tpu.vector_load %arg15[%get3A_970] {strides = array<i32>} : memref<4096xf32, #tpu.memory_space<vmem>>, vector<16xf32>,
    %mul3A_972 = arith.mulf %get3A_969, %get3A_971 : vector<16xf32>
    %add3A_973 = arith.addf %add3A_967, %mul3A_972 : vector<16xf32>
    %get3A_974 = arith.constant 816 : index
    %get3A_975 = tpu.vector_load %arg14[%get3A_974] {strides = array<i32>} : memref<4096xf32, #tpu.memory_space<vmem>>, vector<16xf32>,
    %get3A_976 = arith.constant 816 : index
    %get3A_977 = tpu.vector_load %arg15[%get3A_976] {strides = array<i32>} : memref<4096xf32, #tpu.memory_space<vmem>>, vector<16xf32>,
    %mul3A_978 = arith.mulf %get3A_975, %get3A_977 : vector<16xf32>
    %add3A_979 = arith.addf %add3A_973, %mul3A_978 : vector<16xf32>
    %get3A_980 = arith.constant 944 : index
    %get3A_981 = tpu.vector_load %arg14[%get3A_980] {strides = array<i32>} : memref<4096xf32, #tpu.memory_space<vmem>>, vector<16xf32>,
    %get3A_982 = arith.constant 944 : index
    %get3A_983 = tpu.vector_load %arg15[%get3A_982] {strides = array<i32>} : memref<4096xf32, #tpu.memory_space<vmem>>, vector<16xf32>,
    %mul3A_984 = arith.mulf %get3A_981, %get3A_983 : vector<16xf32>
    %add3A_985 = arith.addf %add3A_979, %mul3A_984 : vector<16xf32>
    %get3A_986 = arith.constant 1072 : index
    %get3A_987 = tpu.vector_load %arg14[%get3A_986] {strides = array<i32>} : memref<4096xf32, #tpu.memory_space<vmem>>, vector<16xf32>,
    %get3A_988 = arith.constant 1072 : index
    %get3A_989 = tpu.vector_load %arg15[%get3A_988] {strides = array<i32>} : memref<4096xf32, #tpu.memory_space<vmem>>, vector<16xf32>,
    %mul3A_990 = arith.mulf %get3A_987, %get3A_989 : vector<16xf32>
    %add3A_991 = arith.addf %add3A_985, %mul3A_990 : vector<16xf32>
    %get3A_992 = arith.constant 1200 : index
    %get3A_993 = tpu.vector_load %arg14[%get3A_992] {strides = array<i32>} : memref<4096xf32, #tpu.memory_space<vmem>>, vector<16xf32>,
    %get3A_994 = arith.constant 1200 : index
    %get3A_995 = tpu.vector_load %arg15[%get3A_994] {strides = array<i32>} : memref<4096xf32, #tpu.memory_space<vmem>>, vector<16xf32>,
    %mul3A_996 = arith.mulf %get3A_993, %get3A_995 : vector<16xf32>
    %add3A_997 = arith.addf %add3A_991, %mul3A_996 : vector<16xf32>
    %get3A_998 = arith.constant 1328 : index
    %get3A_999 = tpu.vector_load %arg14[%get3A_998] {strides = array<i32>} : memref<4096xf32, #tpu.memory_space<vmem>>, vector<16xf32>,
    %get3A_1000 = arith.constant 1328 : index
    %get3A_1001 = tpu.vector_load %arg15[%get3A_1000] {strides = array<i32>} : memref<4096xf32, #tpu.memory_space<vmem>>, vector<16xf32>,
    %mul3A_1002 = arith.mulf %get3A_999, %get3A_1001 : vector<16xf32>
    %add3A_1003 = arith.addf %add3A_997, %mul3A_1002 : vector<16xf32>
    %get3A_1004 = arith.constant 1456 : index
    %get3A_1005 = tpu.vector_load %arg14[%get3A_1004] {strides = array<i32>} : memref<4096xf32, #tpu.memory_space<vmem>>, vector<16xf32>,
    %get3A_1006 = arith.constant 1456 : index
    %get3A_1007 = tpu.vector_load %arg15[%get3A_1006] {strides = array<i32>} : memref<4096xf32, #tpu.memory_space<vmem>>, vector<16xf32>,
    %mul3A_1008 = arith.mulf %get3A_1005, %get3A_1007 : vector<16xf32>
    %add3A_1009 = arith.addf %add3A_1003, %mul3A_1008 : vector<16xf32>
    %get3A_1010 = arith.constant 1584 : index
    %get3A_1011 = tpu.vector_load %arg14[%get3A_1010] {strides = array<i32>} : memref<4096xf32, #tpu.memory_space<vmem>>, vector<16xf32>,
    %get3A_1012 = arith.constant 1584 : index
    %get3A_1013 = tpu.vector_load %arg15[%get3A_1012] {strides = array<i32>} : memref<4096xf32, #tpu.memory_space<vmem>>, vector<16xf32>,
    %mul3A_1014 = arith.mulf %get3A_1011, %get3A_1013 : vector<16xf32>
    %add3A_1015 = arith.addf %add3A_1009, %mul3A_1014 : vector<16xf32>
    %get3A_1016 = arith.constant 1712 : index
    %get3A_1017 = tpu.vector_load %arg14[%get3A_1016] {strides = array<i32>} : memref<4096xf32, #tpu.memory_space<vmem>>, vector<16xf32>,
    %get3A_1018 = arith.constant 1712 : index
    %get3A_1019 = tpu.vector_load %arg15[%get3A_1018] {strides = array<i32>} : memref<4096xf32, #tpu.memory_space<vmem>>, vector<16xf32>,
    %mul3A_1020 = arith.mulf %get3A_1017, %get3A_1019 : vector<16xf32>
    %add3A_1021 = arith.addf %add3A_1015, %mul3A_1020 : vector<16xf32>
    %get3A_1022 = arith.constant 1840 : index
    %get3A_1023 = tpu.vector_load %arg14[%get3A_1022] {strides = array<i32>} : memref<4096xf32, #tpu.memory_space<vmem>>, vector<16xf32>,
    %get3A_1024 = arith.constant 1840 : index
    %get3A_1025 = tpu.vector_load %arg15[%get3A_1024] {strides = array<i32>} : memref<4096xf32, #tpu.memory_space<vmem>>, vector<16xf32>,
    %mul3A_1026 = arith.mulf %get3A_1023, %get3A_1025 : vector<16xf32>
    %add3A_1027 = arith.addf %add3A_1021, %mul3A_1026 : vector<16xf32>
    %get3A_1028 = arith.constant 1968 : index
    %get3A_1029 = tpu.vector_load %arg14[%get3A_1028] {strides = array<i32>} : memref<4096xf32, #tpu.memory_space<vmem>>, vector<16xf32>,
    %get3A_1030 = arith.constant 1968 : index
    %get3A_1031 = tpu.vector_load %arg15[%get3A_1030] {strides = array<i32>} : memref<4096xf32, #tpu.memory_space<vmem>>, vector<16xf32>,
    %mul3A_1032 = arith.mulf %get3A_1029, %get3A_1031 : vector<16xf32>
    %add3A_1033 = arith.addf %add3A_1027, %mul3A_1032 : vector<16xf32>
    %get3A_1034 = arith.constant 2096 : index
    %get3A_1035 = tpu.vector_load %arg14[%get3A_1034] {strides = array<i32>} : memref<4096xf32, #tpu.memory_space<vmem>>, vector<16xf32>,
    %get3A_1036 = arith.constant 2096 : index
    %get3A_1037 = tpu.vector_load %arg15[%get3A_1036] {strides = array<i32>} : memref<4096xf32, #tpu.memory_space<vmem>>, vector<16xf32>,
    %mul3A_1038 = arith.mulf %get3A_1035, %get3A_1037 : vector<16xf32>
    %add3A_1039 = arith.addf %add3A_1033, %mul3A_1038 : vector<16xf32>
    %get3A_1040 = arith.constant 2224 : index
    %get3A_1041 = tpu.vector_load %arg14[%get3A_1040] {strides = array<i32>} : memref<4096xf32, #tpu.memory_space<vmem>>, vector<16xf32>,
    %get3A_1042 = arith.constant 2224 : index
    %get3A_1043 = tpu.vector_load %arg15[%get3A_1042] {strides = array<i32>} : memref<4096xf32, #tpu.memory_space<vmem>>, vector<16xf32>,
    %mul3A_1044 = arith.mulf %get3A_1041, %get3A_1043 : vector<16xf32>
    %add3A_1045 = arith.addf %add3A_1039, %mul3A_1044 : vector<16xf32>
    %get3A_1046 = arith.constant 2352 : index
    %get3A_1047 = tpu.vector_load %arg14[%get3A_1046] {strides = array<i32>} : memref<4096xf32, #tpu.memory_space<vmem>>, vector<16xf32>,
    %get3A_1048 = arith.constant 2352 : index
    %get3A_1049 = tpu.vector_load %arg15[%get3A_1048] {strides = array<i32>} : memref<4096xf32, #tpu.memory_space<vmem>>, vector<16xf32>,
    %mul3A_1050 = arith.mulf %get3A_1047, %get3A_1049 : vector<16xf32>
    %add3A_1051 = arith.addf %add3A_1045, %mul3A_1050 : vector<16xf32>
    %get3A_1052 = arith.constant 2480 : index
    %get3A_1053 = tpu.vector_load %arg14[%get3A_1052] {strides = array<i32>} : memref<4096xf32, #tpu.memory_space<vmem>>, vector<16xf32>,
    %get3A_1054 = arith.constant 2480 : index
    %get3A_1055 = tpu.vector_load %arg15[%get3A_1054] {strides = array<i32>} : memref<4096xf32, #tpu.memory_space<vmem>>, vector<16xf32>,
    %mul3A_1056 = arith.mulf %get3A_1053, %get3A_1055 : vector<16xf32>
    %add3A_1057 = arith.addf %add3A_1051, %mul3A_1056 : vector<16xf32>
    %get3A_1058 = arith.constant 2608 : index
    %get3A_1059 = tpu.vector_load %arg14[%get3A_1058] {strides = array<i32>} : memref<4096xf32, #tpu.memory_space<vmem>>, vector<16xf32>,
    %get3A_1060 = arith.constant 2608 : index
    %get3A_1061 = tpu.vector_load %arg15[%get3A_1060] {strides = array<i32>} : memref<4096xf32, #tpu.memory_space<vmem>>, vector<16xf32>,
    %mul3A_1062 = arith.mulf %get3A_1059, %get3A_1061 : vector<16xf32>
    %add3A_1063 = arith.addf %add3A_1057, %mul3A_1062 : vector<16xf32>
    %get3A_1064 = arith.constant 2736 : index
    %get3A_1065 = tpu.vector_load %arg14[%get3A_1064] {strides = array<i32>} : memref<4096xf32, #tpu.memory_space<vmem>>, vector<16xf32>,
    %get3A_1066 = arith.constant 2736 : index
    %get3A_1067 = tpu.vector_load %arg15[%get3A_1066] {strides = array<i32>} : memref<4096xf32, #tpu.memory_space<vmem>>, vector<16xf32>,
    %mul3A_1068 = arith.mulf %get3A_1065, %get3A_1067 : vector<16xf32>
    %add3A_1069 = arith.addf %add3A_1063, %mul3A_1068 : vector<16xf32>
    %get3A_1070 = arith.constant 2864 : index
    %get3A_1071 = tpu.vector_load %arg14[%get3A_1070] {strides = array<i32>} : memref<4096xf32, #tpu.memory_space<vmem>>, vector<16xf32>,
    %get3A_1072 = arith.constant 2864 : index
    %get3A_1073 = tpu.vector_load %arg15[%get3A_1072] {strides = array<i32>} : memref<4096xf32, #tpu.memory_space<vmem>>, vector<16xf32>,
    %mul3A_1074 = arith.mulf %get3A_1071, %get3A_1073 : vector<16xf32>
    %add3A_1075 = arith.addf %add3A_1069, %mul3A_1074 : vector<16xf32>
    %get3A_1076 = arith.constant 2992 : index
    %get3A_1077 = tpu.vector_load %arg14[%get3A_1076] {strides = array<i32>} : memref<4096xf32, #tpu.memory_space<vmem>>, vector<16xf32>,
    %get3A_1078 = arith.constant 2992 : index
    %get3A_1079 = tpu.vector_load %arg15[%get3A_1078] {strides = array<i32>} : memref<4096xf32, #tpu.memory_space<vmem>>, vector<16xf32>,
    %mul3A_1080 = arith.mulf %get3A_1077, %get3A_1079 : vector<16xf32>
    %add3A_1081 = arith.addf %add3A_1075, %mul3A_1080 : vector<16xf32>
    %get3A_1082 = arith.constant 3120 : index
    %get3A_1083 = tpu.vector_load %arg14[%get3A_1082] {strides = array<i32>} : memref<4096xf32, #tpu.memory_space<vmem>>, vector<16xf32>,
    %get3A_1084 = arith.constant 3120 : index
    %get3A_1085 = tpu.vector_load %arg15[%get3A_1084] {strides = array<i32>} : memref<4096xf32, #tpu.memory_space<vmem>>, vector<16xf32>,
    %mul3A_1086 = arith.mulf %get3A_1083, %get3A_1085 : vector<16xf32>
    %add3A_1087 = arith.addf %add3A_1081, %mul3A_1086 : vector<16xf32>
    %get3A_1088 = arith.constant 3248 : index
    %get3A_1089 = tpu.vector_load %arg14[%get3A_1088] {strides = array<i32>} : memref<4096xf32, #tpu.memory_space<vmem>>, vector<16xf32>,
    %get3A_1090 = arith.constant 3248 : index
    %get3A_1091 = tpu.vector_load %arg15[%get3A_1090] {strides = array<i32>} : memref<4096xf32, #tpu.memory_space<vmem>>, vector<16xf32>,
    %mul3A_1092 = arith.mulf %get3A_1089, %get3A_1091 : vector<16xf32>
    %add3A_1093 = arith.addf %add3A_1087, %mul3A_1092 : vector<16xf32>
    %get3A_1094 = arith.constant 3376 : index
    %get3A_1095 = tpu.vector_load %arg14[%get3A_1094] {strides = array<i32>} : memref<4096xf32, #tpu.memory_space<vmem>>, vector<16xf32>,
    %get3A_1096 = arith.constant 3376 : index
    %get3A_1097 = tpu.vector_load %arg15[%get3A_1096] {strides = array<i32>} : memref<4096xf32, #tpu.memory_space<vmem>>, vector<16xf32>,
    %mul3A_1098 = arith.mulf %get3A_1095, %get3A_1097 : vector<16xf32>
    %add3A_1099 = arith.addf %add3A_1093, %mul3A_1098 : vector<16xf32>
    %get3A_1100 = arith.constant 3504 : index
    %get3A_1101 = tpu.vector_load %arg14[%get3A_1100] {strides = array<i32>} : memref<4096xf32, #tpu.memory_space<vmem>>, vector<16xf32>,
    %get3A_1102 = arith.constant 3504 : index
    %get3A_1103 = tpu.vector_load %arg15[%get3A_1102] {strides = array<i32>} : memref<4096xf32, #tpu.memory_space<vmem>>, vector<16xf32>,
    %mul3A_1104 = arith.mulf %get3A_1101, %get3A_1103 : vector<16xf32>
    %add3A_1105 = arith.addf %add3A_1099, %mul3A_1104 : vector<16xf32>
    %get3A_1106 = arith.constant 3632 : index
    %get3A_1107 = tpu.vector_load %arg14[%get3A_1106] {strides = array<i32>} : memref<4096xf32, #tpu.memory_space<vmem>>, vector<16xf32>,
    %get3A_1108 = arith.constant 3632 : index
    %get3A_1109 = tpu.vector_load %arg15[%get3A_1108] {strides = array<i32>} : memref<4096xf32, #tpu.memory_space<vmem>>, vector<16xf32>,
    %mul3A_1110 = arith.mulf %get3A_1107, %get3A_1109 : vector<16xf32>
    %add3A_1111 = arith.addf %add3A_1105, %mul3A_1110 : vector<16xf32>
    %get3A_1112 = arith.constant 3760 : index
    %get3A_1113 = tpu.vector_load %arg14[%get3A_1112] {strides = array<i32>} : memref<4096xf32, #tpu.memory_space<vmem>>, vector<16xf32>,
    %get3A_1114 = arith.constant 3760 : index
    %get3A_1115 = tpu.vector_load %arg15[%get3A_1114] {strides = array<i32>} : memref<4096xf32, #tpu.memory_space<vmem>>, vector<16xf32>,
    %mul3A_1116 = arith.mulf %get3A_1113, %get3A_1115 : vector<16xf32>
    %add3A_1117 = arith.addf %add3A_1111, %mul3A_1116 : vector<16xf32>
    %get3A_1118 = arith.constant 3888 : index
    %get3A_1119 = tpu.vector_load %arg14[%get3A_1118] {strides = array<i32>} : memref<4096xf32, #tpu.memory_space<vmem>>, vector<16xf32>,
    %get3A_1120 = arith.constant 3888 : index
    %get3A_1121 = tpu.vector_load %arg15[%get3A_1120] {strides = array<i32>} : memref<4096xf32, #tpu.memory_space<vmem>>, vector<16xf32>,
    %mul3A_1122 = arith.mulf %get3A_1119, %get3A_1121 : vector<16xf32>
    %add3A_1123 = arith.addf %add3A_1117, %mul3A_1122 : vector<16xf32>
    %get3A_1124 = arith.constant 4016 : index
    %get3A_1125 = tpu.vector_load %arg14[%get3A_1124] {strides = array<i32>} : memref<4096xf32, #tpu.memory_space<vmem>>, vector<16xf32>,
    %get3A_1126 = arith.constant 4016 : index
    %get3A_1127 = tpu.vector_load %arg15[%get3A_1126] {strides = array<i32>} : memref<4096xf32, #tpu.memory_space<vmem>>, vector<16xf32>,
    %mul3A_1128 = arith.mulf %get3A_1125, %get3A_1127 : vector<16xf32>
    %add3A_1129 = arith.addf %add3A_1123, %mul3A_1128 : vector<16xf32>
    %swap3A_1130 = arith.constant 48 : index
    %swap3A_1131 = tpu.vector_load %arg18[%swap3A_1130] {strides = array<i32>} : memref<128xf32, #tpu.memory_space<vmem>>, vector<16xf32>,
    tpu.vector_store %arg18[%swap3A_1130], %add3A_1129 {strides = array<i32>} : memref<128xf32, #tpu.memory_space<vmem>>, vector<16xf32>,
    %get3A_1132 = arith.constant 48 : index
    %get3A_1133 = tpu.vector_load %arg16[%get3A_1132] {strides = array<i32>} : memref<128xf32, #tpu.memory_space<vmem>>, vector<16xf32>,
    %get3A_1134 = arith.constant 48 : index
    %get3A_1135 = tpu.vector_load %arg17[%get3A_1134] {strides = array<i32>} : memref<128xf32, #tpu.memory_space<vmem>>, vector<16xf32>,
    %add3A_1136 = arith.addf %get3A_1133, %get3A_1135 : vector<16xf32>
    %swap3A_1137 = arith.constant 48 : index
    %swap3A_1138 = tpu.vector_load %arg19[%swap3A_1137] {strides = array<i32>} : memref<128xf32, #tpu.memory_space<vmem>>, vector<16xf32>,
    tpu.vector_store %arg19[%swap3A_1137], %add3A_1136 {strides = array<i32>} : memref<128xf32, #tpu.memory_space<vmem>>, vector<16xf32>,
    %get3A_1139 = arith.constant 64 : index
    %get3A_1140 = tpu.vector_load %arg14[%get3A_1139] {strides = array<i32>} : memref<4096xf32, #tpu.memory_space<vmem>>, vector<16xf32>,
    %get3A_1141 = arith.constant 64 : index
    %get3A_1142 = tpu.vector_load %arg15[%get3A_1141] {strides = array<i32>} : memref<4096xf32, #tpu.memory_space<vmem>>, vector<16xf32>,
    %mul3A_1143 = arith.mulf %get3A_1140, %get3A_1142 : vector<16xf32>
    %get3A_1144 = arith.constant 192 : index
    %get3A_1145 = tpu.vector_load %arg14[%get3A_1144] {strides = array<i32>} : memref<4096xf32, #tpu.memory_space<vmem>>, vector<16xf32>,
    %get3A_1146 = arith.constant 192 : index
    %get3A_1147 = tpu.vector_load %arg15[%get3A_1146] {strides = array<i32>} : memref<4096xf32, #tpu.memory_space<vmem>>, vector<16xf32>,
    %mul3A_1148 = arith.mulf %get3A_1145, %get3A_1147 : vector<16xf32>
    %add3A_1149 = arith.addf %mul3A_1143, %mul3A_1148 : vector<16xf32>
    %get3A_1150 = arith.constant 320 : index
    %get3A_1151 = tpu.vector_load %arg14[%get3A_1150] {strides = array<i32>} : memref<4096xf32, #tpu.memory_space<vmem>>, vector<16xf32>,
    %get3A_1152 = arith.constant 320 : index
    %get3A_1153 = tpu.vector_load %arg15[%get3A_1152] {strides = array<i32>} : memref<4096xf32, #tpu.memory_space<vmem>>, vector<16xf32>,
    %mul3A_1154 = arith.mulf %get3A_1151, %get3A_1153 : vector<16xf32>
    %add3A_1155 = arith.addf %add3A_1149, %mul3A_1154 : vector<16xf32>
    %get3A_1156 = arith.constant 448 : index
    %get3A_1157 = tpu.vector_load %arg14[%get3A_1156] {strides = array<i32>} : memref<4096xf32, #tpu.memory_space<vmem>>, vector<16xf32>,
    %get3A_1158 = arith.constant 448 : index
    %get3A_1159 = tpu.vector_load %arg15[%get3A_1158] {strides = array<i32>} : memref<4096xf32, #tpu.memory_space<vmem>>, vector<16xf32>,
    %mul3A_1160 = arith.mulf %get3A_1157, %get3A_1159 : vector<16xf32>
    %add3A_1161 = arith.addf %add3A_1155, %mul3A_1160 : vector<16xf32>
    %get3A_1162 = arith.constant 576 : index
    %get3A_1163 = tpu.vector_load %arg14[%get3A_1162] {strides = array<i32>} : memref<4096xf32, #tpu.memory_space<vmem>>, vector<16xf32>,
    %get3A_1164 = arith.constant 576 : index
    %get3A_1165 = tpu.vector_load %arg15[%get3A_1164] {strides = array<i32>} : memref<4096xf32, #tpu.memory_space<vmem>>, vector<16xf32>,
    %mul3A_1166 = arith.mulf %get3A_1163, %get3A_1165 : vector<16xf32>
    %add3A_1167 = arith.addf %add3A_1161, %mul3A_1166 : vector<16xf32>
    %get3A_1168 = arith.constant 704 : index
    %get3A_1169 = tpu.vector_load %arg14[%get3A_1168] {strides = array<i32>} : memref<4096xf32, #tpu.memory_space<vmem>>, vector<16xf32>,
    %get3A_1170 = arith.constant 704 : index
    %get3A_1171 = tpu.vector_load %arg15[%get3A_1170] {strides = array<i32>} : memref<4096xf32, #tpu.memory_space<vmem>>, vector<16xf32>,
    %mul3A_1172 = arith.mulf %get3A_1169, %get3A_1171 : vector<16xf32>
    %add3A_1173 = arith.addf %add3A_1167, %mul3A_1172 : vector<16xf32>
    %get3A_1174 = arith.constant 832 : index
    %get3A_1175 = tpu.vector_load %arg14[%get3A_1174] {strides = array<i32>} : memref<4096xf32, #tpu.memory_space<vmem>>, vector<16xf32>,
    %get3A_1176 = arith.constant 832 : index
    %get3A_1177 = tpu.vector_load %arg15[%get3A_1176] {strides = array<i32>} : memref<4096xf32, #tpu.memory_space<vmem>>, vector<16xf32>,
    %mul3A_1178 = arith.mulf %get3A_1175, %get3A_1177 : vector<16xf32>
    %add3A_1179 = arith.addf %add3A_1173, %mul3A_1178 : vector<16xf32>
    %get3A_1180 = arith.constant 960 : index
    %get3A_1181 = tpu.vector_load %arg14[%get3A_1180] {strides = array<i32>} : memref<4096xf32, #tpu.memory_space<vmem>>, vector<16xf32>,
    %get3A_1182 = arith.constant 960 : index
    %get3A_1183 = tpu.vector_load %arg15[%get3A_1182] {strides = array<i32>} : memref<4096xf32, #tpu.memory_space<vmem>>, vector<16xf32>,
    %mul3A_1184 = arith.mulf %get3A_1181, %get3A_1183 : vector<16xf32>
    %add3A_1185 = arith.addf %add3A_1179, %mul3A_1184 : vector<16xf32>
    %get3A_1186 = arith.constant 1088 : index
    %get3A_1187 = tpu.vector_load %arg14[%get3A_1186] {strides = array<i32>} : memref<4096xf32, #tpu.memory_space<vmem>>, vector<16xf32>,
    %get3A_1188 = arith.constant 1088 : index
    %get3A_1189 = tpu.vector_load %arg15[%get3A_1188] {strides = array<i32>} : memref<4096xf32, #tpu.memory_space<vmem>>, vector<16xf32>,
    %mul3A_1190 = arith.mulf %get3A_1187, %get3A_1189 : vector<16xf32>
    %add3A_1191 = arith.addf %add3A_1185, %mul3A_1190 : vector<16xf32>
    %get3A_1192 = arith.constant 1216 : index
    %get3A_1193 = tpu.vector_load %arg14[%get3A_1192] {strides = array<i32>} : memref<4096xf32, #tpu.memory_space<vmem>>, vector<16xf32>,
    %get3A_1194 = arith.constant 1216 : index
    %get3A_1195 = tpu.vector_load %arg15[%get3A_1194] {strides = array<i32>} : memref<4096xf32, #tpu.memory_space<vmem>>, vector<16xf32>,
    %mul3A_1196 = arith.mulf %get3A_1193, %get3A_1195 : vector<16xf32>
    %add3A_1197 = arith.addf %add3A_1191, %mul3A_1196 : vector<16xf32>
    %get3A_1198 = arith.constant 1344 : index
    %get3A_1199 = tpu.vector_load %arg14[%get3A_1198] {strides = array<i32>} : memref<4096xf32, #tpu.memory_space<vmem>>, vector<16xf32>,
    %get3A_1200 = arith.constant 1344 : index
    %get3A_1201 = tpu.vector_load %arg15[%get3A_1200] {strides = array<i32>} : memref<4096xf32, #tpu.memory_space<vmem>>, vector<16xf32>,
    %mul3A_1202 = arith.mulf %get3A_1199, %get3A_1201 : vector<16xf32>
    %add3A_1203 = arith.addf %add3A_1197, %mul3A_1202 : vector<16xf32>
    %get3A_1204 = arith.constant 1472 : index
    %get3A_1205 = tpu.vector_load %arg14[%get3A_1204] {strides = array<i32>} : memref<4096xf32, #tpu.memory_space<vmem>>, vector<16xf32>,
    %get3A_1206 = arith.constant 1472 : index
    %get3A_1207 = tpu.vector_load %arg15[%get3A_1206] {strides = array<i32>} : memref<4096xf32, #tpu.memory_space<vmem>>, vector<16xf32>,
    %mul3A_1208 = arith.mulf %get3A_1205, %get3A_1207 : vector<16xf32>
    %add3A_1209 = arith.addf %add3A_1203, %mul3A_1208 : vector<16xf32>
    %get3A_1210 = arith.constant 1600 : index
    %get3A_1211 = tpu.vector_load %arg14[%get3A_1210] {strides = array<i32>} : memref<4096xf32, #tpu.memory_space<vmem>>, vector<16xf32>,
    %get3A_1212 = arith.constant 1600 : index
    %get3A_1213 = tpu.vector_load %arg15[%get3A_1212] {strides = array<i32>} : memref<4096xf32, #tpu.memory_space<vmem>>, vector<16xf32>,
    %mul3A_1214 = arith.mulf %get3A_1211, %get3A_1213 : vector<16xf32>
    %add3A_1215 = arith.addf %add3A_1209, %mul3A_1214 : vector<16xf32>
    %get3A_1216 = arith.constant 1728 : index
    %get3A_1217 = tpu.vector_load %arg14[%get3A_1216] {strides = array<i32>} : memref<4096xf32, #tpu.memory_space<vmem>>, vector<16xf32>,
    %get3A_1218 = arith.constant 1728 : index
    %get3A_1219 = tpu.vector_load %arg15[%get3A_1218] {strides = array<i32>} : memref<4096xf32, #tpu.memory_space<vmem>>, vector<16xf32>,
    %mul3A_1220 = arith.mulf %get3A_1217, %get3A_1219 : vector<16xf32>
    %add3A_1221 = arith.addf %add3A_1215, %mul3A_1220 : vector<16xf32>
    %get3A_1222 = arith.constant 1856 : index
    %get3A_1223 = tpu.vector_load %arg14[%get3A_1222] {strides = array<i32>} : memref<4096xf32, #tpu.memory_space<vmem>>, vector<16xf32>,
    %get3A_1224 = arith.constant 1856 : index
    %get3A_1225 = tpu.vector_load %arg15[%get3A_1224] {strides = array<i32>} : memref<4096xf32, #tpu.memory_space<vmem>>, vector<16xf32>,
    %mul3A_1226 = arith.mulf %get3A_1223, %get3A_1225 : vector<16xf32>
    %add3A_1227 = arith.addf %add3A_1221, %mul3A_1226 : vector<16xf32>
    %get3A_1228 = arith.constant 1984 : index
    %get3A_1229 = tpu.vector_load %arg14[%get3A_1228] {strides = array<i32>} : memref<4096xf32, #tpu.memory_space<vmem>>, vector<16xf32>,
    %get3A_1230 = arith.constant 1984 : index
    %get3A_1231 = tpu.vector_load %arg15[%get3A_1230] {strides = array<i32>} : memref<4096xf32, #tpu.memory_space<vmem>>, vector<16xf32>,
    %mul3A_1232 = arith.mulf %get3A_1229, %get3A_1231 : vector<16xf32>
    %add3A_1233 = arith.addf %add3A_1227, %mul3A_1232 : vector<16xf32>
    %get3A_1234 = arith.constant 2112 : index
    %get3A_1235 = tpu.vector_load %arg14[%get3A_1234] {strides = array<i32>} : memref<4096xf32, #tpu.memory_space<vmem>>, vector<16xf32>,
    %get3A_1236 = arith.constant 2112 : index
    %get3A_1237 = tpu.vector_load %arg15[%get3A_1236] {strides = array<i32>} : memref<4096xf32, #tpu.memory_space<vmem>>, vector<16xf32>,
    %mul3A_1238 = arith.mulf %get3A_1235, %get3A_1237 : vector<16xf32>
    %add3A_1239 = arith.addf %add3A_1233, %mul3A_1238 : vector<16xf32>
    %get3A_1240 = arith.constant 2240 : index
    %get3A_1241 = tpu.vector_load %arg14[%get3A_1240] {strides = array<i32>} : memref<4096xf32, #tpu.memory_space<vmem>>, vector<16xf32>,
    %get3A_1242 = arith.constant 2240 : index
    %get3A_1243 = tpu.vector_load %arg15[%get3A_1242] {strides = array<i32>} : memref<4096xf32, #tpu.memory_space<vmem>>, vector<16xf32>,
    %mul3A_1244 = arith.mulf %get3A_1241, %get3A_1243 : vector<16xf32>
    %add3A_1245 = arith.addf %add3A_1239, %mul3A_1244 : vector<16xf32>
    %get3A_1246 = arith.constant 2368 : index
    %get3A_1247 = tpu.vector_load %arg14[%get3A_1246] {strides = array<i32>} : memref<4096xf32, #tpu.memory_space<vmem>>, vector<16xf32>,
    %get3A_1248 = arith.constant 2368 : index
    %get3A_1249 = tpu.vector_load %arg15[%get3A_1248] {strides = array<i32>} : memref<4096xf32, #tpu.memory_space<vmem>>, vector<16xf32>,
    %mul3A_1250 = arith.mulf %get3A_1247, %get3A_1249 : vector<16xf32>
    %add3A_1251 = arith.addf %add3A_1245, %mul3A_1250 : vector<16xf32>
    %get3A_1252 = arith.constant 2496 : index
    %get3A_1253 = tpu.vector_load %arg14[%get3A_1252] {strides = array<i32>} : memref<4096xf32, #tpu.memory_space<vmem>>, vector<16xf32>,
    %get3A_1254 = arith.constant 2496 : index
    %get3A_1255 = tpu.vector_load %arg15[%get3A_1254] {strides = array<i32>} : memref<4096xf32, #tpu.memory_space<vmem>>, vector<16xf32>,
    %mul3A_1256 = arith.mulf %get3A_1253, %get3A_1255 : vector<16xf32>
    %add3A_1257 = arith.addf %add3A_1251, %mul3A_1256 : vector<16xf32>
    %get3A_1258 = arith.constant 2624 : index
    %get3A_1259 = tpu.vector_load %arg14[%get3A_1258] {strides = array<i32>} : memref<4096xf32, #tpu.memory_space<vmem>>, vector<16xf32>,
    %get3A_1260 = arith.constant 2624 : index
    %get3A_1261 = tpu.vector_load %arg15[%get3A_1260] {strides = array<i32>} : memref<4096xf32, #tpu.memory_space<vmem>>, vector<16xf32>,
    %mul3A_1262 = arith.mulf %get3A_1259, %get3A_1261 : vector<16xf32>
    %add3A_1263 = arith.addf %add3A_1257, %mul3A_1262 : vector<16xf32>
    %get3A_1264 = arith.constant 2752 : index
    %get3A_1265 = tpu.vector_load %arg14[%get3A_1264] {strides = array<i32>} : memref<4096xf32, #tpu.memory_space<vmem>>, vector<16xf32>,
    %get3A_1266 = arith.constant 2752 : index
    %get3A_1267 = tpu.vector_load %arg15[%get3A_1266] {strides = array<i32>} : memref<4096xf32, #tpu.memory_space<vmem>>, vector<16xf32>,
    %mul3A_1268 = arith.mulf %get3A_1265, %get3A_1267 : vector<16xf32>
    %add3A_1269 = arith.addf %add3A_1263, %mul3A_1268 : vector<16xf32>
    %get3A_1270 = arith.constant 2880 : index
    %get3A_1271 = tpu.vector_load %arg14[%get3A_1270] {strides = array<i32>} : memref<4096xf32, #tpu.memory_space<vmem>>, vector<16xf32>,
    %get3A_1272 = arith.constant 2880 : index
    %get3A_1273 = tpu.vector_load %arg15[%get3A_1272] {strides = array<i32>} : memref<4096xf32, #tpu.memory_space<vmem>>, vector<16xf32>,
    %mul3A_1274 = arith.mulf %get3A_1271, %get3A_1273 : vector<16xf32>
    %add3A_1275 = arith.addf %add3A_1269, %mul3A_1274 : vector<16xf32>
    %get3A_1276 = arith.constant 3008 : index
    %get3A_1277 = tpu.vector_load %arg14[%get3A_1276] {strides = array<i32>} : memref<4096xf32, #tpu.memory_space<vmem>>, vector<16xf32>,
    %get3A_1278 = arith.constant 3008 : index
    %get3A_1279 = tpu.vector_load %arg15[%get3A_1278] {strides = array<i32>} : memref<4096xf32, #tpu.memory_space<vmem>>, vector<16xf32>,
    %mul3A_1280 = arith.mulf %get3A_1277, %get3A_1279 : vector<16xf32>
    %add3A_1281 = arith.addf %add3A_1275, %mul3A_1280 : vector<16xf32>
    %get3A_1282 = arith.constant 3136 : index
    %get3A_1283 = tpu.vector_load %arg14[%get3A_1282] {strides = array<i32>} : memref<4096xf32, #tpu.memory_space<vmem>>, vector<16xf32>,
    %get3A_1284 = arith.constant 3136 : index
    %get3A_1285 = tpu.vector_load %arg15[%get3A_1284] {strides = array<i32>} : memref<4096xf32, #tpu.memory_space<vmem>>, vector<16xf32>,
    %mul3A_1286 = arith.mulf %get3A_1283, %get3A_1285 : vector<16xf32>
    %add3A_1287 = arith.addf %add3A_1281, %mul3A_1286 : vector<16xf32>
    %get3A_1288 = arith.constant 3264 : index
    %get3A_1289 = tpu.vector_load %arg14[%get3A_1288] {strides = array<i32>} : memref<4096xf32, #tpu.memory_space<vmem>>, vector<16xf32>,
    %get3A_1290 = arith.constant 3264 : index
    %get3A_1291 = tpu.vector_load %arg15[%get3A_1290] {strides = array<i32>} : memref<4096xf32, #tpu.memory_space<vmem>>, vector<16xf32>,
    %mul3A_1292 = arith.mulf %get3A_1289, %get3A_1291 : vector<16xf32>
    %add3A_1293 = arith.addf %add3A_1287, %mul3A_1292 : vector<16xf32>
    %get3A_1294 = arith.constant 3392 : index
    %get3A_1295 = tpu.vector_load %arg14[%get3A_1294] {strides = array<i32>} : memref<4096xf32, #tpu.memory_space<vmem>>, vector<16xf32>,
    %get3A_1296 = arith.constant 3392 : index
    %get3A_1297 = tpu.vector_load %arg15[%get3A_1296] {strides = array<i32>} : memref<4096xf32, #tpu.memory_space<vmem>>, vector<16xf32>,
    %mul3A_1298 = arith.mulf %get3A_1295, %get3A_1297 : vector<16xf32>
    %add3A_1299 = arith.addf %add3A_1293, %mul3A_1298 : vector<16xf32>
    %get3A_1300 = arith.constant 3520 : index
    %get3A_1301 = tpu.vector_load %arg14[%get3A_1300] {strides = array<i32>} : memref<4096xf32, #tpu.memory_space<vmem>>, vector<16xf32>,
    %get3A_1302 = arith.constant 3520 : index
    %get3A_1303 = tpu.vector_load %arg15[%get3A_1302] {strides = array<i32>} : memref<4096xf32, #tpu.memory_space<vmem>>, vector<16xf32>,
    %mul3A_1304 = arith.mulf %get3A_1301, %get3A_1303 : vector<16xf32>
    %add3A_1305 = arith.addf %add3A_1299, %mul3A_1304 : vector<16xf32>
    %get3A_1306 = arith.constant 3648 : index
    %get3A_1307 = tpu.vector_load %arg14[%get3A_1306] {strides = array<i32>} : memref<4096xf32, #tpu.memory_space<vmem>>, vector<16xf32>,
    %get3A_1308 = arith.constant 3648 : index
    %get3A_1309 = tpu.vector_load %arg15[%get3A_1308] {strides = array<i32>} : memref<4096xf32, #tpu.memory_space<vmem>>, vector<16xf32>,
    %mul3A_1310 = arith.mulf %get3A_1307, %get3A_1309 : vector<16xf32>
    %add3A_1311 = arith.addf %add3A_1305, %mul3A_1310 : vector<16xf32>
    %get3A_1312 = arith.constant 3776 : index
    %get3A_1313 = tpu.vector_load %arg14[%get3A_1312] {strides = array<i32>} : memref<4096xf32, #tpu.memory_space<vmem>>, vector<16xf32>,
    %get3A_1314 = arith.constant 3776 : index
    %get3A_1315 = tpu.vector_load %arg15[%get3A_1314] {strides = array<i32>} : memref<4096xf32, #tpu.memory_space<vmem>>, vector<16xf32>,
    %mul3A_1316 = arith.mulf %get3A_1313, %get3A_1315 : vector<16xf32>
    %add3A_1317 = arith.addf %add3A_1311, %mul3A_1316 : vector<16xf32>
    %get3A_1318 = arith.constant 3904 : index
    %get3A_1319 = tpu.vector_load %arg14[%get3A_1318] {strides = array<i32>} : memref<4096xf32, #tpu.memory_space<vmem>>, vector<16xf32>,
    %get3A_1320 = arith.constant 3904 : index
    %get3A_1321 = tpu.vector_load %arg15[%get3A_1320] {strides = array<i32>} : memref<4096xf32, #tpu.memory_space<vmem>>, vector<16xf32>,
    %mul3A_1322 = arith.mulf %get3A_1319, %get3A_1321 : vector<16xf32>
    %add3A_1323 = arith.addf %add3A_1317, %mul3A_1322 : vector<16xf32>
    %get3A_1324 = arith.constant 4032 : index
    %get3A_1325 = tpu.vector_load %arg14[%get3A_1324] {strides = array<i32>} : memref<4096xf32, #tpu.memory_space<vmem>>, vector<16xf32>,
    %get3A_1326 = arith.constant 4032 : index
    %get3A_1327 = tpu.vector_load %arg15[%get3A_1326] {strides = array<i32>} : memref<4096xf32, #tpu.memory_space<vmem>>, vector<16xf32>,
    %mul3A_1328 = arith.mulf %get3A_1325, %get3A_1327 : vector<16xf32>
    %add3A_1329 = arith.addf %add3A_1323, %mul3A_1328 : vector<16xf32>
    %swap3A_1330 = arith.constant 64 : index
    %swap3A_1331 = tpu.vector_load %arg18[%swap3A_1330] {strides = array<i32>} : memref<128xf32, #tpu.memory_space<vmem>>, vector<16xf32>,
    tpu.vector_store %arg18[%swap3A_1330], %add3A_1329 {strides = array<i32>} : memref<128xf32, #tpu.memory_space<vmem>>, vector<16xf32>,
    %get3A_1332 = arith.constant 64 : index
    %get3A_1333 = tpu.vector_load %arg16[%get3A_1332] {strides = array<i32>} : memref<128xf32, #tpu.memory_space<vmem>>, vector<16xf32>,
    %get3A_1334 = arith.constant 64 : index
    %get3A_1335 = tpu.vector_load %arg17[%get3A_1334] {strides = array<i32>} : memref<128xf32, #tpu.memory_space<vmem>>, vector<16xf32>,
    %add3A_1336 = arith.addf %get3A_1333, %get3A_1335 : vector<16xf32>
    %swap3A_1337 = arith.constant 64 : index
    %swap3A_1338 = tpu.vector_load %arg19[%swap3A_1337] {strides = array<i32>} : memref<128xf32, #tpu.memory_space<vmem>>, vector<16xf32>,
    tpu.vector_store %arg19[%swap3A_1337], %add3A_1336 {strides = array<i32>} : memref<128xf32, #tpu.memory_space<vmem>>, vector<16xf32>,
    %get3A_1339 = arith.constant 80 : index
    %get3A_1340 = tpu.vector_load %arg14[%get3A_1339] {strides = array<i32>} : memref<4096xf32, #tpu.memory_space<vmem>>, vector<16xf32>,
    %get3A_1341 = arith.constant 80 : index
    %get3A_1342 = tpu.vector_load %arg15[%get3A_1341] {strides = array<i32>} : memref<4096xf32, #tpu.memory_space<vmem>>, vector<16xf32>,
    %mul3A_1343 = arith.mulf %get3A_1340, %get3A_1342 : vector<16xf32>
    %get3A_1344 = arith.constant 208 : index
    %get3A_1345 = tpu.vector_load %arg14[%get3A_1344] {strides = array<i32>} : memref<4096xf32, #tpu.memory_space<vmem>>, vector<16xf32>,
    %get3A_1346 = arith.constant 208 : index
    %get3A_1347 = tpu.vector_load %arg15[%get3A_1346] {strides = array<i32>} : memref<4096xf32, #tpu.memory_space<vmem>>, vector<16xf32>,
    %mul3A_1348 = arith.mulf %get3A_1345, %get3A_1347 : vector<16xf32>
    %add3A_1349 = arith.addf %mul3A_1343, %mul3A_1348 : vector<16xf32>
    %get3A_1350 = arith.constant 336 : index
    %get3A_1351 = tpu.vector_load %arg14[%get3A_1350] {strides = array<i32>} : memref<4096xf32, #tpu.memory_space<vmem>>, vector<16xf32>,
    %get3A_1352 = arith.constant 336 : index
    %get3A_1353 = tpu.vector_load %arg15[%get3A_1352] {strides = array<i32>} : memref<4096xf32, #tpu.memory_space<vmem>>, vector<16xf32>,
    %mul3A_1354 = arith.mulf %get3A_1351, %get3A_1353 : vector<16xf32>
    %add3A_1355 = arith.addf %add3A_1349, %mul3A_1354 : vector<16xf32>
    %get3A_1356 = arith.constant 464 : index
    %get3A_1357 = tpu.vector_load %arg14[%get3A_1356] {strides = array<i32>} : memref<4096xf32, #tpu.memory_space<vmem>>, vector<16xf32>,
    %get3A_1358 = arith.constant 464 : index
    %get3A_1359 = tpu.vector_load %arg15[%get3A_1358] {strides = array<i32>} : memref<4096xf32, #tpu.memory_space<vmem>>, vector<16xf32>,
    %mul3A_1360 = arith.mulf %get3A_1357, %get3A_1359 : vector<16xf32>
    %add3A_1361 = arith.addf %add3A_1355, %mul3A_1360 : vector<16xf32>
    %get3A_1362 = arith.constant 592 : index
    %get3A_1363 = tpu.vector_load %arg14[%get3A_1362] {strides = array<i32>} : memref<4096xf32, #tpu.memory_space<vmem>>, vector<16xf32>,
    %get3A_1364 = arith.constant 592 : index
    %get3A_1365 = tpu.vector_load %arg15[%get3A_1364] {strides = array<i32>} : memref<4096xf32, #tpu.memory_space<vmem>>, vector<16xf32>,
    %mul3A_1366 = arith.mulf %get3A_1363, %get3A_1365 : vector<16xf32>
    %add3A_1367 = arith.addf %add3A_1361, %mul3A_1366 : vector<16xf32>
    %get3A_1368 = arith.constant 720 : index
    %get3A_1369 = tpu.vector_load %arg14[%get3A_1368] {strides = array<i32>} : memref<4096xf32, #tpu.memory_space<vmem>>, vector<16xf32>,
    %get3A_1370 = arith.constant 720 : index
    %get3A_1371 = tpu.vector_load %arg15[%get3A_1370] {strides = array<i32>} : memref<4096xf32, #tpu.memory_space<vmem>>, vector<16xf32>,
    %mul3A_1372 = arith.mulf %get3A_1369, %get3A_1371 : vector<16xf32>
    %add3A_1373 = arith.addf %add3A_1367, %mul3A_1372 : vector<16xf32>
    %get3A_1374 = arith.constant 848 : index
    %get3A_1375 = tpu.vector_load %arg14[%get3A_1374] {strides = array<i32>} : memref<4096xf32, #tpu.memory_space<vmem>>, vector<16xf32>,
    %get3A_1376 = arith.constant 848 : index
    %get3A_1377 = tpu.vector_load %arg15[%get3A_1376] {strides = array<i32>} : memref<4096xf32, #tpu.memory_space<vmem>>, vector<16xf32>,
    %mul3A_1378 = arith.mulf %get3A_1375, %get3A_1377 : vector<16xf32>
    %add3A_1379 = arith.addf %add3A_1373, %mul3A_1378 : vector<16xf32>
    %get3A_1380 = arith.constant 976 : index
    %get3A_1381 = tpu.vector_load %arg14[%get3A_1380] {strides = array<i32>} : memref<4096xf32, #tpu.memory_space<vmem>>, vector<16xf32>,
    %get3A_1382 = arith.constant 976 : index
    %get3A_1383 = tpu.vector_load %arg15[%get3A_1382] {strides = array<i32>} : memref<4096xf32, #tpu.memory_space<vmem>>, vector<16xf32>,
    %mul3A_1384 = arith.mulf %get3A_1381, %get3A_1383 : vector<16xf32>
    %add3A_1385 = arith.addf %add3A_1379, %mul3A_1384 : vector<16xf32>
    %get3A_1386 = arith.constant 1104 : index
    %get3A_1387 = tpu.vector_load %arg14[%get3A_1386] {strides = array<i32>} : memref<4096xf32, #tpu.memory_space<vmem>>, vector<16xf32>,
    %get3A_1388 = arith.constant 1104 : index
    %get3A_1389 = tpu.vector_load %arg15[%get3A_1388] {strides = array<i32>} : memref<4096xf32, #tpu.memory_space<vmem>>, vector<16xf32>,
    %mul3A_1390 = arith.mulf %get3A_1387, %get3A_1389 : vector<16xf32>
    %add3A_1391 = arith.addf %add3A_1385, %mul3A_1390 : vector<16xf32>
    %get3A_1392 = arith.constant 1232 : index
    %get3A_1393 = tpu.vector_load %arg14[%get3A_1392] {strides = array<i32>} : memref<4096xf32, #tpu.memory_space<vmem>>, vector<16xf32>,
    %get3A_1394 = arith.constant 1232 : index
    %get3A_1395 = tpu.vector_load %arg15[%get3A_1394] {strides = array<i32>} : memref<4096xf32, #tpu.memory_space<vmem>>, vector<16xf32>,
    %mul3A_1396 = arith.mulf %get3A_1393, %get3A_1395 : vector<16xf32>
    %add3A_1397 = arith.addf %add3A_1391, %mul3A_1396 : vector<16xf32>
    %get3A_1398 = arith.constant 1360 : index
    %get3A_1399 = tpu.vector_load %arg14[%get3A_1398] {strides = array<i32>} : memref<4096xf32, #tpu.memory_space<vmem>>, vector<16xf32>,
    %get3A_1400 = arith.constant 1360 : index
    %get3A_1401 = tpu.vector_load %arg15[%get3A_1400] {strides = array<i32>} : memref<4096xf32, #tpu.memory_space<vmem>>, vector<16xf32>,
    %mul3A_1402 = arith.mulf %get3A_1399, %get3A_1401 : vector<16xf32>
    %add3A_1403 = arith.addf %add3A_1397, %mul3A_1402 : vector<16xf32>
    %get3A_1404 = arith.constant 1488 : index
    %get3A_1405 = tpu.vector_load %arg14[%get3A_1404] {strides = array<i32>} : memref<4096xf32, #tpu.memory_space<vmem>>, vector<16xf32>,
    %get3A_1406 = arith.constant 1488 : index
    %get3A_1407 = tpu.vector_load %arg15[%get3A_1406] {strides = array<i32>} : memref<4096xf32, #tpu.memory_space<vmem>>, vector<16xf32>,
    %mul3A_1408 = arith.mulf %get3A_1405, %get3A_1407 : vector<16xf32>
    %add3A_1409 = arith.addf %add3A_1403, %mul3A_1408 : vector<16xf32>
    %get3A_1410 = arith.constant 1616 : index
    %get3A_1411 = tpu.vector_load %arg14[%get3A_1410] {strides = array<i32>} : memref<4096xf32, #tpu.memory_space<vmem>>, vector<16xf32>,
    %get3A_1412 = arith.constant 1616 : index
    %get3A_1413 = tpu.vector_load %arg15[%get3A_1412] {strides = array<i32>} : memref<4096xf32, #tpu.memory_space<vmem>>, vector<16xf32>,
    %mul3A_1414 = arith.mulf %get3A_1411, %get3A_1413 : vector<16xf32>
    %add3A_1415 = arith.addf %add3A_1409, %mul3A_1414 : vector<16xf32>
    %get3A_1416 = arith.constant 1744 : index
    %get3A_1417 = tpu.vector_load %arg14[%get3A_1416] {strides = array<i32>} : memref<4096xf32, #tpu.memory_space<vmem>>, vector<16xf32>,
    %get3A_1418 = arith.constant 1744 : index
    %get3A_1419 = tpu.vector_load %arg15[%get3A_1418] {strides = array<i32>} : memref<4096xf32, #tpu.memory_space<vmem>>, vector<16xf32>,
    %mul3A_1420 = arith.mulf %get3A_1417, %get3A_1419 : vector<16xf32>
    %add3A_1421 = arith.addf %add3A_1415, %mul3A_1420 : vector<16xf32>
    %get3A_1422 = arith.constant 1872 : index
    %get3A_1423 = tpu.vector_load %arg14[%get3A_1422] {strides = array<i32>} : memref<4096xf32, #tpu.memory_space<vmem>>, vector<16xf32>,
    %get3A_1424 = arith.constant 1872 : index
    %get3A_1425 = tpu.vector_load %arg15[%get3A_1424] {strides = array<i32>} : memref<4096xf32, #tpu.memory_space<vmem>>, vector<16xf32>,
    %mul3A_1426 = arith.mulf %get3A_1423, %get3A_1425 : vector<16xf32>
    %add3A_1427 = arith.addf %add3A_1421, %mul3A_1426 : vector<16xf32>
    %get3A_1428 = arith.constant 2000 : index
    %get3A_1429 = tpu.vector_load %arg14[%get3A_1428] {strides = array<i32>} : memref<4096xf32, #tpu.memory_space<vmem>>, vector<16xf32>,
    %get3A_1430 = arith.constant 2000 : index
    %get3A_1431 = tpu.vector_load %arg15[%get3A_1430] {strides = array<i32>} : memref<4096xf32, #tpu.memory_space<vmem>>, vector<16xf32>,
    %mul3A_1432 = arith.mulf %get3A_1429, %get3A_1431 : vector<16xf32>
    %add3A_1433 = arith.addf %add3A_1427, %mul3A_1432 : vector<16xf32>
    %get3A_1434 = arith.constant 2128 : index
    %get3A_1435 = tpu.vector_load %arg14[%get3A_1434] {strides = array<i32>} : memref<4096xf32, #tpu.memory_space<vmem>>, vector<16xf32>,
    %get3A_1436 = arith.constant 2128 : index
    %get3A_1437 = tpu.vector_load %arg15[%get3A_1436] {strides = array<i32>} : memref<4096xf32, #tpu.memory_space<vmem>>, vector<16xf32>,
    %mul3A_1438 = arith.mulf %get3A_1435, %get3A_1437 : vector<16xf32>
    %add3A_1439 = arith.addf %add3A_1433, %mul3A_1438 : vector<16xf32>
    %get3A_1440 = arith.constant 2256 : index
    %get3A_1441 = tpu.vector_load %arg14[%get3A_1440] {strides = array<i32>} : memref<4096xf32, #tpu.memory_space<vmem>>, vector<16xf32>,
    %get3A_1442 = arith.constant 2256 : index
    %get3A_1443 = tpu.vector_load %arg15[%get3A_1442] {strides = array<i32>} : memref<4096xf32, #tpu.memory_space<vmem>>, vector<16xf32>,
    %mul3A_1444 = arith.mulf %get3A_1441, %get3A_1443 : vector<16xf32>
    %add3A_1445 = arith.addf %add3A_1439, %mul3A_1444 : vector<16xf32>
    %get3A_1446 = arith.constant 2384 : index
    %get3A_1447 = tpu.vector_load %arg14[%get3A_1446] {strides = array<i32>} : memref<4096xf32, #tpu.memory_space<vmem>>, vector<16xf32>,
    %get3A_1448 = arith.constant 2384 : index
    %get3A_1449 = tpu.vector_load %arg15[%get3A_1448] {strides = array<i32>} : memref<4096xf32, #tpu.memory_space<vmem>>, vector<16xf32>,
    %mul3A_1450 = arith.mulf %get3A_1447, %get3A_1449 : vector<16xf32>
    %add3A_1451 = arith.addf %add3A_1445, %mul3A_1450 : vector<16xf32>
    %get3A_1452 = arith.constant 2512 : index
    %get3A_1453 = tpu.vector_load %arg14[%get3A_1452] {strides = array<i32>} : memref<4096xf32, #tpu.memory_space<vmem>>, vector<16xf32>,
    %get3A_1454 = arith.constant 2512 : index
    %get3A_1455 = tpu.vector_load %arg15[%get3A_1454] {strides = array<i32>} : memref<4096xf32, #tpu.memory_space<vmem>>, vector<16xf32>,
    %mul3A_1456 = arith.mulf %get3A_1453, %get3A_1455 : vector<16xf32>
    %add3A_1457 = arith.addf %add3A_1451, %mul3A_1456 : vector<16xf32>
    %get3A_1458 = arith.constant 2640 : index
    %get3A_1459 = tpu.vector_load %arg14[%get3A_1458] {strides = array<i32>} : memref<4096xf32, #tpu.memory_space<vmem>>, vector<16xf32>,
    %get3A_1460 = arith.constant 2640 : index
    %get3A_1461 = tpu.vector_load %arg15[%get3A_1460] {strides = array<i32>} : memref<4096xf32, #tpu.memory_space<vmem>>, vector<16xf32>,
    %mul3A_1462 = arith.mulf %get3A_1459, %get3A_1461 : vector<16xf32>
    %add3A_1463 = arith.addf %add3A_1457, %mul3A_1462 : vector<16xf32>
    %get3A_1464 = arith.constant 2768 : index
    %get3A_1465 = tpu.vector_load %arg14[%get3A_1464] {strides = array<i32>} : memref<4096xf32, #tpu.memory_space<vmem>>, vector<16xf32>,
    %get3A_1466 = arith.constant 2768 : index
    %get3A_1467 = tpu.vector_load %arg15[%get3A_1466] {strides = array<i32>} : memref<4096xf32, #tpu.memory_space<vmem>>, vector<16xf32>,
    %mul3A_1468 = arith.mulf %get3A_1465, %get3A_1467 : vector<16xf32>
    %add3A_1469 = arith.addf %add3A_1463, %mul3A_1468 : vector<16xf32>
    %get3A_1470 = arith.constant 2896 : index
    %get3A_1471 = tpu.vector_load %arg14[%get3A_1470] {strides = array<i32>} : memref<4096xf32, #tpu.memory_space<vmem>>, vector<16xf32>,
    %get3A_1472 = arith.constant 2896 : index
    %get3A_1473 = tpu.vector_load %arg15[%get3A_1472] {strides = array<i32>} : memref<4096xf32, #tpu.memory_space<vmem>>, vector<16xf32>,
    %mul3A_1474 = arith.mulf %get3A_1471, %get3A_1473 : vector<16xf32>
    %add3A_1475 = arith.addf %add3A_1469, %mul3A_1474 : vector<16xf32>
    %get3A_1476 = arith.constant 3024 : index
    %get3A_1477 = tpu.vector_load %arg14[%get3A_1476] {strides = array<i32>} : memref<4096xf32, #tpu.memory_space<vmem>>, vector<16xf32>,
    %get3A_1478 = arith.constant 3024 : index
    %get3A_1479 = tpu.vector_load %arg15[%get3A_1478] {strides = array<i32>} : memref<4096xf32, #tpu.memory_space<vmem>>, vector<16xf32>,
    %mul3A_1480 = arith.mulf %get3A_1477, %get3A_1479 : vector<16xf32>
    %add3A_1481 = arith.addf %add3A_1475, %mul3A_1480 : vector<16xf32>
    %get3A_1482 = arith.constant 3152 : index
    %get3A_1483 = tpu.vector_load %arg14[%get3A_1482] {strides = array<i32>} : memref<4096xf32, #tpu.memory_space<vmem>>, vector<16xf32>,
    %get3A_1484 = arith.constant 3152 : index
    %get3A_1485 = tpu.vector_load %arg15[%get3A_1484] {strides = array<i32>} : memref<4096xf32, #tpu.memory_space<vmem>>, vector<16xf32>,
    %mul3A_1486 = arith.mulf %get3A_1483, %get3A_1485 : vector<16xf32>
    %add3A_1487 = arith.addf %add3A_1481, %mul3A_1486 : vector<16xf32>
    %get3A_1488 = arith.constant 3280 : index
    %get3A_1489 = tpu.vector_load %arg14[%get3A_1488] {strides = array<i32>} : memref<4096xf32, #tpu.memory_space<vmem>>, vector<16xf32>,
    %get3A_1490 = arith.constant 3280 : index
    %get3A_1491 = tpu.vector_load %arg15[%get3A_1490] {strides = array<i32>} : memref<4096xf32, #tpu.memory_space<vmem>>, vector<16xf32>,
    %mul3A_1492 = arith.mulf %get3A_1489, %get3A_1491 : vector<16xf32>
    %add3A_1493 = arith.addf %add3A_1487, %mul3A_1492 : vector<16xf32>
    %get3A_1494 = arith.constant 3408 : index
    %get3A_1495 = tpu.vector_load %arg14[%get3A_1494] {strides = array<i32>} : memref<4096xf32, #tpu.memory_space<vmem>>, vector<16xf32>,
    %get3A_1496 = arith.constant 3408 : index
    %get3A_1497 = tpu.vector_load %arg15[%get3A_1496] {strides = array<i32>} : memref<4096xf32, #tpu.memory_space<vmem>>, vector<16xf32>,
    %mul3A_1498 = arith.mulf %get3A_1495, %get3A_1497 : vector<16xf32>
    %add3A_1499 = arith.addf %add3A_1493, %mul3A_1498 : vector<16xf32>
    %get3A_1500 = arith.constant 3536 : index
    %get3A_1501 = tpu.vector_load %arg14[%get3A_1500] {strides = array<i32>} : memref<4096xf32, #tpu.memory_space<vmem>>, vector<16xf32>,
    %get3A_1502 = arith.constant 3536 : index
    %get3A_1503 = tpu.vector_load %arg15[%get3A_1502] {strides = array<i32>} : memref<4096xf32, #tpu.memory_space<vmem>>, vector<16xf32>,
    %mul3A_1504 = arith.mulf %get3A_1501, %get3A_1503 : vector<16xf32>
    %add3A_1505 = arith.addf %add3A_1499, %mul3A_1504 : vector<16xf32>
    %get3A_1506 = arith.constant 3664 : index
    %get3A_1507 = tpu.vector_load %arg14[%get3A_1506] {strides = array<i32>} : memref<4096xf32, #tpu.memory_space<vmem>>, vector<16xf32>,
    %get3A_1508 = arith.constant 3664 : index
    %get3A_1509 = tpu.vector_load %arg15[%get3A_1508] {strides = array<i32>} : memref<4096xf32, #tpu.memory_space<vmem>>, vector<16xf32>,
    %mul3A_1510 = arith.mulf %get3A_1507, %get3A_1509 : vector<16xf32>
    %add3A_1511 = arith.addf %add3A_1505, %mul3A_1510 : vector<16xf32>
    %get3A_1512 = arith.constant 3792 : index
    %get3A_1513 = tpu.vector_load %arg14[%get3A_1512] {strides = array<i32>} : memref<4096xf32, #tpu.memory_space<vmem>>, vector<16xf32>,
    %get3A_1514 = arith.constant 3792 : index
    %get3A_1515 = tpu.vector_load %arg15[%get3A_1514] {strides = array<i32>} : memref<4096xf32, #tpu.memory_space<vmem>>, vector<16xf32>,
    %mul3A_1516 = arith.mulf %get3A_1513, %get3A_1515 : vector<16xf32>
    %add3A_1517 = arith.addf %add3A_1511, %mul3A_1516 : vector<16xf32>
    %get3A_1518 = arith.constant 3920 : index
    %get3A_1519 = tpu.vector_load %arg14[%get3A_1518] {strides = array<i32>} : memref<4096xf32, #tpu.memory_space<vmem>>, vector<16xf32>,
    %get3A_1520 = arith.constant 3920 : index
    %get3A_1521 = tpu.vector_load %arg15[%get3A_1520] {strides = array<i32>} : memref<4096xf32, #tpu.memory_space<vmem>>, vector<16xf32>,
    %mul3A_1522 = arith.mulf %get3A_1519, %get3A_1521 : vector<16xf32>
    %add3A_1523 = arith.addf %add3A_1517, %mul3A_1522 : vector<16xf32>
    %get3A_1524 = arith.constant 4048 : index
    %get3A_1525 = tpu.vector_load %arg14[%get3A_1524] {strides = array<i32>} : memref<4096xf32, #tpu.memory_space<vmem>>, vector<16xf32>,
    %get3A_1526 = arith.constant 4048 : index
    %get3A_1527 = tpu.vector_load %arg15[%get3A_1526] {strides = array<i32>} : memref<4096xf32, #tpu.memory_space<vmem>>, vector<16xf32>,
    %mul3A_1528 = arith.mulf %get3A_1525, %get3A_1527 : vector<16xf32>
    %add3A_1529 = arith.addf %add3A_1523, %mul3A_1528 : vector<16xf32>
    %swap3A_1530 = arith.constant 80 : index
    %swap3A_1531 = tpu.vector_load %arg18[%swap3A_1530] {strides = array<i32>} : memref<128xf32, #tpu.memory_space<vmem>>, vector<16xf32>,
    tpu.vector_store %arg18[%swap3A_1530], %add3A_1529 {strides = array<i32>} : memref<128xf32, #tpu.memory_space<vmem>>, vector<16xf32>,
    %get3A_1532 = arith.constant 80 : index
    %get3A_1533 = tpu.vector_load %arg16[%get3A_1532] {strides = array<i32>} : memref<128xf32, #tpu.memory_space<vmem>>, vector<16xf32>,
    %get3A_1534 = arith.constant 80 : index
    %get3A_1535 = tpu.vector_load %arg17[%get3A_1534] {strides = array<i32>} : memref<128xf32, #tpu.memory_space<vmem>>, vector<16xf32>,
    %add3A_1536 = arith.addf %get3A_1533, %get3A_1535 : vector<16xf32>
    %swap3A_1537 = arith.constant 80 : index
    %swap3A_1538 = tpu.vector_load %arg19[%swap3A_1537] {strides = array<i32>} : memref<128xf32, #tpu.memory_space<vmem>>, vector<16xf32>,
    tpu.vector_store %arg19[%swap3A_1537], %add3A_1536 {strides = array<i32>} : memref<128xf32, #tpu.memory_space<vmem>>, vector<16xf32>,
    %get3A_1539 = arith.constant 96 : index
    %get3A_1540 = tpu.vector_load %arg14[%get3A_1539] {strides = array<i32>} : memref<4096xf32, #tpu.memory_space<vmem>>, vector<16xf32>,
    %get3A_1541 = arith.constant 96 : index
    %get3A_1542 = tpu.vector_load %arg15[%get3A_1541] {strides = array<i32>} : memref<4096xf32, #tpu.memory_space<vmem>>, vector<16xf32>,
    %mul3A_1543 = arith.mulf %get3A_1540, %get3A_1542 : vector<16xf32>
    %get3A_1544 = arith.constant 224 : index
    %get3A_1545 = tpu.vector_load %arg14[%get3A_1544] {strides = array<i32>} : memref<4096xf32, #tpu.memory_space<vmem>>, vector<16xf32>,
    %get3A_1546 = arith.constant 224 : index
    %get3A_1547 = tpu.vector_load %arg15[%get3A_1546] {strides = array<i32>} : memref<4096xf32, #tpu.memory_space<vmem>>, vector<16xf32>,
    %mul3A_1548 = arith.mulf %get3A_1545, %get3A_1547 : vector<16xf32>
    %add3A_1549 = arith.addf %mul3A_1543, %mul3A_1548 : vector<16xf32>
    %get3A_1550 = arith.constant 352 : index
    %get3A_1551 = tpu.vector_load %arg14[%get3A_1550] {strides = array<i32>} : memref<4096xf32, #tpu.memory_space<vmem>>, vector<16xf32>,
    %get3A_1552 = arith.constant 352 : index
    %get3A_1553 = tpu.vector_load %arg15[%get3A_1552] {strides = array<i32>} : memref<4096xf32, #tpu.memory_space<vmem>>, vector<16xf32>,
    %mul3A_1554 = arith.mulf %get3A_1551, %get3A_1553 : vector<16xf32>
    %add3A_1555 = arith.addf %add3A_1549, %mul3A_1554 : vector<16xf32>
    %get3A_1556 = arith.constant 480 : index
    %get3A_1557 = tpu.vector_load %arg14[%get3A_1556] {strides = array<i32>} : memref<4096xf32, #tpu.memory_space<vmem>>, vector<16xf32>,
    %get3A_1558 = arith.constant 480 : index
    %get3A_1559 = tpu.vector_load %arg15[%get3A_1558] {strides = array<i32>} : memref<4096xf32, #tpu.memory_space<vmem>>, vector<16xf32>,
    %mul3A_1560 = arith.mulf %get3A_1557, %get3A_1559 : vector<16xf32>
    %add3A_1561 = arith.addf %add3A_1555, %mul3A_1560 : vector<16xf32>
    %get3A_1562 = arith.constant 608 : index
    %get3A_1563 = tpu.vector_load %arg14[%get3A_1562] {strides = array<i32>} : memref<4096xf32, #tpu.memory_space<vmem>>, vector<16xf32>,
    %get3A_1564 = arith.constant 608 : index
    %get3A_1565 = tpu.vector_load %arg15[%get3A_1564] {strides = array<i32>} : memref<4096xf32, #tpu.memory_space<vmem>>, vector<16xf32>,
    %mul3A_1566 = arith.mulf %get3A_1563, %get3A_1565 : vector<16xf32>
    %add3A_1567 = arith.addf %add3A_1561, %mul3A_1566 : vector<16xf32>
    %get3A_1568 = arith.constant 736 : index
    %get3A_1569 = tpu.vector_load %arg14[%get3A_1568] {strides = array<i32>} : memref<4096xf32, #tpu.memory_space<vmem>>, vector<16xf32>,
    %get3A_1570 = arith.constant 736 : index
    %get3A_1571 = tpu.vector_load %arg15[%get3A_1570] {strides = array<i32>} : memref<4096xf32, #tpu.memory_space<vmem>>, vector<16xf32>,
    %mul3A_1572 = arith.mulf %get3A_1569, %get3A_1571 : vector<16xf32>
    %add3A_1573 = arith.addf %add3A_1567, %mul3A_1572 : vector<16xf32>
    %get3A_1574 = arith.constant 864 : index
    %get3A_1575 = tpu.vector_load %arg14[%get3A_1574] {strides = array<i32>} : memref<4096xf32, #tpu.memory_space<vmem>>, vector<16xf32>,
    %get3A_1576 = arith.constant 864 : index
    %get3A_1577 = tpu.vector_load %arg15[%get3A_1576] {strides = array<i32>} : memref<4096xf32, #tpu.memory_space<vmem>>, vector<16xf32>,
    %mul3A_1578 = arith.mulf %get3A_1575, %get3A_1577 : vector<16xf32>
    %add3A_1579 = arith.addf %add3A_1573, %mul3A_1578 : vector<16xf32>
    %get3A_1580 = arith.constant 992 : index
    %get3A_1581 = tpu.vector_load %arg14[%get3A_1580] {strides = array<i32>} : memref<4096xf32, #tpu.memory_space<vmem>>, vector<16xf32>,
    %get3A_1582 = arith.constant 992 : index
    %get3A_1583 = tpu.vector_load %arg15[%get3A_1582] {strides = array<i32>} : memref<4096xf32, #tpu.memory_space<vmem>>, vector<16xf32>,
    %mul3A_1584 = arith.mulf %get3A_1581, %get3A_1583 : vector<16xf32>
    %add3A_1585 = arith.addf %add3A_1579, %mul3A_1584 : vector<16xf32>
    %get3A_1586 = arith.constant 1120 : index
    %get3A_1587 = tpu.vector_load %arg14[%get3A_1586] {strides = array<i32>} : memref<4096xf32, #tpu.memory_space<vmem>>, vector<16xf32>,
    %get3A_1588 = arith.constant 1120 : index
    %get3A_1589 = tpu.vector_load %arg15[%get3A_1588] {strides = array<i32>} : memref<4096xf32, #tpu.memory_space<vmem>>, vector<16xf32>,
    %mul3A_1590 = arith.mulf %get3A_1587, %get3A_1589 : vector<16xf32>
    %add3A_1591 = arith.addf %add3A_1585, %mul3A_1590 : vector<16xf32>
    %get3A_1592 = arith.constant 1248 : index
    %get3A_1593 = tpu.vector_load %arg14[%get3A_1592] {strides = array<i32>} : memref<4096xf32, #tpu.memory_space<vmem>>, vector<16xf32>,
    %get3A_1594 = arith.constant 1248 : index
    %get3A_1595 = tpu.vector_load %arg15[%get3A_1594] {strides = array<i32>} : memref<4096xf32, #tpu.memory_space<vmem>>, vector<16xf32>,
    %mul3A_1596 = arith.mulf %get3A_1593, %get3A_1595 : vector<16xf32>
    %add3A_1597 = arith.addf %add3A_1591, %mul3A_1596 : vector<16xf32>
    %get3A_1598 = arith.constant 1376 : index
    %get3A_1599 = tpu.vector_load %arg14[%get3A_1598] {strides = array<i32>} : memref<4096xf32, #tpu.memory_space<vmem>>, vector<16xf32>,
    %get3A_1600 = arith.constant 1376 : index
    %get3A_1601 = tpu.vector_load %arg15[%get3A_1600] {strides = array<i32>} : memref<4096xf32, #tpu.memory_space<vmem>>, vector<16xf32>,
    %mul3A_1602 = arith.mulf %get3A_1599, %get3A_1601 : vector<16xf32>
    %add3A_1603 = arith.addf %add3A_1597, %mul3A_1602 : vector<16xf32>
    %get3A_1604 = arith.constant 1504 : index
    %get3A_1605 = tpu.vector_load %arg14[%get3A_1604] {strides = array<i32>} : memref<4096xf32, #tpu.memory_space<vmem>>, vector<16xf32>,
    %get3A_1606 = arith.constant 1504 : index
    %get3A_1607 = tpu.vector_load %arg15[%get3A_1606] {strides = array<i32>} : memref<4096xf32, #tpu.memory_space<vmem>>, vector<16xf32>,
    %mul3A_1608 = arith.mulf %get3A_1605, %get3A_1607 : vector<16xf32>
    %add3A_1609 = arith.addf %add3A_1603, %mul3A_1608 : vector<16xf32>
    %get3A_1610 = arith.constant 1632 : index
    %get3A_1611 = tpu.vector_load %arg14[%get3A_1610] {strides = array<i32>} : memref<4096xf32, #tpu.memory_space<vmem>>, vector<16xf32>,
    %get3A_1612 = arith.constant 1632 : index
    %get3A_1613 = tpu.vector_load %arg15[%get3A_1612] {strides = array<i32>} : memref<4096xf32, #tpu.memory_space<vmem>>, vector<16xf32>,
    %mul3A_1614 = arith.mulf %get3A_1611, %get3A_1613 : vector<16xf32>
    %add3A_1615 = arith.addf %add3A_1609, %mul3A_1614 : vector<16xf32>
    %get3A_1616 = arith.constant 1760 : index
    %get3A_1617 = tpu.vector_load %arg14[%get3A_1616] {strides = array<i32>} : memref<4096xf32, #tpu.memory_space<vmem>>, vector<16xf32>,
    %get3A_1618 = arith.constant 1760 : index
    %get3A_1619 = tpu.vector_load %arg15[%get3A_1618] {strides = array<i32>} : memref<4096xf32, #tpu.memory_space<vmem>>, vector<16xf32>,
    %mul3A_1620 = arith.mulf %get3A_1617, %get3A_1619 : vector<16xf32>
    %add3A_1621 = arith.addf %add3A_1615, %mul3A_1620 : vector<16xf32>
    %get3A_1622 = arith.constant 1888 : index
    %get3A_1623 = tpu.vector_load %arg14[%get3A_1622] {strides = array<i32>} : memref<4096xf32, #tpu.memory_space<vmem>>, vector<16xf32>,
    %get3A_1624 = arith.constant 1888 : index
    %get3A_1625 = tpu.vector_load %arg15[%get3A_1624] {strides = array<i32>} : memref<4096xf32, #tpu.memory_space<vmem>>, vector<16xf32>,
    %mul3A_1626 = arith.mulf %get3A_1623, %get3A_1625 : vector<16xf32>
    %add3A_1627 = arith.addf %add3A_1621, %mul3A_1626 : vector<16xf32>
    %get3A_1628 = arith.constant 2016 : index
    %get3A_1629 = tpu.vector_load %arg14[%get3A_1628] {strides = array<i32>} : memref<4096xf32, #tpu.memory_space<vmem>>, vector<16xf32>,
    %get3A_1630 = arith.constant 2016 : index
    %get3A_1631 = tpu.vector_load %arg15[%get3A_1630] {strides = array<i32>} : memref<4096xf32, #tpu.memory_space<vmem>>, vector<16xf32>,
    %mul3A_1632 = arith.mulf %get3A_1629, %get3A_1631 : vector<16xf32>
    %add3A_1633 = arith.addf %add3A_1627, %mul3A_1632 : vector<16xf32>
    %get3A_1634 = arith.constant 2144 : index
    %get3A_1635 = tpu.vector_load %arg14[%get3A_1634] {strides = array<i32>} : memref<4096xf32, #tpu.memory_space<vmem>>, vector<16xf32>,
    %get3A_1636 = arith.constant 2144 : index
    %get3A_1637 = tpu.vector_load %arg15[%get3A_1636] {strides = array<i32>} : memref<4096xf32, #tpu.memory_space<vmem>>, vector<16xf32>,
    %mul3A_1638 = arith.mulf %get3A_1635, %get3A_1637 : vector<16xf32>
    %add3A_1639 = arith.addf %add3A_1633, %mul3A_1638 : vector<16xf32>
    %get3A_1640 = arith.constant 2272 : index
    %get3A_1641 = tpu.vector_load %arg14[%get3A_1640] {strides = array<i32>} : memref<4096xf32, #tpu.memory_space<vmem>>, vector<16xf32>,
    %get3A_1642 = arith.constant 2272 : index
    %get3A_1643 = tpu.vector_load %arg15[%get3A_1642] {strides = array<i32>} : memref<4096xf32, #tpu.memory_space<vmem>>, vector<16xf32>,
    %mul3A_1644 = arith.mulf %get3A_1641, %get3A_1643 : vector<16xf32>
    %add3A_1645 = arith.addf %add3A_1639, %mul3A_1644 : vector<16xf32>
    %get3A_1646 = arith.constant 2400 : index
    %get3A_1647 = tpu.vector_load %arg14[%get3A_1646] {strides = array<i32>} : memref<4096xf32, #tpu.memory_space<vmem>>, vector<16xf32>,
    %get3A_1648 = arith.constant 2400 : index
    %get3A_1649 = tpu.vector_load %arg15[%get3A_1648] {strides = array<i32>} : memref<4096xf32, #tpu.memory_space<vmem>>, vector<16xf32>,
    %mul3A_1650 = arith.mulf %get3A_1647, %get3A_1649 : vector<16xf32>
    %add3A_1651 = arith.addf %add3A_1645, %mul3A_1650 : vector<16xf32>
    %get3A_1652 = arith.constant 2528 : index
    %get3A_1653 = tpu.vector_load %arg14[%get3A_1652] {strides = array<i32>} : memref<4096xf32, #tpu.memory_space<vmem>>, vector<16xf32>,
    %get3A_1654 = arith.constant 2528 : index
    %get3A_1655 = tpu.vector_load %arg15[%get3A_1654] {strides = array<i32>} : memref<4096xf32, #tpu.memory_space<vmem>>, vector<16xf32>,
    %mul3A_1656 = arith.mulf %get3A_1653, %get3A_1655 : vector<16xf32>
    %add3A_1657 = arith.addf %add3A_1651, %mul3A_1656 : vector<16xf32>
    %get3A_1658 = arith.constant 2656 : index
    %get3A_1659 = tpu.vector_load %arg14[%get3A_1658] {strides = array<i32>} : memref<4096xf32, #tpu.memory_space<vmem>>, vector<16xf32>,
    %get3A_1660 = arith.constant 2656 : index
    %get3A_1661 = tpu.vector_load %arg15[%get3A_1660] {strides = array<i32>} : memref<4096xf32, #tpu.memory_space<vmem>>, vector<16xf32>,
    %mul3A_1662 = arith.mulf %get3A_1659, %get3A_1661 : vector<16xf32>
    %add3A_1663 = arith.addf %add3A_1657, %mul3A_1662 : vector<16xf32>
    %get3A_1664 = arith.constant 2784 : index
    %get3A_1665 = tpu.vector_load %arg14[%get3A_1664] {strides = array<i32>} : memref<4096xf32, #tpu.memory_space<vmem>>, vector<16xf32>,
    %get3A_1666 = arith.constant 2784 : index
    %get3A_1667 = tpu.vector_load %arg15[%get3A_1666] {strides = array<i32>} : memref<4096xf32, #tpu.memory_space<vmem>>, vector<16xf32>,
    %mul3A_1668 = arith.mulf %get3A_1665, %get3A_1667 : vector<16xf32>
    %add3A_1669 = arith.addf %add3A_1663, %mul3A_1668 : vector<16xf32>
    %get3A_1670 = arith.constant 2912 : index
    %get3A_1671 = tpu.vector_load %arg14[%get3A_1670] {strides = array<i32>} : memref<4096xf32, #tpu.memory_space<vmem>>, vector<16xf32>,
    %get3A_1672 = arith.constant 2912 : index
    %get3A_1673 = tpu.vector_load %arg15[%get3A_1672] {strides = array<i32>} : memref<4096xf32, #tpu.memory_space<vmem>>, vector<16xf32>,
    %mul3A_1674 = arith.mulf %get3A_1671, %get3A_1673 : vector<16xf32>
    %add3A_1675 = arith.addf %add3A_1669, %mul3A_1674 : vector<16xf32>
    %get3A_1676 = arith.constant 3040 : index
    %get3A_1677 = tpu.vector_load %arg14[%get3A_1676] {strides = array<i32>} : memref<4096xf32, #tpu.memory_space<vmem>>, vector<16xf32>,
    %get3A_1678 = arith.constant 3040 : index
    %get3A_1679 = tpu.vector_load %arg15[%get3A_1678] {strides = array<i32>} : memref<4096xf32, #tpu.memory_space<vmem>>, vector<16xf32>,
    %mul3A_1680 = arith.mulf %get3A_1677, %get3A_1679 : vector<16xf32>
    %add3A_1681 = arith.addf %add3A_1675, %mul3A_1680 : vector<16xf32>
    %get3A_1682 = arith.constant 3168 : index
    %get3A_1683 = tpu.vector_load %arg14[%get3A_1682] {strides = array<i32>} : memref<4096xf32, #tpu.memory_space<vmem>>, vector<16xf32>,
    %get3A_1684 = arith.constant 3168 : index
    %get3A_1685 = tpu.vector_load %arg15[%get3A_1684] {strides = array<i32>} : memref<4096xf32, #tpu.memory_space<vmem>>, vector<16xf32>,
    %mul3A_1686 = arith.mulf %get3A_1683, %get3A_1685 : vector<16xf32>
    %add3A_1687 = arith.addf %add3A_1681, %mul3A_1686 : vector<16xf32>
    %get3A_1688 = arith.constant 3296 : index
    %get3A_1689 = tpu.vector_load %arg14[%get3A_1688] {strides = array<i32>} : memref<4096xf32, #tpu.memory_space<vmem>>, vector<16xf32>,
    %get3A_1690 = arith.constant 3296 : index
    %get3A_1691 = tpu.vector_load %arg15[%get3A_1690] {strides = array<i32>} : memref<4096xf32, #tpu.memory_space<vmem>>, vector<16xf32>,
    %mul3A_1692 = arith.mulf %get3A_1689, %get3A_1691 : vector<16xf32>
    %add3A_1693 = arith.addf %add3A_1687, %mul3A_1692 : vector<16xf32>
    %get3A_1694 = arith.constant 3424 : index
    %get3A_1695 = tpu.vector_load %arg14[%get3A_1694] {strides = array<i32>} : memref<4096xf32, #tpu.memory_space<vmem>>, vector<16xf32>,
    %get3A_1696 = arith.constant 3424 : index
    %get3A_1697 = tpu.vector_load %arg15[%get3A_1696] {strides = array<i32>} : memref<4096xf32, #tpu.memory_space<vmem>>, vector<16xf32>,
    %mul3A_1698 = arith.mulf %get3A_1695, %get3A_1697 : vector<16xf32>
    %add3A_1699 = arith.addf %add3A_1693, %mul3A_1698 : vector<16xf32>
    %get3A_1700 = arith.constant 3552 : index
    %get3A_1701 = tpu.vector_load %arg14[%get3A_1700] {strides = array<i32>} : memref<4096xf32, #tpu.memory_space<vmem>>, vector<16xf32>,
    %get3A_1702 = arith.constant 3552 : index
    %get3A_1703 = tpu.vector_load %arg15[%get3A_1702] {strides = array<i32>} : memref<4096xf32, #tpu.memory_space<vmem>>, vector<16xf32>,
    %mul3A_1704 = arith.mulf %get3A_1701, %get3A_1703 : vector<16xf32>
    %add3A_1705 = arith.addf %add3A_1699, %mul3A_1704 : vector<16xf32>
    %get3A_1706 = arith.constant 3680 : index
    %get3A_1707 = tpu.vector_load %arg14[%get3A_1706] {strides = array<i32>} : memref<4096xf32, #tpu.memory_space<vmem>>, vector<16xf32>,
    %get3A_1708 = arith.constant 3680 : index
    %get3A_1709 = tpu.vector_load %arg15[%get3A_1708] {strides = array<i32>} : memref<4096xf32, #tpu.memory_space<vmem>>, vector<16xf32>,
    %mul3A_1710 = arith.mulf %get3A_1707, %get3A_1709 : vector<16xf32>
    %add3A_1711 = arith.addf %add3A_1705, %mul3A_1710 : vector<16xf32>
    %get3A_1712 = arith.constant 3808 : index
    %get3A_1713 = tpu.vector_load %arg14[%get3A_1712] {strides = array<i32>} : memref<4096xf32, #tpu.memory_space<vmem>>, vector<16xf32>,
    %get3A_1714 = arith.constant 3808 : index
    %get3A_1715 = tpu.vector_load %arg15[%get3A_1714] {strides = array<i32>} : memref<4096xf32, #tpu.memory_space<vmem>>, vector<16xf32>,
    %mul3A_1716 = arith.mulf %get3A_1713, %get3A_1715 : vector<16xf32>
    %add3A_1717 = arith.addf %add3A_1711, %mul3A_1716 : vector<16xf32>
    %get3A_1718 = arith.constant 3936 : index
    %get3A_1719 = tpu.vector_load %arg14[%get3A_1718] {strides = array<i32>} : memref<4096xf32, #tpu.memory_space<vmem>>, vector<16xf32>,
    %get3A_1720 = arith.constant 3936 : index
    %get3A_1721 = tpu.vector_load %arg15[%get3A_1720] {strides = array<i32>} : memref<4096xf32, #tpu.memory_space<vmem>>, vector<16xf32>,
    %mul3A_1722 = arith.mulf %get3A_1719, %get3A_1721 : vector<16xf32>
    %add3A_1723 = arith.addf %add3A_1717, %mul3A_1722 : vector<16xf32>
    %get3A_1724 = arith.constant 4064 : index
    %get3A_1725 = tpu.vector_load %arg14[%get3A_1724] {strides = array<i32>} : memref<4096xf32, #tpu.memory_space<vmem>>, vector<16xf32>,
    %get3A_1726 = arith.constant 4064 : index
    %get3A_1727 = tpu.vector_load %arg15[%get3A_1726] {strides = array<i32>} : memref<4096xf32, #tpu.memory_space<vmem>>, vector<16xf32>,
    %mul3A_1728 = arith.mulf %get3A_1725, %get3A_1727 : vector<16xf32>
    %add3A_1729 = arith.addf %add3A_1723, %mul3A_1728 : vector<16xf32>
    %swap3A_1730 = arith.constant 96 : index
    %swap3A_1731 = tpu.vector_load %arg18[%swap3A_1730] {strides = array<i32>} : memref<128xf32, #tpu.memory_space<vmem>>, vector<16xf32>,
    tpu.vector_store %arg18[%swap3A_1730], %add3A_1729 {strides = array<i32>} : memref<128xf32, #tpu.memory_space<vmem>>, vector<16xf32>,
    %get3A_1732 = arith.constant 96 : index
    %get3A_1733 = tpu.vector_load %arg16[%get3A_1732] {strides = array<i32>} : memref<128xf32, #tpu.memory_space<vmem>>, vector<16xf32>,
    %get3A_1734 = arith.constant 96 : index
    %get3A_1735 = tpu.vector_load %arg17[%get3A_1734] {strides = array<i32>} : memref<128xf32, #tpu.memory_space<vmem>>, vector<16xf32>,
    %add3A_1736 = arith.addf %get3A_1733, %get3A_1735 : vector<16xf32>
    %swap3A_1737 = arith.constant 96 : index
    %swap3A_1738 = tpu.vector_load %arg19[%swap3A_1737] {strides = array<i32>} : memref<128xf32, #tpu.memory_space<vmem>>, vector<16xf32>,
    tpu.vector_store %arg19[%swap3A_1737], %add3A_1736 {strides = array<i32>} : memref<128xf32, #tpu.memory_space<vmem>>, vector<16xf32>,
    %get3A_1739 = arith.constant 112 : index
    %get3A_1740 = tpu.vector_load %arg14[%get3A_1739] {strides = array<i32>} : memref<4096xf32, #tpu.memory_space<vmem>>, vector<16xf32>,
    %get3A_1741 = arith.constant 112 : index
    %get3A_1742 = tpu.vector_load %arg15[%get3A_1741] {strides = array<i32>} : memref<4096xf32, #tpu.memory_space<vmem>>, vector<16xf32>,
    %mul3A_1743 = arith.mulf %get3A_1740, %get3A_1742 : vector<16xf32>
    %get3A_1744 = arith.constant 240 : index
    %get3A_1745 = tpu.vector_load %arg14[%get3A_1744] {strides = array<i32>} : memref<4096xf32, #tpu.memory_space<vmem>>, vector<16xf32>,
    %get3A_1746 = arith.constant 240 : index
    %get3A_1747 = tpu.vector_load %arg15[%get3A_1746] {strides = array<i32>} : memref<4096xf32, #tpu.memory_space<vmem>>, vector<16xf32>,
    %mul3A_1748 = arith.mulf %get3A_1745, %get3A_1747 : vector<16xf32>
    %add3A_1749 = arith.addf %mul3A_1743, %mul3A_1748 : vector<16xf32>
    %get3A_1750 = arith.constant 368 : index
    %get3A_1751 = tpu.vector_load %arg14[%get3A_1750] {strides = array<i32>} : memref<4096xf32, #tpu.memory_space<vmem>>, vector<16xf32>,
    %get3A_1752 = arith.constant 368 : index
    %get3A_1753 = tpu.vector_load %arg15[%get3A_1752] {strides = array<i32>} : memref<4096xf32, #tpu.memory_space<vmem>>, vector<16xf32>,
    %mul3A_1754 = arith.mulf %get3A_1751, %get3A_1753 : vector<16xf32>
    %add3A_1755 = arith.addf %add3A_1749, %mul3A_1754 : vector<16xf32>
    %get3A_1756 = arith.constant 496 : index
    %get3A_1757 = tpu.vector_load %arg14[%get3A_1756] {strides = array<i32>} : memref<4096xf32, #tpu.memory_space<vmem>>, vector<16xf32>,
    %get3A_1758 = arith.constant 496 : index
    %get3A_1759 = tpu.vector_load %arg15[%get3A_1758] {strides = array<i32>} : memref<4096xf32, #tpu.memory_space<vmem>>, vector<16xf32>,
    %mul3A_1760 = arith.mulf %get3A_1757, %get3A_1759 : vector<16xf32>
    %add3A_1761 = arith.addf %add3A_1755, %mul3A_1760 : vector<16xf32>
    %get3A_1762 = arith.constant 624 : index
    %get3A_1763 = tpu.vector_load %arg14[%get3A_1762] {strides = array<i32>} : memref<4096xf32, #tpu.memory_space<vmem>>, vector<16xf32>,
    %get3A_1764 = arith.constant 624 : index
    %get3A_1765 = tpu.vector_load %arg15[%get3A_1764] {strides = array<i32>} : memref<4096xf32, #tpu.memory_space<vmem>>, vector<16xf32>,
    %mul3A_1766 = arith.mulf %get3A_1763, %get3A_1765 : vector<16xf32>
    %add3A_1767 = arith.addf %add3A_1761, %mul3A_1766 : vector<16xf32>
    %get3A_1768 = arith.constant 752 : index
    %get3A_1769 = tpu.vector_load %arg14[%get3A_1768] {strides = array<i32>} : memref<4096xf32, #tpu.memory_space<vmem>>, vector<16xf32>,
    %get3A_1770 = arith.constant 752 : index
    %get3A_1771 = tpu.vector_load %arg15[%get3A_1770] {strides = array<i32>} : memref<4096xf32, #tpu.memory_space<vmem>>, vector<16xf32>,
    %mul3A_1772 = arith.mulf %get3A_1769, %get3A_1771 : vector<16xf32>
    %add3A_1773 = arith.addf %add3A_1767, %mul3A_1772 : vector<16xf32>
    %get3A_1774 = arith.constant 880 : index
    %get3A_1775 = tpu.vector_load %arg14[%get3A_1774] {strides = array<i32>} : memref<4096xf32, #tpu.memory_space<vmem>>, vector<16xf32>,
    %get3A_1776 = arith.constant 880 : index
    %get3A_1777 = tpu.vector_load %arg15[%get3A_1776] {strides = array<i32>} : memref<4096xf32, #tpu.memory_space<vmem>>, vector<16xf32>,
    %mul3A_1778 = arith.mulf %get3A_1775, %get3A_1777 : vector<16xf32>
    %add3A_1779 = arith.addf %add3A_1773, %mul3A_1778 : vector<16xf32>
    %get3A_1780 = arith.constant 1008 : index
    %get3A_1781 = tpu.vector_load %arg14[%get3A_1780] {strides = array<i32>} : memref<4096xf32, #tpu.memory_space<vmem>>, vector<16xf32>,
    %get3A_1782 = arith.constant 1008 : index
    %get3A_1783 = tpu.vector_load %arg15[%get3A_1782] {strides = array<i32>} : memref<4096xf32, #tpu.memory_space<vmem>>, vector<16xf32>,
    %mul3A_1784 = arith.mulf %get3A_1781, %get3A_1783 : vector<16xf32>
    %add3A_1785 = arith.addf %add3A_1779, %mul3A_1784 : vector<16xf32>
    %get3A_1786 = arith.constant 1136 : index
    %get3A_1787 = tpu.vector_load %arg14[%get3A_1786] {strides = array<i32>} : memref<4096xf32, #tpu.memory_space<vmem>>, vector<16xf32>,
    %get3A_1788 = arith.constant 1136 : index
    %get3A_1789 = tpu.vector_load %arg15[%get3A_1788] {strides = array<i32>} : memref<4096xf32, #tpu.memory_space<vmem>>, vector<16xf32>,
    %mul3A_1790 = arith.mulf %get3A_1787, %get3A_1789 : vector<16xf32>
    %add3A_1791 = arith.addf %add3A_1785, %mul3A_1790 : vector<16xf32>
    %get3A_1792 = arith.constant 1264 : index
    %get3A_1793 = tpu.vector_load %arg14[%get3A_1792] {strides = array<i32>} : memref<4096xf32, #tpu.memory_space<vmem>>, vector<16xf32>,
    %get3A_1794 = arith.constant 1264 : index
    %get3A_1795 = tpu.vector_load %arg15[%get3A_1794] {strides = array<i32>} : memref<4096xf32, #tpu.memory_space<vmem>>, vector<16xf32>,
    %mul3A_1796 = arith.mulf %get3A_1793, %get3A_1795 : vector<16xf32>
    %add3A_1797 = arith.addf %add3A_1791, %mul3A_1796 : vector<16xf32>
    %get3A_1798 = arith.constant 1392 : index
    %get3A_1799 = tpu.vector_load %arg14[%get3A_1798] {strides = array<i32>} : memref<4096xf32, #tpu.memory_space<vmem>>, vector<16xf32>,
    %get3A_1800 = arith.constant 1392 : index
    %get3A_1801 = tpu.vector_load %arg15[%get3A_1800] {strides = array<i32>} : memref<4096xf32, #tpu.memory_space<vmem>>, vector<16xf32>,
    %mul3A_1802 = arith.mulf %get3A_1799, %get3A_1801 : vector<16xf32>
    %add3A_1803 = arith.addf %add3A_1797, %mul3A_1802 : vector<16xf32>
    %get3A_1804 = arith.constant 1520 : index
    %get3A_1805 = tpu.vector_load %arg14[%get3A_1804] {strides = array<i32>} : memref<4096xf32, #tpu.memory_space<vmem>>, vector<16xf32>,
    %get3A_1806 = arith.constant 1520 : index
    %get3A_1807 = tpu.vector_load %arg15[%get3A_1806] {strides = array<i32>} : memref<4096xf32, #tpu.memory_space<vmem>>, vector<16xf32>,
    %mul3A_1808 = arith.mulf %get3A_1805, %get3A_1807 : vector<16xf32>
    %add3A_1809 = arith.addf %add3A_1803, %mul3A_1808 : vector<16xf32>
    %get3A_1810 = arith.constant 1648 : index
    %get3A_1811 = tpu.vector_load %arg14[%get3A_1810] {strides = array<i32>} : memref<4096xf32, #tpu.memory_space<vmem>>, vector<16xf32>,
    %get3A_1812 = arith.constant 1648 : index
    %get3A_1813 = tpu.vector_load %arg15[%get3A_1812] {strides = array<i32>} : memref<4096xf32, #tpu.memory_space<vmem>>, vector<16xf32>,
    %mul3A_1814 = arith.mulf %get3A_1811, %get3A_1813 : vector<16xf32>
    %add3A_1815 = arith.addf %add3A_1809, %mul3A_1814 : vector<16xf32>
    %get3A_1816 = arith.constant 1776 : index
    %get3A_1817 = tpu.vector_load %arg14[%get3A_1816] {strides = array<i32>} : memref<4096xf32, #tpu.memory_space<vmem>>, vector<16xf32>,
    %get3A_1818 = arith.constant 1776 : index
    %get3A_1819 = tpu.vector_load %arg15[%get3A_1818] {strides = array<i32>} : memref<4096xf32, #tpu.memory_space<vmem>>, vector<16xf32>,
    %mul3A_1820 = arith.mulf %get3A_1817, %get3A_1819 : vector<16xf32>
    %add3A_1821 = arith.addf %add3A_1815, %mul3A_1820 : vector<16xf32>
    %get3A_1822 = arith.constant 1904 : index
    %get3A_1823 = tpu.vector_load %arg14[%get3A_1822] {strides = array<i32>} : memref<4096xf32, #tpu.memory_space<vmem>>, vector<16xf32>,
    %get3A_1824 = arith.constant 1904 : index
    %get3A_1825 = tpu.vector_load %arg15[%get3A_1824] {strides = array<i32>} : memref<4096xf32, #tpu.memory_space<vmem>>, vector<16xf32>,
    %mul3A_1826 = arith.mulf %get3A_1823, %get3A_1825 : vector<16xf32>
    %add3A_1827 = arith.addf %add3A_1821, %mul3A_1826 : vector<16xf32>
    %get3A_1828 = arith.constant 2032 : index
    %get3A_1829 = tpu.vector_load %arg14[%get3A_1828] {strides = array<i32>} : memref<4096xf32, #tpu.memory_space<vmem>>, vector<16xf32>,
    %get3A_1830 = arith.constant 2032 : index
    %get3A_1831 = tpu.vector_load %arg15[%get3A_1830] {strides = array<i32>} : memref<4096xf32, #tpu.memory_space<vmem>>, vector<16xf32>,
    %mul3A_1832 = arith.mulf %get3A_1829, %get3A_1831 : vector<16xf32>
    %add3A_1833 = arith.addf %add3A_1827, %mul3A_1832 : vector<16xf32>
    %get3A_1834 = arith.constant 2160 : index
    %get3A_1835 = tpu.vector_load %arg14[%get3A_1834] {strides = array<i32>} : memref<4096xf32, #tpu.memory_space<vmem>>, vector<16xf32>,
    %get3A_1836 = arith.constant 2160 : index
    %get3A_1837 = tpu.vector_load %arg15[%get3A_1836] {strides = array<i32>} : memref<4096xf32, #tpu.memory_space<vmem>>, vector<16xf32>,
    %mul3A_1838 = arith.mulf %get3A_1835, %get3A_1837 : vector<16xf32>
    %add3A_1839 = arith.addf %add3A_1833, %mul3A_1838 : vector<16xf32>
    %get3A_1840 = arith.constant 2288 : index
    %get3A_1841 = tpu.vector_load %arg14[%get3A_1840] {strides = array<i32>} : memref<4096xf32, #tpu.memory_space<vmem>>, vector<16xf32>,
    %get3A_1842 = arith.constant 2288 : index
    %get3A_1843 = tpu.vector_load %arg15[%get3A_1842] {strides = array<i32>} : memref<4096xf32, #tpu.memory_space<vmem>>, vector<16xf32>,
    %mul3A_1844 = arith.mulf %get3A_1841, %get3A_1843 : vector<16xf32>
    %add3A_1845 = arith.addf %add3A_1839, %mul3A_1844 : vector<16xf32>
    %get3A_1846 = arith.constant 2416 : index
    %get3A_1847 = tpu.vector_load %arg14[%get3A_1846] {strides = array<i32>} : memref<4096xf32, #tpu.memory_space<vmem>>, vector<16xf32>,
    %get3A_1848 = arith.constant 2416 : index
    %get3A_1849 = tpu.vector_load %arg15[%get3A_1848] {strides = array<i32>} : memref<4096xf32, #tpu.memory_space<vmem>>, vector<16xf32>,
    %mul3A_1850 = arith.mulf %get3A_1847, %get3A_1849 : vector<16xf32>
    %add3A_1851 = arith.addf %add3A_1845, %mul3A_1850 : vector<16xf32>
    %get3A_1852 = arith.constant 2544 : index
    %get3A_1853 = tpu.vector_load %arg14[%get3A_1852] {strides = array<i32>} : memref<4096xf32, #tpu.memory_space<vmem>>, vector<16xf32>,
    %get3A_1854 = arith.constant 2544 : index
    %get3A_1855 = tpu.vector_load %arg15[%get3A_1854] {strides = array<i32>} : memref<4096xf32, #tpu.memory_space<vmem>>, vector<16xf32>,
    %mul3A_1856 = arith.mulf %get3A_1853, %get3A_1855 : vector<16xf32>
    %add3A_1857 = arith.addf %add3A_1851, %mul3A_1856 : vector<16xf32>
    %get3A_1858 = arith.constant 2672 : index
    %get3A_1859 = tpu.vector_load %arg14[%get3A_1858] {strides = array<i32>} : memref<4096xf32, #tpu.memory_space<vmem>>, vector<16xf32>,
    %get3A_1860 = arith.constant 2672 : index
    %get3A_1861 = tpu.vector_load %arg15[%get3A_1860] {strides = array<i32>} : memref<4096xf32, #tpu.memory_space<vmem>>, vector<16xf32>,
    %mul3A_1862 = arith.mulf %get3A_1859, %get3A_1861 : vector<16xf32>
    %add3A_1863 = arith.addf %add3A_1857, %mul3A_1862 : vector<16xf32>
    %get3A_1864 = arith.constant 2800 : index
    %get3A_1865 = tpu.vector_load %arg14[%get3A_1864] {strides = array<i32>} : memref<4096xf32, #tpu.memory_space<vmem>>, vector<16xf32>,
    %get3A_1866 = arith.constant 2800 : index
    %get3A_1867 = tpu.vector_load %arg15[%get3A_1866] {strides = array<i32>} : memref<4096xf32, #tpu.memory_space<vmem>>, vector<16xf32>,
    %mul3A_1868 = arith.mulf %get3A_1865, %get3A_1867 : vector<16xf32>
    %add3A_1869 = arith.addf %add3A_1863, %mul3A_1868 : vector<16xf32>
    %get3A_1870 = arith.constant 2928 : index
    %get3A_1871 = tpu.vector_load %arg14[%get3A_1870] {strides = array<i32>} : memref<4096xf32, #tpu.memory_space<vmem>>, vector<16xf32>,
    %get3A_1872 = arith.constant 2928 : index
    %get3A_1873 = tpu.vector_load %arg15[%get3A_1872] {strides = array<i32>} : memref<4096xf32, #tpu.memory_space<vmem>>, vector<16xf32>,
    %mul3A_1874 = arith.mulf %get3A_1871, %get3A_1873 : vector<16xf32>
    %add3A_1875 = arith.addf %add3A_1869, %mul3A_1874 : vector<16xf32>
    %get3A_1876 = arith.constant 3056 : index
    %get3A_1877 = tpu.vector_load %arg14[%get3A_1876] {strides = array<i32>} : memref<4096xf32, #tpu.memory_space<vmem>>, vector<16xf32>,
    %get3A_1878 = arith.constant 3056 : index
    %get3A_1879 = tpu.vector_load %arg15[%get3A_1878] {strides = array<i32>} : memref<4096xf32, #tpu.memory_space<vmem>>, vector<16xf32>,
    %mul3A_1880 = arith.mulf %get3A_1877, %get3A_1879 : vector<16xf32>
    %add3A_1881 = arith.addf %add3A_1875, %mul3A_1880 : vector<16xf32>
    %get3A_1882 = arith.constant 3184 : index
    %get3A_1883 = tpu.vector_load %arg14[%get3A_1882] {strides = array<i32>} : memref<4096xf32, #tpu.memory_space<vmem>>, vector<16xf32>,
    %get3A_1884 = arith.constant 3184 : index
    %get3A_1885 = tpu.vector_load %arg15[%get3A_1884] {strides = array<i32>} : memref<4096xf32, #tpu.memory_space<vmem>>, vector<16xf32>,
    %mul3A_1886 = arith.mulf %get3A_1883, %get3A_1885 : vector<16xf32>
    %add3A_1887 = arith.addf %add3A_1881, %mul3A_1886 : vector<16xf32>
    %get3A_1888 = arith.constant 3312 : index
    %get3A_1889 = tpu.vector_load %arg14[%get3A_1888] {strides = array<i32>} : memref<4096xf32, #tpu.memory_space<vmem>>, vector<16xf32>,
    %get3A_1890 = arith.constant 3312 : index
    %get3A_1891 = tpu.vector_load %arg15[%get3A_1890] {strides = array<i32>} : memref<4096xf32, #tpu.memory_space<vmem>>, vector<16xf32>,
    %mul3A_1892 = arith.mulf %get3A_1889, %get3A_1891 : vector<16xf32>
    %add3A_1893 = arith.addf %add3A_1887, %mul3A_1892 : vector<16xf32>
    %get3A_1894 = arith.constant 3440 : index
    %get3A_1895 = tpu.vector_load %arg14[%get3A_1894] {strides = array<i32>} : memref<4096xf32, #tpu.memory_space<vmem>>, vector<16xf32>,
    %get3A_1896 = arith.constant 3440 : index
    %get3A_1897 = tpu.vector_load %arg15[%get3A_1896] {strides = array<i32>} : memref<4096xf32, #tpu.memory_space<vmem>>, vector<16xf32>,
    %mul3A_1898 = arith.mulf %get3A_1895, %get3A_1897 : vector<16xf32>
    %add3A_1899 = arith.addf %add3A_1893, %mul3A_1898 : vector<16xf32>
    %get3A_1900 = arith.constant 3568 : index
    %get3A_1901 = tpu.vector_load %arg14[%get3A_1900] {strides = array<i32>} : memref<4096xf32, #tpu.memory_space<vmem>>, vector<16xf32>,
    %get3A_1902 = arith.constant 3568 : index
    %get3A_1903 = tpu.vector_load %arg15[%get3A_1902] {strides = array<i32>} : memref<4096xf32, #tpu.memory_space<vmem>>, vector<16xf32>,
    %mul3A_1904 = arith.mulf %get3A_1901, %get3A_1903 : vector<16xf32>
    %add3A_1905 = arith.addf %add3A_1899, %mul3A_1904 : vector<16xf32>
    %get3A_1906 = arith.constant 3696 : index
    %get3A_1907 = tpu.vector_load %arg14[%get3A_1906] {strides = array<i32>} : memref<4096xf32, #tpu.memory_space<vmem>>, vector<16xf32>,
    %get3A_1908 = arith.constant 3696 : index
    %get3A_1909 = tpu.vector_load %arg15[%get3A_1908] {strides = array<i32>} : memref<4096xf32, #tpu.memory_space<vmem>>, vector<16xf32>,
    %mul3A_1910 = arith.mulf %get3A_1907, %get3A_1909 : vector<16xf32>
    %add3A_1911 = arith.addf %add3A_1905, %mul3A_1910 : vector<16xf32>
    %get3A_1912 = arith.constant 3824 : index
    %get3A_1913 = tpu.vector_load %arg14[%get3A_1912] {strides = array<i32>} : memref<4096xf32, #tpu.memory_space<vmem>>, vector<16xf32>,
    %get3A_1914 = arith.constant 3824 : index
    %get3A_1915 = tpu.vector_load %arg15[%get3A_1914] {strides = array<i32>} : memref<4096xf32, #tpu.memory_space<vmem>>, vector<16xf32>,
    %mul3A_1916 = arith.mulf %get3A_1913, %get3A_1915 : vector<16xf32>
    %add3A_1917 = arith.addf %add3A_1911, %mul3A_1916 : vector<16xf32>
    %get3A_1918 = arith.constant 3952 : index
    %get3A_1919 = tpu.vector_load %arg14[%get3A_1918] {strides = array<i32>} : memref<4096xf32, #tpu.memory_space<vmem>>, vector<16xf32>,
    %get3A_1920 = arith.constant 3952 : index
    %get3A_1921 = tpu.vector_load %arg15[%get3A_1920] {strides = array<i32>} : memref<4096xf32, #tpu.memory_space<vmem>>, vector<16xf32>,
    %mul3A_1922 = arith.mulf %get3A_1919, %get3A_1921 : vector<16xf32>
    %add3A_1923 = arith.addf %add3A_1917, %mul3A_1922 : vector<16xf32>
    %get3A_1924 = arith.constant 4080 : index
    %get3A_1925 = tpu.vector_load %arg14[%get3A_1924] {strides = array<i32>} : memref<4096xf32, #tpu.memory_space<vmem>>, vector<16xf32>,
    %get3A_1926 = arith.constant 4080 : index
    %get3A_1927 = tpu.vector_load %arg15[%get3A_1926] {strides = array<i32>} : memref<4096xf32, #tpu.memory_space<vmem>>, vector<16xf32>,
    %mul3A_1928 = arith.mulf %get3A_1925, %get3A_1927 : vector<16xf32>
    %add3A_1929 = arith.addf %add3A_1923, %mul3A_1928 : vector<16xf32>
    %swap3A_1930 = arith.constant 112 : index
    %swap3A_1931 = tpu.vector_load %arg18[%swap3A_1930] {strides = array<i32>} : memref<128xf32, #tpu.memory_space<vmem>>, vector<16xf32>,
    tpu.vector_store %arg18[%swap3A_1930], %add3A_1929 {strides = array<i32>} : memref<128xf32, #tpu.memory_space<vmem>>, vector<16xf32>,
    %get3A_1932 = arith.constant 112 : index
    %get3A_1933 = tpu.vector_load %arg16[%get3A_1932] {strides = array<i32>} : memref<128xf32, #tpu.memory_space<vmem>>, vector<16xf32>,
    %get3A_1934 = arith.constant 112 : index
    %get3A_1935 = tpu.vector_load %arg17[%get3A_1934] {strides = array<i32>} : memref<128xf32, #tpu.memory_space<vmem>>, vector<16xf32>,
    %add3A_1936 = arith.addf %get3A_1933, %get3A_1935 : vector<16xf32>
    %swap3A_1937 = arith.constant 112 : index
    %swap3A_1938 = tpu.vector_load %arg19[%swap3A_1937] {strides = array<i32>} : memref<128xf32, #tpu.memory_space<vmem>>, vector<16xf32>,
    tpu.vector_store %arg19[%swap3A_1937], %add3A_1936 {strides = array<i32>} : memref<128xf32, #tpu.memory_space<vmem>>, vector<16xf32>,
    "tpu.region"() ({
      %run_scoped3A = tpu.sem_alloc : memref<!tpu.dma_semaphore, #tpu.memory_space<semaphore_mem>>
      %dma_start3A_1939 = tpu.memref_slice %arg8[%mul3A_2] : memref<4096xf32, #tpu.memory_space<hbm>> -> memref<128xf32, #tpu.memory_space<hbm>>
      %dma_start3A_1940 = tpu.memref_slice %arg8[%mul3A_2] : memref<4096xf32, #tpu.memory_space<hbm>> -> memref<128xf32, #tpu.memory_space<hbm>>
      tpu.enqueue_dma source(%arg18 : memref<128xf32, #tpu.memory_space<vmem>>) target(%dma_start3A_1940 : memref<128xf32, #tpu.memory_space<hbm>>) target_semaphore(%run_scoped3A : memref<!tpu.dma_semaphore, #tpu.memory_space<semaphore_mem>>)
      %dma_wait3A_1941 = tpu.memref_slice %arg8[%mul3A_2] : memref<4096xf32, #tpu.memory_space<hbm>> -> memref<128xf32, #tpu.memory_space<hbm>>
      %dma_wait3A_1942 = tpu.memref_slice %arg8[%mul3A_2] : memref<4096xf32, #tpu.memory_space<hbm>> -> memref<128xf32, #tpu.memory_space<hbm>>
      tpu.wait_dma2 semaphore(%run_scoped3A : memref<!tpu.dma_semaphore, #tpu.memory_space<semaphore_mem>>) src(%arg18 : memref<128xf32, #tpu.memory_space<vmem>>) dst(%dma_wait3A_1942 : memref<128xf32, #tpu.memory_space<hbm>>)
      tpu.yield
    }) : () -> ()
    "tpu.region"() ({
      %run_scoped3A = tpu.sem_alloc : memref<!tpu.dma_semaphore, #tpu.memory_space<semaphore_mem>>
      %dma_start3A_1939 = tpu.memref_slice %arg9[%mul3A_2] : memref<4096xf32, #tpu.memory_space<hbm>> -> memref<128xf32, #tpu.memory_space<hbm>>
      %dma_start3A_1940 = tpu.memref_slice %arg9[%mul3A_2] : memref<4096xf32, #tpu.memory_space<hbm>> -> memref<128xf32, #tpu.memory_space<hbm>>
      tpu.enqueue_dma source(%arg19 : memref<128xf32, #tpu.memory_space<vmem>>) target(%dma_start3A_1940 : memref<128xf32, #tpu.memory_space<hbm>>) target_semaphore(%run_scoped3A : memref<!tpu.dma_semaphore, #tpu.memory_space<semaphore_mem>>)
      %dma_wait3A_1941 = tpu.memref_slice %arg9[%mul3A_2] : memref<4096xf32, #tpu.memory_space<hbm>> -> memref<128xf32, #tpu.memory_space<hbm>>
      %dma_wait3A_1942 = tpu.memref_slice %arg9[%mul3A_2] : memref<4096xf32, #tpu.memory_space<hbm>> -> memref<128xf32, #tpu.memory_space<hbm>>
      tpu.wait_dma2 semaphore(%run_scoped3A : memref<!tpu.dma_semaphore, #tpu.memory_space<semaphore_mem>>) src(%arg19 : memref<128xf32, #tpu.memory_space<vmem>>) dst(%dma_wait3A_1942 : memref<128xf32, #tpu.memory_space<hbm>>)
      tpu.yield
    }) : () -> ()
    return
  }
}

module attributes {stable_mosaic.version = 14 : i64} {
  func.func @_dense_body(%arg0: i32, %arg1: memref<512x1xf32, #tpu.memory_space<vmem>>, %arg2: memref<1x4096xf32, #tpu.memory_space<vmem>>, %arg3: memref<512x4096xf32, #tpu.memory_space<vmem>>) attributes {dimension_semantics = [#tpu.dimension_semantics<arbitrary>], iteration_bounds = array<i64: 8>, scalar_prefetch = 0 : i64, scratch_operands = 0 : i64, tpu.core_type = #tpu.core_type<tc>, window_params = [{transform_indices = @transform_0, window_bounds = array<i64: 512, 1>}, {pipeline_mode = #tpu.pipeline_mode<synchronous>, transform_indices = @transform_1, window_bounds = array<i64: 1, 4096>}, {transform_indices = @transform_2, window_bounds = array<i64: 512, 4096>}]} {
    %get3A = arith.constant 0 : index
    %get3A_0 = arith.constant 0 : index
    %get3A_1 = vector.load %arg1[%get3A, %get3A_0] : memref<512x1xf32, #tpu.memory_space<vmem>>, vector<512x1xf32>
    %get3A_2 = arith.constant 0 : index
    %get3A_3 = arith.constant 0 : index
    %get3A_4 = vector.load %arg2[%get3A_2, %get3A_3] : memref<1x4096xf32, #tpu.memory_space<vmem>>, vector<1x4096xf32>
    %add3A = vector.broadcast %get3A_1 : vector<512x1xf32> to vector<512x4096xf32>
    %add3A_5 = vector.broadcast %get3A_4 : vector<1x4096xf32> to vector<512x4096xf32>
    %add3A_6 = arith.addf %add3A, %add3A_5 : vector<512x4096xf32>
    %logistic3A = arith.negf %add3A_6 : vector<512x4096xf32>
    %logistic3A_7 = math.exp %logistic3A : vector<512x4096xf32>
    %logistic3A_8 = arith.constant 1.000000e+00 : f32
    %logistic3A_9 = vector.broadcast %logistic3A_8 : f32 to vector<512x4096xf32>
    %logistic3A_10 = arith.addf %logistic3A_9, %logistic3A_7 : vector<512x4096xf32>
    %logistic3A_11 = arith.divf %logistic3A_9, %logistic3A_10 : vector<512x4096xf32>
    %swap3A = arith.constant 0 : index
    %swap3A_12 = arith.constant 0 : index
    %swap3A_13 = vector.load %arg3[%swap3A, %swap3A_12] : memref<512x4096xf32, #tpu.memory_space<vmem>>, vector<512x4096xf32>
    tpu.vector_store %arg3[%swap3A, %swap3A_12], %logistic3A_11 {strides = array<i32>} : memref<512x4096xf32, #tpu.memory_space<vmem>>, vector<512x4096xf32>,
    return
  }
  func.func @transform_0(%arg0: i32) -> (i32, i32) {
    %c0_i32 = arith.constant 0 : i32
    %c0_i32_0 = arith.constant 0 : i32
    return %arg0, %c0_i32 : i32, i32
  }
  func.func @transform_1(%arg0: i32) -> (i32, i32) {
    %c0_i32 = arith.constant 0 : i32
    %c0_i32_0 = arith.constant 0 : i32
    %c0_i32_1 = arith.constant 0 : i32
    return %c0_i32, %c0_i32_0 : i32, i32
  }
  func.func @transform_2(%arg0: i32) -> (i32, i32) {
    %c0_i32 = arith.constant 0 : i32
    %c0_i32_0 = arith.constant 0 : i32
    return %arg0, %c0_i32 : i32, i32
  }
}

</mosaic_0001>

<sc_bundles>
// kernel: kernel.4.cloned.1.call-start
scs
__scs_entry_jumppad:
0x0: {  	(pc) =	sbr.rel $0x88, $3  }
0x1: {  	(tag) =	ssettag $0x0;
	lr =	simm.s32 $0x1  }
0x2: {  	[smem:$0x3F9B] =	sst lr;
	_ =	strace $0xD0000000  }
0x3: {  	_ = 	snop  }
0x4: {  	_ = 	snop  }
0x5: {  	_ = 	snop  }
0x6: {  	_ = 	snop  }
0x7: {  	_ = 	snop  }
__scs_overlays_trampoline_lowered:
0x8: {  	[smem:$0x3FAA] =	sst s0  }
0x9: {  	[smem:$0x3FAB] =	sst s1  }
0xa: {  	[smem:$0x3FAC] =	sst s2  }
0xb: {  	[smem:$0x3FAD] =	sst s3  }
0xc: {  	[smem:$0x3FAE] =	sst s4  }
0xd: {  	[smem:$0x3FAF] =	sst s5  }
0xe: {  	[smem:$0x3FB0] =	sst s6  }
0xf: {  	[smem:$0x3FB1] =	sst s7  }
0x10: {  	[smem:$0x3FB2] =	sst s8  }
0x11: {  	[smem:$0x3FB3] =	sst s9;
	s0 =	simm.s32 @!p0 $0x0  }
0x12: {  	s1 =	sld [smem:$0x3F99];
	s0 =	simm.s32 @p0 $0x1  }
0x13: {  	[smem:$0x3FB4] =	sst s0;
	s0 =	simm.s32 @!p1 $0x0  }
0x14: {  	s2 =	sld [smem:$0x3F98];
	s0 =	simm.s32 @p1 $0x1  }
0x15: {  	[smem:$0x3FB5] =	sst s0;
	s0 =	simm.s32 @!p2 $0x0  }
0x16: {  	s3 =	sld [smem:$0x3FDB];
	s0 =	simm.s32 @p2 $0x1  }
0x17: {  	s4 =	simm.s32 $0x1BF5;
	[smem:$0x3FB7] =	sst s0  }
0x18: {  	s0 =	sld [smem:$0x3F9A];
	_ =	swait.ge [sflag:s4], $0x0  }
0x19: {  	s7 =	sld [smem:$0x3F9B]  }
0x1a: {  	s8 =	sadd.s32 $0xFFFFE003, lr  }
0x1b: {  	s9 =	sadd.s32 $0xFFFFFEF7, lr;
	s5 =	simm.s32 $0xFFFFFFFF;
	p2 =	slt.u32 s8, $0xFFFFF086  }
0x1c: {  	p1 =	slt.u32 s9, $0xF7A;
	s5 =	simm.s32 @!p2 $0x0  }
0x1d: {  	s5 =	simm.s32 @p1 $0x1;
	p0 =	seq.s32 s7, s2  }
0x1e: {  	s7 =	smul.u32 @!p0 $0xF7A, s2;
	p2 =	seq.s32 @!p0 s5, $0x0  }
0x1f: {  	s9 =	smul.u32 $0xF7A, s1;
	s8 =	simm.s32 @!p0 $0x1BF5;
	p2 =	por !p2, p0  }
0x20: {  	[sflag:s8] =	ssyncset.s32 @!p0 $0xFFFFF086;
	s6 =	sadd.s32 @!p0 s3, s7;
	s7 =	simm.s32 @!p0 $0x108  }
0x21: {  	s3 =	sadd.s32 s3, s9;
	s6 =	sadd.s32 @!p0 $0x88, s6;
	s7 =	simm.s32 @p2 $0x1082  }
0x22: {  	[simem:s7], [sflag:s8] =	dma.local @!p0 [hbm:s6], $0xF7A  }
0x23: {  	s9 =	sor.u32 $0xD0000000, s2;
	s6 =	simm.s32 $0x108;
	_ =	swait.ge @!p0 [sflag:s8], $0x0  }
0x24: {  	s3 =	sadd.s32 $0x88, s3;
	s6 =	simm.s32 @!p1 $0x1082;
	[sflag:s4] =	ssyncset.s32 $0xFFFFF086  }
0x25: {  	[simem:s6], [sflag:s4] =	dma.local [hbm:s3], $0xF7A  }
0x26: {  	[smem:$0x3F9B] =	sst s1;
	(tag) =	ssettag s2;
	_ =	strace s9  }
0x27: {  	s1 =	sld [smem:$0x3FAB]  }
0x28: {  	s2 =	sld [smem:$0x3FAC]  }
0x29: {  	s4 =	sld [smem:$0x3FAE]  }
0x2a: {  	p0 =	seq.s32 s5, $0x0;
	s5 =	sld [smem:$0x3FAF]  }
0x2b: {  	s6 =	sld [smem:$0x3FB0]  }
0x2c: {  	s7 =	sld [smem:$0x3FB1]  }
0x2d: {  	s3 =	simm.s32 $0x108;
	s8 =	sld [smem:$0x3FB2]  }
0x2e: {  	s3 =	simm.s32 @!p0 $0x1082;
	s9 =	sld [smem:$0x3FB3]  }
0x2f: {  	lr =	sadd.s32 s0, s3;
	s0 =	sld [smem:$0x3FAA]  }
0x30: {  	s3 =	sld [smem:$0x3FAD]  }
0x31: {  	[smem:$0x3FB6] =	sst s10  }
0x32: {  	s10 =	sld [smem:$0x3FB4];
	_ =	sdelay $0x3  }
0x33: {  	p0 =	seq.s32 s10, $0x1;
	s10 =	sld [smem:$0x3FB6];
	_ =	sdelay $0x3  }
0x34: {  	[smem:$0x3FB6] =	sst s10  }
0x35: {  	s10 =	sld [smem:$0x3FB5];
	_ =	sdelay $0x3  }
0x36: {  	p1 =	seq.s32 s10, $0x1;
	s10 =	sld [smem:$0x3FB6];
	_ =	sdelay $0x3  }
0x37: {  	[smem:$0x3FB6] =	sst s10  }
0x38: {  	s10 =	sld [smem:$0x3FB7]  }
0x39: {  	_ = 	snop;
	(pc) =	sbr.ind lr, $3  }
0x3a: {  	_ = 	snop  }
0x3b: {  	_ = 	snop  }
0x3c: {  	p2 =	seq.s32 s10, $0x1;
	s10 =	sld [smem:$0x3FB6]  }
0x3d: {  	_ =	shalt  }
0x3e: {  	_ =	shalt  }
0x3f: {  	_ =	shalt  }
0x40: {  	_ =	shalt  }
0x41: {  	_ =	shalt  }
0x42: {  	_ =	shalt  }
0x43: {  	_ =	shalt  }
0x44: {  	_ =	shalt  }
0x45: {  	_ =	shalt  }
0x46: {  	_ =	shalt  }
0x47: {  	_ =	shalt  }
0x48: {  	_ =	shalt  }
0x49: {  	_ =	shalt  }
0x4a: {  	_ =	shalt  }
0x4b: {  	_ =	shalt  }
0x4c: {  	_ =	shalt  }
0x4d: {  	_ =	shalt  }
0x4e: {  	_ =	shalt  }
0x4f: {  	_ =	shalt  }
0x50: {  	_ =	shalt  }
0x51: {  	_ =	shalt  }
0x52: {  	_ =	shalt  }
0x53: {  	_ =	shalt  }
0x54: {  	_ =	shalt  }
0x55: {  	_ =	shalt  }
0x56: {  	_ =	shalt  }
0x57: {  	_ =	shalt  }
0x58: {  	_ =	shalt  }
0x59: {  	_ =	shalt  }
0x5a: {  	_ =	shalt  }
0x5b: {  	_ =	shalt  }
0x5c: {  	_ =	shalt  }
0x5d: {  	_ =	shalt  }
0x5e: {  	_ =	shalt  }
0x5f: {  	_ =	shalt  }
0x60: {  	_ =	shalt  }
0x61: {  	_ =	shalt  }
0x62: {  	_ =	shalt  }
0x63: {  	_ =	shalt  }
0x64: {  	_ =	shalt  }
0x65: {  	_ =	shalt  }
0x66: {  	_ =	shalt  }
0x67: {  	_ =	shalt  }
0x68: {  	_ =	shalt  }
0x69: {  	_ =	shalt  }
0x6a: {  	_ =	shalt  }
0x6b: {  	_ =	shalt  }
0x6c: {  	_ =	shalt  }
0x6d: {  	_ =	shalt  }
0x6e: {  	_ =	shalt  }
0x6f: {  	_ =	shalt  }
0x70: {  	_ =	shalt  }
0x71: {  	_ =	shalt  }
0x72: {  	_ =	shalt  }
0x73: {  	_ =	shalt  }
0x74: {  	_ =	shalt  }
0x75: {  	_ =	shalt  }
0x76: {  	_ =	shalt  }
0x77: {  	_ =	shalt  }
0x78: {  	_ =	shalt  }
0x79: {  	_ =	shalt  }
0x7a: {  	_ =	shalt  }
0x7b: {  	_ =	shalt  }
0x7c: {  	_ =	shalt  }
0x7d: {  	_ =	shalt  }
0x7e: {  	_ =	shalt  }
0x7f: {  	_ =	shalt  }
0x80: {  	_ =	shalt  }
0x81: {  	_ =	shalt  }
0x82: {  	_ =	shalt  }
0x83: {  	_ =	shalt  }
0x84: {  	_ =	shalt  }
0x85: {  	_ =	shalt  }
0x86: {  	_ =	shalt  }
0x87: {  	_ =	shalt  }
.Lfunc_end0:
.L_simem_size_0:
called_computation_lowered:
.L_overlay_start_0:
0x88: {  	s2 =	sld [smem:$0x3FD9]  }
0x89: {  	s3 =	sld [smem:$0x3FFE];
	_ =	sdelay $0x1  }
0x8a: {  	s1 =	srdreg.scid  }
0x8b: {  	s0 =	sand.u32 $0x1, s1  }
0x8c: {  	s17 =	sshll.u32 s0, $0xA;
	s2 =	sadd.s32 s3, s2  }
0x8d: {  	s2 =	sadd.s32 s2, s17  }
0x8e: {  	[smem:$0x3FC2] =	sst s2  }
0x8f: {  	_ = 	snop  }
0x90: {  	s2 =	sld [smem:$0x3FC9]  }
0x91: {  	s18 =	sld [smem:$0x3FC8]  }
0x92: {  	s4 =	sld [smem:$0x3FC7]  }
0x93: {  	s5 =	sld [smem:$0x3FC6]  }
0x94: {  	s6 =	sld [smem:$0x3FD0];
	(tm) =	ssettm $0x1  }
0x95: {  	s7 =	sld [smem:$0x3FFB];
	_ =	sdelay $0x3  }
0x96: {  	_ =	strace s7  }
0x97: {  	s7 =	sld [smem:$0x3FFC];
	_ =	sdelay $0x3  }
0x98: {  	_ =	strace s7  }
0x99: {  	s7 =	sld [smem:$0x3FFD];
	_ =	sdelay $0x3  }
0x9a: {  	_ =	strace s7  }
0x9b: {  	_ =	strace $0x8FFFFFFF  }
0x9c: {  	s19 =	sld [smem:$0x3FDB];
	_ =	sdelay $0x1  }
0x9d: {  	s8 =	simm.s32 $_scs_section_size  }
0x9e: {  	s9 =	simm.s32 $_size__tile_overlayer_lowered;
	s10 =	simm.s32 $_tile_overlayer_lowered  }
0x9f: {  	s22 =	simm.s32 $0x1BFF;
	s21 =	sshll.u32 s10, $0x1;
	s7 =	sadd.s32 s8, s19  }
0xa0: {  	s11 =	simm.s32 $0x0;
	s20 =	sshll.u32 s9, $0x1;
	s9 =	sadd.s32 s21, s7  }
0xa1: {  	[timem:s11], [sflag:s22] =	dma.local [hbm:s9], s20  }
0xa2: {  	_ =	swait.ge [sflag:s22], s20  }
0xa3: {  	s8 =	ssub.s32 $0x0, s20;
	[sflag:s22] =	ssyncset.done $0x0  }
0xa4: {  	[sflag:s22] =	ssyncadd.s32 s8;
	_ =	sdelay $0x1  }
0xa5: {  	s23 =	simm.s32 $0x1B8B  }
0xa6: {  	_ =	swait.ge [sflag:s23], $0x1  }
0xa7: {  	[sflag:s23] =	ssyncset.done $0x0  }
0xa8: {  	s25 =	simm.s32 $0x1B8E;
	s24 =	sld [smem:$0x3FFE];
	[sflag:s23] =	ssyncadd.s32 $0xFFFFFFFF  }
0xa9: {  	s26 =	simm.s32 $execute0_lowered;
	[smem:$0x3FD2] =	sst s25  }
0xaa: {  	s9 =	sshll.u32 s26, $0x1;
	_ =	strace $0x80000046;
	[dreg:$0x1] =	wrdreg $0xFFFFFFFF  }
0xab: {  	s28 =	simm.s32 $_size_execute0_lowered;
	s7 =	sadd.s32 s7, s9;
	[dreg:$0x0] =	wrdreg $0x0  }
0xac: {  	s9 =	sshll.u32 s28, $0x1;
	[dreg:$0x2] =	wrdreg s7  }
0xad: {  	[dreg:$0x3] =	wrdreg s9  }
0xae: {  	[dreg:$0x4] =	wrdreg $0xC0  }
0xaf: {  	_ =	task [dreg:s11], $0x5FFFF  }
0xb0: {  	[dreg:$0x1] =	wrdreg $0xFFFFFFFF  }
0xb1: {  	[dreg:$0x0] =	wrdreg $0x60  }
0xb2: {  	[dreg:$0x2] =	wrdreg s2  }
0xb3: {  	[dreg:$0x3] =	wrdreg s18  }
0xb4: {  	[dreg:$0x4] =	wrdreg s4  }
0xb5: {  	[dreg:$0x5] =	wrdreg s5  }
0xb6: {  	[dreg:$0x6] =	wrdreg s6  }
0xb7: {  	[dreg:$0x7] =	wrdreg s24  }
0xb8: {  	[dreg:$0x8] =	wrdreg $0x9  }
0xb9: {  	_ =	task.clear_ibuf [dreg:s11], $0x9FFFF;
	_ =	strace $0x90000046  }
0xba: {  	s29 =	simm.s32 $0x9;
	_ =	strace $0x80000048  }
0xbb: {  	_ =	swait.ge [sflag:s29], $0x1  }
0xbc: {  	[sflag:s29] =	ssyncadd.s32 $0xFFFFFFFF  }
0xbd: {  	_ =	strace $0x90000048  }
0xbe: {  	_ =	sfence  }
0xbf: {  	s30 =	sld [smem:$0x0];
	_ =	sdelay $0x2  }
0xc0: {  	s31 =	sshll.u32 s1, $0xD;
	s1 =	sshrl.u32 s1, $0x2  }
0xc1: {  	s3 =	sand.u32 $0x4000, s31;
	s1 =	sadd.s32 s1, s30  }
0xc2: {  	s0 =	sor.u32 s3, s0;
	s1 =	sshll.u32 s1, $0x11  }
0xc3: {  	s0 =	sor.u32 s1, s0  }
0xc4: {  	s0 =	sadd.s32 $0x8F2B, s0  }
0xc5: {  	[sflag:s0] =	ssyncadd.remote.s32 $0x1  }
0xc6: {  	_ =	sfence.sel $0xFFFF  }
0xc7: {  	[dreg:$0x0] =	wrdreg $0xFFFFFFFF;
	(pc) =	sbr.abs _section_cstart, $3  }
0xc8: {  	[dreg:$0x1] =	wrdreg $0xFFFFFFFF  }
0xc9: {  	_ =	task.clear_ibuf [dreg:s11], $0x2FFFF;
	_ =	strace $0x9FFFFFFF  }
0xca: {  	(tm) =	ssettm $0x7FFFFFFF  }
0xcb: {  	_ =	shalt  }
tec
execute0_lowered:
.L_overlay_start_1:
0x0: {  	(tag) =	ssettag $0x1  }
0x1: {  	s0 =	rddreg [dreg:$0x0]  }
0x2: {  	s3 =	rddreg [dreg:$0x1]  }
0x3: {  	s1 =	rddreg [dreg:$0x2]  }
0x4: {  	s2 =	rddreg [dreg:$0x3]  }
0x5: {  	s7 =	rddreg [dreg:$0x5];
	s4 =	srdreg.scid  }
0x6: {  	s26 =	simm.s32 $0x0;
	s5 =	stileid.u32;
	s15 =	simm.s32 $0x8200  }
0x7: {  	s13 =	simm.s32 $0x1200;
	s8 =	simm.s32 $0x9200;
	s9 =	simm.s32 $0x2200  }
0x8: {  	s10 =	simm.s32 $0xA200;
	s11 =	simm.s32 $0x3200;
	s12 =	simm.s32 $0x4200  }
0x9: {  	s17 =	simm.s32 $0xC200;
	s19 =	simm.s32 $0x5200;
	s18 =	simm.s32 $0xD200  }
0xa: {  	s20 =	simm.s32 $0x6200;
	s21 =	simm.s32 $0xE200;
	s29 =	simm.s32 $0x7200  }
0xb: {  	s22 =	simm.s32 $0xF200;
	s14 =	simm.s32 $0x0;
	s16 =	simm.s32 $0x7A1400  }
0xc: {  	s4 =	sand.u32 $0x1, s4;
	s5 =	sshll.u32 s5, $0x5;
	[smem:$0x7FF] =	sst s26  }
0xd: {  	s6 =	sshll.u32 s4, $0x4;
	s4 =	ssub.s32 $0x2, s4;
	_ =	strace $0x80000047  }
0xe: {  	s5 =	sor.u32 s6, s5;
	s24 =	sshrl.u32 s4, $0x1;
	s6 =	simm.s32 $0xB200  }
0xf: {  	s7 =	sadd.s32 s5, s7;
	s4 =	ssub.s32 s4, s24;
	s0 =	sadd.s32 s0, s5  }
.Ltmp0:
0x10: {  	s25 =	sadd.s32 s3, s5;
	[dreg:$0x7] =	wrdreg s0;
	(pc) =	sbr.rel .LBB2_1-.Ltmp0, $4  }
0x11: {  	v0 =	vlaneseq.u32;
	s3 =	simm.s32 $0x200;
	[dreg:$0x8] =	wrdreg s25;
	s28 =	sadd.s32 $0x3400, s7  }
0x12: {  	v0 =	vmul.u32 $0x80, v0;
	s5 =	simm.s32 $0x10200;
	s30 =	sadd.s32 $0x3200, s7;
	[dreg:$0x9] =	wrdreg s28  }
0x13: {  	s24 =	simm.s32 $0x10;
	s31 =	smax.u32 s4, $0x1;
	[dreg:$0xa] =	wrdreg s30  }
0x14: {  	v1 =	vor.u32 $0x800, v0;
	s4 =	simm.s32 $0x13;
	s7 =	simm.s32 $0x11200;
	[dreg:$0xb] =	wrdreg s31  }
.LBB2_4:
0x15: {  	s0 =	simm.s32 $0x11  }
0x16: {  	_ =	swait.ge [sflag:s0], $0x80  }
0x17: {  	[sflag:s0] =	ssyncset.done $0x0  }
0x18: {  	s23 =	simm.s32 $0x12;
	[sflag:s0] =	ssyncadd.s32 $0xFFFFFF80  }
0x19: {  	_ =	swait.ge [sflag:s23], $0x80  }
0x1a: {  	[sflag:s23] =	ssyncset.done $0x0  }
0x1b: {  	[sflag:s23] =	ssyncadd.s32 $0xFFFFFF80  }
0x1c: {  	v2 =	vld [tilespmem:$0x10500];
	_ =	sdelay $0x4  }
0x1d: {  	[tilespmem:$0x1EA00] =	vst v2;
	v2 =	vld [tilespmem:$0x10580];
	_ =	sdelay $0x4  }
0x1e: {  	[tilespmem:$0x1EA10] =	vst v2;
	v2 =	vld [tilespmem:$0x11580];
	_ =	sdelay $0x4  }
0x1f: {  	[tilespmem:$0x1EA20] =	vst v2;
	v2 =	vld [tilespmem:$0x10600];
	_ =	sdelay $0x4  }
0x20: {  	[tilespmem:$0x1EA30] =	vst v2;
	v2 =	vld [tilespmem:$0x11600];
	_ =	sdelay $0x4  }
0x21: {  	[tilespmem:$0x1EA40] =	vst v2;
	v2 =	vld [tilespmem:$0x10680];
	_ =	sdelay $0x4  }
0x22: {  	[tilespmem:$0x1EA50] =	vst v2;
	v2 =	vld [tilespmem:$0x11680];
	_ =	sdelay $0x4  }
0x23: {  	[tilespmem:$0x1EA60] =	vst v2;
	v2 =	vld [tilespmem:$0x10700];
	_ =	sdelay $0x4  }
0x24: {  	[tilespmem:$0x1EA70] =	vst v2;
	v2 =	vld [tilespmem:$0x11700];
	_ =	sdelay $0x4  }
0x25: {  	[tilespmem:$0x1EA80] =	vst v2;
	v2 =	vld [tilespmem:$0x10780];
	_ =	sdelay $0x4  }
0x26: {  	[tilespmem:$0x1EA90] =	vst v2;
	v2 =	vld [tilespmem:$0x11780];
	_ =	sdelay $0x4  }
0x27: {  	[tilespmem:$0x1EAA0] =	vst v2;
	v2 =	vld [tilespmem:$0x10800];
	_ =	sdelay $0x4  }
0x28: {  	[tilespmem:$0x1EAB0] =	vst v2;
	v2 =	vld [tilespmem:$0x11800];
	_ =	sdelay $0x4  }
0x29: {  	[tilespmem:$0x1EAC0] =	vst v2;
	v2 =	vld [tilespmem:$0x10880];
	_ =	sdelay $0x4  }
0x2a: {  	[tilespmem:$0x1EAD0] =	vst v2;
	v2 =	vld [tilespmem:$0x11880];
	_ =	sdelay $0x4  }
0x2b: {  	[tilespmem:$0x1EAE0] =	vst v2;
	v2 =	vld [tilespmem:$0x10900];
	_ =	sdelay $0x4  }
0x2c: {  	[tilespmem:$0x1EAF0] =	vst v2;
	v2 =	vld [tilespmem:$0x11900];
	_ =	sdelay $0x4  }
0x2d: {  	[tilespmem:$0x1EB00] =	vst v2;
	v2 =	vld [tilespmem:$0x10980];
	_ =	sdelay $0x4  }
0x2e: {  	[tilespmem:$0x1EB10] =	vst v2;
	v2 =	vld [tilespmem:$0x11980];
	_ =	sdelay $0x4  }
0x2f: {  	[tilespmem:$0x1EB20] =	vst v2;
	v2 =	vld [tilespmem:$0x10A00];
	_ =	sdelay $0x4  }
0x30: {  	[tilespmem:$0x1EB30] =	vst v2;
	v2 =	vld [tilespmem:$0x11A00];
	_ =	sdelay $0x4  }
0x31: {  	[tilespmem:$0x1EB40] =	vst v2;
	v2 =	vld [tilespmem:$0x10A80];
	_ =	sdelay $0x4  }
0x32: {  	[tilespmem:$0x1EB50] =	vst v2;
	v2 =	vld [tilespmem:$0x11A80];
	_ =	sdelay $0x4  }
0x33: {  	[tilespmem:$0x1EB60] =	vst v2;
	v2 =	vld [tilespmem:$0x10B00];
	_ =	sdelay $0x4  }
0x34: {  	[tilespmem:$0x1EB70] =	vst v2;
	v2 =	vld [tilespmem:$0x11B00];
	_ =	sdelay $0x4  }
0x35: {  	[tilespmem:$0x1EB80] =	vst v2;
	v2 =	vld [tilespmem:$0x10B80];
	_ =	sdelay $0x4  }
0x36: {  	[tilespmem:$0x1EB90] =	vst v2;
	v2 =	vld [tilespmem:$0x11B80];
	_ =	sdelay $0x4  }
0x37: {  	[tilespmem:$0x1EBA0] =	vst v2;
	v2 =	vld [tilespmem:$0x10C00];
	_ =	sdelay $0x4  }
0x38: {  	[tilespmem:$0x1EBB0] =	vst v2;
	v2 =	vld [tilespmem:$0x11C00];
	_ =	sdelay $0x4  }
0x39: {  	[tilespmem:$0x1EBC0] =	vst v2;
	v2 =	vld [tilespmem:$0x10C80];
	_ =	sdelay $0x4  }
0x3a: {  	[tilespmem:$0x1EBF0] =	vst v2;
	v2 =	vld [tilespmem:$0x11C80];
	_ =	sdelay $0x4  }
0x3b: {  	[tilespmem:$0x1EC00] =	vst v2;
	v2 =	vld [tilespmem:$0x10D00];
	_ =	sdelay $0x4  }
0x3c: {  	[tilespmem:$0x1EC30] =	vst v2;
	v2 =	vld [tilespmem:$0x11D00];
	_ =	sdelay $0x4  }
0x3d: {  	[tilespmem:$0x1EC40] =	vst v2;
	v2 =	vld [tilespmem:$0x10D80];
	_ =	sdelay $0x4  }
0x3e: {  	[tilespmem:$0x1EC70] =	vst v2;
	v2 =	vld [tilespmem:$0x11D80];
	_ =	sdelay $0x4  }
0x3f: {  	[tilespmem:$0x1EC80] =	vst v2;
	v2 =	vld [tilespmem:$0x10E00];
	_ =	sdelay $0x4  }
0x40: {  	[tilespmem:$0x1ECB0] =	vst v2;
	v2 =	vld [tilespmem:$0x11E00];
	_ =	sdelay $0x4  }
0x41: {  	[tilespmem:$0x1ECC0] =	vst v2;
	v2 =	vld [tilespmem:$0x10E80];
	_ =	sdelay $0x4  }
0x42: {  	[tilespmem:$0x1ED10] =	vst v2;
	v2 =	vld [tilespmem:$0x11E80];
	_ =	sdelay $0x4  }
0x43: {  	[tilespmem:$0x1ED20] =	vst v2;
	v2 =	vld [tilespmem:$0x10F00];
	_ =	sdelay $0x4  }
0x44: {  	[tilespmem:$0x1ED50] =	vst v2;
	v2 =	vld [tilespmem:$0x11F00];
	_ =	sdelay $0x4  }
0x45: {  	[tilespmem:$0x1ED60] =	vst v2;
	v2 =	vld [tilespmem:$0x10F80];
	_ =	sdelay $0x4  }
0x46: {  	[tilespmem:$0x1EDB0] =	vst v2;
	v2 =	vld [tilespmem:$0x11F80];
	_ =	sdelay $0x4  }
0x47: {  	[tilespmem:$0x1EDC0] =	vst v2;
	v2 =	vld [tilespmem:$0x11000];
	_ =	sdelay $0x4  }
0x48: {  	[tilespmem:$0x1EE70] =	vst v2;
	v2 =	vld [tilespmem:$0x12000];
	_ =	sdelay $0x4  }
0x49: {  	[tilespmem:$0x1EE80] =	vst v2;
	v2 =	vld [tilespmem:$0x11080];
	_ =	sdelay $0x4  }
0x4a: {  	[tilespmem:$0x1EF30] =	vst v2;
	v2 =	vld [tilespmem:$0x12080];
	_ =	sdelay $0x4  }
0x4b: {  	[tilespmem:$0x1EF40] =	vst v2;
	v2 =	vld [tilespmem:$0x11100];
	_ =	sdelay $0x4  }
0x4c: {  	[tilespmem:$0x1EFF0] =	vst v2;
	v2 =	vld [tilespmem:$0x12100];
	_ =	sdelay $0x4  }
0x4d: {  	[tilespmem:$0x1F000] =	vst v2;
	v2 =	vld [tilespmem:$0x11180];
	_ =	sdelay $0x4  }
0x4e: {  	[tilespmem:$0x1F110] =	vst v2;
	v2 =	vld [tilespmem:$0x12180];
	_ =	sdelay $0x4  }
0x4f: {  	[tilespmem:$0x1F120] =	vst v2;
	v2 =	vld [tilespmem:$0x12200];
	_ =	sdelay $0x4  }
0x50: {  	[tilespmem:$0x1F230] =	vst v2;
	v2 =	vld [tilespmem:$0x12280];
	_ =	sdelay $0x4  }
0x51: {  	[tilespmem:$0x1F240] =	vst v2;
	v2 =	vld [tilespmem:$0x10710];
	_ =	sdelay $0x4  }
0x52: {  	[tilespmem:$0x1EBD0] =	vst v2;
	v2 =	vld [tilespmem:$0x11710];
	_ =	sdelay $0x4  }
0x53: {  	[tilespmem:$0x1EBE0] =	vst v2;
	v2 =	vld [tilespmem:$0x10790];
	_ =	sdelay $0x4  }
0x54: {  	[tilespmem:$0x1EC10] =	vst v2;
	v2 =	vld [tilespmem:$0x11790];
	_ =	sdelay $0x4  }
0x55: {  	[tilespmem:$0x1EC20] =	vst v2;
	v2 =	vld [tilespmem:$0x10810];
	_ =	sdelay $0x4  }
0x56: {  	[tilespmem:$0x1EC50] =	vst v2;
	v2 =	vld [tilespmem:$0x11810];
	_ =	sdelay $0x4  }
0x57: {  	[tilespmem:$0x1EC60] =	vst v2;
	v2 =	vld [tilespmem:$0x10890];
	_ =	sdelay $0x4  }
0x58: {  	[tilespmem:$0x1EC90] =	vst v2;
	v2 =	vld [tilespmem:$0x11890];
	_ =	sdelay $0x4  }
0x59: {  	[tilespmem:$0x1ECA0] =	vst v2;
	v2 =	vld [tilespmem:$0x10910];
	_ =	sdelay $0x4  }
0x5a: {  	[tilespmem:$0x1ECD0] =	vst v2;
	v2 =	vld [tilespmem:$0x11910];
	_ =	sdelay $0x4  }
0x5b: {  	[tilespmem:$0x1ECE0] =	vst v2;
	v2 =	vld [tilespmem:$0x10990];
	_ =	sdelay $0x4  }
0x5c: {  	[tilespmem:$0x1ECF0] =	vst v2;
	v2 =	vld [tilespmem:$0x11990];
	_ =	sdelay $0x4  }
0x5d: {  	[tilespmem:$0x1ED00] =	vst v2;
	v2 =	vld [tilespmem:$0x10A10];
	_ =	sdelay $0x4  }
0x5e: {  	[tilespmem:$0x1ED30] =	vst v2;
	v2 =	vld [tilespmem:$0x11A10];
	_ =	sdelay $0x4  }
0x5f: {  	[tilespmem:$0x1ED40] =	vst v2;
	v2 =	vld [tilespmem:$0x10A90];
	_ =	sdelay $0x4  }
0x60: {  	[tilespmem:$0x1ED70] =	vst v2;
	v2 =	vld [tilespmem:$0x11A90];
	_ =	sdelay $0x4  }
0x61: {  	[tilespmem:$0x1ED80] =	vst v2;
	v2 =	vld [tilespmem:$0x10B10];
	_ =	sdelay $0x4  }
0x62: {  	[tilespmem:$0x1ED90] =	vst v2;
	v2 =	vld [tilespmem:$0x11B10];
	_ =	sdelay $0x4  }
0x63: {  	[tilespmem:$0x1EDA0] =	vst v2;
	v2 =	vld [tilespmem:$0x10B90];
	_ =	sdelay $0x4  }
0x64: {  	[tilespmem:$0x1EDF0] =	vst v2;
	v2 =	vld [tilespmem:$0x11B90];
	_ =	sdelay $0x4  }
0x65: {  	[tilespmem:$0x1EE00] =	vst v2;
	v2 =	vld [tilespmem:$0x10C10];
	_ =	sdelay $0x4  }
0x66: {  	[tilespmem:$0x1EE30] =	vst v2;
	v2 =	vld [tilespmem:$0x11C10];
	_ =	sdelay $0x4  }
0x67: {  	[tilespmem:$0x1EE40] =	vst v2;
	v2 =	vld [tilespmem:$0x10C90];
	_ =	sdelay $0x4  }
0x68: {  	[tilespmem:$0x1EEB0] =	vst v2;
	v2 =	vld [tilespmem:$0x11C90];
	_ =	sdelay $0x4  }
0x69: {  	[tilespmem:$0x1EEC0] =	vst v2;
	v2 =	vld [tilespmem:$0x10D10];
	_ =	sdelay $0x4  }
0x6a: {  	[tilespmem:$0x1EEF0] =	vst v2;
	v2 =	vld [tilespmem:$0x11D10];
	_ =	sdelay $0x4  }
0x6b: {  	[tilespmem:$0x1EF00] =	vst v2;
	v2 =	vld [tilespmem:$0x10D90];
	_ =	sdelay $0x4  }
0x6c: {  	[tilespmem:$0x1EF70] =	vst v2;
	v2 =	vld [tilespmem:$0x11D90];
	_ =	sdelay $0x4  }
0x6d: {  	[tilespmem:$0x1EF80] =	vst v2;
	v2 =	vld [tilespmem:$0x10E10];
	_ =	sdelay $0x4  }
0x6e: {  	[tilespmem:$0x1EFB0] =	vst v2;
	v2 =	vld [tilespmem:$0x11E10];
	_ =	sdelay $0x4  }
0x6f: {  	[tilespmem:$0x1EFC0] =	vst v2;
	v2 =	vld [tilespmem:$0x10E90];
	_ =	sdelay $0x4  }
0x70: {  	[tilespmem:$0x1F050] =	vst v2;
	v2 =	vld [tilespmem:$0x11E90];
	_ =	sdelay $0x4  }
0x71: {  	[tilespmem:$0x1F060] =	vst v2;
	v2 =	vld [tilespmem:$0x10F10];
	_ =	sdelay $0x4  }
0x72: {  	[tilespmem:$0x1F0D0] =	vst v2;
	v2 =	vld [tilespmem:$0x11F10];
	_ =	sdelay $0x4  }
0x73: {  	[tilespmem:$0x1F0E0] =	vst v2;
	v2 =	vld [tilespmem:$0x10F90];
	_ =	sdelay $0x4  }
0x74: {  	[tilespmem:$0x1F170] =	vst v2;
	v2 =	vld [tilespmem:$0x11F90];
	_ =	sdelay $0x4  }
0x75: {  	[tilespmem:$0x1F180] =	vst v2;
	v2 =	vld [tilespmem:$0x11010];
	_ =	sdelay $0x4  }
0x76: {  	[tilespmem:$0x1F1F0] =	vst v2;
	v2 =	vld [tilespmem:$0x12010];
	_ =	sdelay $0x4  }
0x77: {  	[tilespmem:$0x1F200] =	vst v2;
	v2 =	vld [tilespmem:$0x11090];
	_ =	sdelay $0x4  }
0x78: {  	[tilespmem:$0x1F290] =	vst v2;
	v2 =	vld [tilespmem:$0x12090];
	_ =	sdelay $0x4  }
0x79: {  	[tilespmem:$0x1F2A0] =	vst v2;
	v2 =	vld [tilespmem:$0x11110];
	_ =	sdelay $0x4  }
0x7a: {  	[tilespmem:$0x1F3D0] =	vst v2;
	v2 =	vld [tilespmem:$0x12110];
	_ =	sdelay $0x4  }
0x7b: {  	[tilespmem:$0x1F3E0] =	vst v2;
	v2 =	vld [tilespmem:$0x11190];
	_ =	sdelay $0x4  }
0x7c: {  	[tilespmem:$0x1F4F0] =	vst v2;
	v2 =	vld [tilespmem:$0x12190]  }
0x7d: {  	v55 =	vld [tilespmem:$0x10200]  }
0x7e: {  	v41 =	vld [tilespmem:$0x11200]  }
0x7f: {  	v39 =	vld [tilespmem:$0x10280]  }
0x80: {  	v38 =	vld [tilespmem:$0x11280]  }
0x81: {  	[tilespmem:$0x1F500] =	vst v2;
	v2 =	vld [tilespmem:$0x12210]  }
0x82: {  	v53 =	vld [tilespmem:$0x10300]  }
0x83: {  	v42 =	vld [tilespmem:$0x11300]  }
0x84: {  	v49 =	vld [tilespmem:$0x10380]  }
0x85: {  	v46 =	vld [tilespmem:$0x11380]  }
0x86: {  	[tilespmem:$0x1F610] =	vst v2;
	v2 =	vld [tilespmem:$0x12290]  }
0x87: {  	v54 =	vld [tilespmem:$0x10400]  }
0x88: {  	v50 =	vld [tilespmem:$0x11400]  }
0x89: {  	v59 =	vld [tilespmem:$0x10480]  }
0x8a: {  	v57 =	vld [tilespmem:$0x11480]  }
0x8b: {  	[tilespmem:$0x1F620] =	vst v2;
	v2 =	vld [tilespmem:$0x10520]  }
0x8c: {  	v61 =	vld [tilespmem:$0x11500]  }
0x8d: {  	v11 =	vld [tilespmem:$0x10210]  }
0x8e: {  	v10 =	vld [tilespmem:$0x11210]  }
0x8f: {  	v9 =	vld [tilespmem:$0x10290]  }
0x90: {  	[tilespmem:$0x1EDD0] =	vst v2;
	v2 =	vld [tilespmem:$0x11520]  }
0x91: {  	v8 =	vld [tilespmem:$0x11290]  }
0x92: {  	v14 =	vld [tilespmem:$0x10310]  }
0x93: {  	v12 =	vld [tilespmem:$0x11310]  }
0x94: {  	v17 =	vld [tilespmem:$0x10390]  }
0x95: {  	[tilespmem:$0x1EDE0] =	vst v2;
	v2 =	vld [tilespmem:$0x105A0]  }
0x96: {  	v16 =	vld [tilespmem:$0x11390]  }
0x97: {  	v25 =	vld [tilespmem:$0x10410]  }
0x98: {  	v24 =	vld [tilespmem:$0x11410]  }
0x99: {  	v30 =	vld [tilespmem:$0x10490]  }
0x9a: {  	[tilespmem:$0x1EE10] =	vst v2;
	v2 =	vld [tilespmem:$0x115A0]  }
0x9b: {  	v27 =	vld [tilespmem:$0x11490]  }
0x9c: {  	v34 =	vld [tilespmem:$0x10510]  }
0x9d: {  	v32 =	vld [tilespmem:$0x11510]  }
0x9e: {  	v43 =	vld [tilespmem:$0x10590]  }
0x9f: {  	[tilespmem:$0x1EE20] =	vst v2;
	v2 =	vld [tilespmem:$0x10620]  }
0xa0: {  	v40 =	vld [tilespmem:$0x11590]  }
0xa1: {  	v52 =	vld [tilespmem:$0x10610]  }
0xa2: {  	v48 =	vld [tilespmem:$0x11610]  }
0xa3: {  	v62 =	vld [tilespmem:$0x10690]  }
0xa4: {  	[tilespmem:$0x1EE50] =	vst v2;
	v2 =	vld [tilespmem:$0x11620]  }
0xa5: {  	v58 =	vld [tilespmem:$0x11690]  }
0xa6: {  	v23 =	vld [tilespmem:$0x10220]  }
0xa7: {  	v20 =	vld [tilespmem:$0x11220]  }
0xa8: {  	v21 =	vld [tilespmem:$0x102A0]  }
0xa9: {  	[tilespmem:$0x1EE60] =	vst v2;
	v2 =	vld [tilespmem:$0x106A0]  }
0xaa: {  	v18 =	vld [tilespmem:$0x112A0]  }
0xab: {  	v29 =	vld [tilespmem:$0x10320]  }
0xac: {  	v26 =	vld [tilespmem:$0x11320]  }
0xad: {  	v36 =	vld [tilespmem:$0x103A0]  }
0xae: {  	[tilespmem:$0x1EE90] =	vst v2;
	v2 =	vld [tilespmem:$0x116A0]  }
0xaf: {  	v33 =	vld [tilespmem:$0x113A0]  }
0xb0: {  	v45 =	vld [tilespmem:$0x10420]  }
0xb1: {  	v44 =	vld [tilespmem:$0x11420]  }
0xb2: {  	v60 =	vld [tilespmem:$0x104A0]  }
0xb3: {  	v56 =	vld [tilespmem:$0x114A0];
	[tilespmem:$0x1EEA0] =	vst v2  }
0xb4: {  	v63 =	vld [tilespmem:$0x10630];
	_ =	sdelay $0x4  }
0xb5: {  	[tilespmem:$0x1F010] =	vst v63;
	v63 =	vld [tilespmem:$0x11630];
	_ =	sdelay $0x4  }
0xb6: {  	[tilespmem:$0x1F020] =	vst v63;
	v63 =	vld [tilespmem:$0x106B0];
	_ =	sdelay $0x4  }
0xb7: {  	[tilespmem:$0x1F070] =	vst v63;
	v63 =	vld [tilespmem:$0x116B0];
	_ =	sdelay $0x4  }
0xb8: {  	[tilespmem:$0x1F080] =	vst v63;
	v63 =	vld [tilespmem:$0x10730];
	_ =	sdelay $0x4  }
0xb9: {  	[tilespmem:$0x1F0B0] =	vst v63;
	v63 =	vld [tilespmem:$0x11730];
	_ =	sdelay $0x4  }
0xba: {  	[tilespmem:$0x1F0C0] =	vst v63;
	v63 =	vld [tilespmem:$0x107B0];
	_ =	sdelay $0x4  }
0xbb: {  	[tilespmem:$0x1F130] =	vst v63;
	v63 =	vld [tilespmem:$0x117B0];
	_ =	sdelay $0x4  }
0xbc: {  	[tilespmem:$0x1F140] =	vst v63;
	v63 =	vld [tilespmem:$0x10830];
	_ =	sdelay $0x4  }
0xbd: {  	[tilespmem:$0x1F190] =	vst v63;
	v63 =	vld [tilespmem:$0x11830];
	_ =	sdelay $0x4  }
0xbe: {  	[tilespmem:$0x1F1A0] =	vst v63;
	v63 =	vld [tilespmem:$0x108B0];
	_ =	sdelay $0x4  }
0xbf: {  	[tilespmem:$0x1F1D0] =	vst v63;
	v63 =	vld [tilespmem:$0x118B0];
	_ =	sdelay $0x4  }
0xc0: {  	[tilespmem:$0x1F1E0] =	vst v63;
	v63 =	vld [tilespmem:$0x10930];
	_ =	sdelay $0x4  }
0xc1: {  	[tilespmem:$0x1F250] =	vst v63;
	v63 =	vld [tilespmem:$0x11930];
	_ =	sdelay $0x4  }
0xc2: {  	[tilespmem:$0x1F260] =	vst v63;
	v63 =	vld [tilespmem:$0x109B0];
	_ =	sdelay $0x4  }
0xc3: {  	[tilespmem:$0x1F2B0] =	vst v63;
	v63 =	vld [tilespmem:$0x119B0];
	_ =	sdelay $0x4  }
0xc4: {  	[tilespmem:$0x1F2C0] =	vst v63;
	v63 =	vld [tilespmem:$0x10A30];
	_ =	sdelay $0x4  }
0xc5: {  	[tilespmem:$0x1F330] =	vst v63;
	v63 =	vld [tilespmem:$0x11A30];
	_ =	sdelay $0x4  }
0xc6: {  	[tilespmem:$0x1F340] =	vst v63;
	v63 =	vld [tilespmem:$0x10AB0];
	_ =	sdelay $0x4  }
0xc7: {  	[tilespmem:$0x1F370] =	vst v63;
	v63 =	vld [tilespmem:$0x11AB0];
	_ =	sdelay $0x4  }
0xc8: {  	[tilespmem:$0x1F380] =	vst v63;
	v63 =	vld [tilespmem:$0x10B30];
	_ =	sdelay $0x4  }
0xc9: {  	[tilespmem:$0x1F3F0] =	vst v63;
	v63 =	vld [tilespmem:$0x11B30];
	_ =	sdelay $0x4  }
0xca: {  	[tilespmem:$0x1F400] =	vst v63;
	v63 =	vld [tilespmem:$0x10BB0];
	_ =	sdelay $0x4  }
0xcb: {  	[tilespmem:$0x1F450] =	vst v63;
	v63 =	vld [tilespmem:$0x11BB0];
	_ =	sdelay $0x4  }
0xcc: {  	[tilespmem:$0x1F460] =	vst v63;
	v63 =	vld [tilespmem:$0x10C30];
	_ =	sdelay $0x4  }
0xcd: {  	[tilespmem:$0x1F490] =	vst v63;
	v63 =	vld [tilespmem:$0x11C30];
	_ =	sdelay $0x4  }
0xce: {  	[tilespmem:$0x1F4A0] =	vst v63;
	v63 =	vld [tilespmem:$0x10CB0];
	_ =	sdelay $0x4  }
0xcf: {  	[tilespmem:$0x1F510] =	vst v63;
	v63 =	vld [tilespmem:$0x11CB0];
	_ =	sdelay $0x4  }
0xd0: {  	[tilespmem:$0x1F520] =	vst v63;
	v63 =	vld [tilespmem:$0x10D30];
	_ =	sdelay $0x4  }
0xd1: {  	[tilespmem:$0x1F570] =	vst v63;
	v63 =	vld [tilespmem:$0x11D30];
	_ =	sdelay $0x4  }
0xd2: {  	[tilespmem:$0x1F580] =	vst v63;
	v63 =	vld [tilespmem:$0x10DB0];
	_ =	sdelay $0x4  }
0xd3: {  	[tilespmem:$0x1F5B0] =	vst v63;
	v63 =	vld [tilespmem:$0x11DB0];
	_ =	sdelay $0x4  }
0xd4: {  	[tilespmem:$0x1F5C0] =	vst v63;
	v63 =	vld [tilespmem:$0x10E30];
	_ =	sdelay $0x4  }
0xd5: {  	[tilespmem:$0x1F630] =	vst v63;
	v63 =	vld [tilespmem:$0x11E30];
	_ =	sdelay $0x4  }
0xd6: {  	[tilespmem:$0x1F640] =	vst v63;
	v63 =	vld [tilespmem:$0x10EB0];
	_ =	sdelay $0x4  }
0xd7: {  	[tilespmem:$0x1F6B0] =	vst v63;
	v63 =	vld [tilespmem:$0x11EB0];
	_ =	sdelay $0x4  }
0xd8: {  	[tilespmem:$0x1F6C0] =	vst v63;
	v63 =	vld [tilespmem:$0x10F30];
	_ =	sdelay $0x4  }
0xd9: {  	[tilespmem:$0x1F720] =	vst v63;
	v63 =	vld [tilespmem:$0x11F30];
	_ =	sdelay $0x4  }
0xda: {  	[tilespmem:$0x1F730] =	vst v63;
	v63 =	vld [tilespmem:$0x10FB0];
	_ =	sdelay $0x4  }
0xdb: {  	[tilespmem:$0x1F780] =	vst v63;
	v63 =	vld [tilespmem:$0x11FB0];
	_ =	sdelay $0x4  }
0xdc: {  	[tilespmem:$0x1F790] =	vst v63;
	v63 =	vld [tilespmem:$0x11030];
	_ =	sdelay $0x4  }
0xdd: {  	[tilespmem:$0x1F820] =	vst v63;
	v63 =	vld [tilespmem:$0x12030];
	_ =	sdelay $0x4  }
0xde: {  	[tilespmem:$0x1F830] =	vst v63;
	v63 =	vld [tilespmem:$0x110B0];
	_ =	sdelay $0x4  }
0xdf: {  	[tilespmem:$0x1F8A0] =	vst v63;
	v63 =	vld [tilespmem:$0x120B0];
	_ =	sdelay $0x4  }
0xe0: {  	[tilespmem:$0x1F8B0] =	vst v63;
	v63 =	vld [tilespmem:$0x11130];
	_ =	sdelay $0x4  }
0xe1: {  	[tilespmem:$0x1F940] =	vst v63;
	v63 =	vld [tilespmem:$0x12130];
	_ =	sdelay $0x4  }
0xe2: {  	[tilespmem:$0x1F950] =	vst v63;
	v63 =	vld [tilespmem:$0x111B0];
	_ =	sdelay $0x4  }
0xe3: {  	[tilespmem:$0x1F9C0] =	vst v63;
	v63 =	vld [tilespmem:$0x121B0];
	_ =	sdelay $0x4  }
0xe4: {  	[tilespmem:$0x1F9D0] =	vst v63;
	v63 =	vld [tilespmem:$0x12230];
	_ =	sdelay $0x4  }
0xe5: {  	[tilespmem:$0x1FAC0] =	vst v63;
	v63 =	vld [tilespmem:$0x122B0];
	_ =	sdelay $0x4  }
0xe6: {  	[tilespmem:$0x1FAD0] =	vst v63;
	v63 =	vld [tilespmem:$0x10240];
	_ =	sdelay $0x4  }
0xe7: {  	[tilespmem:$0x1F2D0] =	vst v63;
	v63 =	vld [tilespmem:$0x11240];
	_ =	sdelay $0x4  }
0xe8: {  	[tilespmem:$0x1F2E0] =	vst v63;
	v63 =	vld [tilespmem:$0x102C0];
	_ =	sdelay $0x4  }
0xe9: {  	[tilespmem:$0x1F2F0] =	vst v63;
	v63 =	vld [tilespmem:$0x112C0];
	_ =	sdelay $0x4  }
0xea: {  	[tilespmem:$0x1F300] =	vst v63;
	v63 =	vld [tilespmem:$0x10340];
	_ =	sdelay $0x4  }
0xeb: {  	[tilespmem:$0x1F350] =	vst v63;
	v63 =	vld [tilespmem:$0x11340];
	_ =	sdelay $0x4  }
0xec: {  	[tilespmem:$0x1F360] =	vst v63;
	v63 =	vld [tilespmem:$0x103C0];
	_ =	sdelay $0x4  }
0xed: {  	[tilespmem:$0x1F3B0] =	vst v63;
	v63 =	vld [tilespmem:$0x113C0];
	_ =	sdelay $0x4  }
0xee: {  	[tilespmem:$0x1F3C0] =	vst v63;
	v63 =	vld [tilespmem:$0x10440];
	_ =	sdelay $0x4  }
0xef: {  	[tilespmem:$0x1F410] =	vst v63;
	v63 =	vld [tilespmem:$0x11440];
	_ =	sdelay $0x4  }
0xf0: {  	[tilespmem:$0x1F420] =	vst v63;
	v63 =	vld [tilespmem:$0x104C0];
	_ =	sdelay $0x4  }
0xf1: {  	[tilespmem:$0x1F470] =	vst v63;
	v63 =	vld [tilespmem:$0x114C0];
	_ =	sdelay $0x4  }
0xf2: {  	[tilespmem:$0x1F480] =	vst v63;
	v63 =	vld [tilespmem:$0x10540];
	_ =	sdelay $0x4  }
0xf3: {  	[tilespmem:$0x1F4D0] =	vst v63;
	v63 =	vld [tilespmem:$0x11540];
	_ =	sdelay $0x4  }
0xf4: {  	[tilespmem:$0x1F4E0] =	vst v63;
	v63 =	vld [tilespmem:$0x105C0];
	_ =	sdelay $0x4  }
0xf5: {  	[tilespmem:$0x1F530] =	vst v63;
	v63 =	vld [tilespmem:$0x115C0];
	_ =	sdelay $0x4  }
0xf6: {  	[tilespmem:$0x1F540] =	vst v63;
	v63 =	vld [tilespmem:$0x10640];
	_ =	sdelay $0x4  }
0xf7: {  	[tilespmem:$0x1F590] =	vst v63;
	v63 =	vld [tilespmem:$0x11640];
	_ =	sdelay $0x4  }
0xf8: {  	[tilespmem:$0x1F5A0] =	vst v63;
	v63 =	vld [tilespmem:$0x106C0];
	_ =	sdelay $0x4  }
0xf9: {  	[tilespmem:$0x1F5F0] =	vst v63;
	v63 =	vld [tilespmem:$0x116C0];
	_ =	sdelay $0x4  }
0xfa: {  	[tilespmem:$0x1F600] =	vst v63;
	v63 =	vld [tilespmem:$0x10740];
	_ =	sdelay $0x4  }
0xfb: {  	[tilespmem:$0x1F650] =	vst v63;
	v63 =	vld [tilespmem:$0x11740];
	_ =	sdelay $0x4  }
0xfc: {  	[tilespmem:$0x1F660] =	vst v63;
	v63 =	vld [tilespmem:$0x107C0];
	_ =	sdelay $0x4  }
0xfd: {  	[tilespmem:$0x1F6D0] =	vst v63;
	v63 =	vld [tilespmem:$0x117C0];
	_ =	sdelay $0x4  }
0xfe: {  	[tilespmem:$0x1F6E0] =	vst v63;
	v63 =	vld [tilespmem:$0x10840];
	_ =	sdelay $0x4  }
0xff: {  	[tilespmem:$0x1F700] =	vst v63;
	v63 =	vld [tilespmem:$0x11840];
	_ =	sdelay $0x4  }
0x100: {  	[tilespmem:$0x1F710] =	vst v63;
	v63 =	vld [tilespmem:$0x108C0];
	_ =	sdelay $0x4  }
0x101: {  	[tilespmem:$0x1F750] =	vst v63;
	v63 =	vld [tilespmem:$0x118C0];
	_ =	sdelay $0x4  }
0x102: {  	[tilespmem:$0x1F760] =	vst v63;
	v63 =	vld [tilespmem:$0x10940];
	_ =	sdelay $0x4  }
0x103: {  	[tilespmem:$0x1F7A0] =	vst v63;
	v63 =	vld [tilespmem:$0x11940];
	_ =	sdelay $0x4  }
0x104: {  	[tilespmem:$0x1F7B0] =	vst v63;
	v63 =	vld [tilespmem:$0x109C0];
	_ =	sdelay $0x3  }
0x105: {  	v2 =	vld [tilespmem:$0x10720]  }
0x106: {  	[tilespmem:$0x1F800] =	vst v63;
	v63 =	vld [tilespmem:$0x119C0];
	_ =	sdelay $0x3  }
0x107: {  	[tilespmem:$0x1EED0] =	vst v2;
	v2 =	vld [tilespmem:$0x11720]  }
0x108: {  	[tilespmem:$0x1F810] =	vst v63;
	v63 =	vld [tilespmem:$0x10A40];
	_ =	sdelay $0x3  }
0x109: {  	[tilespmem:$0x1EEE0] =	vst v2;
	v2 =	vld [tilespmem:$0x107A0]  }
0x10a: {  	[tilespmem:$0x1F860] =	vst v63;
	v63 =	vld [tilespmem:$0x11A40];
	_ =	sdelay $0x3  }
0x10b: {  	[tilespmem:$0x1EF10] =	vst v2;
	v2 =	vld [tilespmem:$0x117A0]  }
0x10c: {  	[tilespmem:$0x1F870] =	vst v63;
	v63 =	vld [tilespmem:$0x10AC0];
	_ =	sdelay $0x3  }
0x10d: {  	[tilespmem:$0x1EF20] =	vst v2;
	v2 =	vld [tilespmem:$0x10820]  }
0x10e: {  	[tilespmem:$0x1F8C0] =	vst v63;
	v63 =	vld [tilespmem:$0x11AC0];
	_ =	sdelay $0x3  }
0x10f: {  	[tilespmem:$0x1EF50] =	vst v2;
	v2 =	vld [tilespmem:$0x11820]  }
0x110: {  	[tilespmem:$0x1F8D0] =	vst v63;
	v63 =	vld [tilespmem:$0x10B40];
	_ =	sdelay $0x3  }
0x111: {  	[tilespmem:$0x1EF60] =	vst v2;
	v2 =	vld [tilespmem:$0x108A0]  }
0x112: {  	[tilespmem:$0x1F920] =	vst v63;
	v63 =	vld [tilespmem:$0x11B40];
	_ =	sdelay $0x3  }
0x113: {  	[tilespmem:$0x1EF90] =	vst v2;
	v2 =	vld [tilespmem:$0x118A0]  }
0x114: {  	[tilespmem:$0x1F930] =	vst v63;
	v63 =	vld [tilespmem:$0x10BC0];
	_ =	sdelay $0x3  }
0x115: {  	[tilespmem:$0x1EFA0] =	vst v2;
	v2 =	vld [tilespmem:$0x10920]  }
0x116: {  	[tilespmem:$0x1F980] =	vst v63;
	v63 =	vld [tilespmem:$0x11BC0];
	_ =	sdelay $0x3  }
0x117: {  	[tilespmem:$0x1EFD0] =	vst v2;
	v2 =	vld [tilespmem:$0x11920]  }
0x118: {  	[tilespmem:$0x1F990] =	vst v63;
	v63 =	vld [tilespmem:$0x10C40];
	_ =	sdelay $0x3  }
0x119: {  	[tilespmem:$0x1EFE0] =	vst v2;
	v2 =	vld [tilespmem:$0x109A0]  }
0x11a: {  	[tilespmem:$0x1F9E0] =	vst v63;
	v63 =	vld [tilespmem:$0x11C40];
	_ =	sdelay $0x3  }
0x11b: {  	[tilespmem:$0x1F030] =	vst v2;
	v2 =	vld [tilespmem:$0x119A0]  }
0x11c: {  	[tilespmem:$0x1F9F0] =	vst v63;
	v63 =	vld [tilespmem:$0x11FD0];
	_ =	sdelay $0x3  }
0x11d: {  	[tilespmem:$0x1F040] =	vst v2;
	v2 =	vld [tilespmem:$0x10A20]  }
0x11e: {  	[tilespmem:$0x1FE30] =	vst v63;
	v63 =	vld [tilespmem:$0x10CC0];
	_ =	sdelay $0x3  }
0x11f: {  	[tilespmem:$0x1F090] =	vst v2;
	v2 =	vld [tilespmem:$0x11A20]  }
0x120: {  	[tilespmem:$0x1FA40] =	vst v63;
	v63 =	vld [tilespmem:$0x10950];
	_ =	sdelay $0x3  }
0x121: {  	[tilespmem:$0x1F0A0] =	vst v2;
	v2 =	vld [tilespmem:$0x10AA0]  }
0x122: {  	[tilespmem:$0x1FB40] =	vst v63;
	v63 =	vld [tilespmem:$0x11CC0];
	_ =	sdelay $0x3  }
0x123: {  	[tilespmem:$0x1F0F0] =	vst v2;
	v2 =	vld [tilespmem:$0x11AA0]  }
0x124: {  	[tilespmem:$0x1FA50] =	vst v63;
	v63 =	vld [tilespmem:$0x10D40];
	_ =	sdelay $0x3  }
0x125: {  	[tilespmem:$0x1F100] =	vst v2;
	v2 =	vld [tilespmem:$0x10B20]  }
0x126: {  	[tilespmem:$0x1FA60] =	vst v63;
	v63 =	vld [tilespmem:$0x11D40];
	_ =	sdelay $0x3  }
0x127: {  	[tilespmem:$0x1F150] =	vst v2;
	v2 =	vld [tilespmem:$0x11B20]  }
0x128: {  	[tilespmem:$0x1FA70] =	vst v63;
	v63 =	vld [tilespmem:$0x10DC0];
	_ =	sdelay $0x3  }
0x129: {  	[tilespmem:$0x1F160] =	vst v2;
	v2 =	vld [tilespmem:$0x10BA0]  }
0x12a: {  	[tilespmem:$0x1FB20] =	vst v63;
	v63 =	vld [tilespmem:$0x11DC0];
	_ =	sdelay $0x3  }
0x12b: {  	[tilespmem:$0x1F1B0] =	vst v2;
	v2 =	vld [tilespmem:$0x11BA0]  }
0x12c: {  	[tilespmem:$0x1FB30] =	vst v63;
	v63 =	vld [tilespmem:$0x10E40];
	_ =	sdelay $0x3  }
0x12d: {  	[tilespmem:$0x1F1C0] =	vst v2;
	v2 =	vld [tilespmem:$0x10C20]  }
0x12e: {  	[tilespmem:$0x1FB80] =	vst v63;
	v63 =	vld [tilespmem:$0x11E40];
	_ =	sdelay $0x3  }
0x12f: {  	[tilespmem:$0x1F210] =	vst v2;
	v2 =	vld [tilespmem:$0x11C20]  }
0x130: {  	[tilespmem:$0x1FB90] =	vst v63;
	v63 =	vld [tilespmem:$0x10EC0];
	_ =	sdelay $0x3  }
0x131: {  	[tilespmem:$0x1F220] =	vst v2;
	v2 =	vld [tilespmem:$0x10CA0]  }
0x132: {  	[tilespmem:$0x1FC00] =	vst v63;
	v63 =	vld [tilespmem:$0x11EC0];
	_ =	sdelay $0x3  }
0x133: {  	[tilespmem:$0x1F270] =	vst v2;
	v2 =	vld [tilespmem:$0x11CA0]  }
0x134: {  	[tilespmem:$0x1FC10] =	vst v63;
	v63 =	vld [tilespmem:$0x10F40];
	_ =	sdelay $0x3  }
0x135: {  	[tilespmem:$0x1F280] =	vst v2;
	v2 =	vld [tilespmem:$0x10D20]  }
0x136: {  	[tilespmem:$0x1FC90] =	vst v63;
	v63 =	vld [tilespmem:$0x11F40];
	_ =	sdelay $0x3  }
0x137: {  	[tilespmem:$0x1F310] =	vst v2;
	v2 =	vld [tilespmem:$0x11D20]  }
0x138: {  	[tilespmem:$0x1FCA0] =	vst v63;
	v63 =	vld [tilespmem:$0x10FC0];
	_ =	sdelay $0x3  }
0x139: {  	[tilespmem:$0x1F320] =	vst v2;
	v2 =	vld [tilespmem:$0x10DA0]  }
0x13a: {  	[tilespmem:$0x1FD20] =	vst v63;
	v63 =	vld [tilespmem:$0x11FC0];
	_ =	sdelay $0x3  }
0x13b: {  	[tilespmem:$0x1F390] =	vst v2;
	v2 =	vld [tilespmem:$0x11DA0]  }
0x13c: {  	[tilespmem:$0x1FD30] =	vst v63;
	v63 =	vld [tilespmem:$0x11040];
	_ =	sdelay $0x3  }
0x13d: {  	[tilespmem:$0x1F3A0] =	vst v2;
	v2 =	vld [tilespmem:$0x10E20]  }
0x13e: {  	[tilespmem:$0x1FD90] =	vst v63;
	v63 =	vld [tilespmem:$0x10DD0];
	_ =	sdelay $0x3  }
0x13f: {  	[tilespmem:$0x1F430] =	vst v2;
	v2 =	vld [tilespmem:$0x11E20]  }
0x140: {  	[tilespmem:$0x1FD70] =	vst v63;
	v63 =	vld [tilespmem:$0x115D0];
	_ =	sdelay $0x3  }
0x141: {  	[tilespmem:$0x1F440] =	vst v2;
	v2 =	vld [tilespmem:$0x10EA0]  }
0x142: {  	[tilespmem:$0x1F900] =	vst v63;
	v63 =	vld [tilespmem:$0x12040];
	_ =	sdelay $0x3  }
0x143: {  	[tilespmem:$0x1F4B0] =	vst v2;
	v2 =	vld [tilespmem:$0x11EA0]  }
0x144: {  	[tilespmem:$0x1FDA0] =	vst v63;
	v63 =	vld [tilespmem:$0x11B50];
	_ =	sdelay $0x3  }
0x145: {  	[tilespmem:$0x1F4C0] =	vst v2;
	v2 =	vld [tilespmem:$0x10F20]  }
0x146: {  	[tilespmem:$0x1FC30] =	vst v63;
	v63 =	vld [tilespmem:$0x110C0];
	_ =	sdelay $0x3  }
0x147: {  	[tilespmem:$0x1F550] =	vst v2;
	v2 =	vld [tilespmem:$0x11F20]  }
0x148: {  	[tilespmem:$0x1FDF0] =	vst v63;
	v63 =	vld [tilespmem:$0x10B50];
	_ =	sdelay $0x3  }
0x149: {  	[tilespmem:$0x1F560] =	vst v2;
	v2 =	vld [tilespmem:$0x10FA0]  }
0x14a: {  	[tilespmem:$0x1FC40] =	vst v63;
	v63 =	vld [tilespmem:$0x120C0];
	_ =	sdelay $0x3  }
0x14b: {  	[tilespmem:$0x1F5D0] =	vst v2;
	v2 =	vld [tilespmem:$0x11FA0]  }
0x14c: {  	[tilespmem:$0x1FE00] =	vst v63;
	v63 =	vld [tilespmem:$0x11140];
	_ =	sdelay $0x3  }
0x14d: {  	[tilespmem:$0x1F5E0] =	vst v2;
	v2 =	vld [tilespmem:$0x11020]  }
0x14e: {  	[tilespmem:$0x1FE50] =	vst v63;
	v63 =	vld [tilespmem:$0x12140];
	_ =	sdelay $0x1  }
0x14f: {  	v5 =	vld [tilespmem:$0x10230]  }
0x150: {  	v4 =	vld [tilespmem:$0x11230]  }
0x151: {  	[tilespmem:$0x1F670] =	vst v2;
	v2 =	vld [tilespmem:$0x12020]  }
0x152: {  	[tilespmem:$0x1FE60] =	vst v63;
	v63 =	vld [tilespmem:$0x111C0]  }
0x153: {  	v3 =	vld [tilespmem:$0x102B0]  }
0x154: {  	v7 =	vld [tilespmem:$0x10330]  }
0x155: {  	v6 =	vld [tilespmem:$0x11330]  }
0x156: {  	[tilespmem:$0x1F680] =	vst v2;
	v2 =	vld [tilespmem:$0x110A0]  }
0x157: {  	[tilespmem:$0x1FEC0] =	vst v63;
	v63 =	vld [tilespmem:$0x121C0]  }
0x158: {  	v15 =	vld [tilespmem:$0x103B0]  }
0x159: {  	v13 =	vld [tilespmem:$0x113B0]  }
0x15a: {  	v22 =	vld [tilespmem:$0x10430]  }
0x15b: {  	[tilespmem:$0x1F690] =	vst v2;
	v2 =	vld [tilespmem:$0x120A0]  }
0x15c: {  	[tilespmem:$0x1FED0] =	vst v63;
	v63 =	vld [tilespmem:$0x12240]  }
0x15d: {  	v19 =	vld [tilespmem:$0x11430]  }
0x15e: {  	v31 =	vld [tilespmem:$0x104B0]  }
0x15f: {  	v41 =	vmul.f32 v41, v55;
	v55 =	vld [tilespmem:$0x11A50]  }
0x160: {  	[tilespmem:$0x1F6A0] =	vst v2;
	v2 =	vld [tilespmem:$0x11120]  }
0x161: {  	[tilespmem:$0x1FF90] =	vst v63;
	v63 =	vld [tilespmem:$0x122C0]  }
0x162: {  	v28 =	vld [tilespmem:$0x114B0]  }
0x163: {  	v37 =	vld [tilespmem:$0x10530]  }
0x164: {  	[tilespmem:$0x1FBA0] =	vst v55;
	v55 =	vld [tilespmem:$0x10C50]  }
0x165: {  	[tilespmem:$0x1F7C0] =	vst v2;
	v2 =	vld [tilespmem:$0x12120]  }
0x166: {  	[tilespmem:$0x1FFA0] =	vst v63;
	v63 =	vld [tilespmem:$0x10250]  }
0x167: {  	v35 =	vld [tilespmem:$0x11530]  }
0x168: {  	v51 =	vld [tilespmem:$0x105B0]  }
0x169: {  	v38 =	vmul.f32 v38, v39;
	v42 =	vmul.f32 v42, v53;
	v53 =	vld [tilespmem:$0x10350];
	[tilespmem:$0x1FCC0] =	vst v55  }
0x16a: {  	v55 =	vld [tilespmem:$0x103D0];
	[tilespmem:$0x1F7D0] =	vst v2  }
0x16b: {  	v2 =	vld [tilespmem:$0x111A0];
	[tilespmem:$0x1F6F0] =	vst v63;
	v63 =	vadd.f32 v38, v41  }
0x16c: {  	v47 =	vld [tilespmem:$0x115B0]  }
0x16d: {  	v39 =	vadd.f32 v42, v63;
	v63 =	vmul.f32 v50, v54;
	v54 =	vmul.f32 v57, v59;
	v59 =	vld [tilespmem:$0x1EA00]  }
0x16e: {  	v46 =	vmul.f32 v46, v49;
	[tilespmem:$0x1F740] =	vst v53;
	v53 =	vld [tilespmem:$0x1EAD0]  }
0x16f: {  	[tilespmem:$0x1F770] =	vst v55;
	v55 =	vld [tilespmem:$0x106D0]  }
0x170: {  	[tilespmem:$0x1F8E0] =	vst v2;
	v2 =	vld [tilespmem:$0x121A0];
	v46 =	vadd.f32 v46, v39  }
0x171: {  	v57 =	vld [tilespmem:$0x119D0]  }
0x172: {  	v46 =	vadd.f32 v63, v46;
	v63 =	vmul.f32 v61, v59;
	v59 =	vld [tilespmem:$0x1EA10]  }
0x173: {  	v61 =	vld [tilespmem:$0x1EA20]  }
0x174: {  	[tilespmem:$0x1F9A0] =	vst v55;
	v55 =	vld [tilespmem:$0x11750]  }
0x175: {  	[tilespmem:$0x1F8F0] =	vst v2;
	v2 =	vld [tilespmem:$0x12220];
	v49 =	vadd.f32 v54, v46  }
0x176: {  	[tilespmem:$0x1FB60] =	vst v57;
	v57 =	vld [tilespmem:$0x10450]  }
0x177: {  	v49 =	vadd.f32 v63, v49;
	v63 =	vld [tilespmem:$0x11450]  }
0x178: {  	v50 =	vmul.f32 v61, v59;
	v59 =	vld [tilespmem:$0x1EA30]  }
0x179: {  	v61 =	vld [tilespmem:$0x1EA40]  }
0x17a: {  	[tilespmem:$0x1FA30] =	vst v55;
	v55 =	vld [tilespmem:$0x1EB30]  }
0x17b: {  	[tilespmem:$0x1FA00] =	vst v2;
	v2 =	vld [tilespmem:$0x122A0]  }
0x17c: {  	[tilespmem:$0x1F7E0] =	vst v57;
	v57 =	vld [tilespmem:$0x104D0]  }
0x17d: {  	[tilespmem:$0x1F7F0] =	vst v63;
	v63 =	vld [tilespmem:$0x114D0]  }
0x17e: {  	v49 =	vadd.f32 v50, v49;
	v50 =	vmul.f32 v61, v59;
	v59 =	vld [tilespmem:$0x1EA50]  }
0x17f: {  	v61 =	vld [tilespmem:$0x1EA60]  }
0x180: {  	[tilespmem:$0x1FA10] =	vst v2;
	v2 =	vld [tilespmem:$0x112B0]  }
0x181: {  	v41 =	vld [tilespmem:$0x11250]  }
0x182: {  	[tilespmem:$0x1F840] =	vst v57;
	v57 =	vld [tilespmem:$0x10550]  }
0x183: {  	[tilespmem:$0x1F850] =	vst v63;
	v63 =	vld [tilespmem:$0x11550]  }
0x184: {  	v49 =	vadd.f32 v50, v49;
	v50 =	vmul.f32 v61, v59;
	v59 =	vld [tilespmem:$0x1EA70]  }
0x185: {  	v61 =	vld [tilespmem:$0x1EA80]  }
0x186: {  	v38 =	vld [tilespmem:$0x102D0]  }
0x187: {  	v42 =	vld [tilespmem:$0x112D0]  }
0x188: {  	[tilespmem:$0x1F880] =	vst v57;
	v57 =	vld [tilespmem:$0x10BD0]  }
0x189: {  	[tilespmem:$0x1F890] =	vst v63;
	v63 =	vld [tilespmem:$0x105D0]  }
0x18a: {  	v49 =	vadd.f32 v50, v49;
	v50 =	vmul.f32 v61, v59;
	v59 =	vld [tilespmem:$0x1EA90]  }
0x18b: {  	v61 =	vld [tilespmem:$0x1EAA0]  }
0x18c: {  	v39 =	vld [tilespmem:$0x11350]  }
0x18d: {  	v46 =	vld [tilespmem:$0x113D0]  }
0x18e: {  	[tilespmem:$0x1FC60] =	vst v57;
	v57 =	vld [tilespmem:$0x10650]  }
0x18f: {  	[tilespmem:$0x1F910] =	vst v63;
	v63 =	vld [tilespmem:$0x11650]  }
0x190: {  	v49 =	vadd.f32 v50, v49;
	v50 =	vmul.f32 v61, v59;
	v59 =	vld [tilespmem:$0x1EAB0]  }
0x191: {  	v10 =	vmul.f32 v10, v11;
	v8 =	vmul.f32 v8, v9;
	v61 =	vld [tilespmem:$0x1EAC0]  }
0x192: {  	v54 =	vld [tilespmem:$0x1EAE0]  }
0x193: {  	v8 =	vadd.f32 v8, v10;
	[tilespmem:$0x1F960] =	vst v57;
	v57 =	vadd.f32 v50, v49;
	v49 =	vmul.f32 v12, v14;
	v50 =	vld [tilespmem:$0x10750]  }
0x194: {  	[tilespmem:$0x1F970] =	vst v63;
	v63 =	vld [tilespmem:$0x116D0]  }
0x195: {  	v8 =	vadd.f32 v49, v8;
	v49 =	vld [tilespmem:$0x1EB20]  }
0x196: {  	v11 =	vmul.f32 v61, v59;
	v59 =	vld [tilespmem:$0x107D0]  }
0x197: {  	v61 =	vld [tilespmem:$0x1EAF0]  }
0x198: {  	v9 =	vadd.f32 v11, v57;
	v57 =	vmul.f32 v16, v17;
	v16 =	vld [tilespmem:$0x117D0]  }
0x199: {  	v17 =	vmul.f32 v24, v25;
	v24 =	vld [tilespmem:$0x10850]  }
0x19a: {  	v25 =	vld [tilespmem:$0x1EB10]  }
0x19b: {  	[tilespmem:$0x1FA20] =	vst v50;
	v50 =	vld [tilespmem:$0x11850]  }
0x19c: {  	v11 =	vmul.f32 v54, v53;
	v54 =	vld [tilespmem:$0x108D0]  }
0x19d: {  	v53 =	vmul.f32 v27, v30;
	v27 =	vld [tilespmem:$0x10A50]  }
0x19e: {  	v30 =	vld [tilespmem:$0x1EB70]  }
0x19f: {  	[tilespmem:$0x1F9B0] =	vst v63;
	v63 =	vld [tilespmem:$0x1EB00]  }
0x1a0: {  	v8 =	vadd.f32 v57, v8;
	v57 =	vld [tilespmem:$0x1EB40]  }
0x1a1: {  	[tilespmem:$0x1FA80] =	vst v59;
	v59 =	vld [tilespmem:$0x118D0]  }
0x1a2: {  	v8 =	vadd.f32 v17, v8;
	v17 =	vld [tilespmem:$0x1EB60]  }
0x1a3: {  	[tilespmem:$0x1FA90] =	vst v16;
	v16 =	vld [tilespmem:$0x1EB50]  }
0x1a4: {  	[tilespmem:$0x1FAE0] =	vst v24;
	v24 =	vld [tilespmem:$0x109D0]  }
0x1a5: {  	[tilespmem:$0x1FAF0] =	vst v50;
	v50 =	vld [tilespmem:$0x11BD0]  }
0x1a6: {  	[tilespmem:$0x1FB00] =	vst v54;
	v54 =	vld [tilespmem:$0x1EBB0]  }
0x1a7: {  	[tilespmem:$0x1FBB0] =	vst v27;
	v27 =	vld [tilespmem:$0x1EC30]  }
0x1a8: {  	v9 =	vadd.f32 v11, v9;
	v11 =	vmul.f32 v63, v61;
	v63 =	vld [tilespmem:$0x11950]  }
0x1a9: {  	v61 =	vmul.f32 v32, v34;
	v32 =	vld [tilespmem:$0x1EB80]  }
0x1aa: {  	v34 =	vld [tilespmem:$0x10AD0]  }
0x1ab: {  	v8 =	vadd.f32 v53, v8;
	v53 =	vld [tilespmem:$0x11C50]  }
0x1ac: {  	v9 =	vadd.f32 v11, v9;
	v11 =	vmul.f32 v49, v25;
	v25 =	vmul.f32 v40, v43;
	v43 =	vld [tilespmem:$0x11AD0]  }
0x1ad: {  	v40 =	vmul.f32 v48, v52;
	v48 =	vld [tilespmem:$0x1EB90]  }
0x1ae: {  	v49 =	vld [tilespmem:$0x1EBA0]  }
0x1af: {  	v52 =	vmul.f32 v58, v62;
	v58 =	vld [tilespmem:$0x1EBD0]  }
0x1b0: {  	[tilespmem:$0x1FB10] =	vst v59;
	v59 =	vld [tilespmem:$0x1EBE0]  }
0x1b1: {  	v8 =	vadd.f32 v61, v8;
	v61 =	vld [tilespmem:$0x11CD0]  }
0x1b2: {  	v62 =	vld [tilespmem:$0x1EBF0]  }
0x1b3: {  	v9 =	vadd.f32 v11, v9;
	v11 =	vmul.f32 v57, v55;
	v55 =	vld [tilespmem:$0x1EBC0]  }
0x1b4: {  	v57 =	vld [tilespmem:$0x10CD0]  }
0x1b5: {  	[tilespmem:$0x1FB70] =	vst v24;
	v24 =	vld [tilespmem:$0x1EC20]  }
0x1b6: {  	v8 =	vadd.f32 v25, v8;
	v25 =	vld [tilespmem:$0x11D50]  }
0x1b7: {  	[tilespmem:$0x1FC70] =	vst v50;
	v50 =	vld [tilespmem:$0x11E50]  }
0x1b8: {  	[tilespmem:$0x1FB50] =	vst v63;
	v63 =	vld [tilespmem:$0x1EC00]  }
0x1b9: {  	[tilespmem:$0x1FBD0] =	vst v34;
	v34 =	vld [tilespmem:$0x1EC50]  }
0x1ba: {  	[tilespmem:$0x1FCD0] =	vst v53;
	v53 =	vld [tilespmem:$0x1ECA0]  }
0x1bb: {  	v9 =	vadd.f32 v11, v9;
	v11 =	vmul.f32 v17, v16;
	v16 =	vld [tilespmem:$0x10D50]  }
0x1bc: {  	v17 =	vld [tilespmem:$0x1EC10]  }
0x1bd: {  	v8 =	vadd.f32 v40, v8;
	v40 =	vld [tilespmem:$0x1EC60]  }
0x1be: {  	[tilespmem:$0x1FBE0] =	vst v43;
	v43 =	vld [tilespmem:$0x10E50]  }
0x1bf: {  	v10 =	vmul.f32 v59, v58;
	v58 =	vld [tilespmem:$0x11ED0]  }
0x1c0: {  	v59 =	vld [tilespmem:$0x1ECB0]  }
0x1c1: {  	[tilespmem:$0x1FD00] =	vst v61;
	v61 =	vld [tilespmem:$0x1ECC0]  }
0x1c2: {  	v9 =	vadd.f32 v11, v9;
	v11 =	vmul.f32 v32, v30;
	v30 =	vld [tilespmem:$0x1EC40]  }
0x1c3: {  	v32 =	vld [tilespmem:$0x11DD0]  }
0x1c4: {  	v8 =	vadd.f32 v52, v8;
	v52 =	vld [tilespmem:$0x1EC90]  }
0x1c5: {  	[tilespmem:$0x1FD60] =	vst v25;
	v25 =	vld [tilespmem:$0x1ED00]  }
0x1c6: {  	[tilespmem:$0x1FCF0] =	vst v57;
	v57 =	vmul.f32 v18, v21;
	v21 =	vmul.f32 v26, v29;
	v26 =	vld [tilespmem:$0x10FD0]  }
0x1c7: {  	v29 =	vld [tilespmem:$0x1ED20];
	v9 =	vadd.f32 v11, v9;
	v11 =	vmul.f32 v49, v48  }
0x1c8: {  	[tilespmem:$0x1FDC0] =	vst v50;
	v48 =	vld [tilespmem:$0x1EC70]  }
0x1c9: {  	[tilespmem:$0x1FD50] =	vst v16;
	v9 =	vadd.f32 v11, v9;
	v11 =	vmul.f32 v55, v54;
	v54 =	vld [tilespmem:$0x10ED0]  }
0x1ca: {  	[tilespmem:$0x1FDB0] =	vst v43;
	v55 =	vmul.f32 v20, v23;
	v20 =	vld [tilespmem:$0x10F50]  }
0x1cb: {  	[tilespmem:$0x1FDE0] =	vst v58;
	v23 =	vld [tilespmem:$0x11F50]  }
0x1cc: {  	[tilespmem:$0x1FD80] =	vst v32;
	v32 =	vld [tilespmem:$0x11050]  }
0x1cd: {  	v49 =	vld [tilespmem:$0x1EC80];
	[tilespmem:$0x1FE40] =	vst v26  }
0x1ce: {  	v8 =	vadd.f32 v10, v8;
	v10 =	vmul.f32 v24, v17;
	v24 =	vld [tilespmem:$0x1ECF0];
	[tilespmem:$0x1FDD0] =	vst v54  }
0x1cf: {  	v9 =	vadd.f32 v11, v9;
	v11 =	vmul.f32 v63, v62;
	v62 =	vld [tilespmem:$0x1ECD0];
	[tilespmem:$0x1FE10] =	vst v20  }
0x1d0: {  	v63 =	vld [tilespmem:$0x1ECE0];
	[tilespmem:$0x1FE20] =	vst v23  }
0x1d1: {  	v9 =	vadd.f32 v11, v9;
	v11 =	vmul.f32 v30, v27;
	v27 =	vld [tilespmem:$0x1ED10];
	[tilespmem:$0x1FE70] =	vst v32  }
0x1d2: {  	v30 =	vmul.f32 v33, v36;
	v33 =	vld [tilespmem:$0x1ED30]  }
0x1d3: {  	v16 =	vld [tilespmem:$0x1ED40]  }
0x1d4: {  	v8 =	vadd.f32 v10, v8;
	v10 =	vmul.f32 v40, v34;
	v34 =	vld [tilespmem:$0x12050]  }
0x1d5: {  	v40 =	vld [tilespmem:$0x110D0]  }
0x1d6: {  	v43 =	vld [tilespmem:$0x1ED50]  }
0x1d7: {  	v36 =	vmul.f32 v44, v45;
	v44 =	vld [tilespmem:$0x1ED60]  }
0x1d8: {  	v45 =	vld [tilespmem:$0x1ED70]  }
0x1d9: {  	v9 =	vadd.f32 v11, v9;
	v11 =	vmul.f32 v49, v48;
	v48 =	vld [tilespmem:$0x1ED80]  }
0x1da: {  	v49 =	vld [tilespmem:$0x120D0]  }
0x1db: {  	v8 =	vadd.f32 v10, v8;
	v10 =	vmul.f32 v53, v52;
	v52 =	vld [tilespmem:$0x11150]  }
0x1dc: {  	v53 =	vld [tilespmem:$0x1ED90]  }
0x1dd: {  	v54 =	vld [tilespmem:$0x1EDA0]  }
0x1de: {  	v50 =	vmul.f32 v56, v60;
	v56 =	vld [tilespmem:$0x1EDB0]  }
0x1df: {  	v58 =	vld [tilespmem:$0x1EDD0]  }
0x1e0: {  	v14 =	vmul.f32 v61, v59;
	v59 =	vld [tilespmem:$0x1EDE0]  }
0x1e1: {  	v60 =	vld [tilespmem:$0x111D0]  }
0x1e2: {  	v61 =	vld [tilespmem:$0x1EDF0]  }
0x1e3: {  	v8 =	vadd.f32 v10, v8;
	v10 =	vmul.f32 v63, v62;
	v62 =	vld [tilespmem:$0x1EE00]  }
0x1e4: {  	v63 =	vld [tilespmem:$0x121D0]  }
0x1e5: {  	v17 =	vld [tilespmem:$0x1EE20]  }
0x1e6: {  	v18 =	vld [tilespmem:$0x12250]  }
0x1e7: {  	v2 =	vmul.f32 v2, v3;
	v3 =	vld [tilespmem:$0x122D0]  }
0x1e8: {  	v20 =	vld [tilespmem:$0x1EE40]  }
0x1e9: {  	v23 =	vld [tilespmem:$0x1EE50]  }
0x1ea: {  	v26 =	vld [tilespmem:$0x1EE70]  }
0x1eb: {  	v32 =	vld [tilespmem:$0x1EE90]  }
0x1ec: {  	v38 =	vmul.f32 v42, v38;
	v42 =	vld [tilespmem:$0x10EE0]  }
0x1ed: {  	v9 =	vadd.f32 v11, v9;
	v11 =	vadd.f32 v57, v55;
	v55 =	vld [tilespmem:$0x12150]  }
0x1ee: {  	v57 =	vld [tilespmem:$0x1EDC0]  }
0x1ef: {  	v8 =	vadd.f32 v10, v8;
	v10 =	vmul.f32 v25, v24;
	v24 =	vld [tilespmem:$0x1EE60]  }
0x1f0: {  	v25 =	vld [tilespmem:$0x10260]  }
0x1f1: {  	v9 =	vadd.f32 v14, v9;
	v14 =	vmul.f32 v29, v27;
	v27 =	vld [tilespmem:$0x1EE80]  }
0x1f2: {  	v11 =	vadd.f32 v21, v11;
	v8 =	vadd.f32 v10, v8;
	v10 =	vmul.f32 v16, v33;
	v16 =	vld [tilespmem:$0x1EE10]  }
0x1f3: {  	[tilespmem:$0x1FFE0] =	vst v3;
	v3 =	vld [tilespmem:$0x1EE30]  }
0x1f4: {  	v11 =	vadd.f32 v30, v11;
	v30 =	vld [tilespmem:$0x11260]  }
0x1f5: {  	v33 =	vld [tilespmem:$0x1EEA0]  }
0x1f6: {  	[tilespmem:$0x1FEA0] =	vst v49;
	v49 =	vld [tilespmem:$0x102E0]  }
0x1f7: {  	[tilespmem:$0x1FE80] =	vst v34;
	v34 =	vld [tilespmem:$0x1EEB0]  }
0x1f8: {  	[tilespmem:$0x1FF10] =	vst v52;
	v52 =	vld [tilespmem:$0x112E0]  }
0x1f9: {  	v9 =	vadd.f32 v14, v9;
	v14 =	vmul.f32 v44, v43;
	v44 =	vld [tilespmem:$0x1EED0]  }
0x1fa: {  	v12 =	vmul.f32 v59, v58;
	v58 =	vld [tilespmem:$0x1EF30]  }
0x1fb: {  	v59 =	vld [tilespmem:$0x1EF40]  }
0x1fc: {  	v4 =	vmul.f32 v4, v5;
	[tilespmem:$0x1FF60] =	vst v63;
	v63 =	vld [tilespmem:$0x1EF70]  }
0x1fd: {  	[tilespmem:$0x1FE90] =	vst v40;
	v40 =	vmul.f32 v13, v15;
	v15 =	vld [tilespmem:$0x1EFA0]  }
0x1fe: {  	v2 =	vadd.f32 v2, v4;
	v29 =	vmul.f32 v6, v7;
	[tilespmem:$0x1FFD0] =	vst v18;
	v18 =	vld [tilespmem:$0x1EFC0]  }
0x1ff: {  	[tilespmem:$0x1FF50] =	vst v60;
	v60 =	vmul.f32 v28, v31;
	v28 =	vld [tilespmem:$0x1F060]  }
0x200: {  	v2 =	vadd.f32 v29, v2;
	v29 =	vld [tilespmem:$0x1F070]  }
0x201: {  	v31 =	vld [tilespmem:$0x1F090]  }
0x202: {  	v13 =	vmul.f32 v35, v37;
	v35 =	vld [tilespmem:$0x1F0C0]  }
0x203: {  	v37 =	vld [tilespmem:$0x1F0E0]  }
0x204: {  	[tilespmem:$0x1FF20] =	vst v55;
	v55 =	vld [tilespmem:$0x1EF10]  }
0x205: {  	v11 =	vadd.f32 v36, v11;
	v36 =	vld [tilespmem:$0x1EEC0]  }
0x206: {  	v8 =	vadd.f32 v10, v8;
	v10 =	vmul.f32 v48, v45;
	v45 =	vld [tilespmem:$0x1EEE0]  }
0x207: {  	v9 =	vadd.f32 v14, v9;
	v14 =	vmul.f32 v57, v56;
	v56 =	vld [tilespmem:$0x11360]  }
0x208: {  	v57 =	vld [tilespmem:$0x1EF20]  }
0x209: {  	v48 =	vmul.f32 v19, v22;
	v19 =	vld [tilespmem:$0x1EFD0]  }
0x20a: {  	v22 =	vld [tilespmem:$0x1F000]  }
0x20b: {  	[tilespmem:$0x1FAA0] =	vst v25;
	v25 =	vld [tilespmem:$0x1F030]  }
0x20c: {  	v2 =	vadd.f32 v40, v2;
	v40 =	vld [tilespmem:$0x1F0F0]  }
0x20d: {  	v11 =	vadd.f32 v50, v11;
	v50 =	vld [tilespmem:$0x10360]  }
0x20e: {  	v8 =	vadd.f32 v10, v8;
	v10 =	vmul.f32 v54, v53;
	v53 =	vld [tilespmem:$0x1EEF0]  }
0x20f: {  	v54 =	vld [tilespmem:$0x1EF00]  }
0x210: {  	v9 =	vadd.f32 v14, v9;
	v14 =	vld [tilespmem:$0x1EF90]  }
0x211: {  	v2 =	vadd.f32 v48, v2;
	v48 =	vld [tilespmem:$0x1F130]  }
0x212: {  	v3 =	vmul.f32 v20, v3;
	v20 =	vld [tilespmem:$0x1EFE0]  }
0x213: {  	[tilespmem:$0x1FAB0] =	vst v30;
	v30 =	vld [tilespmem:$0x1F080]  }
0x214: {  	v6 =	vmul.f32 v33, v32;
	v32 =	vld [tilespmem:$0x1F0A0]  }
0x215: {  	v33 =	vld [tilespmem:$0x10660]  }
0x216: {  	v52 =	vmul.f32 v52, v49;
	v49 =	vld [tilespmem:$0x1FAD0]  }
0x217: {  	v8 =	vadd.f32 v10, v8;
	v10 =	vmul.f32 v62, v61;
	v61 =	vld [tilespmem:$0x1EF50]  }
0x218: {  	v62 =	vld [tilespmem:$0x1EF60]  }
0x219: {  	v11 =	vadd.f32 v12, v11;
	v12 =	vmul.f32 v17, v16;
	v16 =	vmul.f32 v47, v51;
	v51 =	vld [tilespmem:$0x114E0]  }
0x21a: {  	v17 =	vld [tilespmem:$0x1EFB0]  }
0x21b: {  	v2 =	vadd.f32 v60, v2;
	v60 =	vld [tilespmem:$0x11560]  }
0x21c: {  	v47 =	vld [tilespmem:$0x1F120]  }
0x21d: {  	v7 =	vmul.f32 v36, v34;
	v34 =	vld [tilespmem:$0x1F0B0]  }
0x21e: {  	v36 =	vld [tilespmem:$0x1F0D0]  }
0x21f: {  	v21 =	vadd.f32 v12, v11;
	v12 =	vld [tilespmem:$0x1EF80]  }
0x220: {  	v8 =	vadd.f32 v10, v8;
	v10 =	vmul.f32 v24, v23;
	v23 =	vld [tilespmem:$0x1F010]  }
0x221: {  	v24 =	vld [tilespmem:$0x1F020]  }
0x222: {  	v11 =	vmul.f32 v27, v26;
	v26 =	vld [tilespmem:$0x1F040]  }
0x223: {  	v27 =	vld [tilespmem:$0x1F050]  }
0x224: {  	v2 =	vadd.f32 v13, v2;
	v13 =	vld [tilespmem:$0x1F150]  }
0x225: {  	v43 =	vadd.f32 v11, v9;
	v9 =	vmul.f32 v59, v58;
	v58 =	vld [tilespmem:$0x11460]  }
0x226: {  	v59 =	vld [tilespmem:$0x10560]  }
0x227: {  	v5 =	vadd.f32 v10, v21;
	v21 =	vld [tilespmem:$0x1EFF0]  }
0x228: {  	v3 =	vadd.f32 v3, v8;
	v2 =	vadd.f32 v16, v2;
	v16 =	vld [tilespmem:$0x1F170]  }
0x229: {  	[tilespmem:$0x1FBC0] =	vst v33;
	v33 =	vld [tilespmem:$0x1F240]  }
0x22a: {  	v3 =	vadd.f32 v7, v3;
	v7 =	vmul.f32 v54, v53;
	v53 =	vld [tilespmem:$0x103E0]  }
0x22b: {  	v54 =	vld [tilespmem:$0x10460]  }
0x22c: {  	v8 =	vadd.f32 v9, v43;
	v43 =	vld [tilespmem:$0x1F100]  }
0x22d: {  	v5 =	vadd.f32 v6, v5;
	v6 =	vmul.f32 v45, v44;
	v44 =	vld [tilespmem:$0x106E0]  }
0x22e: {  	v45 =	vld [tilespmem:$0x1F110]  }
0x22f: {  	v4 =	vmul.f32 v24, v23;
	v23 =	vld [tilespmem:$0x1F1C0]  }
0x230: {  	v24 =	vld [tilespmem:$0x107E0]  }
0x231: {  	v5 =	vadd.f32 v6, v5;
	v6 =	vmul.f32 v57, v55;
	v57 =	vld [tilespmem:$0x113E0]  }
0x232: {  	v55 =	vld [tilespmem:$0x104E0]  }
0x233: {  	v3 =	vadd.f32 v7, v3;
	v7 =	vmul.f32 v12, v63;
	v63 =	vld [tilespmem:$0x11660]  }
0x234: {  	v12 =	vld [tilespmem:$0x1F140]  }
0x235: {  	v9 =	vmul.f32 v22, v21;
	v21 =	vld [tilespmem:$0x116E0]  }
0x236: {  	v22 =	vld [tilespmem:$0x11760]  }
0x237: {  	v2 =	vadd.f32 v4, v2;
	v4 =	vmul.f32 v30, v29;
	v29 =	vld [tilespmem:$0x1F210]  }
0x238: {  	v30 =	vld [tilespmem:$0x1F220]  }
0x239: {  	v5 =	vadd.f32 v6, v5;
	v6 =	vmul.f32 v62, v61;
	v61 =	vld [tilespmem:$0x105E0]  }
0x23a: {  	v62 =	vld [tilespmem:$0x115E0]  }
0x23b: {  	v3 =	vadd.f32 v7, v3;
	v7 =	vmul.f32 v18, v17;
	v17 =	vld [tilespmem:$0x1F180]  }
0x23c: {  	v18 =	vld [tilespmem:$0x1F190]  }
0x23d: {  	v2 =	vadd.f32 v4, v2;
	v4 =	vmul.f32 v35, v34;
	v34 =	vld [tilespmem:$0x1F250]  }
0x23e: {  	v35 =	vld [tilespmem:$0x1F260]  }
0x23f: {  	[tilespmem:$0x1FBF0] =	vst v44;
	v44 =	vld [tilespmem:$0x108E0]  }
0x240: {  	v8 =	vadd.f32 v9, v8;
	v9 =	vmul.f32 v47, v45;
	v45 =	vld [tilespmem:$0x1F290]  }
0x241: {  	v47 =	vld [tilespmem:$0x1F2A0]  }
0x242: {  	v5 =	vadd.f32 v6, v5;
	v6 =	vmul.f32 v15, v14;
	v14 =	vld [tilespmem:$0x1F160]  }
0x243: {  	v15 =	vld [tilespmem:$0x10760]  }
0x244: {  	v3 =	vadd.f32 v7, v3;
	v7 =	vmul.f32 v28, v27;
	v27 =	vld [tilespmem:$0x1F1F0]  }
0x245: {  	v28 =	vld [tilespmem:$0x1F200]  }
0x246: {  	[tilespmem:$0x1FC50] =	vst v24;
	v24 =	vld [tilespmem:$0x11860]  }
0x247: {  	v8 =	vadd.f32 v9, v8;
	v9 =	vld [tilespmem:$0x1F480]  }
0x248: {  	v5 =	vadd.f32 v6, v5;
	v6 =	vmul.f32 v20, v19;
	v19 =	vld [tilespmem:$0x1F1A0]  }
0x249: {  	v20 =	vld [tilespmem:$0x1F1B0]  }
0x24a: {  	v3 =	vadd.f32 v7, v3;
	v7 =	vmul.f32 v37, v36;
	v37 =	vld [tilespmem:$0x1F270]  }
0x24b: {  	[tilespmem:$0x1FEB0] =	vst v8;
	v8 =	vmul.f32 v30, v29;
	v29 =	vld [tilespmem:$0x1F320]  }
0x24c: {  	v61 =	vmul.f32 v62, v61;
	v62 =	vld [tilespmem:$0x1FBA0]  }
0x24d: {  	v5 =	vadd.f32 v6, v5;
	v6 =	vmul.f32 v26, v25;
	v25 =	vld [tilespmem:$0x1F1D0]  }
0x24e: {  	v26 =	vld [tilespmem:$0x1F1E0]  }
0x24f: {  	v3 =	vadd.f32 v7, v3;
	v7 =	vmul.f32 v17, v16;
	v16 =	vld [tilespmem:$0x1F2E0]  }
0x250: {  	[tilespmem:$0x1FCB0] =	vst v44;
	v44 =	vld [tilespmem:$0x1F380]  }
0x251: {  	v2 =	vadd.f32 v4, v2;
	v4 =	vmul.f32 v12, v48;
	v48 =	vmul.f32 v47, v45;
	v45 =	vld [tilespmem:$0x1F390]  }
0x252: {  	v47 =	vld [tilespmem:$0x1F3A0]  }
0x253: {  	[tilespmem:$0x1FC20] =	vst v15;
	v15 =	vld [tilespmem:$0x1F2D0]  }
0x254: {  	v5 =	vadd.f32 v6, v5;
	v6 =	vmul.f32 v32, v31;
	v31 =	vld [tilespmem:$0x10860]  }
0x255: {  	v32 =	vld [tilespmem:$0x1F230]  }
0x256: {  	v3 =	vadd.f32 v7, v3;
	v7 =	vmul.f32 v28, v27;
	v27 =	vld [tilespmem:$0x10960]  }
0x257: {  	v28 =	vld [tilespmem:$0x1F310]  }
0x258: {  	v2 =	vadd.f32 v4, v2;
	v4 =	vmul.f32 v19, v18;
	v18 =	vld [tilespmem:$0x1F2F0]  }
0x259: {  	v19 =	vld [tilespmem:$0x1F300];
	v5 =	vadd.f32 v6, v5;
	v6 =	vmul.f32 v43, v40  }
0x25a: {  	v40 =	vld [tilespmem:$0x1F280]  }
0x25b: {  	v5 =	vadd.f32 v6, v5;
	v6 =	vmul.f32 v14, v13;
	v13 =	vld [tilespmem:$0x1F2B0]  }
0x25c: {  	v3 =	vadd.f32 v7, v3;
	v14 =	vld [tilespmem:$0x1F2C0]  }
0x25d: {  	v17 =	vmul.f32 v16, v15;
	v15 =	vld [tilespmem:$0x1F3C0]  }
0x25e: {  	v3 =	vadd.f32 v48, v3;
	v48 =	vmul.f32 v47, v45;
	v45 =	vld [tilespmem:$0x1F450]  }
0x25f: {  	v2 =	vadd.f32 v4, v2;
	v4 =	vmul.f32 v26, v25;
	v47 =	vld [tilespmem:$0x1F460]  }
0x260: {  	[tilespmem:$0x1FC80] =	vst v31;
	v31 =	vld [tilespmem:$0x1F330]  }
0x261: {  	v2 =	vadd.f32 v4, v2;
	v4 =	vmul.f32 v35, v34;
	v34 =	vld [tilespmem:$0x1F350]  }
0x262: {  	v5 =	vadd.f32 v6, v5;
	v6 =	vmul.f32 v23, v20;
	v20 =	vmul.f32 v19, v18;
	v18 =	vld [tilespmem:$0x1F3D0]  }
0x263: {  	v19 =	vld [tilespmem:$0x1F3E0]  }
0x264: {  	v35 =	vld [tilespmem:$0x1F360]  }
0x265: {  	v6 =	vadd.f32 v6, v5;
	v5 =	vadd.f32 v33, v32;
	v32 =	vld [tilespmem:$0x1F340]  }
0x266: {  	v33 =	vadd.f32 v20, v17;
	v17 =	vld [tilespmem:$0x10A60]  }
0x267: {  	v2 =	vadd.f32 v4, v2;
	v4 =	vmul.f32 v14, v13;
	v14 =	vld [tilespmem:$0x1F3B0]  }
0x268: {  	v43 =	vmul.f32 v40, v37;
	v36 =	vadd.f32 v8, v6;
	v20 =	vmul.f32 v19, v18;
	v18 =	vld [tilespmem:$0x1F4B0]  }
0x269: {  	v19 =	vld [tilespmem:$0x1F4C0]  }
0x26a: {  	v8 =	vadd.f32 v43, v36;
	v43 =	vld [tilespmem:$0x1F370]  }
0x26b: {  	v36 =	vmul.f32 v35, v34;
	v34 =	vld [tilespmem:$0x1F420]  }
0x26c: {  	v30 =	vmul.f32 v29, v28;
	v2 =	vadd.f32 v4, v2;
	v4 =	vmul.f32 v32, v31;
	v31 =	vld [tilespmem:$0x1F400]  }
0x26d: {  	[tilespmem:$0x1FD40] =	vst v17;
	v17 =	vld [tilespmem:$0x1F4A0]  }
0x26e: {  	v40 =	vadd.f32 v30, v8;
	v30 =	vld [tilespmem:$0x1F3F0]  }
0x26f: {  	v10 =	vadd.f32 v36, v33;
	v33 =	vld [tilespmem:$0x1F410]  }
0x270: {  	v8 =	vld [tilespmem:$0x1F5C0]  }
0x271: {  	v16 =	vmul.f32 v15, v14;
	v11 =	vadd.f32 v48, v40;
	v40 =	vld [tilespmem:$0x1F430]  }
0x272: {  	v48 =	vld [tilespmem:$0x1F470]  }
0x273: {  	v3 =	vadd.f32 v20, v3;
	v32 =	vadd.f32 v16, v10;
	v16 =	vld [tilespmem:$0x1F490]  }
0x274: {  	v2 =	vadd.f32 v4, v2;
	v20 =	vmul.f32 v19, v18;
	v19 =	vld [tilespmem:$0x1F5A0];
	v4 =	vmul.f32 v44, v43  }
0x275: {  	v43 =	vld [tilespmem:$0x1F440]  }
0x276: {  	v2 =	vadd.f32 v4, v2;
	v4 =	vmul.f32 v31, v30;
	v35 =	vmul.f32 v34, v33;
	v31 =	vld [tilespmem:$0x1F4D0]  }
0x277: {  	v34 =	vld [tilespmem:$0x1F4F0]  }
0x278: {  	v12 =	vadd.f32 v35, v32;
	v32 =	vld [tilespmem:$0x1F4E0]  }
0x279: {  	v35 =	vld [tilespmem:$0x1F500]  }
0x27a: {  	v2 =	vadd.f32 v4, v2;
	v4 =	vmul.f32 v47, v45;
	v45 =	vld [tilespmem:$0x1F530]  }
0x27b: {  	v47 =	vld [tilespmem:$0x1F540]  }
0x27c: {  	v10 =	vmul.f32 v9, v48;
	v9 =	vld [tilespmem:$0x1F550]  }
0x27d: {  	v44 =	vmul.f32 v43, v40;
	v43 =	vld [tilespmem:$0x1F510]  }
0x27e: {  	v13 =	vadd.f32 v10, v12;
	v10 =	vld [tilespmem:$0x1F560]  }
0x27f: {  	v12 =	vld [tilespmem:$0x1F570]  }
0x280: {  	v2 =	vadd.f32 v4, v2;
	v4 =	vmul.f32 v17, v16;
	v11 =	vadd.f32 v44, v11;
	v44 =	vld [tilespmem:$0x1F520]  }
0x281: {  	v33 =	vmul.f32 v32, v31;
	v17 =	vmul.f32 v35, v34;
	v34 =	vld [tilespmem:$0x1F630]  }
0x282: {  	v35 =	vld [tilespmem:$0x1F640]  }
0x283: {  	v15 =	vadd.f32 v33, v13;
	v13 =	vld [tilespmem:$0x1F580]  }
0x284: {  	v3 =	vadd.f32 v17, v3;
	v17 =	vld [tilespmem:$0x1F590]  }
0x285: {  	v14 =	vadd.f32 v20, v11;
	v48 =	vmul.f32 v47, v45;
	v11 =	vmul.f32 v10, v9;
	v9 =	vld [tilespmem:$0x1F5D0]  }
0x286: {  	v10 =	vld [tilespmem:$0x1F5E0]  }
0x287: {  	v2 =	vadd.f32 v4, v2;
	v4 =	vmul.f32 v44, v43;
	[tilespmem:$0x1FF00] =	vst v3;
	v3 =	vadd.f32 v48, v15;
	v48 =	vld [tilespmem:$0x1F5B0]  }
0x288: {  	v15 =	vld [tilespmem:$0x1F6B0]  }
0x289: {  	v2 =	vadd.f32 v4, v2;
	v4 =	vmul.f32 v13, v12;
	v12 =	vld [tilespmem:$0x1F5F0]  }
0x28a: {  	v13 =	vld [tilespmem:$0x1F600]  }
0x28b: {  	v20 =	vmul.f32 v19, v17;
	v19 =	vld [tilespmem:$0x1F610]  }
0x28c: {  	v16 =	vadd.f32 v11, v14;
	v11 =	vmul.f32 v10, v9;
	v10 =	vld [tilespmem:$0x1F670]  }
0x28d: {  	v3 =	vadd.f32 v20, v3;
	v20 =	vld [tilespmem:$0x1F620]  }
0x28e: {  	v17 =	vadd.f32 v11, v16;
	v16 =	vld [tilespmem:$0x1F6C0]  }
0x28f: {  	v2 =	vadd.f32 v4, v2;
	v4 =	vmul.f32 v8, v48;
	v11 =	vld [tilespmem:$0x1F680]  }
0x290: {  	v25 =	vld [tilespmem:$0x118E0]  }
0x291: {  	v26 =	vld [tilespmem:$0x11960];
	v2 =	vadd.f32 v4, v2;
	v4 =	vmul.f32 v35, v34  }
0x292: {  	[tilespmem:$0x1FCE0] =	vst v27;
	v27 =	vld [tilespmem:$0x119E0];
	v14 =	vmul.f32 v13, v12  }
0x293: {  	[tilespmem:$0x1FEE0] =	vst v5;
	v13 =	vld [tilespmem:$0x1F690];
	v2 =	vadd.f32 v4, v2;
	v5 =	vadd.f32 v20, v19;
	v4 =	vmul.f32 v16, v15  }
0x294: {  	v3 =	vadd.f32 v14, v3;
	v12 =	vmul.f32 v11, v10;
	v14 =	vld [tilespmem:$0x1F6A0]  }
0x295: {  	[tilespmem:$0x1FF30] =	vst v5;
	v5 =	vadd.f32 v4, v2;
	v2 =	vld [tilespmem:$0x1F700]  }
0x296: {  	v19 =	vadd.f32 v12, v17;
	v12 =	vld [tilespmem:$0x1F710]  }
0x297: {  	v28 =	vld [tilespmem:$0x11A60]  }
0x298: {  	v29 =	vld [tilespmem:$0x11AE0]  }
0x299: {  	v37 =	vld [tilespmem:$0x109E0]  }
0x29a: {  	v20 =	vmul.f32 v14, v13;
	v13 =	vld [tilespmem:$0x1F730]  }
0x29b: {  	v4 =	vmul.f32 v12, v2;
	v2 =	vld [tilespmem:$0x1F720]  }
0x29c: {  	v47 =	vld [tilespmem:$0x1F650]  }
0x29d: {  	v48 =	vld [tilespmem:$0x1F660]  }
0x29e: {  	v11 =	vld [tilespmem:$0x1F6F0]  }
0x29f: {  	v23 =	vld [tilespmem:$0x117E0]  }
0x2a0: {  	v14 =	vld [tilespmem:$0x1F740];
	v2 =	vmul.f32 v13, v2  }
0x2a1: {  	[tilespmem:$0x1FD10] =	vst v37;
	v37 =	vld [tilespmem:$0x10B60]  }
0x2a2: {  	v13 =	vadd.f32 v2, v5;
	v2 =	vld [tilespmem:$0x1F770]  }
0x2a3: {  	v36 =	vld [tilespmem:$0x10AE0];
	v9 =	vmul.f32 v48, v47;
	v41 =	vmul.f32 v41, v11  }
0x2a4: {  	v48 =	vld [tilespmem:$0x1F6D0]  }
0x2a5: {  	v3 =	vadd.f32 v9, v3;
	v9 =	vld [tilespmem:$0x1F6E0];
	v38 =	vadd.f32 v38, v41;
	v15 =	vmul.f32 v39, v14  }
0x2a6: {  	v18 =	vld [tilespmem:$0x11EE0]  }
0x2a7: {  	v14 =	vadd.f32 v15, v38;
	v15 =	vmul.f32 v46, v2;
	v2 =	vld [tilespmem:$0x1F780]  }
0x2a8: {  	v46 =	vld [tilespmem:$0x1F790]  }
0x2a9: {  	v30 =	vld [tilespmem:$0x11B60]  }
0x2aa: {  	v11 =	vld [tilespmem:$0x1F750];
	v10 =	vmul.f32 v9, v48  }
0x2ab: {  	v12 =	vld [tilespmem:$0x1F760]  }
0x2ac: {  	v3 =	vadd.f32 v10, v3;
	v10 =	vld [tilespmem:$0x1F7B0]  }
0x2ad: {  	v9 =	vmul.f32 v46, v2;
	v2 =	vld [tilespmem:$0x1F7A0]  }
0x2ae: {  	v40 =	vld [tilespmem:$0x10BE0]  }
0x2af: {  	v31 =	vld [tilespmem:$0x11BE0]  }
0x2b0: {  	v16 =	vld [tilespmem:$0x1F820];
	v3 =	vadd.f32 v4, v3;
	v4 =	vmul.f32 v12, v11  }
0x2b1: {  	v11 =	vld [tilespmem:$0x1F7D0]  }
0x2b2: {  	v3 =	vadd.f32 v4, v3;
	v4 =	vmul.f32 v10, v2;
	v2 =	vld [tilespmem:$0x1F7C0]  }
0x2b3: {  	v41 =	vld [tilespmem:$0x1F830]  }
0x2b4: {  	v12 =	vld [tilespmem:$0x1F7F0]  }
0x2b5: {  	v46 =	vadd.f32 v15, v14;
	v15 =	vld [tilespmem:$0x11060]  }
0x2b6: {  	v14 =	vld [tilespmem:$0x1F810]  }
0x2b7: {  	v6 =	vmul.f32 v11, v2;
	v2 =	vld [tilespmem:$0x1F7E0]  }
0x2b8: {  	v7 =	vadd.f32 v9, v13;
	v13 =	vld [tilespmem:$0x1F800]  }
0x2b9: {  	v32 =	vld [tilespmem:$0x11C60]  }
0x2ba: {  	[tilespmem:$0x1FEF0] =	vst v15;
	v15 =	vld [tilespmem:$0x1F860]  }
0x2bb: {  	v10 =	vld [tilespmem:$0x110E0]  }
0x2bc: {  	v2 =	vmul.f32 v12, v2;
	v12 =	vmul.f32 v41, v16;
	v16 =	vld [tilespmem:$0x1F870]  }
0x2bd: {  	v3 =	vadd.f32 v4, v3;
	v4 =	vmul.f32 v14, v13;
	v14 =	vld [tilespmem:$0x1F850]  }
0x2be: {  	v11 =	vld [tilespmem:$0x1F880]  }
0x2bf: {  	v13 =	vadd.f32 v2, v46;
	v2 =	vld [tilespmem:$0x1F840]  }
0x2c0: {  	v7 =	vadd.f32 v12, v7;
	v12 =	vld [tilespmem:$0x1F890]  }
0x2c1: {  	v3 =	vadd.f32 v4, v3;
	v4 =	vmul.f32 v16, v15;
	v15 =	vld [tilespmem:$0x1F8C0]  }
0x2c2: {  	v16 =	vld [tilespmem:$0x1F8D0]  }
0x2c3: {  	v45 =	vld [tilespmem:$0x10D60]  }
0x2c4: {  	[tilespmem:$0x1FF40] =	vst v10;
	v10 =	vld [tilespmem:$0x1F920];
	v2 =	vmul.f32 v14, v2  }
0x2c5: {  	v14 =	vld [tilespmem:$0x1F8B0]  }
0x2c6: {  	v2 =	vadd.f32 v2, v13;
	v13 =	vld [tilespmem:$0x1F8A0]  }
0x2c7: {  	v5 =	vmul.f32 v12, v11;
	v3 =	vadd.f32 v4, v3;
	v4 =	vmul.f32 v16, v15;
	v15 =	vld [tilespmem:$0x1F910]  }
0x2c8: {  	v16 =	vld [tilespmem:$0x12160]  }
0x2c9: {  	v8 =	vadd.f32 v20, v19;
	v5 =	vadd.f32 v5, v2;
	v2 =	vld [tilespmem:$0x1F900]  }
0x2ca: {  	v12 =	vld [tilespmem:$0x11160]  }
0x2cb: {  	v9 =	vadd.f32 v6, v8;
	v6 =	vmul.f32 v14, v13;
	v13 =	vld [tilespmem:$0x1F8E0]  }
0x2cc: {  	v14 =	vld [tilespmem:$0x1F8F0]  }
0x2cd: {  	[tilespmem:$0x1FF80] =	vst v16;
	v16 =	vld [tilespmem:$0x1F970]  }
0x2ce: {  	v2 =	vmul.f32 v2, v15;
	v15 =	vld [tilespmem:$0x1F960]  }
0x2cf: {  	v11 =	vld [tilespmem:$0x1F930]  }
0x2d0: {  	v33 =	vld [tilespmem:$0x11CE0]  }
0x2d1: {  	[tilespmem:$0x1FF70] =	vst v12;
	v12 =	vld [tilespmem:$0x111E0]  }
0x2d2: {  	v8 =	vmul.f32 v14, v13;
	v13 =	vld [tilespmem:$0x1F940]  }
0x2d3: {  	v2 =	vadd.f32 v2, v5;
	v14 =	vld [tilespmem:$0x1F950];
	v5 =	vmul.f32 v16, v15  }
0x2d4: {  	v6 =	vadd.f32 v6, v7;
	v7 =	vmul.f32 v11, v10;
	v10 =	vld [tilespmem:$0x1F9B0]  }
0x2d5: {  	v5 =	vadd.f32 v5, v2;
	v2 =	vld [tilespmem:$0x1F9A0]  }
0x2d6: {  	v11 =	vld [tilespmem:$0x1F9D0]  }
0x2d7: {  	[tilespmem:$0x1FFB0] =	vst v12;
	v12 =	vld [tilespmem:$0x121E0]  }
0x2d8: {  	v3 =	vadd.f32 v4, v3;
	v15 =	vld [tilespmem:$0x12260];
	v4 =	vmul.f32 v14, v13  }
0x2d9: {  	v13 =	vld [tilespmem:$0x1F980]  }
0x2da: {  	v16 =	vadd.f32 v8, v9;
	v8 =	vadd.f32 v4, v6;
	v6 =	vmul.f32 v10, v2;
	v2 =	vld [tilespmem:$0x1F9C0]  }
0x2db: {  	v14 =	vld [tilespmem:$0x1F990]  }
0x2dc: {  	v43 =	vld [tilespmem:$0x10C60]  }
0x2dd: {  	[tilespmem:$0x1FFC0] =	vst v12;
	v12 =	vld [tilespmem:$0x1F9F0]  }
0x2de: {  	[tilespmem:$0x1FFF0] =	vst v15;
	v15 =	vld [tilespmem:$0x1FA10]  }
0x2df: {  	v4 =	vmul.f32 v11, v2;
	v2 =	vld [tilespmem:$0x1F9E0]  }
0x2e0: {  	v3 =	vadd.f32 v7, v3;
	v7 =	vmul.f32 v14, v13;
	v14 =	vld [tilespmem:$0x1FA00]  }
0x2e1: {  	v44 =	vld [tilespmem:$0x10CE0]  }
0x2e2: {  	v34 =	vld [tilespmem:$0x11D60]  }
0x2e3: {  	v9 =	vld [tilespmem:$0x1FA50]  }
0x2e4: {  	v3 =	vadd.f32 v7, v3;
	v11 =	vld [tilespmem:$0x1FA20];
	v2 =	vmul.f32 v12, v2  }
0x2e5: {  	v14 =	vadd.f32 v15, v14;
	v15 =	vld [tilespmem:$0x1FA30]  }
0x2e6: {  	v2 =	vadd.f32 v2, v3;
	v3 =	vld [tilespmem:$0x1FA40]  }
0x2e7: {  	v35 =	vld [tilespmem:$0x11DE0]  }
0x2e8: {  	v47 =	vld [tilespmem:$0x10DE0]  }
0x2e9: {  	v17 =	vld [tilespmem:$0x11E60]  }
0x2ea: {  	v5 =	vadd.f32 v6, v5;
	v6 =	vmul.f32 v15, v11;
	v11 =	vld [tilespmem:$0x1FA60]  }
0x2eb: {  	v3 =	vmul.f32 v9, v3;
	v9 =	vld [tilespmem:$0x1FA70]  }
0x2ec: {  	v48 =	vld [tilespmem:$0x10E60]  }
0x2ed: {  	v19 =	vld [tilespmem:$0x11F60]  }
0x2ee: {  	v20 =	vld [tilespmem:$0x11FE0]  }
0x2ef: {  	v39 =	vld [tilespmem:$0x10F60]  }
0x2f0: {  	v15 =	vadd.f32 v4, v8;
	v4 =	vmul.f32 v9, v11;
	v11 =	vld [tilespmem:$0x1FA80]  }
0x2f1: {  	v9 =	vld [tilespmem:$0x1FA90]  }
0x2f2: {  	v38 =	vld [tilespmem:$0x10FE0]  }
0x2f3: {  	v41 =	vld [tilespmem:$0x120E0]  }
0x2f4: {  	v46 =	vld [tilespmem:$0x12060]  }
0x2f5: {  	v2 =	vadd.f32 v3, v2;
	v3 =	vld [tilespmem:$0x1FAA0]  }
0x2f6: {  	v5 =	vadd.f32 v6, v5;
	v6 =	vmul.f32 v9, v11;
	v11 =	vld [tilespmem:$0x1FAB0]  }
0x2f7: {  	v10 =	vld [tilespmem:$0x102F0]  }
0x2f8: {  	v8 =	vld [tilespmem:$0x112F0]  }
0x2f9: {  	v13 =	vld [tilespmem:$0x10270]  }
0x2fa: {  	v7 =	vld [tilespmem:$0x11370]  }
0x2fb: {  	v3 =	vmul.f32 v11, v3;
	v11 =	vld [tilespmem:$0x1FAC0]  }
0x2fc: {  	v12 =	vld [tilespmem:$0x11270]  }
0x2fd: {  	v8 =	vmul.f32 v8, v10;
	v10 =	vld [tilespmem:$0x10470]  }
0x2fe: {  	v9 =	vld [tilespmem:$0x10370]  }
0x2ff: {  	v5 =	vadd.f32 v6, v5;
	v6 =	vld [tilespmem:$0x1FAE0]  }
0x300: {  	v49 =	vadd.f32 v49, v11;
	v11 =	vld [tilespmem:$0x1FAF0]  }
0x301: {  	v2 =	vadd.f32 v4, v2;
	v4 =	vmul.f32 v56, v50;
	v56 =	vld [tilespmem:$0x1FB00]  }
0x302: {  	v3 =	vadd.f32 v52, v3;
	v52 =	vld [tilespmem:$0x1FB10]  }
0x303: {  	v50 =	vld [tilespmem:$0x113F0]  }
0x304: {  	v7 =	vmul.f32 v7, v9;
	v9 =	vld [tilespmem:$0x114F0]  }
0x305: {  	v6 =	vmul.f32 v11, v6;
	v11 =	vld [tilespmem:$0x103F0]  }
0x306: {  	v3 =	vadd.f32 v4, v3;
	v4 =	vmul.f32 v57, v53;
	v57 =	vld [tilespmem:$0x1FB30]  }
0x307: {  	v5 =	vadd.f32 v6, v5;
	v6 =	vmul.f32 v12, v13;
	v12 =	vmul.f32 v52, v56;
	v56 =	vld [tilespmem:$0x1FB20]  }
0x308: {  	v13 =	vld [tilespmem:$0x11470]  }
0x309: {  	v6 =	vadd.f32 v8, v6;
	v8 =	vld [tilespmem:$0x104F0]  }
0x30a: {  	v53 =	vmul.f32 v50, v11;
	v11 =	vld [tilespmem:$0x10570]  }
0x30b: {  	v50 =	vld [tilespmem:$0x11570]  }
0x30c: {  	v52 =	vmul.f32 v57, v56;
	v57 =	vld [tilespmem:$0x1FB40]  }
0x30d: {  	v56 =	vmul.f32 v58, v54;
	v58 =	vld [tilespmem:$0x1FB50]  }
0x30e: {  	v6 =	vadd.f32 v7, v6;
	v7 =	vmul.f32 v13, v10;
	v10 =	vld [tilespmem:$0x105F0]  }
0x30f: {  	v54 =	vmul.f32 v51, v55;
	v55 =	vld [tilespmem:$0x1FB60]  }
0x310: {  	v3 =	vadd.f32 v4, v3;
	v13 =	vld [tilespmem:$0x115F0]  }
0x311: {  	v6 =	vadd.f32 v53, v6;
	v53 =	vld [tilespmem:$0x118F0]  }
0x312: {  	v3 =	vadd.f32 v56, v3;
	v56 =	vld [tilespmem:$0x1FB70]  }
0x313: {  	v2 =	vadd.f32 v52, v2;
	v52 =	vld [tilespmem:$0x1FC80]  }
0x314: {  	v3 =	vadd.f32 v54, v3;
	v54 =	vld [tilespmem:$0x1FC10]  }
0x315: {  	v5 =	vadd.f32 v12, v5;
	v12 =	vmul.f32 v58, v57;
	v58 =	vld [tilespmem:$0x1FB80]  }
0x316: {  	v57 =	vmul.f32 v60, v59;
	v59 =	vld [tilespmem:$0x1FB90]  }
0x317: {  	v60 =	vmul.f32 v9, v8;
	v8 =	vld [tilespmem:$0x10670]  }
0x318: {  	v9 =	vld [tilespmem:$0x11670]  }
0x319: {  	v5 =	vadd.f32 v12, v5;
	v12 =	vmul.f32 v55, v56;
	v56 =	vld [tilespmem:$0x1FBB0]  }
0x31a: {  	v6 =	vadd.f32 v7, v6;
	v3 =	vadd.f32 v57, v3;
	v57 =	vmul.f32 v50, v11;
	v11 =	vld [tilespmem:$0x106F0]  }
0x31b: {  	v50 =	vld [tilespmem:$0x116F0]  }
0x31c: {  	v6 =	vadd.f32 v60, v6;
	v60 =	vld [tilespmem:$0x1FBD0]  }
0x31d: {  	v3 =	vadd.f32 v61, v3;
	v61 =	vld [tilespmem:$0x1FBE0]  }
0x31e: {  	v6 =	vadd.f32 v57, v6;
	v57 =	vld [tilespmem:$0x117F0]  }
0x31f: {  	v51 =	vmul.f32 v59, v58;
	v58 =	vld [tilespmem:$0x1FBC0]  }
0x320: {  	v59 =	vmul.f32 v13, v10;
	v10 =	vld [tilespmem:$0x10770]  }
0x321: {  	v13 =	vld [tilespmem:$0x11770]  }
0x322: {  	v55 =	vmul.f32 v9, v8;
	v8 =	vld [tilespmem:$0x107F0]  }
0x323: {  	v5 =	vadd.f32 v12, v5;
	v12 =	vmul.f32 v62, v56;
	v62 =	vld [tilespmem:$0x1FBF0]  }
0x324: {  	v56 =	vld [tilespmem:$0x1FC20]  }
0x325: {  	v6 =	vadd.f32 v59, v6;
	v59 =	vld [tilespmem:$0x1FC40]  }
0x326: {  	v2 =	vadd.f32 v51, v2;
	v51 =	vld [tilespmem:$0x1FC70]  }
0x327: {  	v5 =	vadd.f32 v12, v5;
	v12 =	vmul.f32 v61, v60;
	v60 =	vmul.f32 v50, v11;
	v11 =	vld [tilespmem:$0x10870]  }
0x328: {  	v61 =	vld [tilespmem:$0x1FC50]  }
0x329: {  	v50 =	vld [tilespmem:$0x1FC60]  }
0x32a: {  	v6 =	vadd.f32 v55, v6;
	v55 =	vld [tilespmem:$0x1FCA0]  }
0x32b: {  	v4 =	vmul.f32 v63, v58;
	v63 =	vld [tilespmem:$0x1FC00]  }
0x32c: {  	v58 =	vld [tilespmem:$0x1FC30]  }
0x32d: {  	v6 =	vadd.f32 v60, v6;
	v60 =	vld [tilespmem:$0x1FCC0];
	v3 =	vadd.f32 v4, v3;
	v4 =	vmul.f32 v21, v62  }
0x32e: {  	v62 =	vld [tilespmem:$0x11870]  }
0x32f: {  	v3 =	vadd.f32 v4, v3;
	v4 =	vmul.f32 v22, v56;
	v56 =	vmul.f32 v57, v8;
	v57 =	vld [tilespmem:$0x10970]  }
0x330: {  	v21 =	vmul.f32 v54, v63;
	v63 =	vmul.f32 v13, v10;
	v10 =	vld [tilespmem:$0x108F0]  }
0x331: {  	v54 =	vld [tilespmem:$0x1FC90]  }
0x332: {  	v5 =	vadd.f32 v12, v5;
	v12 =	vmul.f32 v58, v59;
	v58 =	vld [tilespmem:$0x1FCB0]  }
0x333: {  	v59 =	vld [tilespmem:$0x11970]  }
0x334: {  	v3 =	vadd.f32 v4, v3;
	v4 =	vmul.f32 v23, v61;
	v61 =	vld [tilespmem:$0x1FCD0]  }
0x335: {  	v23 =	vld [tilespmem:$0x1FCE0]  }
0x336: {  	v6 =	vadd.f32 v63, v6;
	v63 =	vld [tilespmem:$0x109F0]  }
0x337: {  	v5 =	vadd.f32 v12, v5;
	v12 =	vmul.f32 v51, v50;
	v50 =	vld [tilespmem:$0x1FCF0]  }
0x338: {  	v51 =	vld [tilespmem:$0x1FD00]  }
0x339: {  	v3 =	vadd.f32 v4, v3;
	v4 =	vmul.f32 v24, v52;
	v24 =	vld [tilespmem:$0x119F0]  }
0x33a: {  	v52 =	vld [tilespmem:$0x1FD10]  }
0x33b: {  	v3 =	vadd.f32 v4, v3;
	v4 =	vmul.f32 v25, v58;
	v25 =	vmul.f32 v53, v10;
	v53 =	vld [tilespmem:$0x11A70]  }
0x33c: {  	v22 =	vmul.f32 v55, v54;
	v54 =	vld [tilespmem:$0x1FD20]  }
0x33d: {  	v55 =	vld [tilespmem:$0x1FD30]  }
0x33e: {  	v6 =	vadd.f32 v56, v6;
	v56 =	vmul.f32 v59, v57;
	v57 =	vld [tilespmem:$0x10AF0]  }
0x33f: {  	v58 =	vld [tilespmem:$0x1FD40]  }
0x340: {  	v59 =	vld [tilespmem:$0x11AF0]  }
0x341: {  	v5 =	vadd.f32 v12, v5;
	v12 =	vmul.f32 v61, v60;
	v60 =	vld [tilespmem:$0x1FD50]  }
0x342: {  	v62 =	vmul.f32 v62, v11;
	v61 =	vld [tilespmem:$0x1FD60]  }
0x343: {  	v3 =	vadd.f32 v4, v3;
	v4 =	vmul.f32 v26, v23;
	v26 =	vld [tilespmem:$0x10A70]  }
0x344: {  	v6 =	vadd.f32 v62, v6;
	v23 =	vld [tilespmem:$0x1FDE0]  }
0x345: {  	v62 =	vmul.f32 v24, v63;
	v63 =	vld [tilespmem:$0x10B70]  }
0x346: {  	v6 =	vadd.f32 v25, v6;
	v25 =	vld [tilespmem:$0x11B70]  }
0x347: {  	v24 =	vmul.f32 v29, v36;
	v29 =	vld [tilespmem:$0x1FD80]  }
0x348: {  	v36 =	vmul.f32 v30, v37;
	v37 =	vld [tilespmem:$0x11BF0]  }
0x349: {  	v5 =	vadd.f32 v12, v5;
	v12 =	vmul.f32 v51, v50;
	v50 =	vld [tilespmem:$0x1FD90]  }
0x34a: {  	v51 =	vld [tilespmem:$0x1FDA0]  }
0x34b: {  	v2 =	vadd.f32 v21, v2;
	v30 =	vmul.f32 v34, v45;
	v45 =	vld [tilespmem:$0x1FE30]  }
0x34c: {  	v3 =	vadd.f32 v4, v3;
	v4 =	vmul.f32 v27, v52;
	v27 =	vld [tilespmem:$0x10BF0]  }
0x34d: {  	v2 =	vadd.f32 v22, v2;
	v22 =	vmul.f32 v55, v54;
	v55 =	vld [tilespmem:$0x11C70]  }
0x34e: {  	v6 =	vadd.f32 v56, v6;
	v56 =	vld [tilespmem:$0x1FDB0]  }
0x34f: {  	v52 =	vmul.f32 v59, v57;
	v57 =	vld [tilespmem:$0x1FDC0]  }
0x350: {  	v59 =	vld [tilespmem:$0x10CF0]  }
0x351: {  	v54 =	vmul.f32 v31, v40;
	v31 =	vld [tilespmem:$0x11DF0]  }
0x352: {  	v40 =	vld [tilespmem:$0x11E70]  }
0x353: {  	v3 =	vadd.f32 v4, v3;
	v4 =	vmul.f32 v28, v58;
	v28 =	vld [tilespmem:$0x1FD70]  }
0x354: {  	v5 =	vadd.f32 v12, v5;
	v12 =	vmul.f32 v61, v60;
	v61 =	vld [tilespmem:$0x11CF0]  }
0x355: {  	v60 =	vmul.f32 v32, v43;
	v32 =	vld [tilespmem:$0x1FE10]  }
0x356: {  	v26 =	vmul.f32 v53, v26;
	v53 =	vld [tilespmem:$0x10C70]  }
0x357: {  	v58 =	vmul.f32 v25, v63;
	v63 =	vld [tilespmem:$0x10D70]  }
0x358: {  	v25 =	vld [tilespmem:$0x11D70]  }
0x359: {  	v2 =	vadd.f32 v22, v2;
	v6 =	vadd.f32 v62, v6;
	v22 =	vmul.f32 v51, v50;
	v51 =	vld [tilespmem:$0x11EF0]  }
0x35a: {  	v50 =	vmul.f32 v17, v48;
	v48 =	vld [tilespmem:$0x1FF70]  }
0x35b: {  	v6 =	vadd.f32 v26, v6;
	v26 =	vld [tilespmem:$0x1FDF0]  }
0x35c: {  	v62 =	vmul.f32 v37, v27;
	v27 =	vld [tilespmem:$0x1FE00]  }
0x35d: {  	v37 =	vmul.f32 v35, v47;
	v47 =	vld [tilespmem:$0x1FE40]  }
0x35e: {  	v3 =	vadd.f32 v4, v3;
	v35 =	vld [tilespmem:$0x1FF00]  }
0x35f: {  	v2 =	vadd.f32 v22, v2;
	v22 =	vld [tilespmem:$0x1FDD0]  }
0x360: {  	v3 =	vadd.f32 v24, v3;
	v24 =	vmul.f32 v33, v44;
	v33 =	vld [tilespmem:$0x1FE20]  }
0x361: {  	v44 =	vld [tilespmem:$0x10EF0]  }
0x362: {  	v5 =	vadd.f32 v12, v5;
	v12 =	vmul.f32 v29, v28;
	v29 =	vld [tilespmem:$0x10DF0]  }
0x363: {  	v6 =	vadd.f32 v52, v6;
	v52 =	vld [tilespmem:$0x1FE50]  }
0x364: {  	v34 =	vmul.f32 v61, v59;
	v59 =	vld [tilespmem:$0x1FE80]  }
0x365: {  	v61 =	vld [tilespmem:$0x10FF0]  }
0x366: {  	v3 =	vadd.f32 v36, v3;
	v36 =	vld [tilespmem:$0x10E70]  }
0x367: {  	v28 =	vmul.f32 v55, v53;
	v53 =	vld [tilespmem:$0x1FE60]  }
0x368: {  	v55 =	vld [tilespmem:$0x10F70]  }
0x369: {  	v5 =	vadd.f32 v12, v5;
	v12 =	vmul.f32 v57, v56;
	v57 =	vld [tilespmem:$0x11F70]  }
0x36a: {  	v6 =	vadd.f32 v58, v6;
	v58 =	vld [tilespmem:$0x1FE70]  }
0x36b: {  	v43 =	vmul.f32 v25, v63;
	v63 =	vld [tilespmem:$0x11FF0]  }
0x36c: {  	v56 =	vmul.f32 v18, v42;
	v42 =	vld [tilespmem:$0x1FF40]  }
0x36d: {  	v5 =	vadd.f32 v12, v5;
	v12 =	vmul.f32 v23, v22;
	v23 =	vld [tilespmem:$0x1FE90]  }
0x36e: {  	v22 =	vmul.f32 v27, v26;
	v26 =	vld [tilespmem:$0x12070]  }
0x36f: {  	v27 =	vld [tilespmem:$0x1FEB0]  }
0x370: {  	v6 =	vadd.f32 v62, v6;
	v62 =	vmul.f32 v19, v39;
	v39 =	vld [tilespmem:$0x11170]  }
0x371: {  	v21 =	vmul.f32 v51, v44;
	v51 =	vld [tilespmem:$0x121F0]  }
0x372: {  	v3 =	vadd.f32 v54, v3;
	v54 =	vmul.f32 v31, v29;
	v29 =	vld [tilespmem:$0x1FED0]  }
0x373: {  	v31 =	vld [tilespmem:$0x110F0]  }
0x374: {  	v2 =	vadd.f32 v22, v2;
	v22 =	vld [tilespmem:$0x11070]  }
0x375: {  	v6 =	vadd.f32 v28, v6;
	v28 =	vld [tilespmem:$0x1FEC0]  }
0x376: {  	v5 =	vadd.f32 v12, v5;
	v12 =	vmul.f32 v33, v32;
	v32 =	vld [tilespmem:$0x1FEE0]  }
0x377: {  	v3 =	vadd.f32 v60, v3;
	v33 =	vld [tilespmem:$0x1FEF0]  }
0x378: {  	v60 =	vmul.f32 v40, v36;
	v36 =	vld [tilespmem:$0x1FF10]  }
0x379: {  	v40 =	vld [tilespmem:$0x1FF30];
	v3 =	vadd.f32 v24, v3  }
0x37a: {  	v17 =	vmul.f32 v53, v52;
	v52 =	vld [tilespmem:$0x1FF90]  }
0x37b: {  	v53 =	vld [tilespmem:$0x1FFA0];
	v6 =	vadd.f32 v34, v6;
	v3 =	vadd.f32 v30, v3  }
0x37c: {  	v25 =	vmul.f32 v20, v38;
	v24 =	vld [tilespmem:$0x1FEA0]  }
0x37d: {  	v38 =	vmul.f32 v63, v61;
	v61 =	vld [tilespmem:$0x1FFE0];
	v6 =	vadd.f32 v43, v6;
	v3 =	vadd.f32 v37, v3  }
0x37e: {  	v5 =	vadd.f32 v12, v5;
	v34 =	vld [tilespmem:$0x120F0]  }
0x37f: {  	v12 =	vmul.f32 v45, v47;
	v47 =	vld [tilespmem:$0x1FF60];
	v6 =	vadd.f32 v54, v6;
	v3 =	vadd.f32 v50, v3  }
0x380: {  	v30 =	vmul.f32 v57, v55;
	v57 =	vld [tilespmem:$0x1FFC0]  }
0x381: {  	v43 =	vld [tilespmem:$0x12170];
	v6 =	vadd.f32 v60, v6;
	v3 =	vadd.f32 v56, v3  }
0x382: {  	v2 =	vadd.f32 v17, v2;
	v5 =	vadd.f32 v12, v5;
	v18 =	vmul.f32 v29, v28;
	v37 =	vld [tilespmem:$0x1FF20]  }
0x383: {  	[tilespmem:$0x12320] =	vst v16;
	v4 =	vmul.f32 v46, v33;
	v46 =	vld [tilespmem:$0x1FF50];
	v6 =	vadd.f32 v21, v6;
	v3 =	vadd.f32 v62, v3  }
0x384: {  	[tilespmem:$0x123A0] =	vst v14;
	v12 =	vmul.f32 v59, v58;
	v14 =	vadd.f32 v53, v52;
	v2 =	vadd.f32 v18, v2;
	v50 =	vld [tilespmem:$0x1FF80]  }
0x385: {  	[tilespmem:$0x12330] =	vst v15;
	v44 =	vmul.f32 v26, v22;
	v60 =	vld [tilespmem:$0x1FFD0];
	v6 =	vadd.f32 v30, v6;
	v3 =	vadd.f32 v25, v3  }
0x386: {  	v5 =	vadd.f32 v12, v5;
	v12 =	vmul.f32 v24, v23;
	v54 =	vmul.f32 v34, v31;
	[tilespmem:$0x12340] =	vst v2;
	v2 =	vld [tilespmem:$0x1FFB0]  }
0x387: {  	[tilespmem:$0x123B0] =	vst v49;
	v63 =	vld [tilespmem:$0x1FFF0];
	v6 =	vadd.f32 v38, v6;
	v3 =	vadd.f32 v4, v3;
	v4 =	vmul.f32 v41, v42  }
0x388: {  	[tilespmem:$0x12310] =	vst v35;
	v45 =	vld [tilespmem:$0x111F0];
	v5 =	vadd.f32 v12, v5;
	v58 =	vmul.f32 v43, v39;
	v12 =	vmul.f32 v37, v36  }
0x389: {  	[tilespmem:$0x12300] =	vst v27;
	v55 =	vld [tilespmem:$0x122E0];
	v6 =	vadd.f32 v44, v6;
	v3 =	vadd.f32 v4, v3;
	v4 =	vmul.f32 v50, v48  }
0x38a: {  	v59 =	vld [tilespmem:$0x122F0];
	[tilespmem:$0x12380] =	vst v32;
	v5 =	vadd.f32 v12, v5;
	v12 =	vmul.f32 v47, v46;
	v11 =	vadd.f32 v61, v60  }
0x38b: {  	[tilespmem:$0x12390] =	vst v40;
	v56 =	vld [tilespmem:$0x12270];
	v2 =	vmul.f32 v57, v2;
	v6 =	vadd.f32 v54, v6;
	v3 =	vadd.f32 v4, v3  }
0x38c: {  	[tilespmem:$0x123C0] =	vst v14;
	v5 =	vadd.f32 v12, v5  }
0x38d: {  	v62 =	vmul.f32 v51, v45;
	[tilespmem:$0x123D0] =	vst v11;
	v2 =	vadd.f32 v2, v3;
	v3 =	vadd.f32 v58, v6  }
0x38e: {  	[tilespmem:$0x12350] =	vst v5;
	v6 =	vadd.f32 v55, v63  }
0x38f: {  	[tilespmem:$0x12360] =	vst v2;
	v2 =	vadd.f32 v62, v3  }
0x390: {  	[tilespmem:$0x123E0] =	vst v6;
	v3 =	vadd.f32 v59, v56  }
0x391: {  	[tilespmem:$0x12370] =	vst v2  }
0x392: {  	s26 =	simm.s32 $0x0;
	s4 =	simm.s32 $0x12300;
	s25 =	rddreg [dreg:$0x9];
	[tilespmem:$0x123F0] =	vst v3  }
0x393: {  	[hbm4b:s25+s26] =	stream.linear.scatter [tilespmem:s4], [sflag:$0x13], $0x80, $0x38;
	[tilespmem:$0x12400] =	vst v63  }
0x394: {  	s4 =	simm.s32 $0x13  }
0x395: {  	_ =	swait.ge [sflag:s4], $0x80  }
0x396: {  	[sflag:s4] =	ssyncset.done $0x0  }
0x397: {  	s14 =	simm.s32 $0x12380;
	s28 =	rddreg [dreg:$0xa];
	[sflag:s4] =	ssyncadd.s32 $0xFFFFFF80  }
0x398: {  	[hbm4b:s28+s26] =	stream.linear.scatter [tilespmem:s14], [sflag:$0x13], $0x80, $0x38;
	[tilespmem:$0x12400] =	vst v63  }
0x399: {  	_ =	swait.ge [sflag:s4], $0x80  }
0x39a: {  	s30 =	rddreg [dreg:$0xc]  }
0x39b: {  	s31 =	rddreg [dreg:$0xb];
	s14 =	sadd.s32 $0x1, s30  }
0x39c: {  	p0 =	sne.s32 s14, s31  }
.Ltmp1:
0x39d: {  	_ = 	snop;
	(pc) =	sbr.rel @!p0 .LBB2_5-.Ltmp1, $3  }
0x39e: {  	_ =	sdelay $0x1  }
0x39f: {  	[sflag:s4] =	ssyncset.done $0x0  }
0x3a0: {  	[sflag:s4] =	ssyncadd.s32 $0xFFFFFF80  }
.LBB2_1:
0x3a1: {  	[dreg:$0xc] =	wrdreg s14  }
0x3a2: {  	s0 =	rddreg [dreg:$0x7]  }
0x3a3: {  	[tilespmem:s26], [sflag:$0x13] =	stream.linear.gather [hbm4b:s0+s26], $0x80, $0x38;
	[tilespmem:$0x12400] =	vst v63  }
0x3a4: {  	_ =	swait.ge [sflag:s4], $0x80  }
0x3a5: {  	[sflag:s4] =	ssyncset.done $0x0  }
0x3a6: {  	s25 =	simm.s32 $0x100;
	s31 =	rddreg [dreg:$0x8];
	[sflag:s4] =	ssyncadd.s32 $0xFFFFFF80  }
0x3a7: {  	[tilespmem:s25], [sflag:$0x13] =	stream.linear.gather [hbm4b:s31+s26], $0x80, $0x38;
	[tilespmem:$0x12400] =	vst v63  }
0x3a8: {  	_ =	swait.ge [sflag:s4], $0x80  }
0x3a9: {  	[sflag:s4] =	ssyncset.done $0x0  }
0x3aa: {  	[sflag:s4] =	ssyncadd.s32 $0xFFFFFF80  }
0x3ab: {  	s23 =	simm.s32 $0x80;
	s28 =	simm.s32 $0x12200;
	s14 =	rddreg [dreg:$0x4]  }
0x3ac: {  	[tilespmem:s28], [sflag:$0x11] =	stream.indirect.gather [hbm4b:s14+s23], $0x1, s26, s23, $0xb8;
	[tilespmem:$0x12400] =	vst v63  }
0x3ad: {  	s31 =	simm.s32 $0x12280;
	s30 =	rddreg [dreg:$0x5]  }
0x3ae: {  	[tilespmem:s31], [sflag:$0x12] =	stream.indirect.gather [hbm4b:s30+s23], $0x1, s25, s23, $0xb8;
	[tilespmem:$0x12400] =	vst v63  }
0x3af: {  	v2 =	vld [tilespmem:$0x0];
	_ =	sdelay $0x3  }
0x3b0: {  	v3 =	vld [tilespmem:$0x100]  }
0x3b1: {  	(v2sf) =	vpush v2, $0x0;
	_ =	sdelay $0x3  }
0x3b2: {  	(v2sf) =	vpush v3, $0x0;
	_ =	sdelay $0x2  }
0x3b3: {  	(v2sf) =	vpush v2, $0x1;
	_ =	sdelay $0x2  }
0x3b4: {  	(v2sf) =	vpush v3, $0x1;
	_ =	sdelay $0x4  }
0x3b5: {  	s14 =	spop (v2sf);
	(v2sf) =	vpush v2, $0x2;
	_ =	sdelay $0x2  }
0x3b6: {  	s0 =	simm.s32 $0x7A1400;
	s26 =	sand.u32 $0xFFFFF80, s14  }
0x3b7: {  	s4 =	simm.s32 $0x400;
	s23 =	spop (v2sf);
	(v2sf) =	vpush v3, $0x2;
	s26 =	sadd.s32 s1, s26  }
0x3b8: {  	[tilespmem:s3], [sflag:$0x1] =	stream.strided.gather [hbm4b:s26+s4], $0x1000, s0, s4, $0x38;
	[tilespmem:$0x12400] =	vst v63  }
0x3b9: {  	s26 =	sand.u32 $0xFFFFF80, s23  }
0x3ba: {  	s30 =	spop (v2sf);
	s3 =	simm.s32 $0xC3800;
	s26 =	sadd.s32 s2, s26  }
0x3bb: {  	(v2sf) =	vpush v2, $0x3;
	[tilespmem:s15], [sflag:$0x9] =	stream.strided.gather [hbm4b:s26+s4], $0x1000, s3, s4, $0x38;
	[tilespmem:$0x12400] =	vst v63  }
0x3bc: {  	s26 =	sand.u32 $0xFFFFF80, s30  }
0x3bd: {  	s31 =	spop (v2sf);
	s26 =	sadd.s32 s1, s26  }
0x3be: {  	[tilespmem:s13], [sflag:$0x2] =	stream.strided.gather [hbm4b:s26+s4], $0x1000, s0, s4, $0x38;
	[tilespmem:$0x12400] =	vst v63  }
0x3bf: {  	(v2sf) =	vpush v3, $0x3;
	s26 =	sand.u32 $0xFFFFF80, s31  }
0x3c0: {  	s26 =	sadd.s32 s2, s26  }
0x3c1: {  	[tilespmem:s8], [sflag:$0xA] =	stream.strided.gather [hbm4b:s26+s4], $0x1000, s3, s4, $0x38;
	[tilespmem:$0x12400] =	vst v63  }
0x3c2: {  	s8 =	spop (v2sf)  }
0x3c3: {  	s26 =	sand.u32 $0xFFFFF80, s8  }
0x3c4: {  	(v2sf) =	vpush v2, $0x4;
	s26 =	sadd.s32 s1, s26  }
0x3c5: {  	[tilespmem:s9], [sflag:$0x3] =	stream.strided.gather [hbm4b:s26+s4], $0x1000, s0, s4, $0x38;
	[tilespmem:$0x12400] =	vst v63  }
0x3c6: {  	s9 =	spop (v2sf);
	(v2sf) =	vpush v3, $0x4  }
0x3c7: {  	s26 =	sand.u32 $0xFFFFF80, s9  }
0x3c8: {  	s26 =	sadd.s32 s2, s26  }
0x3c9: {  	(v2sf) =	vpush v2, $0x5;
	[tilespmem:s10], [sflag:$0xB] =	stream.strided.gather [hbm4b:s26+s4], $0x1000, s3, s4, $0x38;
	[tilespmem:$0x12400] =	vst v63  }
0x3ca: {  	s10 =	spop (v2sf)  }
0x3cb: {  	(v2sf) =	vpush v3, $0x5;
	s26 =	sand.u32 $0xFFFFF80, s10  }
0x3cc: {  	s26 =	sadd.s32 s1, s26  }
0x3cd: {  	[tilespmem:s11], [sflag:$0x4] =	stream.strided.gather [hbm4b:s26+s4], $0x1000, s0, s4, $0x38;
	[tilespmem:$0x12400] =	vst v63  }
0x3ce: {  	s11 =	spop (v2sf);
	(v2sf) =	vpush v2, $0x6;
	_ =	sdelay $0x1  }
0x3cf: {  	s26 =	sand.u32 $0xFFFFF80, s11  }
0x3d0: {  	s26 =	sadd.s32 s2, s26  }
0x3d1: {  	[tilespmem:s6], [sflag:$0xC] =	stream.strided.gather [hbm4b:s26+s4], $0x1000, s3, s4, $0x38;
	[tilespmem:$0x12400] =	vst v63  }
0x3d2: {  	s13 =	spop (v2sf);
	(v2sf) =	vpush v3, $0x6  }
0x3d3: {  	s26 =	sand.u32 $0xFFFFF80, s13  }
0x3d4: {  	s26 =	sadd.s32 s1, s26;
	s14 =	spop (v2sf);
	(v2sf) =	vpush v2, $0x7  }
0x3d5: {  	[tilespmem:s12], [sflag:$0x5] =	stream.strided.gather [hbm4b:s26+s4], $0x1000, s0, s4, $0x38;
	[tilespmem:$0x12400] =	vst v63  }
0x3d6: {  	s26 =	sand.u32 $0xFFFFF80, s14  }
0x3d7: {  	s15 =	spop (v2sf);
	(v2sf) =	vpush v3, $0x7;
	s26 =	sadd.s32 s2, s26  }
0x3d8: {  	[tilespmem:s17], [sflag:$0xD] =	stream.strided.gather [hbm4b:s26+s4], $0x1000, s3, s4, $0x38;
	[tilespmem:$0x12400] =	vst v63  }
0x3d9: {  	s26 =	sand.u32 $0xFFFFF80, s15;
	s28 =	spop (v2sf)  }
0x3da: {  	s26 =	sadd.s32 s1, s26;
	s17 =	sand.u32 $0xFFFFF80, s28  }
0x3db: {  	[tilespmem:s19], [sflag:$0x6] =	stream.strided.gather [hbm4b:s26+s4], $0x1000, s0, s4, $0x38;
	[tilespmem:$0x12400] =	vst v63  }
0x3dc: {  	s26 =	sadd.s32 s2, s17;
	s28 =	spop (v2sf)  }
0x3dd: {  	[tilespmem:s18], [sflag:$0xE] =	stream.strided.gather [hbm4b:s26+s4], $0x1000, s3, s4, $0x38;
	[tilespmem:$0x12400] =	vst v63  }
0x3de: {  	s19 =	sand.u32 $0xFFFFF80, s28  }
0x3df: {  	s26 =	sadd.s32 s1, s19  }
0x3e0: {  	[tilespmem:s20], [sflag:$0x7] =	stream.strided.gather [hbm4b:s26+s4], $0x1000, s0, s4, $0x38;
	[tilespmem:$0x12400] =	vst v63  }
0x3e1: {  	s28 =	spop (v2sf)  }
0x3e2: {  	s23 =	sand.u32 $0xFFFFF80, s28  }
0x3e3: {  	s26 =	sadd.s32 s2, s23;
	s28 =	spop (v2sf)  }
0x3e4: {  	[tilespmem:s21], [sflag:$0xF] =	stream.strided.gather [hbm4b:s26+s4], $0x1000, s3, s4, $0x38;
	[tilespmem:$0x12400] =	vst v63  }
0x3e5: {  	s30 =	sand.u32 $0xFFFFF80, s28  }
0x3e6: {  	s31 =	spop (v2sf);
	s26 =	sadd.s32 s1, s30  }
0x3e7: {  	[tilespmem:s29], [sflag:$0x8] =	stream.strided.gather [hbm4b:s26+s4], $0x1000, s0, s4, $0x38;
	[tilespmem:$0x12400] =	vst v63  }
0x3e8: {  	s26 =	sand.u32 $0xFFFFF80, s31  }
0x3e9: {  	s14 =	simm.s32 $0xC3800;
	s23 =	simm.s32 $0xF200;
	s26 =	sadd.s32 s2, s26  }
0x3ea: {  	[tilespmem:s22], [sflag:$0x10] =	stream.strided.gather [hbm4b:s26+s4], $0x1000, s3, s4, $0x38;
	[tilespmem:$0x12400] =	vst v63  }
0x3eb: {  	s28 =	simm.s32 $0x7;
	s26 =	simm.s32 $0x0;
	s22 =	simm.s32 $0x7200  }
.LBB2_2:
0x3ec: {  	v2 =	vld [tilespmem:s26+$0x0];
	_ =	sdelay $0x2  }
0x3ed: {  	s0 =	simm.s32 $0x1  }
0x3ee: {  	v3 =	vld [tilespmem:s25+$0x0];
	_ =	swait.ge [sflag:s0], $0x1000  }
0x3ef: {  	(v2sf) =	vpush v2, $0x0;
	_ =	sdelay $0xe  }
0x3f0: {  	s29 =	spop (v2sf)  }
0x3f1: {  	s29 =	sand.u32 $0x7F, s29  }
0x3f2: {  	v4 =	vor.u32 s29, v0;
	_ =	sdelay $0x2  }
0x3f3: {  	[sflag:s0] =	ssyncset.done $0x0  }
0x3f4: {  	s30 =	sadd.s32 $0xFFFFFFF9, s28;
	s6 =	simm.s32 $0x200;
	[sflag:s0] =	ssyncadd.s32 $0xFFFFF000  }
0x3f5: {  	v5 =	vor.u32 s30, v0;
	v4 =	vld.idx.msk [tilespmem:v4+s6+$0x0], $0xffff  }
0x3f6: {  	v6 =	vor.u32 s29, v1;
	_ =	sdelay $0x3  }
0x3f7: {  	[tilespmem:v5+s5+$0x0] =	vst.idx.msk $0xffff, v4  }
0x3f8: {  	v42 =	vor.u32 s30, v1;
	v4 =	vld.idx.msk [tilespmem:v6+s6+$0x0], $0xffff;
	_ =	sdelay $0x4  }
0x3f9: {  	s8 =	simm.s32 $0x9;
	[tilespmem:v42+s5+$0x0] =	vst.idx.msk $0xffff, v4  }
0x3fa: {  	_ =	swait.ge [sflag:s8], $0x1000  }
0x3fb: {  	(v2sf) =	vpush v3, $0x0;
	_ =	sdelay $0xe  }
0x3fc: {  	p0 =	seq.s32 s28, $0x7F;
	s29 =	spop (v2sf)  }
0x3fd: {  	(v2sf) =	vpush @!p0 v2, $0x8;
	s29 =	sand.u32 $0x7F, s29  }
0x3fe: {  	v4 =	vor.u32 s29, v0;
	_ =	sdelay $0x2  }
0x3ff: {  	[sflag:s8] =	ssyncset.done $0x0;
	(v2sf) =	vpush @!p0 v3, $0x8  }
0x400: {  	s9 =	simm.s32 $0x8200;
	[sflag:s8] =	ssyncadd.s32 $0xFFFFF000  }
0x401: {  	v4 =	vld.idx.msk [tilespmem:v4+s9+$0x0], $0xffff  }
0x402: {  	v7 =	vor.u32 s29, v1;
	_ =	sdelay $0x3  }
0x403: {  	[tilespmem:v5+s7+$0x0] =	vst.idx.msk $0xffff, v4  }
0x404: {  	v4 =	vld.idx.msk [tilespmem:v7+s9+$0x0], $0xffff;
	_ =	sdelay $0x2  }
0x405: {  	s29 =	spop @!p0 (v2sf)  }
0x406: {  	s30 =	simm.s32 @!p0 $0x7A1400;
	s29 =	sand.u32 @!p0 $0xFFFFF80, s29  }
0x407: {  	s0 =	simm.s32 @!p0 $0x200;
	s31 =	sadd.s32 @!p0 s1, s29;
	s29 =	simm.s32 @!p0 $0x400;
	[tilespmem:v42+s7+$0x0] =	vst.idx.msk $0xffff, v4  }
0x408: {  	[tilespmem:s0], [sflag:$0x1] =	stream.strided.gather @!p0 [hbm4b:s31+s29], $0x1000, s30, s29, $0x38;
	[tilespmem:$0x12400] =	vst v63  }
0x409: {  	s0 =	spop @!p0 (v2sf)  }
0x40a: {  	s4 =	simm.s32 @!p0 $0x8200;
	s0 =	sand.u32 @!p0 $0xFFFFF80, s0  }
0x40b: {  	s6 =	simm.s32 $0x2;
	s31 =	simm.s32 @!p0 $0xC3800;
	s0 =	sadd.s32 @!p0 s2, s0  }
0x40c: {  	[tilespmem:s4], [sflag:$0x9] =	stream.strided.gather @!p0 [hbm4b:s0+s29], $0x1000, s31, s29, $0x38;
	[tilespmem:$0x12400] =	vst v63  }
0x40d: {  	_ =	swait.ge [sflag:s6], $0x1000  }
0x40e: {  	(v2sf) =	vpush v2, $0x1;
	_ =	sdelay $0xe  }
0x40f: {  	s10 =	spop (v2sf)  }
0x410: {  	s0 =	sand.u32 $0x7F, s10  }
0x411: {  	v4 =	vor.u32 s0, v0;
	_ =	sdelay $0x2  }
0x412: {  	[sflag:s6] =	ssyncset.done $0x0  }
0x413: {  	s11 =	sadd.s32 $0xFFFFFFFA, s28;
	s8 =	simm.s32 $0x1200;
	[sflag:s6] =	ssyncadd.s32 $0xFFFFF000  }
0x414: {  	v5 =	vor.u32 s11, v0;
	v4 =	vld.idx.msk [tilespmem:v4+s8+$0x0], $0xffff  }
0x415: {  	v43 =	vor.u32 s0, v1;
	_ =	sdelay $0x3  }
0x416: {  	[tilespmem:v5+s5+$0x0] =	vst.idx.msk $0xffff, v4  }
0x417: {  	v44 =	vor.u32 s11, v1;
	v4 =	vld.idx.msk [tilespmem:v43+s8+$0x0], $0xffff;
	_ =	sdelay $0x4  }
0x418: {  	s12 =	simm.s32 $0xA;
	[tilespmem:v44+s5+$0x0] =	vst.idx.msk $0xffff, v4  }
0x419: {  	_ =	swait.ge [sflag:s12], $0x1000  }
0x41a: {  	(v2sf) =	vpush v3, $0x1;
	_ =	sdelay $0xe  }
0x41b: {  	s17 =	spop (v2sf)  }
0x41c: {  	(v2sf) =	vpush @!p0 v2, $0x9;
	s0 =	sand.u32 $0x7F, s17  }
0x41d: {  	v4 =	vor.u32 s0, v0;
	_ =	sdelay $0x2  }
0x41e: {  	[sflag:s12] =	ssyncset.done $0x0;
	(v2sf) =	vpush @!p0 v3, $0x9  }
0x41f: {  	s18 =	simm.s32 $0x9200;
	[sflag:s12] =	ssyncadd.s32 $0xFFFFF000  }
0x420: {  	v4 =	vld.idx.msk [tilespmem:v4+s18+$0x0], $0xffff  }
0x421: {  	v45 =	vor.u32 s0, v1;
	_ =	sdelay $0x3  }
0x422: {  	[tilespmem:v5+s7+$0x0] =	vst.idx.msk $0xffff, v4  }
0x423: {  	v4 =	vld.idx.msk [tilespmem:v45+s18+$0x0], $0xffff;
	_ =	sdelay $0x2  }
0x424: {  	s0 =	spop @!p0 (v2sf)  }
0x425: {  	s0 =	sand.u32 @!p0 $0xFFFFF80, s0  }
0x426: {  	s4 =	simm.s32 @!p0 $0x1200;
	s0 =	sadd.s32 @!p0 s1, s0;
	[tilespmem:v44+s7+$0x0] =	vst.idx.msk $0xffff, v4  }
0x427: {  	[tilespmem:s4], [sflag:$0x2] =	stream.strided.gather @!p0 [hbm4b:s0+s29], $0x1000, s30, s29, $0x38;
	[tilespmem:$0x12400] =	vst v63  }
0x428: {  	s0 =	spop @!p0 (v2sf)  }
0x429: {  	s0 =	sand.u32 @!p0 $0xFFFFF80, s0  }
0x42a: {  	s19 =	simm.s32 $0x3;
	s4 =	simm.s32 @!p0 $0x9200;
	s0 =	sadd.s32 @!p0 s2, s0  }
0x42b: {  	[tilespmem:s4], [sflag:$0xA] =	stream.strided.gather @!p0 [hbm4b:s0+s29], $0x1000, s31, s29, $0x38;
	[tilespmem:$0x12400] =	vst v63  }
0x42c: {  	_ =	swait.ge [sflag:s19], $0x1000  }
0x42d: {  	(v2sf) =	vpush v2, $0x2;
	_ =	sdelay $0xe  }
0x42e: {  	s20 =	spop (v2sf)  }
0x42f: {  	s0 =	sand.u32 $0x7F, s20  }
0x430: {  	v4 =	vor.u32 s0, v0;
	_ =	sdelay $0x2  }
0x431: {  	[sflag:s19] =	ssyncset.done $0x0  }
0x432: {  	s21 =	sadd.s32 $0xFFFFFFFB, s28;
	s10 =	simm.s32 $0x2200;
	[sflag:s19] =	ssyncadd.s32 $0xFFFFF000  }
0x433: {  	v5 =	vor.u32 s21, v0;
	v4 =	vld.idx.msk [tilespmem:v4+s10+$0x0], $0xffff  }
0x434: {  	v46 =	vor.u32 s0, v1;
	_ =	sdelay $0x3  }
0x435: {  	[tilespmem:v5+s5+$0x0] =	vst.idx.msk $0xffff, v4  }
0x436: {  	v47 =	vor.u32 s21, v1;
	v4 =	vld.idx.msk [tilespmem:v46+s10+$0x0], $0xffff;
	_ =	sdelay $0x4  }
0x437: {  	s11 =	simm.s32 $0xB;
	[tilespmem:v47+s5+$0x0] =	vst.idx.msk $0xffff, v4  }
0x438: {  	_ =	swait.ge [sflag:s11], $0x1000  }
0x439: {  	(v2sf) =	vpush v3, $0x2;
	_ =	sdelay $0xe  }
0x43a: {  	s12 =	spop (v2sf)  }
0x43b: {  	(v2sf) =	vpush @!p0 v2, $0xA;
	s0 =	sand.u32 $0x7F, s12  }
0x43c: {  	v4 =	vor.u32 s0, v0;
	_ =	sdelay $0x2  }
0x43d: {  	[sflag:s11] =	ssyncset.done $0x0;
	(v2sf) =	vpush @!p0 v3, $0xA  }
0x43e: {  	s17 =	simm.s32 $0xA200;
	[sflag:s11] =	ssyncadd.s32 $0xFFFFF000  }
0x43f: {  	v4 =	vld.idx.msk [tilespmem:v4+s17+$0x0], $0xffff  }
0x440: {  	v48 =	vor.u32 s0, v1;
	_ =	sdelay $0x3  }
0x441: {  	[tilespmem:v5+s7+$0x0] =	vst.idx.msk $0xffff, v4  }
0x442: {  	v4 =	vld.idx.msk [tilespmem:v48+s17+$0x0], $0xffff;
	_ =	sdelay $0x2  }
0x443: {  	s0 =	spop @!p0 (v2sf)  }
0x444: {  	s0 =	sand.u32 @!p0 $0xFFFFF80, s0  }
0x445: {  	s4 =	simm.s32 @!p0 $0x2200;
	s0 =	sadd.s32 @!p0 s1, s0;
	[tilespmem:v47+s7+$0x0] =	vst.idx.msk $0xffff, v4  }
0x446: {  	[tilespmem:s4], [sflag:$0x3] =	stream.strided.gather @!p0 [hbm4b:s0+s29], $0x1000, s30, s29, $0x38;
	[tilespmem:$0x12400] =	vst v63  }
0x447: {  	s0 =	spop @!p0 (v2sf)  }
0x448: {  	s0 =	sand.u32 @!p0 $0xFFFFF80, s0  }
0x449: {  	s18 =	simm.s32 $0x4;
	s4 =	simm.s32 @!p0 $0xA200;
	s0 =	sadd.s32 @!p0 s2, s0  }
0x44a: {  	[tilespmem:s4], [sflag:$0xB] =	stream.strided.gather @!p0 [hbm4b:s0+s29], $0x1000, s31, s29, $0x38;
	[tilespmem:$0x12400] =	vst v63  }
0x44b: {  	_ =	swait.ge [sflag:s18], $0x1000  }
0x44c: {  	(v2sf) =	vpush v2, $0x3;
	_ =	sdelay $0xe  }
0x44d: {  	s19 =	spop (v2sf)  }
0x44e: {  	s0 =	sand.u32 $0x7F, s19  }
0x44f: {  	v4 =	vor.u32 s0, v0;
	_ =	sdelay $0x2  }
0x450: {  	[sflag:s18] =	ssyncset.done $0x0  }
0x451: {  	s21 =	simm.s32 $0x3200;
	s20 =	sadd.s32 $0xFFFFFFFC, s28;
	[sflag:s18] =	ssyncadd.s32 $0xFFFFF000  }
0x452: {  	v5 =	vor.u32 s20, v0;
	v4 =	vld.idx.msk [tilespmem:v4+s21+$0x0], $0xffff  }
0x453: {  	v49 =	vor.u32 s0, v1;
	_ =	sdelay $0x3  }
0x454: {  	[tilespmem:v5+s5+$0x0] =	vst.idx.msk $0xffff, v4  }
0x455: {  	v50 =	vor.u32 s20, v1;
	v4 =	vld.idx.msk [tilespmem:v49+s21+$0x0], $0xffff;
	_ =	sdelay $0x4  }
0x456: {  	s12 =	simm.s32 $0xC;
	[tilespmem:v50+s5+$0x0] =	vst.idx.msk $0xffff, v4  }
0x457: {  	_ =	swait.ge [sflag:s12], $0x1000  }
0x458: {  	(v2sf) =	vpush v3, $0x3;
	_ =	sdelay $0xe  }
0x459: {  	s17 =	spop (v2sf)  }
0x45a: {  	(v2sf) =	vpush @!p0 v2, $0xB;
	s0 =	sand.u32 $0x7F, s17  }
0x45b: {  	v4 =	vor.u32 s0, v0;
	_ =	sdelay $0x2  }
0x45c: {  	[sflag:s12] =	ssyncset.done $0x0;
	(v2sf) =	vpush @!p0 v3, $0xB  }
0x45d: {  	s18 =	simm.s32 $0xB200;
	[sflag:s12] =	ssyncadd.s32 $0xFFFFF000  }
0x45e: {  	v4 =	vld.idx.msk [tilespmem:v4+s18+$0x0], $0xffff  }
0x45f: {  	v51 =	vor.u32 s0, v1;
	_ =	sdelay $0x3  }
0x460: {  	[tilespmem:v5+s7+$0x0] =	vst.idx.msk $0xffff, v4  }
0x461: {  	v4 =	vld.idx.msk [tilespmem:v51+s18+$0x0], $0xffff;
	_ =	sdelay $0x2  }
0x462: {  	s0 =	spop @!p0 (v2sf)  }
0x463: {  	s0 =	sand.u32 @!p0 $0xFFFFF80, s0  }
0x464: {  	s4 =	simm.s32 @!p0 $0x3200;
	s0 =	sadd.s32 @!p0 s1, s0;
	[tilespmem:v50+s7+$0x0] =	vst.idx.msk $0xffff, v4  }
0x465: {  	[tilespmem:s4], [sflag:$0x4] =	stream.strided.gather @!p0 [hbm4b:s0+s29], $0x1000, s30, s29, $0x38;
	[tilespmem:$0x12400] =	vst v63  }
0x466: {  	s0 =	spop @!p0 (v2sf)  }
0x467: {  	s0 =	sand.u32 @!p0 $0xFFFFF80, s0  }
0x468: {  	s12 =	simm.s32 $0x5;
	s4 =	simm.s32 @!p0 $0xB200;
	s0 =	sadd.s32 @!p0 s2, s0  }
0x469: {  	[tilespmem:s4], [sflag:$0xC] =	stream.strided.gather @!p0 [hbm4b:s0+s29], $0x1000, s31, s29, $0x38;
	[tilespmem:$0x12400] =	vst v63  }
0x46a: {  	_ =	swait.ge [sflag:s12], $0x1000  }
0x46b: {  	(v2sf) =	vpush v2, $0x4;
	_ =	sdelay $0xe  }
0x46c: {  	s19 =	spop (v2sf)  }
0x46d: {  	s0 =	sand.u32 $0x7F, s19  }
0x46e: {  	v4 =	vor.u32 s0, v0;
	_ =	sdelay $0x2  }
0x46f: {  	[sflag:s12] =	ssyncset.done $0x0  }
0x470: {  	s20 =	sadd.s32 $0xFFFFFFFD, s28;
	s17 =	simm.s32 $0x4200;
	[sflag:s12] =	ssyncadd.s32 $0xFFFFF000  }
0x471: {  	v5 =	vor.u32 s20, v0;
	v4 =	vld.idx.msk [tilespmem:v4+s17+$0x0], $0xffff  }
0x472: {  	v52 =	vor.u32 s0, v1;
	_ =	sdelay $0x3  }
0x473: {  	[tilespmem:v5+s5+$0x0] =	vst.idx.msk $0xffff, v4  }
0x474: {  	v53 =	vor.u32 s20, v1;
	v4 =	vld.idx.msk [tilespmem:v52+s17+$0x0], $0xffff;
	_ =	sdelay $0x4  }
0x475: {  	s21 =	simm.s32 $0xD;
	[tilespmem:v53+s5+$0x0] =	vst.idx.msk $0xffff, v4  }
0x476: {  	_ =	swait.ge [sflag:s21], $0x1000  }
0x477: {  	(v2sf) =	vpush v3, $0x4;
	_ =	sdelay $0xe  }
0x478: {  	s17 =	spop (v2sf)  }
0x479: {  	(v2sf) =	vpush @!p0 v2, $0xC;
	s0 =	sand.u32 $0x7F, s17  }
0x47a: {  	v4 =	vor.u32 s0, v0;
	_ =	sdelay $0x2  }
0x47b: {  	[sflag:s21] =	ssyncset.done $0x0;
	(v2sf) =	vpush @!p0 v3, $0xC  }
0x47c: {  	s18 =	simm.s32 $0xC200;
	[sflag:s21] =	ssyncadd.s32 $0xFFFFF000  }
0x47d: {  	v4 =	vld.idx.msk [tilespmem:v4+s18+$0x0], $0xffff  }
0x47e: {  	v54 =	vor.u32 s0, v1;
	_ =	sdelay $0x3  }
0x47f: {  	[tilespmem:v5+s7+$0x0] =	vst.idx.msk $0xffff, v4  }
0x480: {  	v4 =	vld.idx.msk [tilespmem:v54+s18+$0x0], $0xffff;
	_ =	sdelay $0x2  }
0x481: {  	s0 =	spop @!p0 (v2sf)  }
0x482: {  	s0 =	sand.u32 @!p0 $0xFFFFF80, s0  }
0x483: {  	s4 =	simm.s32 @!p0 $0x4200;
	s0 =	sadd.s32 @!p0 s1, s0;
	[tilespmem:v53+s7+$0x0] =	vst.idx.msk $0xffff, v4  }
0x484: {  	[tilespmem:s4], [sflag:$0x5] =	stream.strided.gather @!p0 [hbm4b:s0+s29], $0x1000, s30, s29, $0x38;
	[tilespmem:$0x12400] =	vst v63  }
0x485: {  	s0 =	spop @!p0 (v2sf)  }
0x486: {  	s0 =	sand.u32 @!p0 $0xFFFFF80, s0  }
0x487: {  	s18 =	simm.s32 $0x6;
	s4 =	simm.s32 @!p0 $0xC200;
	s0 =	sadd.s32 @!p0 s2, s0  }
0x488: {  	[tilespmem:s4], [sflag:$0xD] =	stream.strided.gather @!p0 [hbm4b:s0+s29], $0x1000, s31, s29, $0x38;
	[tilespmem:$0x12400] =	vst v63  }
0x489: {  	_ =	swait.ge [sflag:s18], $0x1000  }
0x48a: {  	(v2sf) =	vpush v2, $0x5;
	_ =	sdelay $0xe  }
0x48b: {  	s19 =	spop (v2sf)  }
0x48c: {  	s0 =	sand.u32 $0x7F, s19  }
0x48d: {  	v4 =	vor.u32 s0, v0;
	_ =	sdelay $0x2  }
0x48e: {  	[sflag:s18] =	ssyncset.done $0x0  }
0x48f: {  	s20 =	sadd.s32 $0xFFFFFFFE, s28;
	s21 =	simm.s32 $0x5200;
	[sflag:s18] =	ssyncadd.s32 $0xFFFFF000  }
0x490: {  	v5 =	vor.u32 s20, v0;
	v4 =	vld.idx.msk [tilespmem:v4+s21+$0x0], $0xffff  }
0x491: {  	v55 =	vor.u32 s0, v1;
	_ =	sdelay $0x3  }
0x492: {  	[tilespmem:v5+s5+$0x0] =	vst.idx.msk $0xffff, v4  }
0x493: {  	v56 =	vor.u32 s20, v1;
	v4 =	vld.idx.msk [tilespmem:v55+s21+$0x0], $0xffff;
	_ =	sdelay $0x4  }
0x494: {  	s18 =	simm.s32 $0xE;
	[tilespmem:v56+s5+$0x0] =	vst.idx.msk $0xffff, v4  }
0x495: {  	_ =	swait.ge [sflag:s18], $0x1000  }
0x496: {  	(v2sf) =	vpush v3, $0x5;
	_ =	sdelay $0xe  }
0x497: {  	s20 =	spop (v2sf)  }
0x498: {  	(v2sf) =	vpush @!p0 v2, $0xD;
	s0 =	sand.u32 $0x7F, s20  }
0x499: {  	v4 =	vor.u32 s0, v0;
	_ =	sdelay $0x2  }
0x49a: {  	[sflag:s18] =	ssyncset.done $0x0;
	(v2sf) =	vpush @!p0 v3, $0xD  }
0x49b: {  	s21 =	simm.s32 $0xD200;
	[sflag:s18] =	ssyncadd.s32 $0xFFFFF000  }
0x49c: {  	v4 =	vld.idx.msk [tilespmem:v4+s21+$0x0], $0xffff  }
0x49d: {  	v57 =	vor.u32 s0, v1;
	_ =	sdelay $0x3  }
0x49e: {  	[tilespmem:v5+s7+$0x0] =	vst.idx.msk $0xffff, v4  }
0x49f: {  	v4 =	vld.idx.msk [tilespmem:v57+s21+$0x0], $0xffff;
	_ =	sdelay $0x2  }
0x4a0: {  	s0 =	spop @!p0 (v2sf)  }
0x4a1: {  	s0 =	sand.u32 @!p0 $0xFFFFF80, s0  }
0x4a2: {  	s4 =	simm.s32 @!p0 $0x5200;
	s0 =	sadd.s32 @!p0 s1, s0;
	[tilespmem:v56+s7+$0x0] =	vst.idx.msk $0xffff, v4  }
0x4a3: {  	[tilespmem:s4], [sflag:$0x6] =	stream.strided.gather @!p0 [hbm4b:s0+s29], $0x1000, s30, s29, $0x38;
	[tilespmem:$0x12400] =	vst v63  }
0x4a4: {  	s0 =	spop @!p0 (v2sf)  }
0x4a5: {  	s0 =	sand.u32 @!p0 $0xFFFFF80, s0  }
0x4a6: {  	s20 =	simm.s32 $0x7;
	s4 =	simm.s32 @!p0 $0xD200;
	s0 =	sadd.s32 @!p0 s2, s0  }
0x4a7: {  	[tilespmem:s4], [sflag:$0xE] =	stream.strided.gather @!p0 [hbm4b:s0+s29], $0x1000, s31, s29, $0x38;
	[tilespmem:$0x12400] =	vst v63  }
0x4a8: {  	_ =	swait.ge [sflag:s20], $0x1000  }
0x4a9: {  	(v2sf) =	vpush v2, $0x6;
	_ =	sdelay $0xe  }
0x4aa: {  	s4 =	spop (v2sf)  }
0x4ab: {  	s0 =	sand.u32 $0x7F, s4  }
0x4ac: {  	v4 =	vor.u32 s0, v0;
	_ =	sdelay $0x2  }
0x4ad: {  	[sflag:s20] =	ssyncset.done $0x0  }
0x4ae: {  	s21 =	simm.s32 $0x6200;
	[sflag:s20] =	ssyncadd.s32 $0xFFFFF000;
	s4 =	sadd.s32 $0xFFFFFFFF, s28  }
0x4af: {  	v5 =	vor.u32 s4, v0;
	v4 =	vld.idx.msk [tilespmem:v4+s21+$0x0], $0xffff  }
0x4b0: {  	v58 =	vor.u32 s0, v1;
	_ =	sdelay $0x3  }
0x4b1: {  	[tilespmem:v5+s5+$0x0] =	vst.idx.msk $0xffff, v4  }
0x4b2: {  	v59 =	vor.u32 s4, v1;
	v4 =	vld.idx.msk [tilespmem:v58+s21+$0x0], $0xffff;
	_ =	sdelay $0x4  }
0x4b3: {  	s4 =	simm.s32 $0xF;
	[tilespmem:v59+s5+$0x0] =	vst.idx.msk $0xffff, v4  }
0x4b4: {  	_ =	swait.ge [sflag:s4], $0x1000  }
0x4b5: {  	(v2sf) =	vpush v3, $0x6;
	_ =	sdelay $0xe  }
0x4b6: {  	s21 =	spop (v2sf)  }
0x4b7: {  	(v2sf) =	vpush @!p0 v2, $0xE;
	s0 =	sand.u32 $0x7F, s21  }
0x4b8: {  	v4 =	vor.u32 s0, v0;
	_ =	sdelay $0x2  }
0x4b9: {  	[sflag:s4] =	ssyncset.done $0x0;
	(v2sf) =	vpush @!p0 v3, $0xE  }
0x4ba: {  	[sflag:s4] =	ssyncadd.s32 $0xFFFFF000;
	s4 =	simm.s32 $0xE200  }
0x4bb: {  	v4 =	vld.idx.msk [tilespmem:v4+s4+$0x0], $0xffff  }
0x4bc: {  	v60 =	vor.u32 s0, v1;
	_ =	sdelay $0x3  }
0x4bd: {  	[tilespmem:v5+s7+$0x0] =	vst.idx.msk $0xffff, v4  }
0x4be: {  	v4 =	vld.idx.msk [tilespmem:v60+s4+$0x0], $0xffff;
	_ =	sdelay $0x2  }
0x4bf: {  	s0 =	spop @!p0 (v2sf)  }
0x4c0: {  	s0 =	sand.u32 @!p0 $0xFFFFF80, s0  }
0x4c1: {  	s0 =	sadd.s32 @!p0 s1, s0;
	s4 =	simm.s32 @!p0 $0x6200;
	[tilespmem:v59+s7+$0x0] =	vst.idx.msk $0xffff, v4  }
0x4c2: {  	[tilespmem:s4], [sflag:$0x7] =	stream.strided.gather @!p0 [hbm4b:s0+s29], $0x1000, s30, s29, $0x38;
	[tilespmem:$0x12400] =	vst v63  }
0x4c3: {  	s0 =	spop @!p0 (v2sf)  }
0x4c4: {  	s0 =	sand.u32 @!p0 $0xFFFFF80, s0  }
0x4c5: {  	s4 =	simm.s32 @!p0 $0xE200;
	s0 =	sadd.s32 @!p0 s2, s0  }
0x4c6: {  	[tilespmem:s4], [sflag:$0xF] =	stream.strided.gather @!p0 [hbm4b:s0+s29], $0x1000, s31, s29, $0x38;
	[tilespmem:$0x12400] =	vst v63  }
0x4c7: {  	s31 =	simm.s32 $0x8  }
0x4c8: {  	_ =	swait.ge [sflag:s31], $0x1000  }
0x4c9: {  	(v2sf) =	vpush v2, $0x7;
	_ =	sdelay $0xe  }
0x4ca: {  	s30 =	spop (v2sf)  }
0x4cb: {  	s0 =	sand.u32 $0x7F, s30  }
0x4cc: {  	v4 =	vor.u32 s0, v0;
	_ =	sdelay $0x2  }
0x4cd: {  	[sflag:s31] =	ssyncset.done $0x0  }
0x4ce: {  	[sflag:s31] =	ssyncadd.s32 $0xFFFFF000  }
0x4cf: {  	v5 =	vor.u32 s28, v0;
	v4 =	vld.idx.msk [tilespmem:v4+s22+$0x0], $0xffff  }
0x4d0: {  	v61 =	vor.u32 s0, v1;
	_ =	sdelay $0x3  }
0x4d1: {  	[tilespmem:v5+s5+$0x0] =	vst.idx.msk $0xffff, v4  }
0x4d2: {  	v62 =	vor.u32 s28, v1;
	v4 =	vld.idx.msk [tilespmem:v61+s22+$0x0], $0xffff;
	_ =	sdelay $0x4  }
0x4d3: {  	[tilespmem:v62+s5+$0x0] =	vst.idx.msk $0xffff, v4  }
0x4d4: {  	_ =	swait.ge [sflag:s24], $0x1000  }
0x4d5: {  	(v2sf) =	vpush v3, $0x7;
	_ =	sdelay $0xe  }
0x4d6: {  	s31 =	spop (v2sf)  }
0x4d7: {  	s0 =	sand.u32 $0x7F, s31  }
0x4d8: {  	v4 =	vor.u32 s0, v0;
	_ =	sdelay $0x2  }
0x4d9: {  	[sflag:s24] =	ssyncset.done $0x0  }
0x4da: {  	[sflag:s24] =	ssyncadd.s32 $0xFFFFF000  }
0x4db: {  	v4 =	vld.idx.msk [tilespmem:v4+s23+$0x0], $0xffff  }
0x4dc: {  	v63 =	vor.u32 s0, v1;
	_ =	sdelay $0x3  }
0x4dd: {  	[tilespmem:v5+s7+$0x0] =	vst.idx.msk $0xffff, v4  }
0x4de: {  	s3 =	simm.s32 $0x200;
	s15 =	simm.s32 $0x8200;
	v4 =	vld.idx.msk [tilespmem:v63+s23+$0x0], $0xffff  }
.Ltmp2:
0x4df: {  	s13 =	simm.s32 $0x1200;
	s9 =	simm.s32 $0x2200;
	(pc) =	sbr.rel @p0 .LBB2_4-.Ltmp2, $4  }
0x4e0: {  	s6 =	simm.s32 $0xB200;
	s8 =	simm.s32 $0x9200;
	s10 =	simm.s32 $0xA200  }
0x4e1: {  	s11 =	simm.s32 $0x3200;
	s12 =	simm.s32 $0x4200;
	s17 =	simm.s32 $0xC200  }
0x4e2: {  	s19 =	simm.s32 $0x5200;
	s18 =	simm.s32 $0xD200;
	s20 =	simm.s32 $0x6200  }
0x4e3: {  	s21 =	simm.s32 $0xE200;
	s29 =	simm.s32 $0x7200;
	s22 =	simm.s32 $0xF200;
	[tilespmem:v62+s7+$0x0] =	vst.idx.msk $0xffff, v4  }
0x4e4: {  	(v2sf) =	vpush v2, $0xF;
	_ =	sdelay $0x3  }
0x4e5: {  	(v2sf) =	vpush v3, $0xF;
	_ =	sdelay $0xa  }
0x4e6: {  	s0 =	spop (v2sf)  }
0x4e7: {  	s0 =	sand.u32 $0xFFFFF80, s0  }
0x4e8: {  	s4 =	simm.s32 $0x400;
	s0 =	sadd.s32 s1, s0  }
0x4e9: {  	[tilespmem:s29], [sflag:$0x8] =	stream.strided.gather [hbm4b:s0+s4], $0x1000, s16, s4, $0x38;
	[tilespmem:$0x12400] =	vst v63  }
.Ltmp3:
0x4ea: {  	s31 =	spop (v2sf);
	(pc) =	sbr.rel .LBB2_2-.Ltmp3, $4  }
0x4eb: {  	s0 =	sand.u32 $0xFFFFF80, s31  }
0x4ec: {  	s28 =	sadd.s32 $0x8, s28;
	s26 =	sadd.s32 $0x8, s26;
	s0 =	sadd.s32 s2, s0  }
0x4ed: {  	[tilespmem:s22], [sflag:$0x10] =	stream.strided.gather [hbm4b:s0+s4], $0x1000, s14, s4, $0x38;
	[tilespmem:$0x12400] =	vst v63  }
0x4ee: {  	s25 =	sadd.s32 $0x8, s25;
	s23 =	simm.s32 $0xF200;
	s22 =	simm.s32 $0x7200  }
.LBB2_5:
0x4ef: {  	_ =	sfence.sel $0x180000  }
0x4f0: {  	[bflag:$0x0] =	sbarrier.arrive $0xFFFF  }
0x4f1: {  	_ =	strace $0x90000047  }
0x4f2: {  	s0 =	stileid.u32;
	[bflag:$0x2] =	sbarrier.arrive $0xFFFF  }
0x4f3: {  	p0 =	sne.s32 s0, $0x0;
	s0 =	rddreg [dreg:$0x6]  }
0x4f4: {  	s0 =	sadd.s32 @!p0 $0x100000, s0  }
0x4f5: {  	[sflag:s0] =	ssyncadd.tile.s32 @!p0 $0x1;
	_ =	shalt  }
.Lfunc_end2:
_tile_overlayer_lowered:
.L_overlay_start_2:
0x4f6: {  	(tag) =	ssettag $0x2  }
0x4f7: {  	s0 =	rddreg [dreg:$0x0];
	s2 =	stileid.u32  }
0x4f8: {  	s1 =	rddreg [dreg:$0x1];
	p0 =	sne.s32 s2, $0x0  }
0x4f9: {  	s3 =	rddreg [dreg:$0x2];
	[bflag:$0x3] =	sbarrier.arrive $0xFFFF;
	s2 =	simm.s32 @!p0 $0x1C13  }
0x4fa: {  	[timem:s3], [sflag:s2] =	dma.local @!p0 [hbm:s0], s1  }
0x4fb: {  	s0 =	simm.s32 @!p0 $0x13  }
0x4fc: {  	_ =	swait.ge @!p0 [sflag:s0], s1  }
0x4fd: {  	s1 =	ssub.s32 @!p0 $0x0, s1;
	[sflag:s0] =	ssyncset.done @!p0 $0x0  }
0x4fe: {  	[sflag:s0] =	ssyncadd.s32 @!p0 s1  }
0x4ff: {  	[bflag:$0x3] =	sbarrier.arrive $0xFFFF  }
0x500: {  	_ =	shalt  }

</sc_bundles>
